<compile_context>
chip_gen: v7x
topology: tpu7x:2x2x1
jax: 0.10.2.dev20260603
libtpu: 0.0.44.dev20260713+nightly
codegen_flags: <defaults>
</compile_context>

<pallas_src>
import math

import jax
import jax.numpy as jnp
from jax import lax
from jax.experimental import pallas as pl
from jax.experimental.pallas import tpu as pltpu
from jax.experimental.pallas import tpu_sc as plsc

N_USERS = 25000
N_ITEMS = 25000
N_NODES = 50000
N_EDGES = 800000
DIM = 64
HALF = 32
KSTEPS = 4
ALPHA = 0.1
BETA = 0.9
BN_EPS = 1e-5
DENOM = BETA ** KSTEPS + ALPHA * sum(BETA ** i for i in range(KSTEPS))

NSC = 2
NT = 16
NPAD = 51200
TNODES = 3200
NCH = 128
ZR = 16
EPAD = 819200
ECH = 400
GARBAGE = 50000


def _sc_body(src_ref, dst_ref, x2_ref, ax2_ref_in, out_ref, gtab_ref,
             af, cbf, bdf, sidx, didx, sidx1, didx1, sidx2, didx2, sidx3,
             didx3, sidx4, didx4, sidx5, didx5, sidx6, didx6, sidx7, didx7,
             grow, xb, accb, gb, zb, acc, sem, sem1, sem2, sem3, isem,
             ssem0, ssem1, ssem2, ssem3):
    c = lax.axis_index("c")
    t = lax.axis_index("s")
    coff = c * NPAD
    ebase = t * (ECH * 128)
    gbase = coff + t * TNODES

    zeros16f = jnp.zeros((16,), jnp.float32)
    ones16 = jnp.full((16,), 1.0, jnp.float32)
    iota16 = lax.iota(jnp.int32, 16)
    zeros16i = jnp.zeros((16,), jnp.int32)

    @pl.loop(0, ZR)
    def _zero_zb(r):
        zb[r, pl.ds(0, 16)] = zeros16f
        zb[r, pl.ds(16, 16)] = zeros16f

    @pl.loop(0, 128)
    def _ones_grow(r):
        grow[r, pl.ds(0, 16)] = ones16
        grow[r, pl.ds(16, 16)] = ones16

    def _zero_acc_chunk(ch):
        for q in range(NCH // ZR):
            pltpu.sync_copy(
                zb, acc.at[pl.ds(t * TNODES + ch * NCH + q * ZR, ZR)])

    def _zero_chunk_start(ch):
        for q in range(NCH // ZR):
            pltpu.async_copy(
                zb, acc.at[pl.ds(t * TNODES + ch * NCH + q * ZR, ZR)], isem)

    def _zero_chunk_drain(ch):
        for q in range(NCH // ZR):
            pltpu.make_async_copy(
                zb, acc.at[pl.ds(t * TNODES + ch * NCH + q * ZR, ZR)],
                isem).wait()

    def _zero_acc():
        @pl.loop(0, TNODES // NCH)
        def _z(ch):
            _zero_acc_chunk(ch)

    SETS = ((sidx, didx), (sidx1, didx1), (sidx2, didx2), (sidx3, didx3),
            (sidx4, didx4), (sidx5, didx5), (sidx6, didx6), (sidx7, didx7))
    GROW = (grow, gb, xb, accb)
    GSEM = (sem, sem1, sem2, sem3)
    SSEM = (ssem0, ssem1, ssem2, ssem3)

    def _idx_start(edge_ref, i, s, both):
        off = ebase + i * 128
        if both:
            pltpu.async_copy(src_ref.at[c, pl.ds(off, 128)], SETS[s][0],
                             isem)
            pltpu.async_copy(dst_ref.at[pl.ds(off, 128)], SETS[s][1], isem)
        else:
            pltpu.async_copy(edge_ref.at[pl.ds(off, 128)], SETS[s][1], isem)

    def _idx_wait(edge_ref, i, s, both):
        off = ebase + i * 128
        if both:
            pltpu.make_async_copy(
                src_ref.at[c, pl.ds(off, 128)], SETS[s][0], isem).wait()
            pltpu.make_async_copy(
                dst_ref.at[pl.ds(off, 128)], SETS[s][1], isem).wait()
        else:
            pltpu.make_async_copy(
                edge_ref.at[pl.ds(off, 128)], SETS[s][1], isem).wait()

    def _scat_wait(g, did, ss):
        pltpu.make_async_copy(g, acc.at[did], ss).wait()

    def _deg_pass(edge_ref, dest):
        _zero_acc()
        plsc.subcore_barrier()

        _idx_start(edge_ref, 0, 0, False)
        _idx_start(edge_ref, 1, 1, False)

        @pl.loop(0, ECH // 4)
        def _scat(i4):
            for k in range(4):
                i = i4 * 4 + k
                did = SETS[k][1]
                ss = SSEM[k % 2]
                _idx_wait(edge_ref, i, k, False)
                if k < 2:
                    @pl.when(i4 > 0)
                    def _():
                        _scat_wait(grow, did, ss)
                else:
                    _scat_wait(grow, did, ss)
                pltpu.async_copy(grow, acc.at[did], ss, add=True)
                if k < 2:
                    _idx_start(edge_ref, i + 2, (k + 2) % 4, False)
                else:
                    @pl.when(i4 < ECH // 4 - 1)
                    def _():
                        _idx_start(edge_ref, i + 2, (k + 2) % 4, False)

        _scat_wait(grow, SETS[2][1], SSEM[0])
        _scat_wait(grow, SETS[3][1], SSEM[1])
        plsc.subcore_barrier()

        @pl.loop(0, TNODES // NCH)
        def _extract(ch):
            pltpu.sync_copy(acc.at[pl.ds(t * TNODES + ch * NCH, NCH)], accb)
            for k in range(NCH // 16):
                v = plsc.load_gather(accb, [iota16 + k * 16, zeros16i])
                dest[pl.ds(ch * NCH + k * 16, 16)] = v

    _deg_pass(src_ref.at[0], af)
    _deg_pass(dst_ref, bdf)

    def _rsqrt(d):
        i = plsc.bitcast(d, jnp.int32)
        y = plsc.bitcast(0x5F3759DF - (i >> 1), jnp.float32)
        for _ in range(3):
            y = y * (1.5 - 0.5 * d * y * y)
        return y

    @pl.loop(0, TNODES // 16)
    def _scales(i):
        sl = pl.ds(i * 16, 16)
        av = _rsqrt(jnp.maximum(af[sl], 1.0))
        bv = _rsqrt(jnp.maximum(bdf[sl], 1.0))
        af[sl] = av
        cbf[sl] = BETA * av * bv
        bdf[sl] = (BETA / DENOM) * bv

    @pl.loop(0, TNODES // NCH)
    def _g0(ch):
        base = gbase + ch * NCH
        pltpu.sync_copy(x2_ref.at[pl.ds(base, NCH)], xb)

        @pl.loop(0, NCH)
        def _rows(j):
            ln = ch * NCH + j
            av = af[pl.ds(ln, 16)][0]
            for f in range(2):
                sl = pl.ds(16 * f, 16)
                gb[j, sl] = av * xb[j, sl]

        pltpu.sync_copy(gb, gtab_ref.at[pl.ds(base, NCH)])
        pltpu.sync_copy(gb, ax2_ref_in.at[pl.ds(base, NCH)])

        @pl.when(ch > 0)
        def _():
            _zero_chunk_drain(ch - 1)

        _zero_chunk_start(ch)

    _zero_chunk_drain(TNODES // NCH - 1)
    plsc.subcore_barrier()

    @pl.loop(0, KSTEPS)
    def _step(it):
        for w in range(4):
            _idx_start(src_ref, w, w, True)

        @pl.loop(0, ECH // 8)
        def _edges(i8):
            for k in range(8):
                i = i8 * 8 + k
                b = k % 4
                sid, did = SETS[k]
                g = GROW[b]
                _idx_wait(src_ref, i, k, True)

                def _free(g=g, did=did, b=b):
                    _scat_wait(g, did, SSEM[b])

                if k < 4:
                    pl.when(i8 > 0)(_free)
                else:
                    _free()
                pltpu.async_copy(gtab_ref.at[sid], g, GSEM[b])

                def _prefetch(i=i, k=k):
                    _idx_start(src_ref, i + 4, (k + 4) % 8, True)

                if k < 4:
                    _prefetch()
                else:
                    pl.when(i8 < ECH // 8 - 1)(_prefetch)

                pb = (b + 2) % 4
                psid, pdid = SETS[(k + 6) % 8]

                def _finish(pb=pb, psid=psid, pdid=pdid):
                    pltpu.make_async_copy(gtab_ref.at[psid], GROW[pb],
                                          GSEM[pb]).wait()
                    pltpu.async_copy(GROW[pb], acc.at[pdid],
                                     SSEM[pb], add=True)

                if k < 2:
                    pl.when(i8 > 0)(_finish)
                else:
                    _finish()

        for i in (ECH - 2, ECH - 1):
            b = i % 4
            psid, pdid = SETS[i % 8]
            pltpu.make_async_copy(gtab_ref.at[psid], GROW[b],
                                  GSEM[b]).wait()
            pltpu.async_copy(GROW[b], acc.at[pdid], SSEM[b], add=True)
        for i in (ECH - 4, ECH - 3, ECH - 2, ECH - 1):
            _scat_wait(GROW[i % 4], SETS[i % 8][1], SSEM[i % 4])
        plsc.subcore_barrier()

        last = it == KSTEPS - 1

        @pl.loop(0, TNODES // NCH)
        def _nodes(ch):
            base = gbase + ch * NCH

            @pl.when(jnp.logical_not(last))
            def _():
                pltpu.sync_copy(ax2_ref_in.at[pl.ds(base, NCH)], xb)

            @pl.when(last)
            def _():
                pltpu.sync_copy(x2_ref.at[pl.ds(base, NCH)], xb)

            pltpu.sync_copy(acc.at[pl.ds(t * TNODES + ch * NCH, NCH)], accb)

            @pl.loop(0, NCH)
            def _rows(j):
                ln = ch * NCH + j
                cbv = cbf[pl.ds(ln, 16)][0]
                bdv = bdf[pl.ds(ln, 16)][0]
                for f in range(2):
                    sl = pl.ds(16 * f, 16)
                    un = ALPHA * xb[j, sl] + cbv * accb[j, sl]
                    ov = (ALPHA / DENOM) * xb[j, sl] + bdv * accb[j, sl]
                    gb[j, sl] = jnp.where(last, ov, un)

            @pl.when(jnp.logical_not(last))
            def _():
                pltpu.sync_copy(gb, gtab_ref.at[pl.ds(base, NCH)])

            @pl.when(last)
            def _():
                pltpu.sync_copy(gb, out_ref.at[pl.ds(base, NCH)])

            @pl.when(ch > 0)
            def _():
                _zero_chunk_drain(ch - 1)

            _zero_chunk_start(ch)

        _zero_chunk_drain(TNODES // NCH - 1)
        plsc.subcore_barrier()


def _sc_diffuse(src_p, dst_p, x2):
    f32 = jnp.float32
    mesh = plsc.VectorSubcoreMesh(core_axis_name="c", subcore_axis_name="s")
    fn = pl.kernel(
        _sc_body,
        out_type=[
            jax.ShapeDtypeStruct((NSC * NPAD, HALF), f32),
            jax.ShapeDtypeStruct((NSC * NPAD, HALF), f32),
            jax.ShapeDtypeStruct((NSC * NPAD, HALF), f32),
        ],
        mesh=mesh,
        compiler_params=pltpu.CompilerParams(needs_layout_passes=False,
                                             use_tc_tiling_on_sc=False),
        scratch_types=[
            pltpu.VMEM((TNODES + 16,), f32),
            pltpu.VMEM((TNODES + 16,), f32),
            pltpu.VMEM((TNODES + 16,), f32),
            pltpu.VMEM((128,), jnp.int32),
            pltpu.VMEM((128,), jnp.int32),
            pltpu.VMEM((128,), jnp.int32),
            pltpu.VMEM((128,), jnp.int32),
            pltpu.VMEM((128,), jnp.int32),
            pltpu.VMEM((128,), jnp.int32),
            pltpu.VMEM((128,), jnp.int32),
            pltpu.VMEM((128,), jnp.int32),
            pltpu.VMEM((128,), jnp.int32),
            pltpu.VMEM((128,), jnp.int32),
            pltpu.VMEM((128,), jnp.int32),
            pltpu.VMEM((128,), jnp.int32),
            pltpu.VMEM((128,), jnp.int32),
            pltpu.VMEM((128,), jnp.int32),
            pltpu.VMEM((128,), jnp.int32),
            pltpu.VMEM((128,), jnp.int32),
            pltpu.VMEM((128, HALF), f32),
            pltpu.VMEM((NCH, HALF), f32),
            pltpu.VMEM((NCH, HALF), f32),
            pltpu.VMEM((NCH, HALF), f32),
            pltpu.VMEM((ZR, HALF), f32),
            pltpu.VMEM_SHARED((NPAD, HALF), f32),
            pltpu.SemaphoreType.DMA,
            pltpu.SemaphoreType.DMA,
            pltpu.SemaphoreType.DMA,
            pltpu.SemaphoreType.DMA,
            pltpu.SemaphoreType.DMA,
            pltpu.SemaphoreType.DMA,
            pltpu.SemaphoreType.DMA,
            pltpu.SemaphoreType.DMA,
            pltpu.SemaphoreType.DMA,
        ],
    )
    ax, out, _ = fn(src_p, dst_p, x2)
    del ax
    return out


def _enc_kernel(t_ref, v_ref, tW_ref, tb_ref, tg_ref, tbb_ref, ta_ref,
                vW_ref, vb_ref, vg_ref, vbb_ref, va_ref, out_ref):
    inv = 1.0 / math.sqrt(1.0 + BN_EPS)
    ht = jnp.dot(t_ref[...], tW_ref[...], preferred_element_type=jnp.float32)
    ht = (ht + tb_ref[...]) * (inv * tg_ref[...]) + tbb_ref[...]
    ht = jnp.where(ht > 0, ht, ta_ref[...] * ht)
    hv = jnp.dot(v_ref[...], vW_ref[...], preferred_element_type=jnp.float32)
    hv = (hv + vb_ref[...]) * (inv * vg_ref[...]) + vbb_ref[...]
    hv = jnp.where(hv > 0, hv, va_ref[...] * hv)
    out_ref[...] = ht + hv


def _encode(item_t_feat, item_v_feat, t_W, t_b, t_bn_g, t_bn_b, t_a,
            v_W, v_b, v_bn_g, v_bn_b, v_a):
    R = 1000
    grid = (N_ITEMS // R,)
    row = lambda i: (i, 0)
    fix = lambda i: (0, 0)
    return pl.pallas_call(
        _enc_kernel,
        grid=grid,
        in_specs=[
            pl.BlockSpec((R, 384), row),
            pl.BlockSpec((R, 512), row),
            pl.BlockSpec((384, DIM), fix),
            pl.BlockSpec((1, DIM), fix),
            pl.BlockSpec((1, DIM), fix),
            pl.BlockSpec((1, DIM), fix),
            pl.BlockSpec((1, 1), fix),
            pl.BlockSpec((512, DIM), fix),
            pl.BlockSpec((1, DIM), fix),
            pl.BlockSpec((1, DIM), fix),
            pl.BlockSpec((1, DIM), fix),
            pl.BlockSpec((1, 1), fix),
        ],
        out_specs=pl.BlockSpec((R, DIM), row),
        out_shape=jax.ShapeDtypeStruct((N_ITEMS, DIM), jnp.float32),
    )(item_t_feat, item_v_feat,
      t_W, t_b.reshape(1, DIM), t_bn_g.reshape(1, DIM),
      t_bn_b.reshape(1, DIM), t_a.reshape(1, 1),
      v_W, v_b.reshape(1, DIM), v_bn_g.reshape(1, DIM),
      v_bn_b.reshape(1, DIM), v_a.reshape(1, 1))


def kernel(g, user_embeddings, item_v_feat, item_t_feat, t_W, t_b, t_bn_g,
           t_bn_b, t_a, v_W, v_b, v_bn_g, v_bn_b, v_a):
    enc = _encode(item_t_feat, item_v_feat, t_W, t_b, t_bn_g, t_bn_b, t_a,
                  v_W, v_b, v_bn_g, v_bn_b, v_a)
    x = jnp.concatenate([user_embeddings, enc], axis=0)

    x2 = jnp.zeros((NSC * NPAD, HALF), jnp.float32)
    x2 = x2.at[:N_NODES].set(x[:, :HALF])
    x2 = x2.at[NPAD:NPAD + N_NODES].set(x[:, HALF:])

    pad = jnp.full((EPAD - N_EDGES,), GARBAGE, jnp.int32)
    src_p = jnp.concatenate([g[0], pad])
    dst_p = jnp.concatenate([g[1], pad])
    src_p = jnp.stack([src_p, src_p + NPAD])

    out = _sc_diffuse(src_p, dst_p, x2)
    return jnp.concatenate([out[:N_NODES], out[NPAD:NPAD + N_NODES]], axis=1)

# --- scband reference (transcript-rebuilt; emitter-appended) ---
"""Pipeline reference for scband-mmmgdcf-38800734552795 (READ-ONLY COPY).

The authoritative reference and input builder live on the scoring server;
editing this copy changes nothing except your own understanding.
"""

import jax, jax.numpy as jnp
import numpy as np

NUM_USERS = 25000
NUM_ITEMS = 25000
NUM_NODES = NUM_USERS + NUM_ITEMS
NUM_EDGES = 800000
EMB_DIM = 64
T_IN = 384
V_IN = 512
K_E = 4
K_T = 4
K_V = 4
ALPHA = 0.1
BETA = 0.9
BN_EPS = 1e-5


def setup_inputs(seed: int = 0) -> dict:
    key = jax.random.key(seed)
    ks = jax.random.split(key, 12)
    g = jax.random.randint(ks[0], (2, NUM_EDGES), 0, NUM_NODES, dtype=jnp.int32)
    user_embeddings = jax.random.normal(ks[1], (NUM_USERS, EMB_DIM), dtype=jnp.float32)
    item_v_feat = jax.random.normal(ks[2], (NUM_ITEMS, V_IN), dtype=jnp.float32)
    item_t_feat = jax.random.normal(ks[3], (NUM_ITEMS, T_IN), dtype=jnp.float32)
    t_W = jax.random.normal(ks[4], (T_IN, EMB_DIM), dtype=jnp.float32) * 0.02
    t_b = jnp.zeros((EMB_DIM,), dtype=jnp.float32)
    t_bn_g = jnp.ones((EMB_DIM,), dtype=jnp.float32)
    t_bn_b = jnp.zeros((EMB_DIM,), dtype=jnp.float32)
    t_a = jnp.full((1,), 0.25, dtype=jnp.float32)
    v_W = jax.random.normal(ks[5], (V_IN, EMB_DIM), dtype=jnp.float32) * 0.02
    v_b = jnp.zeros((EMB_DIM,), dtype=jnp.float32)
    v_bn_g = jnp.ones((EMB_DIM,), dtype=jnp.float32)
    v_bn_b = jnp.zeros((EMB_DIM,), dtype=jnp.float32)
    v_a = jnp.full((1,), 0.25, dtype=jnp.float32)
    return {"g": g, "user_embeddings": user_embeddings, "item_v_feat": item_v_feat,
            "item_t_feat": item_t_feat, "t_W": t_W, "t_b": t_b, "t_bn_g": t_bn_g,
            "t_bn_b": t_bn_b, "t_a": t_a, "v_W": v_W, "v_b": v_b, "v_bn_g": v_bn_g,
            "v_bn_b": v_bn_b, "v_a": v_a}


def _mlp(x, W, b, bn_g, bn_b, a):
    h = x @ W + b
    # BatchNorm inference with fresh running stats (mean=0, var=1)
    h = h / jnp.sqrt(1.0 + BN_EPS) * bn_g + bn_b
    # PReLU
    h = jnp.where(h > 0, h, a * h)
    return h


def _edge_norm(src, dst, n):
    ones = jnp.ones((src.shape[0],), dtype=jnp.float32)
    deg_out = jax.ops.segment_sum(ones, src, num_segments=n)
    deg_in = jax.ops.segment_sum(ones, dst, num_segments=n)
    deg_out = jnp.maximum(deg_out, 1.0)
    deg_in = jnp.maximum(deg_in, 1.0)
    return jax.lax.rsqrt(deg_out)[src] * jax.lax.rsqrt(deg_in)[dst]


def _mgdcf(x, src, dst, w, k, alpha, beta, n):
    h = x
    for _ in range(k):
        ah = jax.ops.segment_sum(h[src] * w[:, None], dst, num_segments=n)
        h = alpha * x + beta * ah
    denom = beta ** k + alpha * sum(beta ** i for i in range(k))
    return h / denom


def reference(g, user_embeddings, item_v_feat, item_t_feat, t_W, t_b, t_bn_g, t_bn_b, t_a,
              v_W, v_b, v_bn_g, v_bn_b, v_a):
    src = g[0]
    dst = g[1]
    w = _edge_norm(src, dst, NUM_NODES)
    encoded_t = _mlp(item_t_feat, t_W, t_b, t_bn_g, t_bn_b, t_a)
    encoded_v = _mlp(item_v_feat, v_W, v_b, v_bn_g, v_bn_b, v_a)
    user_h = user_embeddings
    # emb branch: item_embeddings is None -> zeros for item part
    x_emb = jnp.concatenate([user_h, jnp.zeros_like(encoded_t)], axis=0)
    emb_h = _mgdcf(x_emb, src, dst, w, K_E, ALPHA, BETA, NUM_NODES)
    x_t = jnp.concatenate([jnp.zeros_like(user_h), encoded_t], axis=0)
    t_h = _mgdcf(x_t, src, dst, w, K_T, ALPHA, BETA, NUM_NODES)
    x_v = jnp.concatenate([jnp.zeros_like(user_h), encoded_v], axis=0)
    v_h = _mgdcf(x_v, src, dst, w, K_V, ALPHA, BETA, NUM_NODES)
    combined_h = emb_h + t_h + v_h
    # dropouts are identity in eval mode
    return combined_h

if __name__ == "__main__":
    import jax
    _d = setup_inputs()
    print(jax.jit(kernel)(*tuple(_d.values())))

</pallas_src>

<mosaic_0001>
#map = affine_map<(d0, d1) -> (0, 0)>
#map1 = affine_map<(d0, d1) -> (0)>
module attributes {stable_mosaic.version = 14 : i64} {
  func.func @_sc_body(%arg0: i32, %arg1: i32, %arg2: memref<2x819200xi32, #tpu.memory_space<hbm>>, %arg3: memref<819200xi32, #tpu.memory_space<hbm>>, %arg4: memref<102400x32xf32, #tpu.memory_space<hbm>>, %arg5: memref<102400x32xf32, #tpu.memory_space<hbm>>, %arg6: memref<102400x32xf32, #tpu.memory_space<hbm>>, %arg7: memref<102400x32xf32, #tpu.memory_space<hbm>>, %arg8: memref<3216xf32, #tpu.memory_space<vmem>>, %arg9: memref<3216xf32, #tpu.memory_space<vmem>>, %arg10: memref<3216xf32, #tpu.memory_space<vmem>>, %arg11: memref<128xi32, #tpu.memory_space<vmem>>, %arg12: memref<128xi32, #tpu.memory_space<vmem>>, %arg13: memref<128xi32, #tpu.memory_space<vmem>>, %arg14: memref<128xi32, #tpu.memory_space<vmem>>, %arg15: memref<128xi32, #tpu.memory_space<vmem>>, %arg16: memref<128xi32, #tpu.memory_space<vmem>>, %arg17: memref<128xi32, #tpu.memory_space<vmem>>, %arg18: memref<128xi32, #tpu.memory_space<vmem>>, %arg19: memref<128xi32, #tpu.memory_space<vmem>>, %arg20: memref<128xi32, #tpu.memory_space<vmem>>, %arg21: memref<128xi32, #tpu.memory_space<vmem>>, %arg22: memref<128xi32, #tpu.memory_space<vmem>>, %arg23: memref<128xi32, #tpu.memory_space<vmem>>, %arg24: memref<128xi32, #tpu.memory_space<vmem>>, %arg25: memref<128xi32, #tpu.memory_space<vmem>>, %arg26: memref<128xi32, #tpu.memory_space<vmem>>, %arg27: memref<128x32xf32, #tpu.memory_space<vmem>>, %arg28: memref<128x32xf32, #tpu.memory_space<vmem>>, %arg29: memref<128x32xf32, #tpu.memory_space<vmem>>, %arg30: memref<128x32xf32, #tpu.memory_space<vmem>>, %arg31: memref<16x32xf32, #tpu.memory_space<vmem>>, %arg32: memref<51200x32xf32, #tpu.memory_space<vmem_shared>>, %arg33: memref<!tpu.dma_semaphore, #tpu.memory_space<semaphore_mem>>, %arg34: memref<!tpu.dma_semaphore, #tpu.memory_space<semaphore_mem>>, %arg35: memref<!tpu.dma_semaphore, #tpu.memory_space<semaphore_mem>>, %arg36: memref<!tpu.dma_semaphore, #tpu.memory_space<semaphore_mem>>, %arg37: memref<!tpu.dma_semaphore, #tpu.memory_space<semaphore_mem>>, %arg38: memref<!tpu.dma_semaphore, #tpu.memory_space<semaphore_mem>>, %arg39: memref<!tpu.dma_semaphore, #tpu.memory_space<semaphore_mem>>, %arg40: memref<!tpu.dma_semaphore, #tpu.memory_space<semaphore_mem>>, %arg41: memref<!tpu.dma_semaphore, #tpu.memory_space<semaphore_mem>>) attributes {dimension_semantics = [#tpu.dimension_semantics<core_parallel>, #tpu.dimension_semantics<subcore_parallel>], iteration_bounds = array<i64: 2, 16>, scalar_prefetch = 0 : i64, scratch_operands = 34 : i64, tpu.core_type = #tpu.core_type<sc_vector_subcore>, window_params = [{transform_indices = #map}, {transform_indices = #map1}, {transform_indices = #map}, {transform_indices = #map}, {transform_indices = #map}, {transform_indices = #map}]} {
    %mul3A = arith.constant 51200 : i32
    %mul3A_0 = arith.muli %arg0, %mul3A : i32
    %mul3A_1 = arith.constant 51200 : i32
    %mul3A_2 = arith.muli %arg1, %mul3A_1 : i32
    %mul3A_3 = arith.constant 3200 : i32
    %mul3A_4 = arith.muli %arg1, %mul3A_3 : i32
    %add3A = arith.addi %mul3A_0, %mul3A_4 : i32
    %broadcast_in_dim3A = arith.constant 0.000000e+00 : f32
    %broadcast_in_dim3A_5 = vector.broadcast %broadcast_in_dim3A : f32 to vector<16xf32>
    %broadcast_in_dim3A_6 = arith.constant 1.000000e+00 : f32
    %broadcast_in_dim3A_7 = vector.broadcast %broadcast_in_dim3A_6 : f32 to vector<16xf32>
    %iota3A = tpu.iota {dimensions = array<i32: 0>} : vector<16xi32>
    %broadcast_in_dim3A_8 = arith.constant 0 : i32
    %broadcast_in_dim3A_9 = vector.broadcast %broadcast_in_dim3A_8 : i32 to vector<16xi32>
    %scan3A = arith.constant 0 : i32
    %scan3A_10 = arith.constant 16 : i32
    %scan3A_11 = arith.addi %scan3A, %scan3A_10 : i32
    %scan3A_12 = arith.constant 1 : i32
    scf.for %scan3A_189 = %scan3A to %scan3A_11 step %scan3A_12  : i32 {
      %mul3A_190 = arith.constant 1 : i32
      %mul3A_191 = arith.muli %scan3A_189, %mul3A_190 : i32
      %add3A_192 = arith.constant 0 : i32
      %add3A_193 = arith.addi %add3A_192, %mul3A_191 : i32
      %swap3A = arith.index_cast %add3A_193 : i32 to index
      %swap3A_194 = arith.constant 0 : index
      %swap3A_195 = tpu.vector_load %arg31[%swap3A, %swap3A_194] {strides = array<i32>} : memref<16x32xf32, #tpu.memory_space<vmem>>, vector<16xf32>,
      tpu.vector_store %arg31[%swap3A, %swap3A_194], %broadcast_in_dim3A_5 {strides = array<i32>} : memref<16x32xf32, #tpu.memory_space<vmem>>, vector<16xf32>,
      %swap3A_196 = arith.index_cast %add3A_193 : i32 to index
      %swap3A_197 = arith.constant 16 : index
      %swap3A_198 = tpu.vector_load %arg31[%swap3A_196, %swap3A_197] {strides = array<i32>} : memref<16x32xf32, #tpu.memory_space<vmem>>, vector<16xf32>,
      tpu.vector_store %arg31[%swap3A_196, %swap3A_197], %broadcast_in_dim3A_5 {strides = array<i32>} : memref<16x32xf32, #tpu.memory_space<vmem>>, vector<16xf32>,
    }
    %scan3A_13 = arith.constant 16 : i32
    %scan3A_14 = arith.constant 0 : i32
    %scan3A_15 = arith.constant 128 : i32
    %scan3A_16 = arith.addi %scan3A_14, %scan3A_15 : i32
    %scan3A_17 = arith.constant 1 : i32
    scf.for %scan3A_189 = %scan3A_14 to %scan3A_16 step %scan3A_17  : i32 {
      %mul3A_190 = arith.constant 1 : i32
      %mul3A_191 = arith.muli %scan3A_189, %mul3A_190 : i32
      %add3A_192 = arith.constant 0 : i32
      %add3A_193 = arith.addi %add3A_192, %mul3A_191 : i32
      %swap3A = arith.index_cast %add3A_193 : i32 to index
      %swap3A_194 = arith.constant 0 : index
      %swap3A_195 = tpu.vector_load %arg27[%swap3A, %swap3A_194] {strides = array<i32>} : memref<128x32xf32, #tpu.memory_space<vmem>>, vector<16xf32>,
      tpu.vector_store %arg27[%swap3A, %swap3A_194], %broadcast_in_dim3A_7 {strides = array<i32>} : memref<128x32xf32, #tpu.memory_space<vmem>>, vector<16xf32>,
      %swap3A_196 = arith.index_cast %add3A_193 : i32 to index
      %swap3A_197 = arith.constant 16 : index
      %swap3A_198 = tpu.vector_load %arg27[%swap3A_196, %swap3A_197] {strides = array<i32>} : memref<128x32xf32, #tpu.memory_space<vmem>>, vector<16xf32>,
      tpu.vector_store %arg27[%swap3A_196, %swap3A_197], %broadcast_in_dim3A_7 {strides = array<i32>} : memref<128x32xf32, #tpu.memory_space<vmem>>, vector<16xf32>,
    }
    %scan3A_18 = arith.constant 128 : i32
    %scan3A_19 = arith.constant 0 : i32
    %scan3A_20 = arith.constant 25 : i32
    %scan3A_21 = arith.addi %scan3A_19, %scan3A_20 : i32
    %scan3A_22 = arith.constant 1 : i32
    scf.for %scan3A_189 = %scan3A_19 to %scan3A_21 step %scan3A_22  : i32 {
      %mul3A_190 = arith.constant 1 : i32
      %mul3A_191 = arith.muli %scan3A_189, %mul3A_190 : i32
      %add3A_192 = arith.constant 0 : i32
      %add3A_193 = arith.addi %add3A_192, %mul3A_191 : i32
      %mul3A_194 = arith.constant 3200 : i32
      %mul3A_195 = arith.muli %arg1, %mul3A_194 : i32
      %mul3A_196 = arith.constant 128 : i32
      %mul3A_197 = arith.muli %add3A_193, %mul3A_196 : i32
      %add3A_198 = arith.addi %mul3A_195, %mul3A_197 : i32
      %add3A_199 = arith.constant 0 : i32
      %add3A_200 = arith.addi %add3A_198, %add3A_199 : i32
      "tpu.region"() ({
        %run_scoped3A = tpu.sem_alloc : memref<!tpu.dma_semaphore, #tpu.memory_space<semaphore_mem>>
        %dma_start3A_250 = arith.constant 0 : i32
        %dma_start3A_251 = tpu.memref_slice %arg32[%add3A_200, %dma_start3A_250] : memref<51200x32xf32, #tpu.memory_space<vmem_shared>> -> memref<16x32xf32, #tpu.memory_space<vmem_shared>>
        %dma_start3A_252 = arith.constant 0 : i32
        %dma_start3A_253 = tpu.memref_slice %arg32[%add3A_200, %dma_start3A_252] : memref<51200x32xf32, #tpu.memory_space<vmem_shared>> -> memref<16x32xf32, #tpu.memory_space<vmem_shared>>
        tpu.enqueue_dma source(%arg31 : memref<16x32xf32, #tpu.memory_space<vmem>>) target(%dma_start3A_253 : memref<16x32xf32, #tpu.memory_space<vmem_shared>>) target_semaphore(%run_scoped3A : memref<!tpu.dma_semaphore, #tpu.memory_space<semaphore_mem>>)
        %dma_wait3A_254 = arith.constant 0 : i32
        %dma_wait3A_255 = tpu.memref_slice %arg32[%add3A_200, %dma_wait3A_254] : memref<51200x32xf32, #tpu.memory_space<vmem_shared>> -> memref<16x32xf32, #tpu.memory_space<vmem_shared>>
        %dma_wait3A_256 = arith.constant 0 : i32
        %dma_wait3A_257 = tpu.memref_slice %arg32[%add3A_200, %dma_wait3A_256] : memref<51200x32xf32, #tpu.memory_space<vmem_shared>> -> memref<16x32xf32, #tpu.memory_space<vmem_shared>>
        tpu.wait_dma2 semaphore(%run_scoped3A : memref<!tpu.dma_semaphore, #tpu.memory_space<semaphore_mem>>) src(%arg31 : memref<16x32xf32, #tpu.memory_space<vmem>>) dst(%dma_wait3A_257 : memref<16x32xf32, #tpu.memory_space<vmem_shared>>)
        tpu.yield
      }) : () -> ()
      %mul3A_201 = arith.constant 3200 : i32
      %mul3A_202 = arith.muli %arg1, %mul3A_201 : i32
      %mul3A_203 = arith.constant 128 : i32
      %mul3A_204 = arith.muli %add3A_193, %mul3A_203 : i32
      %add3A_205 = arith.addi %mul3A_202, %mul3A_204 : i32
      %add3A_206 = arith.constant 16 : i32
      %add3A_207 = arith.addi %add3A_205, %add3A_206 : i32
      "tpu.region"() ({
        %run_scoped3A = tpu.sem_alloc : memref<!tpu.dma_semaphore, #tpu.memory_space<semaphore_mem>>
        %dma_start3A_250 = arith.constant 0 : i32
        %dma_start3A_251 = tpu.memref_slice %arg32[%add3A_207, %dma_start3A_250] : memref<51200x32xf32, #tpu.memory_space<vmem_shared>> -> memref<16x32xf32, #tpu.memory_space<vmem_shared>>
        %dma_start3A_252 = arith.constant 0 : i32
        %dma_start3A_253 = tpu.memref_slice %arg32[%add3A_207, %dma_start3A_252] : memref<51200x32xf32, #tpu.memory_space<vmem_shared>> -> memref<16x32xf32, #tpu.memory_space<vmem_shared>>
        tpu.enqueue_dma source(%arg31 : memref<16x32xf32, #tpu.memory_space<vmem>>) target(%dma_start3A_253 : memref<16x32xf32, #tpu.memory_space<vmem_shared>>) target_semaphore(%run_scoped3A : memref<!tpu.dma_semaphore, #tpu.memory_space<semaphore_mem>>)
        %dma_wait3A_254 = arith.constant 0 : i32
        %dma_wait3A_255 = tpu.memref_slice %arg32[%add3A_207, %dma_wait3A_254] : memref<51200x32xf32, #tpu.memory_space<vmem_shared>> -> memref<16x32xf32, #tpu.memory_space<vmem_shared>>
        %dma_wait3A_256 = arith.constant 0 : i32
        %dma_wait3A_257 = tpu.memref_slice %arg32[%add3A_207, %dma_wait3A_256] : memref<51200x32xf32, #tpu.memory_space<vmem_shared>> -> memref<16x32xf32, #tpu.memory_space<vmem_shared>>
        tpu.wait_dma2 semaphore(%run_scoped3A : memref<!tpu.dma_semaphore, #tpu.memory_space<semaphore_mem>>) src(%arg31 : memref<16x32xf32, #tpu.memory_space<vmem>>) dst(%dma_wait3A_257 : memref<16x32xf32, #tpu.memory_space<vmem_shared>>)
        tpu.yield
      }) : () -> ()
      %mul3A_208 = arith.constant 3200 : i32
      %mul3A_209 = arith.muli %arg1, %mul3A_208 : i32
      %mul3A_210 = arith.constant 128 : i32
      %mul3A_211 = arith.muli %add3A_193, %mul3A_210 : i32
      %add3A_212 = arith.addi %mul3A_209, %mul3A_211 : i32
      %add3A_213 = arith.constant 32 : i32
      %add3A_214 = arith.addi %add3A_212, %add3A_213 : i32
      "tpu.region"() ({
        %run_scoped3A = tpu.sem_alloc : memref<!tpu.dma_semaphore, #tpu.memory_space<semaphore_mem>>
        %dma_start3A_250 = arith.constant 0 : i32
        %dma_start3A_251 = tpu.memref_slice %arg32[%add3A_214, %dma_start3A_250] : memref<51200x32xf32, #tpu.memory_space<vmem_shared>> -> memref<16x32xf32, #tpu.memory_space<vmem_shared>>
        %dma_start3A_252 = arith.constant 0 : i32
        %dma_start3A_253 = tpu.memref_slice %arg32[%add3A_214, %dma_start3A_252] : memref<51200x32xf32, #tpu.memory_space<vmem_shared>> -> memref<16x32xf32, #tpu.memory_space<vmem_shared>>
        tpu.enqueue_dma source(%arg31 : memref<16x32xf32, #tpu.memory_space<vmem>>) target(%dma_start3A_253 : memref<16x32xf32, #tpu.memory_space<vmem_shared>>) target_semaphore(%run_scoped3A : memref<!tpu.dma_semaphore, #tpu.memory_space<semaphore_mem>>)
        %dma_wait3A_254 = arith.constant 0 : i32
        %dma_wait3A_255 = tpu.memref_slice %arg32[%add3A_214, %dma_wait3A_254] : memref<51200x32xf32, #tpu.memory_space<vmem_shared>> -> memref<16x32xf32, #tpu.memory_space<vmem_shared>>
        %dma_wait3A_256 = arith.constant 0 : i32
        %dma_wait3A_257 = tpu.memref_slice %arg32[%add3A_214, %dma_wait3A_256] : memref<51200x32xf32, #tpu.memory_space<vmem_shared>> -> memref<16x32xf32, #tpu.memory_space<vmem_shared>>
        tpu.wait_dma2 semaphore(%run_scoped3A : memref<!tpu.dma_semaphore, #tpu.memory_space<semaphore_mem>>) src(%arg31 : memref<16x32xf32, #tpu.memory_space<vmem>>) dst(%dma_wait3A_257 : memref<16x32xf32, #tpu.memory_space<vmem_shared>>)
        tpu.yield
      }) : () -> ()
      %mul3A_215 = arith.constant 3200 : i32
      %mul3A_216 = arith.muli %arg1, %mul3A_215 : i32
      %mul3A_217 = arith.constant 128 : i32
      %mul3A_218 = arith.muli %add3A_193, %mul3A_217 : i32
      %add3A_219 = arith.addi %mul3A_216, %mul3A_218 : i32
      %add3A_220 = arith.constant 48 : i32
      %add3A_221 = arith.addi %add3A_219, %add3A_220 : i32
      "tpu.region"() ({
        %run_scoped3A = tpu.sem_alloc : memref<!tpu.dma_semaphore, #tpu.memory_space<semaphore_mem>>
        %dma_start3A_250 = arith.constant 0 : i32
        %dma_start3A_251 = tpu.memref_slice %arg32[%add3A_221, %dma_start3A_250] : memref<51200x32xf32, #tpu.memory_space<vmem_shared>> -> memref<16x32xf32, #tpu.memory_space<vmem_shared>>
        %dma_start3A_252 = arith.constant 0 : i32
        %dma_start3A_253 = tpu.memref_slice %arg32[%add3A_221, %dma_start3A_252] : memref<51200x32xf32, #tpu.memory_space<vmem_shared>> -> memref<16x32xf32, #tpu.memory_space<vmem_shared>>
        tpu.enqueue_dma source(%arg31 : memref<16x32xf32, #tpu.memory_space<vmem>>) target(%dma_start3A_253 : memref<16x32xf32, #tpu.memory_space<vmem_shared>>) target_semaphore(%run_scoped3A : memref<!tpu.dma_semaphore, #tpu.memory_space<semaphore_mem>>)
        %dma_wait3A_254 = arith.constant 0 : i32
        %dma_wait3A_255 = tpu.memref_slice %arg32[%add3A_221, %dma_wait3A_254] : memref<51200x32xf32, #tpu.memory_space<vmem_shared>> -> memref<16x32xf32, #tpu.memory_space<vmem_shared>>
        %dma_wait3A_256 = arith.constant 0 : i32
        %dma_wait3A_257 = tpu.memref_slice %arg32[%add3A_221, %dma_wait3A_256] : memref<51200x32xf32, #tpu.memory_space<vmem_shared>> -> memref<16x32xf32, #tpu.memory_space<vmem_shared>>
        tpu.wait_dma2 semaphore(%run_scoped3A : memref<!tpu.dma_semaphore, #tpu.memory_space<semaphore_mem>>) src(%arg31 : memref<16x32xf32, #tpu.memory_space<vmem>>) dst(%dma_wait3A_257 : memref<16x32xf32, #tpu.memory_space<vmem_shared>>)
        tpu.yield
      }) : () -> ()
      %mul3A_222 = arith.constant 3200 : i32
      %mul3A_223 = arith.muli %arg1, %mul3A_222 : i32
      %mul3A_224 = arith.constant 128 : i32
      %mul3A_225 = arith.muli %add3A_193, %mul3A_224 : i32
      %add3A_226 = arith.addi %mul3A_223, %mul3A_225 : i32
      %add3A_227 = arith.constant 64 : i32
      %add3A_228 = arith.addi %add3A_226, %add3A_227 : i32
      "tpu.region"() ({
        %run_scoped3A = tpu.sem_alloc : memref<!tpu.dma_semaphore, #tpu.memory_space<semaphore_mem>>
        %dma_start3A_250 = arith.constant 0 : i32
        %dma_start3A_251 = tpu.memref_slice %arg32[%add3A_228, %dma_start3A_250] : memref<51200x32xf32, #tpu.memory_space<vmem_shared>> -> memref<16x32xf32, #tpu.memory_space<vmem_shared>>
        %dma_start3A_252 = arith.constant 0 : i32
        %dma_start3A_253 = tpu.memref_slice %arg32[%add3A_228, %dma_start3A_252] : memref<51200x32xf32, #tpu.memory_space<vmem_shared>> -> memref<16x32xf32, #tpu.memory_space<vmem_shared>>
        tpu.enqueue_dma source(%arg31 : memref<16x32xf32, #tpu.memory_space<vmem>>) target(%dma_start3A_253 : memref<16x32xf32, #tpu.memory_space<vmem_shared>>) target_semaphore(%run_scoped3A : memref<!tpu.dma_semaphore, #tpu.memory_space<semaphore_mem>>)
        %dma_wait3A_254 = arith.constant 0 : i32
        %dma_wait3A_255 = tpu.memref_slice %arg32[%add3A_228, %dma_wait3A_254] : memref<51200x32xf32, #tpu.memory_space<vmem_shared>> -> memref<16x32xf32, #tpu.memory_space<vmem_shared>>
        %dma_wait3A_256 = arith.constant 0 : i32
        %dma_wait3A_257 = tpu.memref_slice %arg32[%add3A_228, %dma_wait3A_256] : memref<51200x32xf32, #tpu.memory_space<vmem_shared>> -> memref<16x32xf32, #tpu.memory_space<vmem_shared>>
        tpu.wait_dma2 semaphore(%run_scoped3A : memref<!tpu.dma_semaphore, #tpu.memory_space<semaphore_mem>>) src(%arg31 : memref<16x32xf32, #tpu.memory_space<vmem>>) dst(%dma_wait3A_257 : memref<16x32xf32, #tpu.memory_space<vmem_shared>>)
        tpu.yield
      }) : () -> ()
      %mul3A_229 = arith.constant 3200 : i32
      %mul3A_230 = arith.muli %arg1, %mul3A_229 : i32
      %mul3A_231 = arith.constant 128 : i32
      %mul3A_232 = arith.muli %add3A_193, %mul3A_231 : i32
      %add3A_233 = arith.addi %mul3A_230, %mul3A_232 : i32
      %add3A_234 = arith.constant 80 : i32
      %add3A_235 = arith.addi %add3A_233, %add3A_234 : i32
      "tpu.region"() ({
        %run_scoped3A = tpu.sem_alloc : memref<!tpu.dma_semaphore, #tpu.memory_space<semaphore_mem>>
        %dma_start3A_250 = arith.constant 0 : i32
        %dma_start3A_251 = tpu.memref_slice %arg32[%add3A_235, %dma_start3A_250] : memref<51200x32xf32, #tpu.memory_space<vmem_shared>> -> memref<16x32xf32, #tpu.memory_space<vmem_shared>>
        %dma_start3A_252 = arith.constant 0 : i32
        %dma_start3A_253 = tpu.memref_slice %arg32[%add3A_235, %dma_start3A_252] : memref<51200x32xf32, #tpu.memory_space<vmem_shared>> -> memref<16x32xf32, #tpu.memory_space<vmem_shared>>
        tpu.enqueue_dma source(%arg31 : memref<16x32xf32, #tpu.memory_space<vmem>>) target(%dma_start3A_253 : memref<16x32xf32, #tpu.memory_space<vmem_shared>>) target_semaphore(%run_scoped3A : memref<!tpu.dma_semaphore, #tpu.memory_space<semaphore_mem>>)
        %dma_wait3A_254 = arith.constant 0 : i32
        %dma_wait3A_255 = tpu.memref_slice %arg32[%add3A_235, %dma_wait3A_254] : memref<51200x32xf32, #tpu.memory_space<vmem_shared>> -> memref<16x32xf32, #tpu.memory_space<vmem_shared>>
        %dma_wait3A_256 = arith.constant 0 : i32
        %dma_wait3A_257 = tpu.memref_slice %arg32[%add3A_235, %dma_wait3A_256] : memref<51200x32xf32, #tpu.memory_space<vmem_shared>> -> memref<16x32xf32, #tpu.memory_space<vmem_shared>>
        tpu.wait_dma2 semaphore(%run_scoped3A : memref<!tpu.dma_semaphore, #tpu.memory_space<semaphore_mem>>) src(%arg31 : memref<16x32xf32, #tpu.memory_space<vmem>>) dst(%dma_wait3A_257 : memref<16x32xf32, #tpu.memory_space<vmem_shared>>)
        tpu.yield
      }) : () -> ()
      %mul3A_236 = arith.constant 3200 : i32
      %mul3A_237 = arith.muli %arg1, %mul3A_236 : i32
      %mul3A_238 = arith.constant 128 : i32
      %mul3A_239 = arith.muli %add3A_193, %mul3A_238 : i32
      %add3A_240 = arith.addi %mul3A_237, %mul3A_239 : i32
      %add3A_241 = arith.constant 96 : i32
      %add3A_242 = arith.addi %add3A_240, %add3A_241 : i32
      "tpu.region"() ({
        %run_scoped3A = tpu.sem_alloc : memref<!tpu.dma_semaphore, #tpu.memory_space<semaphore_mem>>
        %dma_start3A_250 = arith.constant 0 : i32
        %dma_start3A_251 = tpu.memref_slice %arg32[%add3A_242, %dma_start3A_250] : memref<51200x32xf32, #tpu.memory_space<vmem_shared>> -> memref<16x32xf32, #tpu.memory_space<vmem_shared>>
        %dma_start3A_252 = arith.constant 0 : i32
        %dma_start3A_253 = tpu.memref_slice %arg32[%add3A_242, %dma_start3A_252] : memref<51200x32xf32, #tpu.memory_space<vmem_shared>> -> memref<16x32xf32, #tpu.memory_space<vmem_shared>>
        tpu.enqueue_dma source(%arg31 : memref<16x32xf32, #tpu.memory_space<vmem>>) target(%dma_start3A_253 : memref<16x32xf32, #tpu.memory_space<vmem_shared>>) target_semaphore(%run_scoped3A : memref<!tpu.dma_semaphore, #tpu.memory_space<semaphore_mem>>)
        %dma_wait3A_254 = arith.constant 0 : i32
        %dma_wait3A_255 = tpu.memref_slice %arg32[%add3A_242, %dma_wait3A_254] : memref<51200x32xf32, #tpu.memory_space<vmem_shared>> -> memref<16x32xf32, #tpu.memory_space<vmem_shared>>
        %dma_wait3A_256 = arith.constant 0 : i32
        %dma_wait3A_257 = tpu.memref_slice %arg32[%add3A_242, %dma_wait3A_256] : memref<51200x32xf32, #tpu.memory_space<vmem_shared>> -> memref<16x32xf32, #tpu.memory_space<vmem_shared>>
        tpu.wait_dma2 semaphore(%run_scoped3A : memref<!tpu.dma_semaphore, #tpu.memory_space<semaphore_mem>>) src(%arg31 : memref<16x32xf32, #tpu.memory_space<vmem>>) dst(%dma_wait3A_257 : memref<16x32xf32, #tpu.memory_space<vmem_shared>>)
        tpu.yield
      }) : () -> ()
      %mul3A_243 = arith.constant 3200 : i32
      %mul3A_244 = arith.muli %arg1, %mul3A_243 : i32
      %mul3A_245 = arith.constant 128 : i32
      %mul3A_246 = arith.muli %add3A_193, %mul3A_245 : i32
      %add3A_247 = arith.addi %mul3A_244, %mul3A_246 : i32
      %add3A_248 = arith.constant 112 : i32
      %add3A_249 = arith.addi %add3A_247, %add3A_248 : i32
      "tpu.region"() ({
        %run_scoped3A = tpu.sem_alloc : memref<!tpu.dma_semaphore, #tpu.memory_space<semaphore_mem>>
        %dma_start3A_250 = arith.constant 0 : i32
        %dma_start3A_251 = tpu.memref_slice %arg32[%add3A_249, %dma_start3A_250] : memref<51200x32xf32, #tpu.memory_space<vmem_shared>> -> memref<16x32xf32, #tpu.memory_space<vmem_shared>>
        %dma_start3A_252 = arith.constant 0 : i32
        %dma_start3A_253 = tpu.memref_slice %arg32[%add3A_249, %dma_start3A_252] : memref<51200x32xf32, #tpu.memory_space<vmem_shared>> -> memref<16x32xf32, #tpu.memory_space<vmem_shared>>
        tpu.enqueue_dma source(%arg31 : memref<16x32xf32, #tpu.memory_space<vmem>>) target(%dma_start3A_253 : memref<16x32xf32, #tpu.memory_space<vmem_shared>>) target_semaphore(%run_scoped3A : memref<!tpu.dma_semaphore, #tpu.memory_space<semaphore_mem>>)
        %dma_wait3A_254 = arith.constant 0 : i32
        %dma_wait3A_255 = tpu.memref_slice %arg32[%add3A_249, %dma_wait3A_254] : memref<51200x32xf32, #tpu.memory_space<vmem_shared>> -> memref<16x32xf32, #tpu.memory_space<vmem_shared>>
        %dma_wait3A_256 = arith.constant 0 : i32
        %dma_wait3A_257 = tpu.memref_slice %arg32[%add3A_249, %dma_wait3A_256] : memref<51200x32xf32, #tpu.memory_space<vmem_shared>> -> memref<16x32xf32, #tpu.memory_space<vmem_shared>>
        tpu.wait_dma2 semaphore(%run_scoped3A : memref<!tpu.dma_semaphore, #tpu.memory_space<semaphore_mem>>) src(%arg31 : memref<16x32xf32, #tpu.memory_space<vmem>>) dst(%dma_wait3A_257 : memref<16x32xf32, #tpu.memory_space<vmem_shared>>)
        tpu.yield
      }) : () -> ()
    }
    %scan3A_23 = arith.constant 25 : i32
    %barrier3A = arith.constant 0 : index
    tpu.barrier barrier_id(%barrier3A)
    %add3A_24 = arith.constant 0 : i32
    %add3A_25 = arith.addi %mul3A_2, %add3A_24 : i32
    %dma_start3A = arith.constant 0 : i32
    %dma_start3A_26 = arith.constant 0 : i32
    %dma_start3A_27 = tpu.memref_slice %arg2[%dma_start3A, %dma_start3A_26] : memref<2x819200xi32, #tpu.memory_space<hbm>> -> memref<1x819200xi32, #tpu.memory_space<hbm>>
    %dma_start3A_28 = tpu.memref_squeeze %dma_start3A_27 : memref<1x819200xi32, #tpu.memory_space<hbm>> -> memref<819200xi32, #tpu.memory_space<hbm>>
    %dma_start3A_29 = tpu.memref_slice %dma_start3A_28[%add3A_25] : memref<819200xi32, #tpu.memory_space<hbm>> -> memref<128xi32, #tpu.memory_space<hbm>>
    %dma_start3A_30 = arith.constant 0 : i32
    %dma_start3A_31 = tpu.memref_slice %arg2[%dma_start3A, %dma_start3A_30] : memref<2x819200xi32, #tpu.memory_space<hbm>> -> memref<1x819200xi32, #tpu.memory_space<hbm>>
    %dma_start3A_32 = tpu.memref_squeeze %dma_start3A_31 : memref<1x819200xi32, #tpu.memory_space<hbm>> -> memref<819200xi32, #tpu.memory_space<hbm>>
    %dma_start3A_33 = tpu.memref_slice %dma_start3A_32[%add3A_25] : memref<819200xi32, #tpu.memory_space<hbm>> -> memref<128xi32, #tpu.memory_space<hbm>>
    tpu.enqueue_dma source(%dma_start3A_33 : memref<128xi32, #tpu.memory_space<hbm>>) target(%arg12 : memref<128xi32, #tpu.memory_space<vmem>>) target_semaphore(%arg37 : memref<!tpu.dma_semaphore, #tpu.memory_space<semaphore_mem>>)
    %add3A_34 = arith.constant 128 : i32
    %add3A_35 = arith.addi %mul3A_2, %add3A_34 : i32
    %dma_start3A_36 = arith.constant 0 : i32
    %dma_start3A_37 = arith.constant 0 : i32
    %dma_start3A_38 = tpu.memref_slice %arg2[%dma_start3A_36, %dma_start3A_37] : memref<2x819200xi32, #tpu.memory_space<hbm>> -> memref<1x819200xi32, #tpu.memory_space<hbm>>
    %dma_start3A_39 = tpu.memref_squeeze %dma_start3A_38 : memref<1x819200xi32, #tpu.memory_space<hbm>> -> memref<819200xi32, #tpu.memory_space<hbm>>
    %dma_start3A_40 = tpu.memref_slice %dma_start3A_39[%add3A_35] : memref<819200xi32, #tpu.memory_space<hbm>> -> memref<128xi32, #tpu.memory_space<hbm>>
    %dma_start3A_41 = arith.constant 0 : i32
    %dma_start3A_42 = tpu.memref_slice %arg2[%dma_start3A_36, %dma_start3A_41] : memref<2x819200xi32, #tpu.memory_space<hbm>> -> memref<1x819200xi32, #tpu.memory_space<hbm>>
    %dma_start3A_43 = tpu.memref_squeeze %dma_start3A_42 : memref<1x819200xi32, #tpu.memory_space<hbm>> -> memref<819200xi32, #tpu.memory_space<hbm>>
    %dma_start3A_44 = tpu.memref_slice %dma_start3A_43[%add3A_35] : memref<819200xi32, #tpu.memory_space<hbm>> -> memref<128xi32, #tpu.memory_space<hbm>>
    tpu.enqueue_dma source(%dma_start3A_44 : memref<128xi32, #tpu.memory_space<hbm>>) target(%arg14 : memref<128xi32, #tpu.memory_space<vmem>>) target_semaphore(%arg37 : memref<!tpu.dma_semaphore, #tpu.memory_space<semaphore_mem>>)
    %scan3A_45 = arith.constant 0 : i32
    %scan3A_46 = arith.constant 0 : i32
    %scan3A_47 = arith.constant 100 : i32
    %scan3A_48 = arith.addi %scan3A_46, %scan3A_47 : i32
    %scan3A_49 = arith.constant 1 : i32
    scf.for %scan3A_189 = %scan3A_46 to %scan3A_48 step %scan3A_49  : i32 {
      %mul3A_190 = arith.constant 1 : i32
      %mul3A_191 = arith.muli %scan3A_189, %mul3A_190 : i32
      %add3A_192 = arith.constant 0 : i32
      %add3A_193 = arith.addi %add3A_192, %mul3A_191 : i32
      %mul3A_194 = arith.constant 4 : i32
      %mul3A_195 = arith.muli %add3A_193, %mul3A_194 : i32
      %add3A_196 = arith.constant 0 : i32
      %add3A_197 = arith.addi %mul3A_195, %add3A_196 : i32
      %mul3A_198 = arith.constant 128 : i32
      %mul3A_199 = arith.muli %add3A_197, %mul3A_198 : i32
      %add3A_200 = arith.addi %mul3A_2, %mul3A_199 : i32
      %dma_wait3A_201 = arith.constant 0 : i32
      %dma_wait3A_202 = tpu.memref_slice %arg2[%scan3A_45, %dma_wait3A_201] : memref<2x819200xi32, #tpu.memory_space<hbm>> -> memref<1x819200xi32, #tpu.memory_space<hbm>>
      %dma_wait3A_203 = tpu.memref_squeeze %dma_wait3A_202 : memref<1x819200xi32, #tpu.memory_space<hbm>> -> memref<819200xi32, #tpu.memory_space<hbm>>
      %dma_wait3A_204 = tpu.memref_slice %dma_wait3A_203[%add3A_200] : memref<819200xi32, #tpu.memory_space<hbm>> -> memref<128xi32, #tpu.memory_space<hbm>>
      %dma_wait3A_205 = arith.constant 0 : i32
      %dma_wait3A_206 = tpu.memref_slice %arg2[%scan3A_45, %dma_wait3A_205] : memref<2x819200xi32, #tpu.memory_space<hbm>> -> memref<1x819200xi32, #tpu.memory_space<hbm>>
      %dma_wait3A_207 = tpu.memref_squeeze %dma_wait3A_206 : memref<1x819200xi32, #tpu.memory_space<hbm>> -> memref<819200xi32, #tpu.memory_space<hbm>>
      %dma_wait3A_208 = tpu.memref_slice %dma_wait3A_207[%add3A_200] : memref<819200xi32, #tpu.memory_space<hbm>> -> memref<128xi32, #tpu.memory_space<hbm>>
      tpu.wait_dma2 semaphore(%arg37 : memref<!tpu.dma_semaphore, #tpu.memory_space<semaphore_mem>>) src(%dma_wait3A_208 : memref<128xi32, #tpu.memory_space<hbm>>) dst(%arg12 : memref<128xi32, #tpu.memory_space<vmem>>)
      %gt3A = arith.constant 0 : i32
      %gt3A_209 = arith.cmpi sgt, %add3A_193, %gt3A : i32
      %convert_element_type3A = arith.extui %gt3A_209 : i1 to i32
      %cond3A = arith.constant 0 : i32
      %cond3A_210 = arith.cmpi ne, %convert_element_type3A, %cond3A : i32
      scf.if %cond3A_210 {
        %dma_wait3A_314 = arith.constant 0 : i32
        %dma_wait3A_315 = arith.constant 0 : i32
        %dma_wait3A_316 = tpu.memref_slice %arg32[%dma_wait3A_314, %dma_wait3A_315] : memref<51200x32xf32, #tpu.memory_space<vmem_shared>> -> memref<51200x32xf32, #tpu.memory_space<vmem_shared>>
        tpu.wait_indirect_dma semaphore(%arg38 : memref<!tpu.dma_semaphore, #tpu.memory_space<semaphore_mem>>) src(%arg27 : memref<128x32xf32, #tpu.memory_space<vmem>>) dst(%dma_wait3A_316 : memref<51200x32xf32, #tpu.memory_space<vmem_shared>>)
      } else {
      }
      %dma_start3A_211 = arith.constant 0 : i32
      %dma_start3A_212 = arith.constant 0 : i32
      %dma_start3A_213 = tpu.memref_slice %arg32[%dma_start3A_211, %dma_start3A_212] : memref<51200x32xf32, #tpu.memory_space<vmem_shared>> -> memref<51200x32xf32, #tpu.memory_space<vmem_shared>>
      tpu.enqueue_indirect_dma source(%arg27 : memref<128x32xf32, #tpu.memory_space<vmem>>) target(%dma_start3A_213 : memref<51200x32xf32, #tpu.memory_space<vmem_shared>>) offsets(%arg12 : memref<128xi32, #tpu.memory_space<vmem>>) semaphore(%arg38 : memref<!tpu.dma_semaphore, #tpu.memory_space<semaphore_mem>>) {add = true}
      %add3A_214 = arith.constant 2 : i32
      %add3A_215 = arith.addi %add3A_197, %add3A_214 : i32
      %mul3A_216 = arith.constant 128 : i32
      %mul3A_217 = arith.muli %add3A_215, %mul3A_216 : i32
      %add3A_218 = arith.addi %mul3A_2, %mul3A_217 : i32
      %dma_start3A_219 = arith.constant 0 : i32
      %dma_start3A_220 = tpu.memref_slice %arg2[%scan3A_45, %dma_start3A_219] : memref<2x819200xi32, #tpu.memory_space<hbm>> -> memref<1x819200xi32, #tpu.memory_space<hbm>>
      %dma_start3A_221 = tpu.memref_squeeze %dma_start3A_220 : memref<1x819200xi32, #tpu.memory_space<hbm>> -> memref<819200xi32, #tpu.memory_space<hbm>>
      %dma_start3A_222 = tpu.memref_slice %dma_start3A_221[%add3A_218] : memref<819200xi32, #tpu.memory_space<hbm>> -> memref<128xi32, #tpu.memory_space<hbm>>
      %dma_start3A_223 = arith.constant 0 : i32
      %dma_start3A_224 = tpu.memref_slice %arg2[%scan3A_45, %dma_start3A_223] : memref<2x819200xi32, #tpu.memory_space<hbm>> -> memref<1x819200xi32, #tpu.memory_space<hbm>>
      %dma_start3A_225 = tpu.memref_squeeze %dma_start3A_224 : memref<1x819200xi32, #tpu.memory_space<hbm>> -> memref<819200xi32, #tpu.memory_space<hbm>>
      %dma_start3A_226 = tpu.memref_slice %dma_start3A_225[%add3A_218] : memref<819200xi32, #tpu.memory_space<hbm>> -> memref<128xi32, #tpu.memory_space<hbm>>
      tpu.enqueue_dma source(%dma_start3A_226 : memref<128xi32, #tpu.memory_space<hbm>>) target(%arg16 : memref<128xi32, #tpu.memory_space<vmem>>) target_semaphore(%arg37 : memref<!tpu.dma_semaphore, #tpu.memory_space<semaphore_mem>>)
      %mul3A_227 = arith.constant 4 : i32
      %mul3A_228 = arith.muli %add3A_193, %mul3A_227 : i32
      %add3A_229 = arith.constant 1 : i32
      %add3A_230 = arith.addi %mul3A_228, %add3A_229 : i32
      %mul3A_231 = arith.constant 128 : i32
      %mul3A_232 = arith.muli %add3A_230, %mul3A_231 : i32
      %add3A_233 = arith.addi %mul3A_2, %mul3A_232 : i32
      %dma_wait3A_234 = arith.constant 0 : i32
      %dma_wait3A_235 = tpu.memref_slice %arg2[%scan3A_45, %dma_wait3A_234] : memref<2x819200xi32, #tpu.memory_space<hbm>> -> memref<1x819200xi32, #tpu.memory_space<hbm>>
      %dma_wait3A_236 = tpu.memref_squeeze %dma_wait3A_235 : memref<1x819200xi32, #tpu.memory_space<hbm>> -> memref<819200xi32, #tpu.memory_space<hbm>>
      %dma_wait3A_237 = tpu.memref_slice %dma_wait3A_236[%add3A_233] : memref<819200xi32, #tpu.memory_space<hbm>> -> memref<128xi32, #tpu.memory_space<hbm>>
      %dma_wait3A_238 = arith.constant 0 : i32
      %dma_wait3A_239 = tpu.memref_slice %arg2[%scan3A_45, %dma_wait3A_238] : memref<2x819200xi32, #tpu.memory_space<hbm>> -> memref<1x819200xi32, #tpu.memory_space<hbm>>
      %dma_wait3A_240 = tpu.memref_squeeze %dma_wait3A_239 : memref<1x819200xi32, #tpu.memory_space<hbm>> -> memref<819200xi32, #tpu.memory_space<hbm>>
      %dma_wait3A_241 = tpu.memref_slice %dma_wait3A_240[%add3A_233] : memref<819200xi32, #tpu.memory_space<hbm>> -> memref<128xi32, #tpu.memory_space<hbm>>
      tpu.wait_dma2 semaphore(%arg37 : memref<!tpu.dma_semaphore, #tpu.memory_space<semaphore_mem>>) src(%dma_wait3A_241 : memref<128xi32, #tpu.memory_space<hbm>>) dst(%arg14 : memref<128xi32, #tpu.memory_space<vmem>>)
      %gt3A_242 = arith.constant 0 : i32
      %gt3A_243 = arith.cmpi sgt, %add3A_193, %gt3A_242 : i32
      %convert_element_type3A_244 = arith.extui %gt3A_243 : i1 to i32
      %cond3A_245 = arith.constant 0 : i32
      %cond3A_246 = arith.cmpi ne, %convert_element_type3A_244, %cond3A_245 : i32
      scf.if %cond3A_246 {
        %dma_wait3A_314 = arith.constant 0 : i32
        %dma_wait3A_315 = arith.constant 0 : i32
        %dma_wait3A_316 = tpu.memref_slice %arg32[%dma_wait3A_314, %dma_wait3A_315] : memref<51200x32xf32, #tpu.memory_space<vmem_shared>> -> memref<51200x32xf32, #tpu.memory_space<vmem_shared>>
        tpu.wait_indirect_dma semaphore(%arg39 : memref<!tpu.dma_semaphore, #tpu.memory_space<semaphore_mem>>) src(%arg27 : memref<128x32xf32, #tpu.memory_space<vmem>>) dst(%dma_wait3A_316 : memref<51200x32xf32, #tpu.memory_space<vmem_shared>>)
      } else {
      }
      %dma_start3A_247 = arith.constant 0 : i32
      %dma_start3A_248 = arith.constant 0 : i32
      %dma_start3A_249 = tpu.memref_slice %arg32[%dma_start3A_247, %dma_start3A_248] : memref<51200x32xf32, #tpu.memory_space<vmem_shared>> -> memref<51200x32xf32, #tpu.memory_space<vmem_shared>>
      tpu.enqueue_indirect_dma source(%arg27 : memref<128x32xf32, #tpu.memory_space<vmem>>) target(%dma_start3A_249 : memref<51200x32xf32, #tpu.memory_space<vmem_shared>>) offsets(%arg14 : memref<128xi32, #tpu.memory_space<vmem>>) semaphore(%arg39 : memref<!tpu.dma_semaphore, #tpu.memory_space<semaphore_mem>>) {add = true}
      %add3A_250 = arith.constant 2 : i32
      %add3A_251 = arith.addi %add3A_230, %add3A_250 : i32
      %mul3A_252 = arith.constant 128 : i32
      %mul3A_253 = arith.muli %add3A_251, %mul3A_252 : i32
      %add3A_254 = arith.addi %mul3A_2, %mul3A_253 : i32
      %dma_start3A_255 = arith.constant 0 : i32
      %dma_start3A_256 = tpu.memref_slice %arg2[%scan3A_45, %dma_start3A_255] : memref<2x819200xi32, #tpu.memory_space<hbm>> -> memref<1x819200xi32, #tpu.memory_space<hbm>>
      %dma_start3A_257 = tpu.memref_squeeze %dma_start3A_256 : memref<1x819200xi32, #tpu.memory_space<hbm>> -> memref<819200xi32, #tpu.memory_space<hbm>>
      %dma_start3A_258 = tpu.memref_slice %dma_start3A_257[%add3A_254] : memref<819200xi32, #tpu.memory_space<hbm>> -> memref<128xi32, #tpu.memory_space<hbm>>
      %dma_start3A_259 = arith.constant 0 : i32
      %dma_start3A_260 = tpu.memref_slice %arg2[%scan3A_45, %dma_start3A_259] : memref<2x819200xi32, #tpu.memory_space<hbm>> -> memref<1x819200xi32, #tpu.memory_space<hbm>>
      %dma_start3A_261 = tpu.memref_squeeze %dma_start3A_260 : memref<1x819200xi32, #tpu.memory_space<hbm>> -> memref<819200xi32, #tpu.memory_space<hbm>>
      %dma_start3A_262 = tpu.memref_slice %dma_start3A_261[%add3A_254] : memref<819200xi32, #tpu.memory_space<hbm>> -> memref<128xi32, #tpu.memory_space<hbm>>
      tpu.enqueue_dma source(%dma_start3A_262 : memref<128xi32, #tpu.memory_space<hbm>>) target(%arg18 : memref<128xi32, #tpu.memory_space<vmem>>) target_semaphore(%arg37 : memref<!tpu.dma_semaphore, #tpu.memory_space<semaphore_mem>>)
      %mul3A_263 = arith.constant 4 : i32
      %mul3A_264 = arith.muli %add3A_193, %mul3A_263 : i32
      %add3A_265 = arith.constant 2 : i32
      %add3A_266 = arith.addi %mul3A_264, %add3A_265 : i32
      %mul3A_267 = arith.constant 128 : i32
      %mul3A_268 = arith.muli %add3A_266, %mul3A_267 : i32
      %add3A_269 = arith.addi %mul3A_2, %mul3A_268 : i32
      %dma_wait3A_270 = arith.constant 0 : i32
      %dma_wait3A_271 = tpu.memref_slice %arg2[%scan3A_45, %dma_wait3A_270] : memref<2x819200xi32, #tpu.memory_space<hbm>> -> memref<1x819200xi32, #tpu.memory_space<hbm>>
      %dma_wait3A_272 = tpu.memref_squeeze %dma_wait3A_271 : memref<1x819200xi32, #tpu.memory_space<hbm>> -> memref<819200xi32, #tpu.memory_space<hbm>>
      %dma_wait3A_273 = tpu.memref_slice %dma_wait3A_272[%add3A_269] : memref<819200xi32, #tpu.memory_space<hbm>> -> memref<128xi32, #tpu.memory_space<hbm>>
      %dma_wait3A_274 = arith.constant 0 : i32
      %dma_wait3A_275 = tpu.memref_slice %arg2[%scan3A_45, %dma_wait3A_274] : memref<2x819200xi32, #tpu.memory_space<hbm>> -> memref<1x819200xi32, #tpu.memory_space<hbm>>
      %dma_wait3A_276 = tpu.memref_squeeze %dma_wait3A_275 : memref<1x819200xi32, #tpu.memory_space<hbm>> -> memref<819200xi32, #tpu.memory_space<hbm>>
      %dma_wait3A_277 = tpu.memref_slice %dma_wait3A_276[%add3A_269] : memref<819200xi32, #tpu.memory_space<hbm>> -> memref<128xi32, #tpu.memory_space<hbm>>
      tpu.wait_dma2 semaphore(%arg37 : memref<!tpu.dma_semaphore, #tpu.memory_space<semaphore_mem>>) src(%dma_wait3A_277 : memref<128xi32, #tpu.memory_space<hbm>>) dst(%arg16 : memref<128xi32, #tpu.memory_space<vmem>>)
      %dma_wait3A_278 = arith.constant 0 : i32
      %dma_wait3A_279 = arith.constant 0 : i32
      %dma_wait3A_280 = tpu.memref_slice %arg32[%dma_wait3A_278, %dma_wait3A_279] : memref<51200x32xf32, #tpu.memory_space<vmem_shared>> -> memref<51200x32xf32, #tpu.memory_space<vmem_shared>>
      tpu.wait_indirect_dma semaphore(%arg38 : memref<!tpu.dma_semaphore, #tpu.memory_space<semaphore_mem>>) src(%arg27 : memref<128x32xf32, #tpu.memory_space<vmem>>) dst(%dma_wait3A_280 : memref<51200x32xf32, #tpu.memory_space<vmem_shared>>)
      %dma_start3A_281 = arith.constant 0 : i32
      %dma_start3A_282 = arith.constant 0 : i32
      %dma_start3A_283 = tpu.memref_slice %arg32[%dma_start3A_281, %dma_start3A_282] : memref<51200x32xf32, #tpu.memory_space<vmem_shared>> -> memref<51200x32xf32, #tpu.memory_space<vmem_shared>>
      tpu.enqueue_indirect_dma source(%arg27 : memref<128x32xf32, #tpu.memory_space<vmem>>) target(%dma_start3A_283 : memref<51200x32xf32, #tpu.memory_space<vmem_shared>>) offsets(%arg16 : memref<128xi32, #tpu.memory_space<vmem>>) semaphore(%arg38 : memref<!tpu.dma_semaphore, #tpu.memory_space<semaphore_mem>>) {add = true}
      %lt3A = arith.constant 99 : i32
      %lt3A_284 = arith.cmpi slt, %add3A_193, %lt3A : i32
      %convert_element_type3A_285 = arith.extui %lt3A_284 : i1 to i32
      %cond3A_286 = arith.constant 0 : i32
      %cond3A_287 = arith.cmpi ne, %convert_element_type3A_285, %cond3A_286 : i32
      scf.if %cond3A_287 {
        %add3A_314 = arith.constant 2 : i32
        %add3A_315 = arith.addi %add3A_266, %add3A_314 : i32
        %mul3A_316 = arith.constant 128 : i32
        %mul3A_317 = arith.muli %add3A_315, %mul3A_316 : i32
        %add3A_318 = arith.addi %mul3A_2, %mul3A_317 : i32
        %dma_start3A_319 = arith.constant 0 : i32
        %dma_start3A_320 = tpu.memref_slice %arg2[%scan3A_45, %dma_start3A_319] : memref<2x819200xi32, #tpu.memory_space<hbm>> -> memref<1x819200xi32, #tpu.memory_space<hbm>>
        %dma_start3A_321 = tpu.memref_squeeze %dma_start3A_320 : memref<1x819200xi32, #tpu.memory_space<hbm>> -> memref<819200xi32, #tpu.memory_space<hbm>>
        %dma_start3A_322 = tpu.memref_slice %dma_start3A_321[%add3A_318] : memref<819200xi32, #tpu.memory_space<hbm>> -> memref<128xi32, #tpu.memory_space<hbm>>
        %dma_start3A_323 = arith.constant 0 : i32
        %dma_start3A_324 = tpu.memref_slice %arg2[%scan3A_45, %dma_start3A_323] : memref<2x819200xi32, #tpu.memory_space<hbm>> -> memref<1x819200xi32, #tpu.memory_space<hbm>>
        %dma_start3A_325 = tpu.memref_squeeze %dma_start3A_324 : memref<1x819200xi32, #tpu.memory_space<hbm>> -> memref<819200xi32, #tpu.memory_space<hbm>>
        %dma_start3A_326 = tpu.memref_slice %dma_start3A_325[%add3A_318] : memref<819200xi32, #tpu.memory_space<hbm>> -> memref<128xi32, #tpu.memory_space<hbm>>
        tpu.enqueue_dma source(%dma_start3A_326 : memref<128xi32, #tpu.memory_space<hbm>>) target(%arg12 : memref<128xi32, #tpu.memory_space<vmem>>) target_semaphore(%arg37 : memref<!tpu.dma_semaphore, #tpu.memory_space<semaphore_mem>>)
      } else {
      }
      %mul3A_288 = arith.constant 4 : i32
      %mul3A_289 = arith.muli %add3A_193, %mul3A_288 : i32
      %add3A_290 = arith.constant 3 : i32
      %add3A_291 = arith.addi %mul3A_289, %add3A_290 : i32
      %mul3A_292 = arith.constant 128 : i32
      %mul3A_293 = arith.muli %add3A_291, %mul3A_292 : i32
      %add3A_294 = arith.addi %mul3A_2, %mul3A_293 : i32
      %dma_wait3A_295 = arith.constant 0 : i32
      %dma_wait3A_296 = tpu.memref_slice %arg2[%scan3A_45, %dma_wait3A_295] : memref<2x819200xi32, #tpu.memory_space<hbm>> -> memref<1x819200xi32, #tpu.memory_space<hbm>>
      %dma_wait3A_297 = tpu.memref_squeeze %dma_wait3A_296 : memref<1x819200xi32, #tpu.memory_space<hbm>> -> memref<819200xi32, #tpu.memory_space<hbm>>
      %dma_wait3A_298 = tpu.memref_slice %dma_wait3A_297[%add3A_294] : memref<819200xi32, #tpu.memory_space<hbm>> -> memref<128xi32, #tpu.memory_space<hbm>>
      %dma_wait3A_299 = arith.constant 0 : i32
      %dma_wait3A_300 = tpu.memref_slice %arg2[%scan3A_45, %dma_wait3A_299] : memref<2x819200xi32, #tpu.memory_space<hbm>> -> memref<1x819200xi32, #tpu.memory_space<hbm>>
      %dma_wait3A_301 = tpu.memref_squeeze %dma_wait3A_300 : memref<1x819200xi32, #tpu.memory_space<hbm>> -> memref<819200xi32, #tpu.memory_space<hbm>>
      %dma_wait3A_302 = tpu.memref_slice %dma_wait3A_301[%add3A_294] : memref<819200xi32, #tpu.memory_space<hbm>> -> memref<128xi32, #tpu.memory_space<hbm>>
      tpu.wait_dma2 semaphore(%arg37 : memref<!tpu.dma_semaphore, #tpu.memory_space<semaphore_mem>>) src(%dma_wait3A_302 : memref<128xi32, #tpu.memory_space<hbm>>) dst(%arg18 : memref<128xi32, #tpu.memory_space<vmem>>)
      %dma_wait3A_303 = arith.constant 0 : i32
      %dma_wait3A_304 = arith.constant 0 : i32
      %dma_wait3A_305 = tpu.memref_slice %arg32[%dma_wait3A_303, %dma_wait3A_304] : memref<51200x32xf32, #tpu.memory_space<vmem_shared>> -> memref<51200x32xf32, #tpu.memory_space<vmem_shared>>
      tpu.wait_indirect_dma semaphore(%arg39 : memref<!tpu.dma_semaphore, #tpu.memory_space<semaphore_mem>>) src(%arg27 : memref<128x32xf32, #tpu.memory_space<vmem>>) dst(%dma_wait3A_305 : memref<51200x32xf32, #tpu.memory_space<vmem_shared>>)
      %dma_start3A_306 = arith.constant 0 : i32
      %dma_start3A_307 = arith.constant 0 : i32
      %dma_start3A_308 = tpu.memref_slice %arg32[%dma_start3A_306, %dma_start3A_307] : memref<51200x32xf32, #tpu.memory_space<vmem_shared>> -> memref<51200x32xf32, #tpu.memory_space<vmem_shared>>
      tpu.enqueue_indirect_dma source(%arg27 : memref<128x32xf32, #tpu.memory_space<vmem>>) target(%dma_start3A_308 : memref<51200x32xf32, #tpu.memory_space<vmem_shared>>) offsets(%arg18 : memref<128xi32, #tpu.memory_space<vmem>>) semaphore(%arg39 : memref<!tpu.dma_semaphore, #tpu.memory_space<semaphore_mem>>) {add = true}
      %lt3A_309 = arith.constant 99 : i32
      %lt3A_310 = arith.cmpi slt, %add3A_193, %lt3A_309 : i32
      %convert_element_type3A_311 = arith.extui %lt3A_310 : i1 to i32
      %cond3A_312 = arith.constant 0 : i32
      %cond3A_313 = arith.cmpi ne, %convert_element_type3A_311, %cond3A_312 : i32
      scf.if %cond3A_313 {
        %add3A_314 = arith.constant 2 : i32
        %add3A_315 = arith.addi %add3A_291, %add3A_314 : i32
        %mul3A_316 = arith.constant 128 : i32
        %mul3A_317 = arith.muli %add3A_315, %mul3A_316 : i32
        %add3A_318 = arith.addi %mul3A_2, %mul3A_317 : i32
        %dma_start3A_319 = arith.constant 0 : i32
        %dma_start3A_320 = tpu.memref_slice %arg2[%scan3A_45, %dma_start3A_319] : memref<2x819200xi32, #tpu.memory_space<hbm>> -> memref<1x819200xi32, #tpu.memory_space<hbm>>
        %dma_start3A_321 = tpu.memref_squeeze %dma_start3A_320 : memref<1x819200xi32, #tpu.memory_space<hbm>> -> memref<819200xi32, #tpu.memory_space<hbm>>
        %dma_start3A_322 = tpu.memref_slice %dma_start3A_321[%add3A_318] : memref<819200xi32, #tpu.memory_space<hbm>> -> memref<128xi32, #tpu.memory_space<hbm>>
        %dma_start3A_323 = arith.constant 0 : i32
        %dma_start3A_324 = tpu.memref_slice %arg2[%scan3A_45, %dma_start3A_323] : memref<2x819200xi32, #tpu.memory_space<hbm>> -> memref<1x819200xi32, #tpu.memory_space<hbm>>
        %dma_start3A_325 = tpu.memref_squeeze %dma_start3A_324 : memref<1x819200xi32, #tpu.memory_space<hbm>> -> memref<819200xi32, #tpu.memory_space<hbm>>
        %dma_start3A_326 = tpu.memref_slice %dma_start3A_325[%add3A_318] : memref<819200xi32, #tpu.memory_space<hbm>> -> memref<128xi32, #tpu.memory_space<hbm>>
        tpu.enqueue_dma source(%dma_start3A_326 : memref<128xi32, #tpu.memory_space<hbm>>) target(%arg14 : memref<128xi32, #tpu.memory_space<vmem>>) target_semaphore(%arg37 : memref<!tpu.dma_semaphore, #tpu.memory_space<semaphore_mem>>)
      } else {
      }
    }
    %scan3A_50 = arith.constant 100 : i32
    %dma_wait3A = arith.constant 0 : i32
    %dma_wait3A_51 = arith.constant 0 : i32
    %dma_wait3A_52 = tpu.memref_slice %arg32[%dma_wait3A, %dma_wait3A_51] : memref<51200x32xf32, #tpu.memory_space<vmem_shared>> -> memref<51200x32xf32, #tpu.memory_space<vmem_shared>>
    tpu.wait_indirect_dma semaphore(%arg38 : memref<!tpu.dma_semaphore, #tpu.memory_space<semaphore_mem>>) src(%arg27 : memref<128x32xf32, #tpu.memory_space<vmem>>) dst(%dma_wait3A_52 : memref<51200x32xf32, #tpu.memory_space<vmem_shared>>)
    %dma_wait3A_53 = arith.constant 0 : i32
    %dma_wait3A_54 = arith.constant 0 : i32
    %dma_wait3A_55 = tpu.memref_slice %arg32[%dma_wait3A_53, %dma_wait3A_54] : memref<51200x32xf32, #tpu.memory_space<vmem_shared>> -> memref<51200x32xf32, #tpu.memory_space<vmem_shared>>
    tpu.wait_indirect_dma semaphore(%arg39 : memref<!tpu.dma_semaphore, #tpu.memory_space<semaphore_mem>>) src(%arg27 : memref<128x32xf32, #tpu.memory_space<vmem>>) dst(%dma_wait3A_55 : memref<51200x32xf32, #tpu.memory_space<vmem_shared>>)
    %barrier3A_56 = arith.constant 0 : index
    tpu.barrier barrier_id(%barrier3A_56)
    %scan3A_57 = arith.constant 0 : i32
    %scan3A_58 = arith.constant 25 : i32
    %scan3A_59 = arith.addi %scan3A_57, %scan3A_58 : i32
    %scan3A_60 = arith.constant 1 : i32
    scf.for %scan3A_189 = %scan3A_57 to %scan3A_59 step %scan3A_60  : i32 {
      %mul3A_190 = arith.constant 1 : i32
      %mul3A_191 = arith.muli %scan3A_189, %mul3A_190 : i32
      %add3A_192 = arith.constant 0 : i32
      %add3A_193 = arith.addi %add3A_192, %mul3A_191 : i32
      %mul3A_194 = arith.constant 3200 : i32
      %mul3A_195 = arith.muli %arg1, %mul3A_194 : i32
      %mul3A_196 = arith.constant 128 : i32
      %mul3A_197 = arith.muli %add3A_193, %mul3A_196 : i32
      %add3A_198 = arith.addi %mul3A_195, %mul3A_197 : i32
      "tpu.region"() ({
        %run_scoped3A = tpu.sem_alloc : memref<!tpu.dma_semaphore, #tpu.memory_space<semaphore_mem>>
        %dma_start3A_277 = arith.constant 0 : i32
        %dma_start3A_278 = tpu.memref_slice %arg32[%add3A_198, %dma_start3A_277] : memref<51200x32xf32, #tpu.memory_space<vmem_shared>> -> memref<128x32xf32, #tpu.memory_space<vmem_shared>>
        %dma_start3A_279 = arith.constant 0 : i32
        %dma_start3A_280 = tpu.memref_slice %arg32[%add3A_198, %dma_start3A_279] : memref<51200x32xf32, #tpu.memory_space<vmem_shared>> -> memref<128x32xf32, #tpu.memory_space<vmem_shared>>
        tpu.enqueue_dma source(%dma_start3A_280 : memref<128x32xf32, #tpu.memory_space<vmem_shared>>) target(%arg29 : memref<128x32xf32, #tpu.memory_space<vmem>>) target_semaphore(%run_scoped3A : memref<!tpu.dma_semaphore, #tpu.memory_space<semaphore_mem>>)
        %dma_wait3A_281 = arith.constant 0 : i32
        %dma_wait3A_282 = tpu.memref_slice %arg32[%add3A_198, %dma_wait3A_281] : memref<51200x32xf32, #tpu.memory_space<vmem_shared>> -> memref<128x32xf32, #tpu.memory_space<vmem_shared>>
        %dma_wait3A_283 = arith.constant 0 : i32
        %dma_wait3A_284 = tpu.memref_slice %arg32[%add3A_198, %dma_wait3A_283] : memref<51200x32xf32, #tpu.memory_space<vmem_shared>> -> memref<128x32xf32, #tpu.memory_space<vmem_shared>>
        tpu.wait_dma2 semaphore(%run_scoped3A : memref<!tpu.dma_semaphore, #tpu.memory_space<semaphore_mem>>) src(%dma_wait3A_284 : memref<128x32xf32, #tpu.memory_space<vmem_shared>>) dst(%arg29 : memref<128x32xf32, #tpu.memory_space<vmem>>)
        tpu.yield
      }) : () -> ()
      %add3A_199 = arith.constant 0 : i32
      %add3A_200 = vector.broadcast %add3A_199 : i32 to vector<16xi32>
      %add3A_201 = arith.addi %iota3A, %add3A_200 : vector<16xi32>
      %gather3A = tpu.vector_load_idx %arg29[%add3A_201, %broadcast_in_dim3A_9] : memref<128x32xf32, #tpu.memory_space<vmem>>[vector<16xi32>, vector<16xi32>], vector<16xf32>,
      %mul3A_202 = arith.constant 128 : i32
      %mul3A_203 = arith.muli %add3A_193, %mul3A_202 : i32
      %add3A_204 = arith.constant 0 : i32
      %add3A_205 = arith.addi %mul3A_203, %add3A_204 : i32
      %swap3A = arith.index_cast %add3A_205 : i32 to index
      %swap3A_206 = tpu.vector_load %arg8[%swap3A] {strides = array<i32>} : memref<3216xf32, #tpu.memory_space<vmem>>, vector<16xf32>,
      tpu.vector_store %arg8[%swap3A], %gather3A {strides = array<i32>} : memref<3216xf32, #tpu.memory_space<vmem>>, vector<16xf32>,
      %add3A_207 = arith.constant 16 : i32
      %add3A_208 = vector.broadcast %add3A_207 : i32 to vector<16xi32>
      %add3A_209 = arith.addi %iota3A, %add3A_208 : vector<16xi32>
      %gather3A_210 = tpu.vector_load_idx %arg29[%add3A_209, %broadcast_in_dim3A_9] : memref<128x32xf32, #tpu.memory_space<vmem>>[vector<16xi32>, vector<16xi32>], vector<16xf32>,
      %mul3A_211 = arith.constant 128 : i32
      %mul3A_212 = arith.muli %add3A_193, %mul3A_211 : i32
      %add3A_213 = arith.constant 16 : i32
      %add3A_214 = arith.addi %mul3A_212, %add3A_213 : i32
      %swap3A_215 = arith.index_cast %add3A_214 : i32 to index
      %swap3A_216 = tpu.vector_load %arg8[%swap3A_215] {strides = array<i32>} : memref<3216xf32, #tpu.memory_space<vmem>>, vector<16xf32>,
      tpu.vector_store %arg8[%swap3A_215], %gather3A_210 {strides = array<i32>} : memref<3216xf32, #tpu.memory_space<vmem>>, vector<16xf32>,
      %add3A_217 = arith.constant 32 : i32
      %add3A_218 = vector.broadcast %add3A_217 : i32 to vector<16xi32>
      %add3A_219 = arith.addi %iota3A, %add3A_218 : vector<16xi32>
      %gather3A_220 = tpu.vector_load_idx %arg29[%add3A_219, %broadcast_in_dim3A_9] : memref<128x32xf32, #tpu.memory_space<vmem>>[vector<16xi32>, vector<16xi32>], vector<16xf32>,
      %mul3A_221 = arith.constant 128 : i32
      %mul3A_222 = arith.muli %add3A_193, %mul3A_221 : i32
      %add3A_223 = arith.constant 32 : i32
      %add3A_224 = arith.addi %mul3A_222, %add3A_223 : i32
      %swap3A_225 = arith.index_cast %add3A_224 : i32 to index
      %swap3A_226 = tpu.vector_load %arg8[%swap3A_225] {strides = array<i32>} : memref<3216xf32, #tpu.memory_space<vmem>>, vector<16xf32>,
      tpu.vector_store %arg8[%swap3A_225], %gather3A_220 {strides = array<i32>} : memref<3216xf32, #tpu.memory_space<vmem>>, vector<16xf32>,
      %add3A_227 = arith.constant 48 : i32
      %add3A_228 = vector.broadcast %add3A_227 : i32 to vector<16xi32>
      %add3A_229 = arith.addi %iota3A, %add3A_228 : vector<16xi32>
      %gather3A_230 = tpu.vector_load_idx %arg29[%add3A_229, %broadcast_in_dim3A_9] : memref<128x32xf32, #tpu.memory_space<vmem>>[vector<16xi32>, vector<16xi32>], vector<16xf32>,
      %mul3A_231 = arith.constant 128 : i32
      %mul3A_232 = arith.muli %add3A_193, %mul3A_231 : i32
      %add3A_233 = arith.constant 48 : i32
      %add3A_234 = arith.addi %mul3A_232, %add3A_233 : i32
      %swap3A_235 = arith.index_cast %add3A_234 : i32 to index
      %swap3A_236 = tpu.vector_load %arg8[%swap3A_235] {strides = array<i32>} : memref<3216xf32, #tpu.memory_space<vmem>>, vector<16xf32>,
      tpu.vector_store %arg8[%swap3A_235], %gather3A_230 {strides = array<i32>} : memref<3216xf32, #tpu.memory_space<vmem>>, vector<16xf32>,
      %add3A_237 = arith.constant 64 : i32
      %add3A_238 = vector.broadcast %add3A_237 : i32 to vector<16xi32>
      %add3A_239 = arith.addi %iota3A, %add3A_238 : vector<16xi32>
      %gather3A_240 = tpu.vector_load_idx %arg29[%add3A_239, %broadcast_in_dim3A_9] : memref<128x32xf32, #tpu.memory_space<vmem>>[vector<16xi32>, vector<16xi32>], vector<16xf32>,
      %mul3A_241 = arith.constant 128 : i32
      %mul3A_242 = arith.muli %add3A_193, %mul3A_241 : i32
      %add3A_243 = arith.constant 64 : i32
      %add3A_244 = arith.addi %mul3A_242, %add3A_243 : i32
      %swap3A_245 = arith.index_cast %add3A_244 : i32 to index
      %swap3A_246 = tpu.vector_load %arg8[%swap3A_245] {strides = array<i32>} : memref<3216xf32, #tpu.memory_space<vmem>>, vector<16xf32>,
      tpu.vector_store %arg8[%swap3A_245], %gather3A_240 {strides = array<i32>} : memref<3216xf32, #tpu.memory_space<vmem>>, vector<16xf32>,
      %add3A_247 = arith.constant 80 : i32
      %add3A_248 = vector.broadcast %add3A_247 : i32 to vector<16xi32>
      %add3A_249 = arith.addi %iota3A, %add3A_248 : vector<16xi32>
      %gather3A_250 = tpu.vector_load_idx %arg29[%add3A_249, %broadcast_in_dim3A_9] : memref<128x32xf32, #tpu.memory_space<vmem>>[vector<16xi32>, vector<16xi32>], vector<16xf32>,
      %mul3A_251 = arith.constant 128 : i32
      %mul3A_252 = arith.muli %add3A_193, %mul3A_251 : i32
      %add3A_253 = arith.constant 80 : i32
      %add3A_254 = arith.addi %mul3A_252, %add3A_253 : i32
      %swap3A_255 = arith.index_cast %add3A_254 : i32 to index
      %swap3A_256 = tpu.vector_load %arg8[%swap3A_255] {strides = array<i32>} : memref<3216xf32, #tpu.memory_space<vmem>>, vector<16xf32>,
      tpu.vector_store %arg8[%swap3A_255], %gather3A_250 {strides = array<i32>} : memref<3216xf32, #tpu.memory_space<vmem>>, vector<16xf32>,
      %add3A_257 = arith.constant 96 : i32
      %add3A_258 = vector.broadcast %add3A_257 : i32 to vector<16xi32>
      %add3A_259 = arith.addi %iota3A, %add3A_258 : vector<16xi32>
      %gather3A_260 = tpu.vector_load_idx %arg29[%add3A_259, %broadcast_in_dim3A_9] : memref<128x32xf32, #tpu.memory_space<vmem>>[vector<16xi32>, vector<16xi32>], vector<16xf32>,
      %mul3A_261 = arith.constant 128 : i32
      %mul3A_262 = arith.muli %add3A_193, %mul3A_261 : i32
      %add3A_263 = arith.constant 96 : i32
      %add3A_264 = arith.addi %mul3A_262, %add3A_263 : i32
      %swap3A_265 = arith.index_cast %add3A_264 : i32 to index
      %swap3A_266 = tpu.vector_load %arg8[%swap3A_265] {strides = array<i32>} : memref<3216xf32, #tpu.memory_space<vmem>>, vector<16xf32>,
      tpu.vector_store %arg8[%swap3A_265], %gather3A_260 {strides = array<i32>} : memref<3216xf32, #tpu.memory_space<vmem>>, vector<16xf32>,
      %add3A_267 = arith.constant 112 : i32
      %add3A_268 = vector.broadcast %add3A_267 : i32 to vector<16xi32>
      %add3A_269 = arith.addi %iota3A, %add3A_268 : vector<16xi32>
      %gather3A_270 = tpu.vector_load_idx %arg29[%add3A_269, %broadcast_in_dim3A_9] : memref<128x32xf32, #tpu.memory_space<vmem>>[vector<16xi32>, vector<16xi32>], vector<16xf32>,
      %mul3A_271 = arith.constant 128 : i32
      %mul3A_272 = arith.muli %add3A_193, %mul3A_271 : i32
      %add3A_273 = arith.constant 112 : i32
      %add3A_274 = arith.addi %mul3A_272, %add3A_273 : i32
      %swap3A_275 = arith.index_cast %add3A_274 : i32 to index
      %swap3A_276 = tpu.vector_load %arg8[%swap3A_275] {strides = array<i32>} : memref<3216xf32, #tpu.memory_space<vmem>>, vector<16xf32>,
      tpu.vector_store %arg8[%swap3A_275], %gather3A_270 {strides = array<i32>} : memref<3216xf32, #tpu.memory_space<vmem>>, vector<16xf32>,
    }
    %scan3A_61 = arith.constant 25 : i32
    %scan3A_62 = arith.constant 0 : i32
    %scan3A_63 = arith.constant 25 : i32
    %scan3A_64 = arith.addi %scan3A_62, %scan3A_63 : i32
    %scan3A_65 = arith.constant 1 : i32
    scf.for %scan3A_189 = %scan3A_62 to %scan3A_64 step %scan3A_65  : i32 {
      %mul3A_190 = arith.constant 1 : i32
      %mul3A_191 = arith.muli %scan3A_189, %mul3A_190 : i32
      %add3A_192 = arith.constant 0 : i32
      %add3A_193 = arith.addi %add3A_192, %mul3A_191 : i32
      %mul3A_194 = arith.constant 3200 : i32
      %mul3A_195 = arith.muli %arg1, %mul3A_194 : i32
      %mul3A_196 = arith.constant 128 : i32
      %mul3A_197 = arith.muli %add3A_193, %mul3A_196 : i32
      %add3A_198 = arith.addi %mul3A_195, %mul3A_197 : i32
      %add3A_199 = arith.constant 0 : i32
      %add3A_200 = arith.addi %add3A_198, %add3A_199 : i32
      "tpu.region"() ({
        %run_scoped3A = tpu.sem_alloc : memref<!tpu.dma_semaphore, #tpu.memory_space<semaphore_mem>>
        %dma_start3A_250 = arith.constant 0 : i32
        %dma_start3A_251 = tpu.memref_slice %arg32[%add3A_200, %dma_start3A_250] : memref<51200x32xf32, #tpu.memory_space<vmem_shared>> -> memref<16x32xf32, #tpu.memory_space<vmem_shared>>
        %dma_start3A_252 = arith.constant 0 : i32
        %dma_start3A_253 = tpu.memref_slice %arg32[%add3A_200, %dma_start3A_252] : memref<51200x32xf32, #tpu.memory_space<vmem_shared>> -> memref<16x32xf32, #tpu.memory_space<vmem_shared>>
        tpu.enqueue_dma source(%arg31 : memref<16x32xf32, #tpu.memory_space<vmem>>) target(%dma_start3A_253 : memref<16x32xf32, #tpu.memory_space<vmem_shared>>) target_semaphore(%run_scoped3A : memref<!tpu.dma_semaphore, #tpu.memory_space<semaphore_mem>>)
        %dma_wait3A_254 = arith.constant 0 : i32
        %dma_wait3A_255 = tpu.memref_slice %arg32[%add3A_200, %dma_wait3A_254] : memref<51200x32xf32, #tpu.memory_space<vmem_shared>> -> memref<16x32xf32, #tpu.memory_space<vmem_shared>>
        %dma_wait3A_256 = arith.constant 0 : i32
        %dma_wait3A_257 = tpu.memref_slice %arg32[%add3A_200, %dma_wait3A_256] : memref<51200x32xf32, #tpu.memory_space<vmem_shared>> -> memref<16x32xf32, #tpu.memory_space<vmem_shared>>
        tpu.wait_dma2 semaphore(%run_scoped3A : memref<!tpu.dma_semaphore, #tpu.memory_space<semaphore_mem>>) src(%arg31 : memref<16x32xf32, #tpu.memory_space<vmem>>) dst(%dma_wait3A_257 : memref<16x32xf32, #tpu.memory_space<vmem_shared>>)
        tpu.yield
      }) : () -> ()
      %mul3A_201 = arith.constant 3200 : i32
      %mul3A_202 = arith.muli %arg1, %mul3A_201 : i32
      %mul3A_203 = arith.constant 128 : i32
      %mul3A_204 = arith.muli %add3A_193, %mul3A_203 : i32
      %add3A_205 = arith.addi %mul3A_202, %mul3A_204 : i32
      %add3A_206 = arith.constant 16 : i32
      %add3A_207 = arith.addi %add3A_205, %add3A_206 : i32
      "tpu.region"() ({
        %run_scoped3A = tpu.sem_alloc : memref<!tpu.dma_semaphore, #tpu.memory_space<semaphore_mem>>
        %dma_start3A_250 = arith.constant 0 : i32
        %dma_start3A_251 = tpu.memref_slice %arg32[%add3A_207, %dma_start3A_250] : memref<51200x32xf32, #tpu.memory_space<vmem_shared>> -> memref<16x32xf32, #tpu.memory_space<vmem_shared>>
        %dma_start3A_252 = arith.constant 0 : i32
        %dma_start3A_253 = tpu.memref_slice %arg32[%add3A_207, %dma_start3A_252] : memref<51200x32xf32, #tpu.memory_space<vmem_shared>> -> memref<16x32xf32, #tpu.memory_space<vmem_shared>>
        tpu.enqueue_dma source(%arg31 : memref<16x32xf32, #tpu.memory_space<vmem>>) target(%dma_start3A_253 : memref<16x32xf32, #tpu.memory_space<vmem_shared>>) target_semaphore(%run_scoped3A : memref<!tpu.dma_semaphore, #tpu.memory_space<semaphore_mem>>)
        %dma_wait3A_254 = arith.constant 0 : i32
        %dma_wait3A_255 = tpu.memref_slice %arg32[%add3A_207, %dma_wait3A_254] : memref<51200x32xf32, #tpu.memory_space<vmem_shared>> -> memref<16x32xf32, #tpu.memory_space<vmem_shared>>
        %dma_wait3A_256 = arith.constant 0 : i32
        %dma_wait3A_257 = tpu.memref_slice %arg32[%add3A_207, %dma_wait3A_256] : memref<51200x32xf32, #tpu.memory_space<vmem_shared>> -> memref<16x32xf32, #tpu.memory_space<vmem_shared>>
        tpu.wait_dma2 semaphore(%run_scoped3A : memref<!tpu.dma_semaphore, #tpu.memory_space<semaphore_mem>>) src(%arg31 : memref<16x32xf32, #tpu.memory_space<vmem>>) dst(%dma_wait3A_257 : memref<16x32xf32, #tpu.memory_space<vmem_shared>>)
        tpu.yield
      }) : () -> ()
      %mul3A_208 = arith.constant 3200 : i32
      %mul3A_209 = arith.muli %arg1, %mul3A_208 : i32
      %mul3A_210 = arith.constant 128 : i32
      %mul3A_211 = arith.muli %add3A_193, %mul3A_210 : i32
      %add3A_212 = arith.addi %mul3A_209, %mul3A_211 : i32
      %add3A_213 = arith.constant 32 : i32
      %add3A_214 = arith.addi %add3A_212, %add3A_213 : i32
      "tpu.region"() ({
        %run_scoped3A = tpu.sem_alloc : memref<!tpu.dma_semaphore, #tpu.memory_space<semaphore_mem>>
        %dma_start3A_250 = arith.constant 0 : i32
        %dma_start3A_251 = tpu.memref_slice %arg32[%add3A_214, %dma_start3A_250] : memref<51200x32xf32, #tpu.memory_space<vmem_shared>> -> memref<16x32xf32, #tpu.memory_space<vmem_shared>>
        %dma_start3A_252 = arith.constant 0 : i32
        %dma_start3A_253 = tpu.memref_slice %arg32[%add3A_214, %dma_start3A_252] : memref<51200x32xf32, #tpu.memory_space<vmem_shared>> -> memref<16x32xf32, #tpu.memory_space<vmem_shared>>
        tpu.enqueue_dma source(%arg31 : memref<16x32xf32, #tpu.memory_space<vmem>>) target(%dma_start3A_253 : memref<16x32xf32, #tpu.memory_space<vmem_shared>>) target_semaphore(%run_scoped3A : memref<!tpu.dma_semaphore, #tpu.memory_space<semaphore_mem>>)
        %dma_wait3A_254 = arith.constant 0 : i32
        %dma_wait3A_255 = tpu.memref_slice %arg32[%add3A_214, %dma_wait3A_254] : memref<51200x32xf32, #tpu.memory_space<vmem_shared>> -> memref<16x32xf32, #tpu.memory_space<vmem_shared>>
        %dma_wait3A_256 = arith.constant 0 : i32
        %dma_wait3A_257 = tpu.memref_slice %arg32[%add3A_214, %dma_wait3A_256] : memref<51200x32xf32, #tpu.memory_space<vmem_shared>> -> memref<16x32xf32, #tpu.memory_space<vmem_shared>>
        tpu.wait_dma2 semaphore(%run_scoped3A : memref<!tpu.dma_semaphore, #tpu.memory_space<semaphore_mem>>) src(%arg31 : memref<16x32xf32, #tpu.memory_space<vmem>>) dst(%dma_wait3A_257 : memref<16x32xf32, #tpu.memory_space<vmem_shared>>)
        tpu.yield
      }) : () -> ()
      %mul3A_215 = arith.constant 3200 : i32
      %mul3A_216 = arith.muli %arg1, %mul3A_215 : i32
      %mul3A_217 = arith.constant 128 : i32
      %mul3A_218 = arith.muli %add3A_193, %mul3A_217 : i32
      %add3A_219 = arith.addi %mul3A_216, %mul3A_218 : i32
      %add3A_220 = arith.constant 48 : i32
      %add3A_221 = arith.addi %add3A_219, %add3A_220 : i32
      "tpu.region"() ({
        %run_scoped3A = tpu.sem_alloc : memref<!tpu.dma_semaphore, #tpu.memory_space<semaphore_mem>>
        %dma_start3A_250 = arith.constant 0 : i32
        %dma_start3A_251 = tpu.memref_slice %arg32[%add3A_221, %dma_start3A_250] : memref<51200x32xf32, #tpu.memory_space<vmem_shared>> -> memref<16x32xf32, #tpu.memory_space<vmem_shared>>
        %dma_start3A_252 = arith.constant 0 : i32
        %dma_start3A_253 = tpu.memref_slice %arg32[%add3A_221, %dma_start3A_252] : memref<51200x32xf32, #tpu.memory_space<vmem_shared>> -> memref<16x32xf32, #tpu.memory_space<vmem_shared>>
        tpu.enqueue_dma source(%arg31 : memref<16x32xf32, #tpu.memory_space<vmem>>) target(%dma_start3A_253 : memref<16x32xf32, #tpu.memory_space<vmem_shared>>) target_semaphore(%run_scoped3A : memref<!tpu.dma_semaphore, #tpu.memory_space<semaphore_mem>>)
        %dma_wait3A_254 = arith.constant 0 : i32
        %dma_wait3A_255 = tpu.memref_slice %arg32[%add3A_221, %dma_wait3A_254] : memref<51200x32xf32, #tpu.memory_space<vmem_shared>> -> memref<16x32xf32, #tpu.memory_space<vmem_shared>>
        %dma_wait3A_256 = arith.constant 0 : i32
        %dma_wait3A_257 = tpu.memref_slice %arg32[%add3A_221, %dma_wait3A_256] : memref<51200x32xf32, #tpu.memory_space<vmem_shared>> -> memref<16x32xf32, #tpu.memory_space<vmem_shared>>
        tpu.wait_dma2 semaphore(%run_scoped3A : memref<!tpu.dma_semaphore, #tpu.memory_space<semaphore_mem>>) src(%arg31 : memref<16x32xf32, #tpu.memory_space<vmem>>) dst(%dma_wait3A_257 : memref<16x32xf32, #tpu.memory_space<vmem_shared>>)
        tpu.yield
      }) : () -> ()
      %mul3A_222 = arith.constant 3200 : i32
      %mul3A_223 = arith.muli %arg1, %mul3A_222 : i32
      %mul3A_224 = arith.constant 128 : i32
      %mul3A_225 = arith.muli %add3A_193, %mul3A_224 : i32
      %add3A_226 = arith.addi %mul3A_223, %mul3A_225 : i32
      %add3A_227 = arith.constant 64 : i32
      %add3A_228 = arith.addi %add3A_226, %add3A_227 : i32
      "tpu.region"() ({
        %run_scoped3A = tpu.sem_alloc : memref<!tpu.dma_semaphore, #tpu.memory_space<semaphore_mem>>
        %dma_start3A_250 = arith.constant 0 : i32
        %dma_start3A_251 = tpu.memref_slice %arg32[%add3A_228, %dma_start3A_250] : memref<51200x32xf32, #tpu.memory_space<vmem_shared>> -> memref<16x32xf32, #tpu.memory_space<vmem_shared>>
        %dma_start3A_252 = arith.constant 0 : i32
        %dma_start3A_253 = tpu.memref_slice %arg32[%add3A_228, %dma_start3A_252] : memref<51200x32xf32, #tpu.memory_space<vmem_shared>> -> memref<16x32xf32, #tpu.memory_space<vmem_shared>>
        tpu.enqueue_dma source(%arg31 : memref<16x32xf32, #tpu.memory_space<vmem>>) target(%dma_start3A_253 : memref<16x32xf32, #tpu.memory_space<vmem_shared>>) target_semaphore(%run_scoped3A : memref<!tpu.dma_semaphore, #tpu.memory_space<semaphore_mem>>)
        %dma_wait3A_254 = arith.constant 0 : i32
        %dma_wait3A_255 = tpu.memref_slice %arg32[%add3A_228, %dma_wait3A_254] : memref<51200x32xf32, #tpu.memory_space<vmem_shared>> -> memref<16x32xf32, #tpu.memory_space<vmem_shared>>
        %dma_wait3A_256 = arith.constant 0 : i32
        %dma_wait3A_257 = tpu.memref_slice %arg32[%add3A_228, %dma_wait3A_256] : memref<51200x32xf32, #tpu.memory_space<vmem_shared>> -> memref<16x32xf32, #tpu.memory_space<vmem_shared>>
        tpu.wait_dma2 semaphore(%run_scoped3A : memref<!tpu.dma_semaphore, #tpu.memory_space<semaphore_mem>>) src(%arg31 : memref<16x32xf32, #tpu.memory_space<vmem>>) dst(%dma_wait3A_257 : memref<16x32xf32, #tpu.memory_space<vmem_shared>>)
        tpu.yield
      }) : () -> ()
      %mul3A_229 = arith.constant 3200 : i32
      %mul3A_230 = arith.muli %arg1, %mul3A_229 : i32
      %mul3A_231 = arith.constant 128 : i32
      %mul3A_232 = arith.muli %add3A_193, %mul3A_231 : i32
      %add3A_233 = arith.addi %mul3A_230, %mul3A_232 : i32
      %add3A_234 = arith.constant 80 : i32
      %add3A_235 = arith.addi %add3A_233, %add3A_234 : i32
      "tpu.region"() ({
        %run_scoped3A = tpu.sem_alloc : memref<!tpu.dma_semaphore, #tpu.memory_space<semaphore_mem>>
        %dma_start3A_250 = arith.constant 0 : i32
        %dma_start3A_251 = tpu.memref_slice %arg32[%add3A_235, %dma_start3A_250] : memref<51200x32xf32, #tpu.memory_space<vmem_shared>> -> memref<16x32xf32, #tpu.memory_space<vmem_shared>>
        %dma_start3A_252 = arith.constant 0 : i32
        %dma_start3A_253 = tpu.memref_slice %arg32[%add3A_235, %dma_start3A_252] : memref<51200x32xf32, #tpu.memory_space<vmem_shared>> -> memref<16x32xf32, #tpu.memory_space<vmem_shared>>
        tpu.enqueue_dma source(%arg31 : memref<16x32xf32, #tpu.memory_space<vmem>>) target(%dma_start3A_253 : memref<16x32xf32, #tpu.memory_space<vmem_shared>>) target_semaphore(%run_scoped3A : memref<!tpu.dma_semaphore, #tpu.memory_space<semaphore_mem>>)
        %dma_wait3A_254 = arith.constant 0 : i32
        %dma_wait3A_255 = tpu.memref_slice %arg32[%add3A_235, %dma_wait3A_254] : memref<51200x32xf32, #tpu.memory_space<vmem_shared>> -> memref<16x32xf32, #tpu.memory_space<vmem_shared>>
        %dma_wait3A_256 = arith.constant 0 : i32
        %dma_wait3A_257 = tpu.memref_slice %arg32[%add3A_235, %dma_wait3A_256] : memref<51200x32xf32, #tpu.memory_space<vmem_shared>> -> memref<16x32xf32, #tpu.memory_space<vmem_shared>>
        tpu.wait_dma2 semaphore(%run_scoped3A : memref<!tpu.dma_semaphore, #tpu.memory_space<semaphore_mem>>) src(%arg31 : memref<16x32xf32, #tpu.memory_space<vmem>>) dst(%dma_wait3A_257 : memref<16x32xf32, #tpu.memory_space<vmem_shared>>)
        tpu.yield
      }) : () -> ()
      %mul3A_236 = arith.constant 3200 : i32
      %mul3A_237 = arith.muli %arg1, %mul3A_236 : i32
      %mul3A_238 = arith.constant 128 : i32
      %mul3A_239 = arith.muli %add3A_193, %mul3A_238 : i32
      %add3A_240 = arith.addi %mul3A_237, %mul3A_239 : i32
      %add3A_241 = arith.constant 96 : i32
      %add3A_242 = arith.addi %add3A_240, %add3A_241 : i32
      "tpu.region"() ({
        %run_scoped3A = tpu.sem_alloc : memref<!tpu.dma_semaphore, #tpu.memory_space<semaphore_mem>>
        %dma_start3A_250 = arith.constant 0 : i32
        %dma_start3A_251 = tpu.memref_slice %arg32[%add3A_242, %dma_start3A_250] : memref<51200x32xf32, #tpu.memory_space<vmem_shared>> -> memref<16x32xf32, #tpu.memory_space<vmem_shared>>
        %dma_start3A_252 = arith.constant 0 : i32
        %dma_start3A_253 = tpu.memref_slice %arg32[%add3A_242, %dma_start3A_252] : memref<51200x32xf32, #tpu.memory_space<vmem_shared>> -> memref<16x32xf32, #tpu.memory_space<vmem_shared>>
        tpu.enqueue_dma source(%arg31 : memref<16x32xf32, #tpu.memory_space<vmem>>) target(%dma_start3A_253 : memref<16x32xf32, #tpu.memory_space<vmem_shared>>) target_semaphore(%run_scoped3A : memref<!tpu.dma_semaphore, #tpu.memory_space<semaphore_mem>>)
        %dma_wait3A_254 = arith.constant 0 : i32
        %dma_wait3A_255 = tpu.memref_slice %arg32[%add3A_242, %dma_wait3A_254] : memref<51200x32xf32, #tpu.memory_space<vmem_shared>> -> memref<16x32xf32, #tpu.memory_space<vmem_shared>>
        %dma_wait3A_256 = arith.constant 0 : i32
        %dma_wait3A_257 = tpu.memref_slice %arg32[%add3A_242, %dma_wait3A_256] : memref<51200x32xf32, #tpu.memory_space<vmem_shared>> -> memref<16x32xf32, #tpu.memory_space<vmem_shared>>
        tpu.wait_dma2 semaphore(%run_scoped3A : memref<!tpu.dma_semaphore, #tpu.memory_space<semaphore_mem>>) src(%arg31 : memref<16x32xf32, #tpu.memory_space<vmem>>) dst(%dma_wait3A_257 : memref<16x32xf32, #tpu.memory_space<vmem_shared>>)
        tpu.yield
      }) : () -> ()
      %mul3A_243 = arith.constant 3200 : i32
      %mul3A_244 = arith.muli %arg1, %mul3A_243 : i32
      %mul3A_245 = arith.constant 128 : i32
      %mul3A_246 = arith.muli %add3A_193, %mul3A_245 : i32
      %add3A_247 = arith.addi %mul3A_244, %mul3A_246 : i32
      %add3A_248 = arith.constant 112 : i32
      %add3A_249 = arith.addi %add3A_247, %add3A_248 : i32
      "tpu.region"() ({
        %run_scoped3A = tpu.sem_alloc : memref<!tpu.dma_semaphore, #tpu.memory_space<semaphore_mem>>
        %dma_start3A_250 = arith.constant 0 : i32
        %dma_start3A_251 = tpu.memref_slice %arg32[%add3A_249, %dma_start3A_250] : memref<51200x32xf32, #tpu.memory_space<vmem_shared>> -> memref<16x32xf32, #tpu.memory_space<vmem_shared>>
        %dma_start3A_252 = arith.constant 0 : i32
        %dma_start3A_253 = tpu.memref_slice %arg32[%add3A_249, %dma_start3A_252] : memref<51200x32xf32, #tpu.memory_space<vmem_shared>> -> memref<16x32xf32, #tpu.memory_space<vmem_shared>>
        tpu.enqueue_dma source(%arg31 : memref<16x32xf32, #tpu.memory_space<vmem>>) target(%dma_start3A_253 : memref<16x32xf32, #tpu.memory_space<vmem_shared>>) target_semaphore(%run_scoped3A : memref<!tpu.dma_semaphore, #tpu.memory_space<semaphore_mem>>)
        %dma_wait3A_254 = arith.constant 0 : i32
        %dma_wait3A_255 = tpu.memref_slice %arg32[%add3A_249, %dma_wait3A_254] : memref<51200x32xf32, #tpu.memory_space<vmem_shared>> -> memref<16x32xf32, #tpu.memory_space<vmem_shared>>
        %dma_wait3A_256 = arith.constant 0 : i32
        %dma_wait3A_257 = tpu.memref_slice %arg32[%add3A_249, %dma_wait3A_256] : memref<51200x32xf32, #tpu.memory_space<vmem_shared>> -> memref<16x32xf32, #tpu.memory_space<vmem_shared>>
        tpu.wait_dma2 semaphore(%run_scoped3A : memref<!tpu.dma_semaphore, #tpu.memory_space<semaphore_mem>>) src(%arg31 : memref<16x32xf32, #tpu.memory_space<vmem>>) dst(%dma_wait3A_257 : memref<16x32xf32, #tpu.memory_space<vmem_shared>>)
        tpu.yield
      }) : () -> ()
    }
    %scan3A_66 = arith.constant 25 : i32
    %barrier3A_67 = arith.constant 0 : index
    tpu.barrier barrier_id(%barrier3A_67)
    %add3A_68 = arith.constant 0 : i32
    %add3A_69 = arith.addi %mul3A_2, %add3A_68 : i32
    %dma_start3A_70 = tpu.memref_slice %arg3[%add3A_69] : memref<819200xi32, #tpu.memory_space<hbm>> -> memref<128xi32, #tpu.memory_space<hbm>>
    %dma_start3A_71 = tpu.memref_slice %arg3[%add3A_69] : memref<819200xi32, #tpu.memory_space<hbm>> -> memref<128xi32, #tpu.memory_space<hbm>>
    tpu.enqueue_dma source(%dma_start3A_71 : memref<128xi32, #tpu.memory_space<hbm>>) target(%arg12 : memref<128xi32, #tpu.memory_space<vmem>>) target_semaphore(%arg37 : memref<!tpu.dma_semaphore, #tpu.memory_space<semaphore_mem>>)
    %add3A_72 = arith.constant 128 : i32
    %add3A_73 = arith.addi %mul3A_2, %add3A_72 : i32
    %dma_start3A_74 = tpu.memref_slice %arg3[%add3A_73] : memref<819200xi32, #tpu.memory_space<hbm>> -> memref<128xi32, #tpu.memory_space<hbm>>
    %dma_start3A_75 = tpu.memref_slice %arg3[%add3A_73] : memref<819200xi32, #tpu.memory_space<hbm>> -> memref<128xi32, #tpu.memory_space<hbm>>
    tpu.enqueue_dma source(%dma_start3A_75 : memref<128xi32, #tpu.memory_space<hbm>>) target(%arg14 : memref<128xi32, #tpu.memory_space<vmem>>) target_semaphore(%arg37 : memref<!tpu.dma_semaphore, #tpu.memory_space<semaphore_mem>>)
    %scan3A_76 = arith.constant 0 : i32
    %scan3A_77 = arith.constant 100 : i32
    %scan3A_78 = arith.addi %scan3A_76, %scan3A_77 : i32
    %scan3A_79 = arith.constant 1 : i32
    scf.for %scan3A_189 = %scan3A_76 to %scan3A_78 step %scan3A_79  : i32 {
      %mul3A_190 = arith.constant 1 : i32
      %mul3A_191 = arith.muli %scan3A_189, %mul3A_190 : i32
      %add3A_192 = arith.constant 0 : i32
      %add3A_193 = arith.addi %add3A_192, %mul3A_191 : i32
      %mul3A_194 = arith.constant 4 : i32
      %mul3A_195 = arith.muli %add3A_193, %mul3A_194 : i32
      %add3A_196 = arith.constant 0 : i32
      %add3A_197 = arith.addi %mul3A_195, %add3A_196 : i32
      %mul3A_198 = arith.constant 128 : i32
      %mul3A_199 = arith.muli %add3A_197, %mul3A_198 : i32
      %add3A_200 = arith.addi %mul3A_2, %mul3A_199 : i32
      %dma_wait3A_201 = tpu.memref_slice %arg3[%add3A_200] : memref<819200xi32, #tpu.memory_space<hbm>> -> memref<128xi32, #tpu.memory_space<hbm>>
      %dma_wait3A_202 = tpu.memref_slice %arg3[%add3A_200] : memref<819200xi32, #tpu.memory_space<hbm>> -> memref<128xi32, #tpu.memory_space<hbm>>
      tpu.wait_dma2 semaphore(%arg37 : memref<!tpu.dma_semaphore, #tpu.memory_space<semaphore_mem>>) src(%dma_wait3A_202 : memref<128xi32, #tpu.memory_space<hbm>>) dst(%arg12 : memref<128xi32, #tpu.memory_space<vmem>>)
      %gt3A = arith.constant 0 : i32
      %gt3A_203 = arith.cmpi sgt, %add3A_193, %gt3A : i32
      %convert_element_type3A = arith.extui %gt3A_203 : i1 to i32
      %cond3A = arith.constant 0 : i32
      %cond3A_204 = arith.cmpi ne, %convert_element_type3A, %cond3A : i32
      scf.if %cond3A_204 {
        %dma_wait3A_278 = arith.constant 0 : i32
        %dma_wait3A_279 = arith.constant 0 : i32
        %dma_wait3A_280 = tpu.memref_slice %arg32[%dma_wait3A_278, %dma_wait3A_279] : memref<51200x32xf32, #tpu.memory_space<vmem_shared>> -> memref<51200x32xf32, #tpu.memory_space<vmem_shared>>
        tpu.wait_indirect_dma semaphore(%arg38 : memref<!tpu.dma_semaphore, #tpu.memory_space<semaphore_mem>>) src(%arg27 : memref<128x32xf32, #tpu.memory_space<vmem>>) dst(%dma_wait3A_280 : memref<51200x32xf32, #tpu.memory_space<vmem_shared>>)
      } else {
      }
      %dma_start3A_205 = arith.constant 0 : i32
      %dma_start3A_206 = arith.constant 0 : i32
      %dma_start3A_207 = tpu.memref_slice %arg32[%dma_start3A_205, %dma_start3A_206] : memref<51200x32xf32, #tpu.memory_space<vmem_shared>> -> memref<51200x32xf32, #tpu.memory_space<vmem_shared>>
      tpu.enqueue_indirect_dma source(%arg27 : memref<128x32xf32, #tpu.memory_space<vmem>>) target(%dma_start3A_207 : memref<51200x32xf32, #tpu.memory_space<vmem_shared>>) offsets(%arg12 : memref<128xi32, #tpu.memory_space<vmem>>) semaphore(%arg38 : memref<!tpu.dma_semaphore, #tpu.memory_space<semaphore_mem>>) {add = true}
      %add3A_208 = arith.constant 2 : i32
      %add3A_209 = arith.addi %add3A_197, %add3A_208 : i32
      %mul3A_210 = arith.constant 128 : i32
      %mul3A_211 = arith.muli %add3A_209, %mul3A_210 : i32
      %add3A_212 = arith.addi %mul3A_2, %mul3A_211 : i32
      %dma_start3A_213 = tpu.memref_slice %arg3[%add3A_212] : memref<819200xi32, #tpu.memory_space<hbm>> -> memref<128xi32, #tpu.memory_space<hbm>>
      %dma_start3A_214 = tpu.memref_slice %arg3[%add3A_212] : memref<819200xi32, #tpu.memory_space<hbm>> -> memref<128xi32, #tpu.memory_space<hbm>>
      tpu.enqueue_dma source(%dma_start3A_214 : memref<128xi32, #tpu.memory_space<hbm>>) target(%arg16 : memref<128xi32, #tpu.memory_space<vmem>>) target_semaphore(%arg37 : memref<!tpu.dma_semaphore, #tpu.memory_space<semaphore_mem>>)
      %mul3A_215 = arith.constant 4 : i32
      %mul3A_216 = arith.muli %add3A_193, %mul3A_215 : i32
      %add3A_217 = arith.constant 1 : i32
      %add3A_218 = arith.addi %mul3A_216, %add3A_217 : i32
      %mul3A_219 = arith.constant 128 : i32
      %mul3A_220 = arith.muli %add3A_218, %mul3A_219 : i32
      %add3A_221 = arith.addi %mul3A_2, %mul3A_220 : i32
      %dma_wait3A_222 = tpu.memref_slice %arg3[%add3A_221] : memref<819200xi32, #tpu.memory_space<hbm>> -> memref<128xi32, #tpu.memory_space<hbm>>
      %dma_wait3A_223 = tpu.memref_slice %arg3[%add3A_221] : memref<819200xi32, #tpu.memory_space<hbm>> -> memref<128xi32, #tpu.memory_space<hbm>>
      tpu.wait_dma2 semaphore(%arg37 : memref<!tpu.dma_semaphore, #tpu.memory_space<semaphore_mem>>) src(%dma_wait3A_223 : memref<128xi32, #tpu.memory_space<hbm>>) dst(%arg14 : memref<128xi32, #tpu.memory_space<vmem>>)
      %gt3A_224 = arith.constant 0 : i32
      %gt3A_225 = arith.cmpi sgt, %add3A_193, %gt3A_224 : i32
      %convert_element_type3A_226 = arith.extui %gt3A_225 : i1 to i32
      %cond3A_227 = arith.constant 0 : i32
      %cond3A_228 = arith.cmpi ne, %convert_element_type3A_226, %cond3A_227 : i32
      scf.if %cond3A_228 {
        %dma_wait3A_278 = arith.constant 0 : i32
        %dma_wait3A_279 = arith.constant 0 : i32
        %dma_wait3A_280 = tpu.memref_slice %arg32[%dma_wait3A_278, %dma_wait3A_279] : memref<51200x32xf32, #tpu.memory_space<vmem_shared>> -> memref<51200x32xf32, #tpu.memory_space<vmem_shared>>
        tpu.wait_indirect_dma semaphore(%arg39 : memref<!tpu.dma_semaphore, #tpu.memory_space<semaphore_mem>>) src(%arg27 : memref<128x32xf32, #tpu.memory_space<vmem>>) dst(%dma_wait3A_280 : memref<51200x32xf32, #tpu.memory_space<vmem_shared>>)
      } else {
      }
      %dma_start3A_229 = arith.constant 0 : i32
      %dma_start3A_230 = arith.constant 0 : i32
      %dma_start3A_231 = tpu.memref_slice %arg32[%dma_start3A_229, %dma_start3A_230] : memref<51200x32xf32, #tpu.memory_space<vmem_shared>> -> memref<51200x32xf32, #tpu.memory_space<vmem_shared>>
      tpu.enqueue_indirect_dma source(%arg27 : memref<128x32xf32, #tpu.memory_space<vmem>>) target(%dma_start3A_231 : memref<51200x32xf32, #tpu.memory_space<vmem_shared>>) offsets(%arg14 : memref<128xi32, #tpu.memory_space<vmem>>) semaphore(%arg39 : memref<!tpu.dma_semaphore, #tpu.memory_space<semaphore_mem>>) {add = true}
      %add3A_232 = arith.constant 2 : i32
      %add3A_233 = arith.addi %add3A_218, %add3A_232 : i32
      %mul3A_234 = arith.constant 128 : i32
      %mul3A_235 = arith.muli %add3A_233, %mul3A_234 : i32
      %add3A_236 = arith.addi %mul3A_2, %mul3A_235 : i32
      %dma_start3A_237 = tpu.memref_slice %arg3[%add3A_236] : memref<819200xi32, #tpu.memory_space<hbm>> -> memref<128xi32, #tpu.memory_space<hbm>>
      %dma_start3A_238 = tpu.memref_slice %arg3[%add3A_236] : memref<819200xi32, #tpu.memory_space<hbm>> -> memref<128xi32, #tpu.memory_space<hbm>>
      tpu.enqueue_dma source(%dma_start3A_238 : memref<128xi32, #tpu.memory_space<hbm>>) target(%arg18 : memref<128xi32, #tpu.memory_space<vmem>>) target_semaphore(%arg37 : memref<!tpu.dma_semaphore, #tpu.memory_space<semaphore_mem>>)
      %mul3A_239 = arith.constant 4 : i32
      %mul3A_240 = arith.muli %add3A_193, %mul3A_239 : i32
      %add3A_241 = arith.constant 2 : i32
      %add3A_242 = arith.addi %mul3A_240, %add3A_241 : i32
      %mul3A_243 = arith.constant 128 : i32
      %mul3A_244 = arith.muli %add3A_242, %mul3A_243 : i32
      %add3A_245 = arith.addi %mul3A_2, %mul3A_244 : i32
      %dma_wait3A_246 = tpu.memref_slice %arg3[%add3A_245] : memref<819200xi32, #tpu.memory_space<hbm>> -> memref<128xi32, #tpu.memory_space<hbm>>
      %dma_wait3A_247 = tpu.memref_slice %arg3[%add3A_245] : memref<819200xi32, #tpu.memory_space<hbm>> -> memref<128xi32, #tpu.memory_space<hbm>>
      tpu.wait_dma2 semaphore(%arg37 : memref<!tpu.dma_semaphore, #tpu.memory_space<semaphore_mem>>) src(%dma_wait3A_247 : memref<128xi32, #tpu.memory_space<hbm>>) dst(%arg16 : memref<128xi32, #tpu.memory_space<vmem>>)
      %dma_wait3A_248 = arith.constant 0 : i32
      %dma_wait3A_249 = arith.constant 0 : i32
      %dma_wait3A_250 = tpu.memref_slice %arg32[%dma_wait3A_248, %dma_wait3A_249] : memref<51200x32xf32, #tpu.memory_space<vmem_shared>> -> memref<51200x32xf32, #tpu.memory_space<vmem_shared>>
      tpu.wait_indirect_dma semaphore(%arg38 : memref<!tpu.dma_semaphore, #tpu.memory_space<semaphore_mem>>) src(%arg27 : memref<128x32xf32, #tpu.memory_space<vmem>>) dst(%dma_wait3A_250 : memref<51200x32xf32, #tpu.memory_space<vmem_shared>>)
      %dma_start3A_251 = arith.constant 0 : i32
      %dma_start3A_252 = arith.constant 0 : i32
      %dma_start3A_253 = tpu.memref_slice %arg32[%dma_start3A_251, %dma_start3A_252] : memref<51200x32xf32, #tpu.memory_space<vmem_shared>> -> memref<51200x32xf32, #tpu.memory_space<vmem_shared>>
      tpu.enqueue_indirect_dma source(%arg27 : memref<128x32xf32, #tpu.memory_space<vmem>>) target(%dma_start3A_253 : memref<51200x32xf32, #tpu.memory_space<vmem_shared>>) offsets(%arg16 : memref<128xi32, #tpu.memory_space<vmem>>) semaphore(%arg38 : memref<!tpu.dma_semaphore, #tpu.memory_space<semaphore_mem>>) {add = true}
      %lt3A = arith.constant 99 : i32
      %lt3A_254 = arith.cmpi slt, %add3A_193, %lt3A : i32
      %convert_element_type3A_255 = arith.extui %lt3A_254 : i1 to i32
      %cond3A_256 = arith.constant 0 : i32
      %cond3A_257 = arith.cmpi ne, %convert_element_type3A_255, %cond3A_256 : i32
      scf.if %cond3A_257 {
        %add3A_278 = arith.constant 2 : i32
        %add3A_279 = arith.addi %add3A_242, %add3A_278 : i32
        %mul3A_280 = arith.constant 128 : i32
        %mul3A_281 = arith.muli %add3A_279, %mul3A_280 : i32
        %add3A_282 = arith.addi %mul3A_2, %mul3A_281 : i32
        %dma_start3A_283 = tpu.memref_slice %arg3[%add3A_282] : memref<819200xi32, #tpu.memory_space<hbm>> -> memref<128xi32, #tpu.memory_space<hbm>>
        %dma_start3A_284 = tpu.memref_slice %arg3[%add3A_282] : memref<819200xi32, #tpu.memory_space<hbm>> -> memref<128xi32, #tpu.memory_space<hbm>>
        tpu.enqueue_dma source(%dma_start3A_284 : memref<128xi32, #tpu.memory_space<hbm>>) target(%arg12 : memref<128xi32, #tpu.memory_space<vmem>>) target_semaphore(%arg37 : memref<!tpu.dma_semaphore, #tpu.memory_space<semaphore_mem>>)
      } else {
      }
      %mul3A_258 = arith.constant 4 : i32
      %mul3A_259 = arith.muli %add3A_193, %mul3A_258 : i32
      %add3A_260 = arith.constant 3 : i32
      %add3A_261 = arith.addi %mul3A_259, %add3A_260 : i32
      %mul3A_262 = arith.constant 128 : i32
      %mul3A_263 = arith.muli %add3A_261, %mul3A_262 : i32
      %add3A_264 = arith.addi %mul3A_2, %mul3A_263 : i32
      %dma_wait3A_265 = tpu.memref_slice %arg3[%add3A_264] : memref<819200xi32, #tpu.memory_space<hbm>> -> memref<128xi32, #tpu.memory_space<hbm>>
      %dma_wait3A_266 = tpu.memref_slice %arg3[%add3A_264] : memref<819200xi32, #tpu.memory_space<hbm>> -> memref<128xi32, #tpu.memory_space<hbm>>
      tpu.wait_dma2 semaphore(%arg37 : memref<!tpu.dma_semaphore, #tpu.memory_space<semaphore_mem>>) src(%dma_wait3A_266 : memref<128xi32, #tpu.memory_space<hbm>>) dst(%arg18 : memref<128xi32, #tpu.memory_space<vmem>>)
      %dma_wait3A_267 = arith.constant 0 : i32
      %dma_wait3A_268 = arith.constant 0 : i32
      %dma_wait3A_269 = tpu.memref_slice %arg32[%dma_wait3A_267, %dma_wait3A_268] : memref<51200x32xf32, #tpu.memory_space<vmem_shared>> -> memref<51200x32xf32, #tpu.memory_space<vmem_shared>>
      tpu.wait_indirect_dma semaphore(%arg39 : memref<!tpu.dma_semaphore, #tpu.memory_space<semaphore_mem>>) src(%arg27 : memref<128x32xf32, #tpu.memory_space<vmem>>) dst(%dma_wait3A_269 : memref<51200x32xf32, #tpu.memory_space<vmem_shared>>)
      %dma_start3A_270 = arith.constant 0 : i32
      %dma_start3A_271 = arith.constant 0 : i32
      %dma_start3A_272 = tpu.memref_slice %arg32[%dma_start3A_270, %dma_start3A_271] : memref<51200x32xf32, #tpu.memory_space<vmem_shared>> -> memref<51200x32xf32, #tpu.memory_space<vmem_shared>>
      tpu.enqueue_indirect_dma source(%arg27 : memref<128x32xf32, #tpu.memory_space<vmem>>) target(%dma_start3A_272 : memref<51200x32xf32, #tpu.memory_space<vmem_shared>>) offsets(%arg18 : memref<128xi32, #tpu.memory_space<vmem>>) semaphore(%arg39 : memref<!tpu.dma_semaphore, #tpu.memory_space<semaphore_mem>>) {add = true}
      %lt3A_273 = arith.constant 99 : i32
      %lt3A_274 = arith.cmpi slt, %add3A_193, %lt3A_273 : i32
      %convert_element_type3A_275 = arith.extui %lt3A_274 : i1 to i32
      %cond3A_276 = arith.constant 0 : i32
      %cond3A_277 = arith.cmpi ne, %convert_element_type3A_275, %cond3A_276 : i32
      scf.if %cond3A_277 {
        %add3A_278 = arith.constant 2 : i32
        %add3A_279 = arith.addi %add3A_261, %add3A_278 : i32
        %mul3A_280 = arith.constant 128 : i32
        %mul3A_281 = arith.muli %add3A_279, %mul3A_280 : i32
        %add3A_282 = arith.addi %mul3A_2, %mul3A_281 : i32
        %dma_start3A_283 = tpu.memref_slice %arg3[%add3A_282] : memref<819200xi32, #tpu.memory_space<hbm>> -> memref<128xi32, #tpu.memory_space<hbm>>
        %dma_start3A_284 = tpu.memref_slice %arg3[%add3A_282] : memref<819200xi32, #tpu.memory_space<hbm>> -> memref<128xi32, #tpu.memory_space<hbm>>
        tpu.enqueue_dma source(%dma_start3A_284 : memref<128xi32, #tpu.memory_space<hbm>>) target(%arg14 : memref<128xi32, #tpu.memory_space<vmem>>) target_semaphore(%arg37 : memref<!tpu.dma_semaphore, #tpu.memory_space<semaphore_mem>>)
      } else {
      }
    }
    %scan3A_80 = arith.constant 100 : i32
    %dma_wait3A_81 = arith.constant 0 : i32
    %dma_wait3A_82 = arith.constant 0 : i32
    %dma_wait3A_83 = tpu.memref_slice %arg32[%dma_wait3A_81, %dma_wait3A_82] : memref<51200x32xf32, #tpu.memory_space<vmem_shared>> -> memref<51200x32xf32, #tpu.memory_space<vmem_shared>>
    tpu.wait_indirect_dma semaphore(%arg38 : memref<!tpu.dma_semaphore, #tpu.memory_space<semaphore_mem>>) src(%arg27 : memref<128x32xf32, #tpu.memory_space<vmem>>) dst(%dma_wait3A_83 : memref<51200x32xf32, #tpu.memory_space<vmem_shared>>)
    %dma_wait3A_84 = arith.constant 0 : i32
    %dma_wait3A_85 = arith.constant 0 : i32
    %dma_wait3A_86 = tpu.memref_slice %arg32[%dma_wait3A_84, %dma_wait3A_85] : memref<51200x32xf32, #tpu.memory_space<vmem_shared>> -> memref<51200x32xf32, #tpu.memory_space<vmem_shared>>
    tpu.wait_indirect_dma semaphore(%arg39 : memref<!tpu.dma_semaphore, #tpu.memory_space<semaphore_mem>>) src(%arg27 : memref<128x32xf32, #tpu.memory_space<vmem>>) dst(%dma_wait3A_86 : memref<51200x32xf32, #tpu.memory_space<vmem_shared>>)
    %barrier3A_87 = arith.constant 0 : index
    tpu.barrier barrier_id(%barrier3A_87)
    %scan3A_88 = arith.constant 0 : i32
    %scan3A_89 = arith.constant 25 : i32
    %scan3A_90 = arith.addi %scan3A_88, %scan3A_89 : i32
    %scan3A_91 = arith.constant 1 : i32
    scf.for %scan3A_189 = %scan3A_88 to %scan3A_90 step %scan3A_91  : i32 {
      %mul3A_190 = arith.constant 1 : i32
      %mul3A_191 = arith.muli %scan3A_189, %mul3A_190 : i32
      %add3A_192 = arith.constant 0 : i32
      %add3A_193 = arith.addi %add3A_192, %mul3A_191 : i32
      %mul3A_194 = arith.constant 3200 : i32
      %mul3A_195 = arith.muli %arg1, %mul3A_194 : i32
      %mul3A_196 = arith.constant 128 : i32
      %mul3A_197 = arith.muli %add3A_193, %mul3A_196 : i32
      %add3A_198 = arith.addi %mul3A_195, %mul3A_197 : i32
      "tpu.region"() ({
        %run_scoped3A = tpu.sem_alloc : memref<!tpu.dma_semaphore, #tpu.memory_space<semaphore_mem>>
        %dma_start3A_277 = arith.constant 0 : i32
        %dma_start3A_278 = tpu.memref_slice %arg32[%add3A_198, %dma_start3A_277] : memref<51200x32xf32, #tpu.memory_space<vmem_shared>> -> memref<128x32xf32, #tpu.memory_space<vmem_shared>>
        %dma_start3A_279 = arith.constant 0 : i32
        %dma_start3A_280 = tpu.memref_slice %arg32[%add3A_198, %dma_start3A_279] : memref<51200x32xf32, #tpu.memory_space<vmem_shared>> -> memref<128x32xf32, #tpu.memory_space<vmem_shared>>
        tpu.enqueue_dma source(%dma_start3A_280 : memref<128x32xf32, #tpu.memory_space<vmem_shared>>) target(%arg29 : memref<128x32xf32, #tpu.memory_space<vmem>>) target_semaphore(%run_scoped3A : memref<!tpu.dma_semaphore, #tpu.memory_space<semaphore_mem>>)
        %dma_wait3A_281 = arith.constant 0 : i32
        %dma_wait3A_282 = tpu.memref_slice %arg32[%add3A_198, %dma_wait3A_281] : memref<51200x32xf32, #tpu.memory_space<vmem_shared>> -> memref<128x32xf32, #tpu.memory_space<vmem_shared>>
        %dma_wait3A_283 = arith.constant 0 : i32
        %dma_wait3A_284 = tpu.memref_slice %arg32[%add3A_198, %dma_wait3A_283] : memref<51200x32xf32, #tpu.memory_space<vmem_shared>> -> memref<128x32xf32, #tpu.memory_space<vmem_shared>>
        tpu.wait_dma2 semaphore(%run_scoped3A : memref<!tpu.dma_semaphore, #tpu.memory_space<semaphore_mem>>) src(%dma_wait3A_284 : memref<128x32xf32, #tpu.memory_space<vmem_shared>>) dst(%arg29 : memref<128x32xf32, #tpu.memory_space<vmem>>)
        tpu.yield
      }) : () -> ()
      %add3A_199 = arith.constant 0 : i32
      %add3A_200 = vector.broadcast %add3A_199 : i32 to vector<16xi32>
      %add3A_201 = arith.addi %iota3A, %add3A_200 : vector<16xi32>
      %gather3A = tpu.vector_load_idx %arg29[%add3A_201, %broadcast_in_dim3A_9] : memref<128x32xf32, #tpu.memory_space<vmem>>[vector<16xi32>, vector<16xi32>], vector<16xf32>,
      %mul3A_202 = arith.constant 128 : i32
      %mul3A_203 = arith.muli %add3A_193, %mul3A_202 : i32
      %add3A_204 = arith.constant 0 : i32
      %add3A_205 = arith.addi %mul3A_203, %add3A_204 : i32
      %swap3A = arith.index_cast %add3A_205 : i32 to index
      %swap3A_206 = tpu.vector_load %arg10[%swap3A] {strides = array<i32>} : memref<3216xf32, #tpu.memory_space<vmem>>, vector<16xf32>,
      tpu.vector_store %arg10[%swap3A], %gather3A {strides = array<i32>} : memref<3216xf32, #tpu.memory_space<vmem>>, vector<16xf32>,
      %add3A_207 = arith.constant 16 : i32
      %add3A_208 = vector.broadcast %add3A_207 : i32 to vector<16xi32>
      %add3A_209 = arith.addi %iota3A, %add3A_208 : vector<16xi32>
      %gather3A_210 = tpu.vector_load_idx %arg29[%add3A_209, %broadcast_in_dim3A_9] : memref<128x32xf32, #tpu.memory_space<vmem>>[vector<16xi32>, vector<16xi32>], vector<16xf32>,
      %mul3A_211 = arith.constant 128 : i32
      %mul3A_212 = arith.muli %add3A_193, %mul3A_211 : i32
      %add3A_213 = arith.constant 16 : i32
      %add3A_214 = arith.addi %mul3A_212, %add3A_213 : i32
      %swap3A_215 = arith.index_cast %add3A_214 : i32 to index
      %swap3A_216 = tpu.vector_load %arg10[%swap3A_215] {strides = array<i32>} : memref<3216xf32, #tpu.memory_space<vmem>>, vector<16xf32>,
      tpu.vector_store %arg10[%swap3A_215], %gather3A_210 {strides = array<i32>} : memref<3216xf32, #tpu.memory_space<vmem>>, vector<16xf32>,
      %add3A_217 = arith.constant 32 : i32
      %add3A_218 = vector.broadcast %add3A_217 : i32 to vector<16xi32>
      %add3A_219 = arith.addi %iota3A, %add3A_218 : vector<16xi32>
      %gather3A_220 = tpu.vector_load_idx %arg29[%add3A_219, %broadcast_in_dim3A_9] : memref<128x32xf32, #tpu.memory_space<vmem>>[vector<16xi32>, vector<16xi32>], vector<16xf32>,
      %mul3A_221 = arith.constant 128 : i32
      %mul3A_222 = arith.muli %add3A_193, %mul3A_221 : i32
      %add3A_223 = arith.constant 32 : i32
      %add3A_224 = arith.addi %mul3A_222, %add3A_223 : i32
      %swap3A_225 = arith.index_cast %add3A_224 : i32 to index
      %swap3A_226 = tpu.vector_load %arg10[%swap3A_225] {strides = array<i32>} : memref<3216xf32, #tpu.memory_space<vmem>>, vector<16xf32>,
      tpu.vector_store %arg10[%swap3A_225], %gather3A_220 {strides = array<i32>} : memref<3216xf32, #tpu.memory_space<vmem>>, vector<16xf32>,
      %add3A_227 = arith.constant 48 : i32
      %add3A_228 = vector.broadcast %add3A_227 : i32 to vector<16xi32>
      %add3A_229 = arith.addi %iota3A, %add3A_228 : vector<16xi32>
      %gather3A_230 = tpu.vector_load_idx %arg29[%add3A_229, %broadcast_in_dim3A_9] : memref<128x32xf32, #tpu.memory_space<vmem>>[vector<16xi32>, vector<16xi32>], vector<16xf32>,
      %mul3A_231 = arith.constant 128 : i32
      %mul3A_232 = arith.muli %add3A_193, %mul3A_231 : i32
      %add3A_233 = arith.constant 48 : i32
      %add3A_234 = arith.addi %mul3A_232, %add3A_233 : i32
      %swap3A_235 = arith.index_cast %add3A_234 : i32 to index
      %swap3A_236 = tpu.vector_load %arg10[%swap3A_235] {strides = array<i32>} : memref<3216xf32, #tpu.memory_space<vmem>>, vector<16xf32>,
      tpu.vector_store %arg10[%swap3A_235], %gather3A_230 {strides = array<i32>} : memref<3216xf32, #tpu.memory_space<vmem>>, vector<16xf32>,
      %add3A_237 = arith.constant 64 : i32
      %add3A_238 = vector.broadcast %add3A_237 : i32 to vector<16xi32>
      %add3A_239 = arith.addi %iota3A, %add3A_238 : vector<16xi32>
      %gather3A_240 = tpu.vector_load_idx %arg29[%add3A_239, %broadcast_in_dim3A_9] : memref<128x32xf32, #tpu.memory_space<vmem>>[vector<16xi32>, vector<16xi32>], vector<16xf32>,
      %mul3A_241 = arith.constant 128 : i32
      %mul3A_242 = arith.muli %add3A_193, %mul3A_241 : i32
      %add3A_243 = arith.constant 64 : i32
      %add3A_244 = arith.addi %mul3A_242, %add3A_243 : i32
      %swap3A_245 = arith.index_cast %add3A_244 : i32 to index
      %swap3A_246 = tpu.vector_load %arg10[%swap3A_245] {strides = array<i32>} : memref<3216xf32, #tpu.memory_space<vmem>>, vector<16xf32>,
      tpu.vector_store %arg10[%swap3A_245], %gather3A_240 {strides = array<i32>} : memref<3216xf32, #tpu.memory_space<vmem>>, vector<16xf32>,
      %add3A_247 = arith.constant 80 : i32
      %add3A_248 = vector.broadcast %add3A_247 : i32 to vector<16xi32>
      %add3A_249 = arith.addi %iota3A, %add3A_248 : vector<16xi32>
      %gather3A_250 = tpu.vector_load_idx %arg29[%add3A_249, %broadcast_in_dim3A_9] : memref<128x32xf32, #tpu.memory_space<vmem>>[vector<16xi32>, vector<16xi32>], vector<16xf32>,
      %mul3A_251 = arith.constant 128 : i32
      %mul3A_252 = arith.muli %add3A_193, %mul3A_251 : i32
      %add3A_253 = arith.constant 80 : i32
      %add3A_254 = arith.addi %mul3A_252, %add3A_253 : i32
      %swap3A_255 = arith.index_cast %add3A_254 : i32 to index
      %swap3A_256 = tpu.vector_load %arg10[%swap3A_255] {strides = array<i32>} : memref<3216xf32, #tpu.memory_space<vmem>>, vector<16xf32>,
      tpu.vector_store %arg10[%swap3A_255], %gather3A_250 {strides = array<i32>} : memref<3216xf32, #tpu.memory_space<vmem>>, vector<16xf32>,
      %add3A_257 = arith.constant 96 : i32
      %add3A_258 = vector.broadcast %add3A_257 : i32 to vector<16xi32>
      %add3A_259 = arith.addi %iota3A, %add3A_258 : vector<16xi32>
      %gather3A_260 = tpu.vector_load_idx %arg29[%add3A_259, %broadcast_in_dim3A_9] : memref<128x32xf32, #tpu.memory_space<vmem>>[vector<16xi32>, vector<16xi32>], vector<16xf32>,
      %mul3A_261 = arith.constant 128 : i32
      %mul3A_262 = arith.muli %add3A_193, %mul3A_261 : i32
      %add3A_263 = arith.constant 96 : i32
      %add3A_264 = arith.addi %mul3A_262, %add3A_263 : i32
      %swap3A_265 = arith.index_cast %add3A_264 : i32 to index
      %swap3A_266 = tpu.vector_load %arg10[%swap3A_265] {strides = array<i32>} : memref<3216xf32, #tpu.memory_space<vmem>>, vector<16xf32>,
      tpu.vector_store %arg10[%swap3A_265], %gather3A_260 {strides = array<i32>} : memref<3216xf32, #tpu.memory_space<vmem>>, vector<16xf32>,
      %add3A_267 = arith.constant 112 : i32
      %add3A_268 = vector.broadcast %add3A_267 : i32 to vector<16xi32>
      %add3A_269 = arith.addi %iota3A, %add3A_268 : vector<16xi32>
      %gather3A_270 = tpu.vector_load_idx %arg29[%add3A_269, %broadcast_in_dim3A_9] : memref<128x32xf32, #tpu.memory_space<vmem>>[vector<16xi32>, vector<16xi32>], vector<16xf32>,
      %mul3A_271 = arith.constant 128 : i32
      %mul3A_272 = arith.muli %add3A_193, %mul3A_271 : i32
      %add3A_273 = arith.constant 112 : i32
      %add3A_274 = arith.addi %mul3A_272, %add3A_273 : i32
      %swap3A_275 = arith.index_cast %add3A_274 : i32 to index
      %swap3A_276 = tpu.vector_load %arg10[%swap3A_275] {strides = array<i32>} : memref<3216xf32, #tpu.memory_space<vmem>>, vector<16xf32>,
      tpu.vector_store %arg10[%swap3A_275], %gather3A_270 {strides = array<i32>} : memref<3216xf32, #tpu.memory_space<vmem>>, vector<16xf32>,
    }
    %scan3A_92 = arith.constant 25 : i32
    %scan3A_93 = arith.constant 0 : i32
    %scan3A_94 = arith.constant 200 : i32
    %scan3A_95 = arith.addi %scan3A_93, %scan3A_94 : i32
    %scan3A_96 = arith.constant 1 : i32
    scf.for %scan3A_189 = %scan3A_93 to %scan3A_95 step %scan3A_96  : i32 {
      %mul3A_190 = arith.constant 1 : i32
      %mul3A_191 = arith.muli %scan3A_189, %mul3A_190 : i32
      %add3A_192 = arith.constant 0 : i32
      %add3A_193 = arith.addi %add3A_192, %mul3A_191 : i32
      %mul3A_194 = arith.constant 16 : i32
      %mul3A_195 = arith.muli %add3A_193, %mul3A_194 : i32
      %get3A = arith.index_cast %mul3A_195 : i32 to index
      %get3A_196 = tpu.vector_load %arg8[%get3A] {strides = array<i32>} : memref<3216xf32, #tpu.memory_space<vmem>>, vector<16xf32>,
      %max3A = arith.constant 1.000000e+00 : f32
      %max3A_197 = vector.broadcast %max3A : f32 to vector<16xf32>
      %max3A_198 = arith.maximumf %get3A_196, %max3A_197 : vector<16xf32>
      %bitcast3A = vector.bitcast %max3A_198 : vector<16xf32> to vector<16xi32>
      %shift_right_arithmetic3A = arith.constant 1 : i32
      %shift_right_arithmetic3A_199 = vector.broadcast %shift_right_arithmetic3A : i32 to vector<16xi32>
      %shift_right_arithmetic3A_200 = arith.shrsi %bitcast3A, %shift_right_arithmetic3A_199 : vector<16xi32>
      %sub3A = arith.constant 1597463007 : i32
      %sub3A_201 = vector.broadcast %sub3A : i32 to vector<16xi32>
      %sub3A_202 = arith.subi %sub3A_201, %shift_right_arithmetic3A_200 : vector<16xi32>
      %bitcast3A_203 = vector.bitcast %sub3A_202 : vector<16xi32> to vector<16xf32>
      %mul3A_204 = arith.constant 5.000000e-01 : f32
      %mul3A_205 = vector.broadcast %mul3A_204 : f32 to vector<16xf32>
      %mul3A_206 = arith.mulf %mul3A_205, %max3A_198 : vector<16xf32>
      %mul3A_207 = arith.mulf %mul3A_206, %bitcast3A_203 : vector<16xf32>
      %mul3A_208 = arith.mulf %mul3A_207, %bitcast3A_203 : vector<16xf32>
      %sub3A_209 = arith.constant 1.500000e+00 : f32
      %sub3A_210 = vector.broadcast %sub3A_209 : f32 to vector<16xf32>
      %sub3A_211 = arith.subf %sub3A_210, %mul3A_208 : vector<16xf32>
      %mul3A_212 = arith.mulf %bitcast3A_203, %sub3A_211 : vector<16xf32>
      %mul3A_213 = arith.constant 5.000000e-01 : f32
      %mul3A_214 = vector.broadcast %mul3A_213 : f32 to vector<16xf32>
      %mul3A_215 = arith.mulf %mul3A_214, %max3A_198 : vector<16xf32>
      %mul3A_216 = arith.mulf %mul3A_215, %mul3A_212 : vector<16xf32>
      %mul3A_217 = arith.mulf %mul3A_216, %mul3A_212 : vector<16xf32>
      %sub3A_218 = arith.constant 1.500000e+00 : f32
      %sub3A_219 = vector.broadcast %sub3A_218 : f32 to vector<16xf32>
      %sub3A_220 = arith.subf %sub3A_219, %mul3A_217 : vector<16xf32>
      %mul3A_221 = arith.mulf %mul3A_212, %sub3A_220 : vector<16xf32>
      %mul3A_222 = arith.constant 5.000000e-01 : f32
      %mul3A_223 = vector.broadcast %mul3A_222 : f32 to vector<16xf32>
      %mul3A_224 = arith.mulf %mul3A_223, %max3A_198 : vector<16xf32>
      %mul3A_225 = arith.mulf %mul3A_224, %mul3A_221 : vector<16xf32>
      %mul3A_226 = arith.mulf %mul3A_225, %mul3A_221 : vector<16xf32>
      %sub3A_227 = arith.constant 1.500000e+00 : f32
      %sub3A_228 = vector.broadcast %sub3A_227 : f32 to vector<16xf32>
      %sub3A_229 = arith.subf %sub3A_228, %mul3A_226 : vector<16xf32>
      %mul3A_230 = arith.mulf %mul3A_221, %sub3A_229 : vector<16xf32>
      %get3A_231 = arith.index_cast %mul3A_195 : i32 to index
      %get3A_232 = tpu.vector_load %arg10[%get3A_231] {strides = array<i32>} : memref<3216xf32, #tpu.memory_space<vmem>>, vector<16xf32>,
      %max3A_233 = arith.constant 1.000000e+00 : f32
      %max3A_234 = vector.broadcast %max3A_233 : f32 to vector<16xf32>
      %max3A_235 = arith.maximumf %get3A_232, %max3A_234 : vector<16xf32>
      %bitcast3A_236 = vector.bitcast %max3A_235 : vector<16xf32> to vector<16xi32>
      %shift_right_arithmetic3A_237 = arith.constant 1 : i32
      %shift_right_arithmetic3A_238 = vector.broadcast %shift_right_arithmetic3A_237 : i32 to vector<16xi32>
      %shift_right_arithmetic3A_239 = arith.shrsi %bitcast3A_236, %shift_right_arithmetic3A_238 : vector<16xi32>
      %sub3A_240 = arith.constant 1597463007 : i32
      %sub3A_241 = vector.broadcast %sub3A_240 : i32 to vector<16xi32>
      %sub3A_242 = arith.subi %sub3A_241, %shift_right_arithmetic3A_239 : vector<16xi32>
      %bitcast3A_243 = vector.bitcast %sub3A_242 : vector<16xi32> to vector<16xf32>
      %mul3A_244 = arith.constant 5.000000e-01 : f32
      %mul3A_245 = vector.broadcast %mul3A_244 : f32 to vector<16xf32>
      %mul3A_246 = arith.mulf %mul3A_245, %max3A_235 : vector<16xf32>
      %mul3A_247 = arith.mulf %mul3A_246, %bitcast3A_243 : vector<16xf32>
      %mul3A_248 = arith.mulf %mul3A_247, %bitcast3A_243 : vector<16xf32>
      %sub3A_249 = arith.constant 1.500000e+00 : f32
      %sub3A_250 = vector.broadcast %sub3A_249 : f32 to vector<16xf32>
      %sub3A_251 = arith.subf %sub3A_250, %mul3A_248 : vector<16xf32>
      %mul3A_252 = arith.mulf %bitcast3A_243, %sub3A_251 : vector<16xf32>
      %mul3A_253 = arith.constant 5.000000e-01 : f32
      %mul3A_254 = vector.broadcast %mul3A_253 : f32 to vector<16xf32>
      %mul3A_255 = arith.mulf %mul3A_254, %max3A_235 : vector<16xf32>
      %mul3A_256 = arith.mulf %mul3A_255, %mul3A_252 : vector<16xf32>
      %mul3A_257 = arith.mulf %mul3A_256, %mul3A_252 : vector<16xf32>
      %sub3A_258 = arith.constant 1.500000e+00 : f32
      %sub3A_259 = vector.broadcast %sub3A_258 : f32 to vector<16xf32>
      %sub3A_260 = arith.subf %sub3A_259, %mul3A_257 : vector<16xf32>
      %mul3A_261 = arith.mulf %mul3A_252, %sub3A_260 : vector<16xf32>
      %mul3A_262 = arith.constant 5.000000e-01 : f32
      %mul3A_263 = vector.broadcast %mul3A_262 : f32 to vector<16xf32>
      %mul3A_264 = arith.mulf %mul3A_263, %max3A_235 : vector<16xf32>
      %mul3A_265 = arith.mulf %mul3A_264, %mul3A_261 : vector<16xf32>
      %mul3A_266 = arith.mulf %mul3A_265, %mul3A_261 : vector<16xf32>
      %sub3A_267 = arith.constant 1.500000e+00 : f32
      %sub3A_268 = vector.broadcast %sub3A_267 : f32 to vector<16xf32>
      %sub3A_269 = arith.subf %sub3A_268, %mul3A_266 : vector<16xf32>
      %mul3A_270 = arith.mulf %mul3A_261, %sub3A_269 : vector<16xf32>
      %swap3A = arith.index_cast %mul3A_195 : i32 to index
      %swap3A_271 = tpu.vector_load %arg8[%swap3A] {strides = array<i32>} : memref<3216xf32, #tpu.memory_space<vmem>>, vector<16xf32>,
      tpu.vector_store %arg8[%swap3A], %mul3A_230 {strides = array<i32>} : memref<3216xf32, #tpu.memory_space<vmem>>, vector<16xf32>,
      %mul3A_272 = arith.constant 0.899999976 : f32
      %mul3A_273 = vector.broadcast %mul3A_272 : f32 to vector<16xf32>
      %mul3A_274 = arith.mulf %mul3A_273, %mul3A_230 : vector<16xf32>
      %mul3A_275 = arith.mulf %mul3A_274, %mul3A_270 : vector<16xf32>
      %swap3A_276 = arith.index_cast %mul3A_195 : i32 to index
      %swap3A_277 = tpu.vector_load %arg9[%swap3A_276] {strides = array<i32>} : memref<3216xf32, #tpu.memory_space<vmem>>, vector<16xf32>,
      tpu.vector_store %arg9[%swap3A_276], %mul3A_275 {strides = array<i32>} : memref<3216xf32, #tpu.memory_space<vmem>>, vector<16xf32>,
      %mul3A_278 = arith.constant 0.899999976 : f32
      %mul3A_279 = vector.broadcast %mul3A_278 : f32 to vector<16xf32>
      %mul3A_280 = arith.mulf %mul3A_279, %mul3A_270 : vector<16xf32>
      %swap3A_281 = arith.index_cast %mul3A_195 : i32 to index
      %swap3A_282 = tpu.vector_load %arg10[%swap3A_281] {strides = array<i32>} : memref<3216xf32, #tpu.memory_space<vmem>>, vector<16xf32>,
      tpu.vector_store %arg10[%swap3A_281], %mul3A_280 {strides = array<i32>} : memref<3216xf32, #tpu.memory_space<vmem>>, vector<16xf32>,
    }
    %scan3A_97 = arith.constant 200 : i32
    %scan3A_98 = arith.constant 0 : i32
    %scan3A_99 = arith.constant 25 : i32
    %scan3A_100 = arith.addi %scan3A_98, %scan3A_99 : i32
    %scan3A_101 = arith.constant 1 : i32
    scf.for %scan3A_189 = %scan3A_98 to %scan3A_100 step %scan3A_101  : i32 {
      %mul3A_190 = arith.constant 1 : i32
      %mul3A_191 = arith.muli %scan3A_189, %mul3A_190 : i32
      %add3A_192 = arith.constant 0 : i32
      %add3A_193 = arith.addi %add3A_192, %mul3A_191 : i32
      %mul3A_194 = arith.constant 128 : i32
      %mul3A_195 = arith.muli %add3A_193, %mul3A_194 : i32
      %add3A_196 = arith.addi %add3A, %mul3A_195 : i32
      "tpu.region"() ({
        %run_scoped3A = tpu.sem_alloc : memref<!tpu.dma_semaphore, #tpu.memory_space<semaphore_mem>>
        %dma_start3A_292 = arith.constant 0 : i32
        %dma_start3A_293 = tpu.memref_slice %arg4[%add3A_196, %dma_start3A_292] : memref<102400x32xf32, #tpu.memory_space<hbm>> -> memref<128x32xf32, #tpu.memory_space<hbm>>
        %dma_start3A_294 = arith.constant 0 : i32
        %dma_start3A_295 = tpu.memref_slice %arg4[%add3A_196, %dma_start3A_294] : memref<102400x32xf32, #tpu.memory_space<hbm>> -> memref<128x32xf32, #tpu.memory_space<hbm>>
        tpu.enqueue_dma source(%dma_start3A_295 : memref<128x32xf32, #tpu.memory_space<hbm>>) target(%arg28 : memref<128x32xf32, #tpu.memory_space<vmem>>) target_semaphore(%run_scoped3A : memref<!tpu.dma_semaphore, #tpu.memory_space<semaphore_mem>>)
        %dma_wait3A_296 = arith.constant 0 : i32
        %dma_wait3A_297 = tpu.memref_slice %arg4[%add3A_196, %dma_wait3A_296] : memref<102400x32xf32, #tpu.memory_space<hbm>> -> memref<128x32xf32, #tpu.memory_space<hbm>>
        %dma_wait3A_298 = arith.constant 0 : i32
        %dma_wait3A_299 = tpu.memref_slice %arg4[%add3A_196, %dma_wait3A_298] : memref<102400x32xf32, #tpu.memory_space<hbm>> -> memref<128x32xf32, #tpu.memory_space<hbm>>
        tpu.wait_dma2 semaphore(%run_scoped3A : memref<!tpu.dma_semaphore, #tpu.memory_space<semaphore_mem>>) src(%dma_wait3A_299 : memref<128x32xf32, #tpu.memory_space<hbm>>) dst(%arg28 : memref<128x32xf32, #tpu.memory_space<vmem>>)
        tpu.yield
      }) : () -> ()
      %scan3A_197 = arith.constant 0 : i32
      %scan3A_198 = arith.constant 128 : i32
      %scan3A_199 = arith.addi %scan3A_197, %scan3A_198 : i32
      %scan3A_200 = arith.constant 1 : i32
      scf.for %scan3A_292 = %scan3A_197 to %scan3A_199 step %scan3A_200  : i32 {
        %mul3A_293 = arith.constant 1 : i32
        %mul3A_294 = arith.muli %scan3A_292, %mul3A_293 : i32
        %add3A_295 = arith.constant 0 : i32
        %add3A_296 = arith.addi %add3A_295, %mul3A_294 : i32
        %mul3A_297 = arith.constant 128 : i32
        %mul3A_298 = arith.muli %add3A_193, %mul3A_297 : i32
        %add3A_299 = arith.addi %mul3A_298, %add3A_296 : i32
        %get3A = arith.index_cast %add3A_299 : i32 to index
        %get3A_300 = tpu.vector_load %arg8[%get3A] {strides = array<i32>} : memref<3216xf32, #tpu.memory_space<vmem>>, vector<16xf32>,
        %slice3A = vector.extract_strided_slice %get3A_300 {offsets = [0], sizes = [1], strides = [1]} : vector<16xf32> to vector<1xf32>
        %squeeze3A = vector.extract %slice3A[0] : f32 from vector<1xf32>
        %get3A_301 = arith.index_cast %add3A_296 : i32 to index
        %get3A_302 = arith.constant 0 : index
        %get3A_303 = tpu.vector_load %arg28[%get3A_301, %get3A_302] {strides = array<i32>} : memref<128x32xf32, #tpu.memory_space<vmem>>, vector<16xf32>,
        %mul3A_304 = vector.broadcast %squeeze3A : f32 to vector<16xf32>
        %mul3A_305 = arith.mulf %mul3A_304, %get3A_303 : vector<16xf32>
        %swap3A = arith.index_cast %add3A_296 : i32 to index
        %swap3A_306 = arith.constant 0 : index
        %swap3A_307 = tpu.vector_load %arg30[%swap3A, %swap3A_306] {strides = array<i32>} : memref<128x32xf32, #tpu.memory_space<vmem>>, vector<16xf32>,
        tpu.vector_store %arg30[%swap3A, %swap3A_306], %mul3A_305 {strides = array<i32>} : memref<128x32xf32, #tpu.memory_space<vmem>>, vector<16xf32>,
        %get3A_308 = arith.index_cast %add3A_296 : i32 to index
        %get3A_309 = arith.constant 16 : index
        %get3A_310 = tpu.vector_load %arg28[%get3A_308, %get3A_309] {strides = array<i32>} : memref<128x32xf32, #tpu.memory_space<vmem>>, vector<16xf32>,
        %mul3A_311 = vector.broadcast %squeeze3A : f32 to vector<16xf32>
        %mul3A_312 = arith.mulf %mul3A_311, %get3A_310 : vector<16xf32>
        %swap3A_313 = arith.index_cast %add3A_296 : i32 to index
        %swap3A_314 = arith.constant 16 : index
        %swap3A_315 = tpu.vector_load %arg30[%swap3A_313, %swap3A_314] {strides = array<i32>} : memref<128x32xf32, #tpu.memory_space<vmem>>, vector<16xf32>,
        tpu.vector_store %arg30[%swap3A_313, %swap3A_314], %mul3A_312 {strides = array<i32>} : memref<128x32xf32, #tpu.memory_space<vmem>>, vector<16xf32>,
      }
      %scan3A_201 = arith.constant 128 : i32
      "tpu.region"() ({
        %run_scoped3A = tpu.sem_alloc : memref<!tpu.dma_semaphore, #tpu.memory_space<semaphore_mem>>
        %dma_start3A_292 = arith.constant 0 : i32
        %dma_start3A_293 = tpu.memref_slice %arg7[%add3A_196, %dma_start3A_292] : memref<102400x32xf32, #tpu.memory_space<hbm>> -> memref<128x32xf32, #tpu.memory_space<hbm>>
        %dma_start3A_294 = arith.constant 0 : i32
        %dma_start3A_295 = tpu.memref_slice %arg7[%add3A_196, %dma_start3A_294] : memref<102400x32xf32, #tpu.memory_space<hbm>> -> memref<128x32xf32, #tpu.memory_space<hbm>>
        tpu.enqueue_dma source(%arg30 : memref<128x32xf32, #tpu.memory_space<vmem>>) target(%dma_start3A_295 : memref<128x32xf32, #tpu.memory_space<hbm>>) target_semaphore(%run_scoped3A : memref<!tpu.dma_semaphore, #tpu.memory_space<semaphore_mem>>)
        %dma_wait3A_296 = arith.constant 0 : i32
        %dma_wait3A_297 = tpu.memref_slice %arg7[%add3A_196, %dma_wait3A_296] : memref<102400x32xf32, #tpu.memory_space<hbm>> -> memref<128x32xf32, #tpu.memory_space<hbm>>
        %dma_wait3A_298 = arith.constant 0 : i32
        %dma_wait3A_299 = tpu.memref_slice %arg7[%add3A_196, %dma_wait3A_298] : memref<102400x32xf32, #tpu.memory_space<hbm>> -> memref<128x32xf32, #tpu.memory_space<hbm>>
        tpu.wait_dma2 semaphore(%run_scoped3A : memref<!tpu.dma_semaphore, #tpu.memory_space<semaphore_mem>>) src(%arg30 : memref<128x32xf32, #tpu.memory_space<vmem>>) dst(%dma_wait3A_299 : memref<128x32xf32, #tpu.memory_space<hbm>>)
        tpu.yield
      }) : () -> ()
      "tpu.region"() ({
        %run_scoped3A = tpu.sem_alloc : memref<!tpu.dma_semaphore, #tpu.memory_space<semaphore_mem>>
        %dma_start3A_292 = arith.constant 0 : i32
        %dma_start3A_293 = tpu.memref_slice %arg5[%add3A_196, %dma_start3A_292] : memref<102400x32xf32, #tpu.memory_space<hbm>> -> memref<128x32xf32, #tpu.memory_space<hbm>>
        %dma_start3A_294 = arith.constant 0 : i32
        %dma_start3A_295 = tpu.memref_slice %arg5[%add3A_196, %dma_start3A_294] : memref<102400x32xf32, #tpu.memory_space<hbm>> -> memref<128x32xf32, #tpu.memory_space<hbm>>
        tpu.enqueue_dma source(%arg30 : memref<128x32xf32, #tpu.memory_space<vmem>>) target(%dma_start3A_295 : memref<128x32xf32, #tpu.memory_space<hbm>>) target_semaphore(%run_scoped3A : memref<!tpu.dma_semaphore, #tpu.memory_space<semaphore_mem>>)
        %dma_wait3A_296 = arith.constant 0 : i32
        %dma_wait3A_297 = tpu.memref_slice %arg5[%add3A_196, %dma_wait3A_296] : memref<102400x32xf32, #tpu.memory_space<hbm>> -> memref<128x32xf32, #tpu.memory_space<hbm>>
        %dma_wait3A_298 = arith.constant 0 : i32
        %dma_wait3A_299 = tpu.memref_slice %arg5[%add3A_196, %dma_wait3A_298] : memref<102400x32xf32, #tpu.memory_space<hbm>> -> memref<128x32xf32, #tpu.memory_space<hbm>>
        tpu.wait_dma2 semaphore(%run_scoped3A : memref<!tpu.dma_semaphore, #tpu.memory_space<semaphore_mem>>) src(%arg30 : memref<128x32xf32, #tpu.memory_space<vmem>>) dst(%dma_wait3A_299 : memref<128x32xf32, #tpu.memory_space<hbm>>)
        tpu.yield
      }) : () -> ()
      %gt3A = arith.constant 0 : i32
      %gt3A_202 = arith.cmpi sgt, %add3A_193, %gt3A : i32
      %convert_element_type3A = arith.extui %gt3A_202 : i1 to i32
      %cond3A = arith.constant 0 : i32
      %cond3A_203 = arith.cmpi ne, %convert_element_type3A, %cond3A : i32
      scf.if %cond3A_203 {
        %sub3A = arith.constant 1 : i32
        %sub3A_292 = arith.subi %add3A_193, %sub3A : i32
        %mul3A_293 = arith.constant 3200 : i32
        %mul3A_294 = arith.muli %arg1, %mul3A_293 : i32
        %mul3A_295 = arith.constant 128 : i32
        %mul3A_296 = arith.muli %sub3A_292, %mul3A_295 : i32
        %add3A_297 = arith.addi %mul3A_294, %mul3A_296 : i32
        %add3A_298 = arith.constant 0 : i32
        %add3A_299 = arith.addi %add3A_297, %add3A_298 : i32
        %dma_wait3A_300 = arith.constant 0 : i32
        %dma_wait3A_301 = tpu.memref_slice %arg32[%add3A_299, %dma_wait3A_300] : memref<51200x32xf32, #tpu.memory_space<vmem_shared>> -> memref<16x32xf32, #tpu.memory_space<vmem_shared>>
        %dma_wait3A_302 = arith.constant 0 : i32
        %dma_wait3A_303 = tpu.memref_slice %arg32[%add3A_299, %dma_wait3A_302] : memref<51200x32xf32, #tpu.memory_space<vmem_shared>> -> memref<16x32xf32, #tpu.memory_space<vmem_shared>>
        tpu.wait_dma2 semaphore(%arg37 : memref<!tpu.dma_semaphore, #tpu.memory_space<semaphore_mem>>) src(%arg31 : memref<16x32xf32, #tpu.memory_space<vmem>>) dst(%dma_wait3A_303 : memref<16x32xf32, #tpu.memory_space<vmem_shared>>)
        %mul3A_304 = arith.constant 3200 : i32
        %mul3A_305 = arith.muli %arg1, %mul3A_304 : i32
        %mul3A_306 = arith.constant 128 : i32
        %mul3A_307 = arith.muli %sub3A_292, %mul3A_306 : i32
        %add3A_308 = arith.addi %mul3A_305, %mul3A_307 : i32
        %add3A_309 = arith.constant 16 : i32
        %add3A_310 = arith.addi %add3A_308, %add3A_309 : i32
        %dma_wait3A_311 = arith.constant 0 : i32
        %dma_wait3A_312 = tpu.memref_slice %arg32[%add3A_310, %dma_wait3A_311] : memref<51200x32xf32, #tpu.memory_space<vmem_shared>> -> memref<16x32xf32, #tpu.memory_space<vmem_shared>>
        %dma_wait3A_313 = arith.constant 0 : i32
        %dma_wait3A_314 = tpu.memref_slice %arg32[%add3A_310, %dma_wait3A_313] : memref<51200x32xf32, #tpu.memory_space<vmem_shared>> -> memref<16x32xf32, #tpu.memory_space<vmem_shared>>
        tpu.wait_dma2 semaphore(%arg37 : memref<!tpu.dma_semaphore, #tpu.memory_space<semaphore_mem>>) src(%arg31 : memref<16x32xf32, #tpu.memory_space<vmem>>) dst(%dma_wait3A_314 : memref<16x32xf32, #tpu.memory_space<vmem_shared>>)
        %mul3A_315 = arith.constant 3200 : i32
        %mul3A_316 = arith.muli %arg1, %mul3A_315 : i32
        %mul3A_317 = arith.constant 128 : i32
        %mul3A_318 = arith.muli %sub3A_292, %mul3A_317 : i32
        %add3A_319 = arith.addi %mul3A_316, %mul3A_318 : i32
        %add3A_320 = arith.constant 32 : i32
        %add3A_321 = arith.addi %add3A_319, %add3A_320 : i32
        %dma_wait3A_322 = arith.constant 0 : i32
        %dma_wait3A_323 = tpu.memref_slice %arg32[%add3A_321, %dma_wait3A_322] : memref<51200x32xf32, #tpu.memory_space<vmem_shared>> -> memref<16x32xf32, #tpu.memory_space<vmem_shared>>
        %dma_wait3A_324 = arith.constant 0 : i32
        %dma_wait3A_325 = tpu.memref_slice %arg32[%add3A_321, %dma_wait3A_324] : memref<51200x32xf32, #tpu.memory_space<vmem_shared>> -> memref<16x32xf32, #tpu.memory_space<vmem_shared>>
        tpu.wait_dma2 semaphore(%arg37 : memref<!tpu.dma_semaphore, #tpu.memory_space<semaphore_mem>>) src(%arg31 : memref<16x32xf32, #tpu.memory_space<vmem>>) dst(%dma_wait3A_325 : memref<16x32xf32, #tpu.memory_space<vmem_shared>>)
        %mul3A_326 = arith.constant 3200 : i32
        %mul3A_327 = arith.muli %arg1, %mul3A_326 : i32
        %mul3A_328 = arith.constant 128 : i32
        %mul3A_329 = arith.muli %sub3A_292, %mul3A_328 : i32
        %add3A_330 = arith.addi %mul3A_327, %mul3A_329 : i32
        %add3A_331 = arith.constant 48 : i32
        %add3A_332 = arith.addi %add3A_330, %add3A_331 : i32
        %dma_wait3A_333 = arith.constant 0 : i32
        %dma_wait3A_334 = tpu.memref_slice %arg32[%add3A_332, %dma_wait3A_333] : memref<51200x32xf32, #tpu.memory_space<vmem_shared>> -> memref<16x32xf32, #tpu.memory_space<vmem_shared>>
        %dma_wait3A_335 = arith.constant 0 : i32
        %dma_wait3A_336 = tpu.memref_slice %arg32[%add3A_332, %dma_wait3A_335] : memref<51200x32xf32, #tpu.memory_space<vmem_shared>> -> memref<16x32xf32, #tpu.memory_space<vmem_shared>>
        tpu.wait_dma2 semaphore(%arg37 : memref<!tpu.dma_semaphore, #tpu.memory_space<semaphore_mem>>) src(%arg31 : memref<16x32xf32, #tpu.memory_space<vmem>>) dst(%dma_wait3A_336 : memref<16x32xf32, #tpu.memory_space<vmem_shared>>)
        %mul3A_337 = arith.constant 3200 : i32
        %mul3A_338 = arith.muli %arg1, %mul3A_337 : i32
        %mul3A_339 = arith.constant 128 : i32
        %mul3A_340 = arith.muli %sub3A_292, %mul3A_339 : i32
        %add3A_341 = arith.addi %mul3A_338, %mul3A_340 : i32
        %add3A_342 = arith.constant 64 : i32
        %add3A_343 = arith.addi %add3A_341, %add3A_342 : i32
        %dma_wait3A_344 = arith.constant 0 : i32
        %dma_wait3A_345 = tpu.memref_slice %arg32[%add3A_343, %dma_wait3A_344] : memref<51200x32xf32, #tpu.memory_space<vmem_shared>> -> memref<16x32xf32, #tpu.memory_space<vmem_shared>>
        %dma_wait3A_346 = arith.constant 0 : i32
        %dma_wait3A_347 = tpu.memref_slice %arg32[%add3A_343, %dma_wait3A_346] : memref<51200x32xf32, #tpu.memory_space<vmem_shared>> -> memref<16x32xf32, #tpu.memory_space<vmem_shared>>
        tpu.wait_dma2 semaphore(%arg37 : memref<!tpu.dma_semaphore, #tpu.memory_space<semaphore_mem>>) src(%arg31 : memref<16x32xf32, #tpu.memory_space<vmem>>) dst(%dma_wait3A_347 : memref<16x32xf32, #tpu.memory_space<vmem_shared>>)
        %mul3A_348 = arith.constant 3200 : i32
        %mul3A_349 = arith.muli %arg1, %mul3A_348 : i32
        %mul3A_350 = arith.constant 128 : i32
        %mul3A_351 = arith.muli %sub3A_292, %mul3A_350 : i32
        %add3A_352 = arith.addi %mul3A_349, %mul3A_351 : i32
        %add3A_353 = arith.constant 80 : i32
        %add3A_354 = arith.addi %add3A_352, %add3A_353 : i32
        %dma_wait3A_355 = arith.constant 0 : i32
        %dma_wait3A_356 = tpu.memref_slice %arg32[%add3A_354, %dma_wait3A_355] : memref<51200x32xf32, #tpu.memory_space<vmem_shared>> -> memref<16x32xf32, #tpu.memory_space<vmem_shared>>
        %dma_wait3A_357 = arith.constant 0 : i32
        %dma_wait3A_358 = tpu.memref_slice %arg32[%add3A_354, %dma_wait3A_357] : memref<51200x32xf32, #tpu.memory_space<vmem_shared>> -> memref<16x32xf32, #tpu.memory_space<vmem_shared>>
        tpu.wait_dma2 semaphore(%arg37 : memref<!tpu.dma_semaphore, #tpu.memory_space<semaphore_mem>>) src(%arg31 : memref<16x32xf32, #tpu.memory_space<vmem>>) dst(%dma_wait3A_358 : memref<16x32xf32, #tpu.memory_space<vmem_shared>>)
        %mul3A_359 = arith.constant 3200 : i32
        %mul3A_360 = arith.muli %arg1, %mul3A_359 : i32
        %mul3A_361 = arith.constant 128 : i32
        %mul3A_362 = arith.muli %sub3A_292, %mul3A_361 : i32
        %add3A_363 = arith.addi %mul3A_360, %mul3A_362 : i32
        %add3A_364 = arith.constant 96 : i32
        %add3A_365 = arith.addi %add3A_363, %add3A_364 : i32
        %dma_wait3A_366 = arith.constant 0 : i32
        %dma_wait3A_367 = tpu.memref_slice %arg32[%add3A_365, %dma_wait3A_366] : memref<51200x32xf32, #tpu.memory_space<vmem_shared>> -> memref<16x32xf32, #tpu.memory_space<vmem_shared>>
        %dma_wait3A_368 = arith.constant 0 : i32
        %dma_wait3A_369 = tpu.memref_slice %arg32[%add3A_365, %dma_wait3A_368] : memref<51200x32xf32, #tpu.memory_space<vmem_shared>> -> memref<16x32xf32, #tpu.memory_space<vmem_shared>>
        tpu.wait_dma2 semaphore(%arg37 : memref<!tpu.dma_semaphore, #tpu.memory_space<semaphore_mem>>) src(%arg31 : memref<16x32xf32, #tpu.memory_space<vmem>>) dst(%dma_wait3A_369 : memref<16x32xf32, #tpu.memory_space<vmem_shared>>)
        %mul3A_370 = arith.constant 3200 : i32
        %mul3A_371 = arith.muli %arg1, %mul3A_370 : i32
        %mul3A_372 = arith.constant 128 : i32
        %mul3A_373 = arith.muli %sub3A_292, %mul3A_372 : i32
        %add3A_374 = arith.addi %mul3A_371, %mul3A_373 : i32
        %add3A_375 = arith.constant 112 : i32
        %add3A_376 = arith.addi %add3A_374, %add3A_375 : i32
        %dma_wait3A_377 = arith.constant 0 : i32
        %dma_wait3A_378 = tpu.memref_slice %arg32[%add3A_376, %dma_wait3A_377] : memref<51200x32xf32, #tpu.memory_space<vmem_shared>> -> memref<16x32xf32, #tpu.memory_space<vmem_shared>>
        %dma_wait3A_379 = arith.constant 0 : i32
        %dma_wait3A_380 = tpu.memref_slice %arg32[%add3A_376, %dma_wait3A_379] : memref<51200x32xf32, #tpu.memory_space<vmem_shared>> -> memref<16x32xf32, #tpu.memory_space<vmem_shared>>
        tpu.wait_dma2 semaphore(%arg37 : memref<!tpu.dma_semaphore, #tpu.memory_space<semaphore_mem>>) src(%arg31 : memref<16x32xf32, #tpu.memory_space<vmem>>) dst(%dma_wait3A_380 : memref<16x32xf32, #tpu.memory_space<vmem_shared>>)
      } else {
      }
      %mul3A_204 = arith.constant 3200 : i32
      %mul3A_205 = arith.muli %arg1, %mul3A_204 : i32
      %mul3A_206 = arith.constant 128 : i32
      %mul3A_207 = arith.muli %add3A_193, %mul3A_206 : i32
      %add3A_208 = arith.addi %mul3A_205, %mul3A_207 : i32
      %add3A_209 = arith.constant 0 : i32
      %add3A_210 = arith.addi %add3A_208, %add3A_209 : i32
      %dma_start3A_211 = arith.constant 0 : i32
      %dma_start3A_212 = tpu.memref_slice %arg32[%add3A_210, %dma_start3A_211] : memref<51200x32xf32, #tpu.memory_space<vmem_shared>> -> memref<16x32xf32, #tpu.memory_space<vmem_shared>>
      %dma_start3A_213 = arith.constant 0 : i32
      %dma_start3A_214 = tpu.memref_slice %arg32[%add3A_210, %dma_start3A_213] : memref<51200x32xf32, #tpu.memory_space<vmem_shared>> -> memref<16x32xf32, #tpu.memory_space<vmem_shared>>
      tpu.enqueue_dma source(%arg31 : memref<16x32xf32, #tpu.memory_space<vmem>>) target(%dma_start3A_214 : memref<16x32xf32, #tpu.memory_space<vmem_shared>>) target_semaphore(%arg37 : memref<!tpu.dma_semaphore, #tpu.memory_space<semaphore_mem>>)
      %mul3A_215 = arith.constant 3200 : i32
      %mul3A_216 = arith.muli %arg1, %mul3A_215 : i32
      %mul3A_217 = arith.constant 128 : i32
      %mul3A_218 = arith.muli %add3A_193, %mul3A_217 : i32
      %add3A_219 = arith.addi %mul3A_216, %mul3A_218 : i32
      %add3A_220 = arith.constant 16 : i32
      %add3A_221 = arith.addi %add3A_219, %add3A_220 : i32
      %dma_start3A_222 = arith.constant 0 : i32
      %dma_start3A_223 = tpu.memref_slice %arg32[%add3A_221, %dma_start3A_222] : memref<51200x32xf32, #tpu.memory_space<vmem_shared>> -> memref<16x32xf32, #tpu.memory_space<vmem_shared>>
      %dma_start3A_224 = arith.constant 0 : i32
      %dma_start3A_225 = tpu.memref_slice %arg32[%add3A_221, %dma_start3A_224] : memref<51200x32xf32, #tpu.memory_space<vmem_shared>> -> memref<16x32xf32, #tpu.memory_space<vmem_shared>>
      tpu.enqueue_dma source(%arg31 : memref<16x32xf32, #tpu.memory_space<vmem>>) target(%dma_start3A_225 : memref<16x32xf32, #tpu.memory_space<vmem_shared>>) target_semaphore(%arg37 : memref<!tpu.dma_semaphore, #tpu.memory_space<semaphore_mem>>)
      %mul3A_226 = arith.constant 3200 : i32
      %mul3A_227 = arith.muli %arg1, %mul3A_226 : i32
      %mul3A_228 = arith.constant 128 : i32
      %mul3A_229 = arith.muli %add3A_193, %mul3A_228 : i32
      %add3A_230 = arith.addi %mul3A_227, %mul3A_229 : i32
      %add3A_231 = arith.constant 32 : i32
      %add3A_232 = arith.addi %add3A_230, %add3A_231 : i32
      %dma_start3A_233 = arith.constant 0 : i32
      %dma_start3A_234 = tpu.memref_slice %arg32[%add3A_232, %dma_start3A_233] : memref<51200x32xf32, #tpu.memory_space<vmem_shared>> -> memref<16x32xf32, #tpu.memory_space<vmem_shared>>
      %dma_start3A_235 = arith.constant 0 : i32
      %dma_start3A_236 = tpu.memref_slice %arg32[%add3A_232, %dma_start3A_235] : memref<51200x32xf32, #tpu.memory_space<vmem_shared>> -> memref<16x32xf32, #tpu.memory_space<vmem_shared>>
      tpu.enqueue_dma source(%arg31 : memref<16x32xf32, #tpu.memory_space<vmem>>) target(%dma_start3A_236 : memref<16x32xf32, #tpu.memory_space<vmem_shared>>) target_semaphore(%arg37 : memref<!tpu.dma_semaphore, #tpu.memory_space<semaphore_mem>>)
      %mul3A_237 = arith.constant 3200 : i32
      %mul3A_238 = arith.muli %arg1, %mul3A_237 : i32
      %mul3A_239 = arith.constant 128 : i32
      %mul3A_240 = arith.muli %add3A_193, %mul3A_239 : i32
      %add3A_241 = arith.addi %mul3A_238, %mul3A_240 : i32
      %add3A_242 = arith.constant 48 : i32
      %add3A_243 = arith.addi %add3A_241, %add3A_242 : i32
      %dma_start3A_244 = arith.constant 0 : i32
      %dma_start3A_245 = tpu.memref_slice %arg32[%add3A_243, %dma_start3A_244] : memref<51200x32xf32, #tpu.memory_space<vmem_shared>> -> memref<16x32xf32, #tpu.memory_space<vmem_shared>>
      %dma_start3A_246 = arith.constant 0 : i32
      %dma_start3A_247 = tpu.memref_slice %arg32[%add3A_243, %dma_start3A_246] : memref<51200x32xf32, #tpu.memory_space<vmem_shared>> -> memref<16x32xf32, #tpu.memory_space<vmem_shared>>
      tpu.enqueue_dma source(%arg31 : memref<16x32xf32, #tpu.memory_space<vmem>>) target(%dma_start3A_247 : memref<16x32xf32, #tpu.memory_space<vmem_shared>>) target_semaphore(%arg37 : memref<!tpu.dma_semaphore, #tpu.memory_space<semaphore_mem>>)
      %mul3A_248 = arith.constant 3200 : i32
      %mul3A_249 = arith.muli %arg1, %mul3A_248 : i32
      %mul3A_250 = arith.constant 128 : i32
      %mul3A_251 = arith.muli %add3A_193, %mul3A_250 : i32
      %add3A_252 = arith.addi %mul3A_249, %mul3A_251 : i32
      %add3A_253 = arith.constant 64 : i32
      %add3A_254 = arith.addi %add3A_252, %add3A_253 : i32
      %dma_start3A_255 = arith.constant 0 : i32
      %dma_start3A_256 = tpu.memref_slice %arg32[%add3A_254, %dma_start3A_255] : memref<51200x32xf32, #tpu.memory_space<vmem_shared>> -> memref<16x32xf32, #tpu.memory_space<vmem_shared>>
      %dma_start3A_257 = arith.constant 0 : i32
      %dma_start3A_258 = tpu.memref_slice %arg32[%add3A_254, %dma_start3A_257] : memref<51200x32xf32, #tpu.memory_space<vmem_shared>> -> memref<16x32xf32, #tpu.memory_space<vmem_shared>>
      tpu.enqueue_dma source(%arg31 : memref<16x32xf32, #tpu.memory_space<vmem>>) target(%dma_start3A_258 : memref<16x32xf32, #tpu.memory_space<vmem_shared>>) target_semaphore(%arg37 : memref<!tpu.dma_semaphore, #tpu.memory_space<semaphore_mem>>)
      %mul3A_259 = arith.constant 3200 : i32
      %mul3A_260 = arith.muli %arg1, %mul3A_259 : i32
      %mul3A_261 = arith.constant 128 : i32
      %mul3A_262 = arith.muli %add3A_193, %mul3A_261 : i32
      %add3A_263 = arith.addi %mul3A_260, %mul3A_262 : i32
      %add3A_264 = arith.constant 80 : i32
      %add3A_265 = arith.addi %add3A_263, %add3A_264 : i32
      %dma_start3A_266 = arith.constant 0 : i32
      %dma_start3A_267 = tpu.memref_slice %arg32[%add3A_265, %dma_start3A_266] : memref<51200x32xf32, #tpu.memory_space<vmem_shared>> -> memref<16x32xf32, #tpu.memory_space<vmem_shared>>
      %dma_start3A_268 = arith.constant 0 : i32
      %dma_start3A_269 = tpu.memref_slice %arg32[%add3A_265, %dma_start3A_268] : memref<51200x32xf32, #tpu.memory_space<vmem_shared>> -> memref<16x32xf32, #tpu.memory_space<vmem_shared>>
      tpu.enqueue_dma source(%arg31 : memref<16x32xf32, #tpu.memory_space<vmem>>) target(%dma_start3A_269 : memref<16x32xf32, #tpu.memory_space<vmem_shared>>) target_semaphore(%arg37 : memref<!tpu.dma_semaphore, #tpu.memory_space<semaphore_mem>>)
      %mul3A_270 = arith.constant 3200 : i32
      %mul3A_271 = arith.muli %arg1, %mul3A_270 : i32
      %mul3A_272 = arith.constant 128 : i32
      %mul3A_273 = arith.muli %add3A_193, %mul3A_272 : i32
      %add3A_274 = arith.addi %mul3A_271, %mul3A_273 : i32
      %add3A_275 = arith.constant 96 : i32
      %add3A_276 = arith.addi %add3A_274, %add3A_275 : i32
      %dma_start3A_277 = arith.constant 0 : i32
      %dma_start3A_278 = tpu.memref_slice %arg32[%add3A_276, %dma_start3A_277] : memref<51200x32xf32, #tpu.memory_space<vmem_shared>> -> memref<16x32xf32, #tpu.memory_space<vmem_shared>>
      %dma_start3A_279 = arith.constant 0 : i32
      %dma_start3A_280 = tpu.memref_slice %arg32[%add3A_276, %dma_start3A_279] : memref<51200x32xf32, #tpu.memory_space<vmem_shared>> -> memref<16x32xf32, #tpu.memory_space<vmem_shared>>
      tpu.enqueue_dma source(%arg31 : memref<16x32xf32, #tpu.memory_space<vmem>>) target(%dma_start3A_280 : memref<16x32xf32, #tpu.memory_space<vmem_shared>>) target_semaphore(%arg37 : memref<!tpu.dma_semaphore, #tpu.memory_space<semaphore_mem>>)
      %mul3A_281 = arith.constant 3200 : i32
      %mul3A_282 = arith.muli %arg1, %mul3A_281 : i32
      %mul3A_283 = arith.constant 128 : i32
      %mul3A_284 = arith.muli %add3A_193, %mul3A_283 : i32
      %add3A_285 = arith.addi %mul3A_282, %mul3A_284 : i32
      %add3A_286 = arith.constant 112 : i32
      %add3A_287 = arith.addi %add3A_285, %add3A_286 : i32
      %dma_start3A_288 = arith.constant 0 : i32
      %dma_start3A_289 = tpu.memref_slice %arg32[%add3A_287, %dma_start3A_288] : memref<51200x32xf32, #tpu.memory_space<vmem_shared>> -> memref<16x32xf32, #tpu.memory_space<vmem_shared>>
      %dma_start3A_290 = arith.constant 0 : i32
      %dma_start3A_291 = tpu.memref_slice %arg32[%add3A_287, %dma_start3A_290] : memref<51200x32xf32, #tpu.memory_space<vmem_shared>> -> memref<16x32xf32, #tpu.memory_space<vmem_shared>>
      tpu.enqueue_dma source(%arg31 : memref<16x32xf32, #tpu.memory_space<vmem>>) target(%dma_start3A_291 : memref<16x32xf32, #tpu.memory_space<vmem_shared>>) target_semaphore(%arg37 : memref<!tpu.dma_semaphore, #tpu.memory_space<semaphore_mem>>)
    }
    %scan3A_102 = arith.constant 25 : i32
    %mul3A_103 = arith.constant 3200 : i32
    %mul3A_104 = arith.muli %arg1, %mul3A_103 : i32
    %add3A_105 = arith.constant 3072 : i32
    %add3A_106 = arith.addi %mul3A_104, %add3A_105 : i32
    %add3A_107 = arith.constant 0 : i32
    %add3A_108 = arith.addi %add3A_106, %add3A_107 : i32
    %dma_wait3A_109 = arith.constant 0 : i32
    %dma_wait3A_110 = tpu.memref_slice %arg32[%add3A_108, %dma_wait3A_109] : memref<51200x32xf32, #tpu.memory_space<vmem_shared>> -> memref<16x32xf32, #tpu.memory_space<vmem_shared>>
    %dma_wait3A_111 = arith.constant 0 : i32
    %dma_wait3A_112 = tpu.memref_slice %arg32[%add3A_108, %dma_wait3A_111] : memref<51200x32xf32, #tpu.memory_space<vmem_shared>> -> memref<16x32xf32, #tpu.memory_space<vmem_shared>>
    tpu.wait_dma2 semaphore(%arg37 : memref<!tpu.dma_semaphore, #tpu.memory_space<semaphore_mem>>) src(%arg31 : memref<16x32xf32, #tpu.memory_space<vmem>>) dst(%dma_wait3A_112 : memref<16x32xf32, #tpu.memory_space<vmem_shared>>)
    %mul3A_113 = arith.constant 3200 : i32
    %mul3A_114 = arith.muli %arg1, %mul3A_113 : i32
    %add3A_115 = arith.constant 3072 : i32
    %add3A_116 = arith.addi %mul3A_114, %add3A_115 : i32
    %add3A_117 = arith.constant 16 : i32
    %add3A_118 = arith.addi %add3A_116, %add3A_117 : i32
    %dma_wait3A_119 = arith.constant 0 : i32
    %dma_wait3A_120 = tpu.memref_slice %arg32[%add3A_118, %dma_wait3A_119] : memref<51200x32xf32, #tpu.memory_space<vmem_shared>> -> memref<16x32xf32, #tpu.memory_space<vmem_shared>>
    %dma_wait3A_121 = arith.constant 0 : i32
    %dma_wait3A_122 = tpu.memref_slice %arg32[%add3A_118, %dma_wait3A_121] : memref<51200x32xf32, #tpu.memory_space<vmem_shared>> -> memref<16x32xf32, #tpu.memory_space<vmem_shared>>
    tpu.wait_dma2 semaphore(%arg37 : memref<!tpu.dma_semaphore, #tpu.memory_space<semaphore_mem>>) src(%arg31 : memref<16x32xf32, #tpu.memory_space<vmem>>) dst(%dma_wait3A_122 : memref<16x32xf32, #tpu.memory_space<vmem_shared>>)
    %mul3A_123 = arith.constant 3200 : i32
    %mul3A_124 = arith.muli %arg1, %mul3A_123 : i32
    %add3A_125 = arith.constant 3072 : i32
    %add3A_126 = arith.addi %mul3A_124, %add3A_125 : i32
    %add3A_127 = arith.constant 32 : i32
    %add3A_128 = arith.addi %add3A_126, %add3A_127 : i32
    %dma_wait3A_129 = arith.constant 0 : i32
    %dma_wait3A_130 = tpu.memref_slice %arg32[%add3A_128, %dma_wait3A_129] : memref<51200x32xf32, #tpu.memory_space<vmem_shared>> -> memref<16x32xf32, #tpu.memory_space<vmem_shared>>
    %dma_wait3A_131 = arith.constant 0 : i32
    %dma_wait3A_132 = tpu.memref_slice %arg32[%add3A_128, %dma_wait3A_131] : memref<51200x32xf32, #tpu.memory_space<vmem_shared>> -> memref<16x32xf32, #tpu.memory_space<vmem_shared>>
    tpu.wait_dma2 semaphore(%arg37 : memref<!tpu.dma_semaphore, #tpu.memory_space<semaphore_mem>>) src(%arg31 : memref<16x32xf32, #tpu.memory_space<vmem>>) dst(%dma_wait3A_132 : memref<16x32xf32, #tpu.memory_space<vmem_shared>>)
    %mul3A_133 = arith.constant 3200 : i32
    %mul3A_134 = arith.muli %arg1, %mul3A_133 : i32
    %add3A_135 = arith.constant 3072 : i32
    %add3A_136 = arith.addi %mul3A_134, %add3A_135 : i32
    %add3A_137 = arith.constant 48 : i32
    %add3A_138 = arith.addi %add3A_136, %add3A_137 : i32
    %dma_wait3A_139 = arith.constant 0 : i32
    %dma_wait3A_140 = tpu.memref_slice %arg32[%add3A_138, %dma_wait3A_139] : memref<51200x32xf32, #tpu.memory_space<vmem_shared>> -> memref<16x32xf32, #tpu.memory_space<vmem_shared>>
    %dma_wait3A_141 = arith.constant 0 : i32
    %dma_wait3A_142 = tpu.memref_slice %arg32[%add3A_138, %dma_wait3A_141] : memref<51200x32xf32, #tpu.memory_space<vmem_shared>> -> memref<16x32xf32, #tpu.memory_space<vmem_shared>>
    tpu.wait_dma2 semaphore(%arg37 : memref<!tpu.dma_semaphore, #tpu.memory_space<semaphore_mem>>) src(%arg31 : memref<16x32xf32, #tpu.memory_space<vmem>>) dst(%dma_wait3A_142 : memref<16x32xf32, #tpu.memory_space<vmem_shared>>)
    %mul3A_143 = arith.constant 3200 : i32
    %mul3A_144 = arith.muli %arg1, %mul3A_143 : i32
    %add3A_145 = arith.constant 3072 : i32
    %add3A_146 = arith.addi %mul3A_144, %add3A_145 : i32
    %add3A_147 = arith.constant 64 : i32
    %add3A_148 = arith.addi %add3A_146, %add3A_147 : i32
    %dma_wait3A_149 = arith.constant 0 : i32
    %dma_wait3A_150 = tpu.memref_slice %arg32[%add3A_148, %dma_wait3A_149] : memref<51200x32xf32, #tpu.memory_space<vmem_shared>> -> memref<16x32xf32, #tpu.memory_space<vmem_shared>>
    %dma_wait3A_151 = arith.constant 0 : i32
    %dma_wait3A_152 = tpu.memref_slice %arg32[%add3A_148, %dma_wait3A_151] : memref<51200x32xf32, #tpu.memory_space<vmem_shared>> -> memref<16x32xf32, #tpu.memory_space<vmem_shared>>
    tpu.wait_dma2 semaphore(%arg37 : memref<!tpu.dma_semaphore, #tpu.memory_space<semaphore_mem>>) src(%arg31 : memref<16x32xf32, #tpu.memory_space<vmem>>) dst(%dma_wait3A_152 : memref<16x32xf32, #tpu.memory_space<vmem_shared>>)
    %mul3A_153 = arith.constant 3200 : i32
    %mul3A_154 = arith.muli %arg1, %mul3A_153 : i32
    %add3A_155 = arith.constant 3072 : i32
    %add3A_156 = arith.addi %mul3A_154, %add3A_155 : i32
    %add3A_157 = arith.constant 80 : i32
    %add3A_158 = arith.addi %add3A_156, %add3A_157 : i32
    %dma_wait3A_159 = arith.constant 0 : i32
    %dma_wait3A_160 = tpu.memref_slice %arg32[%add3A_158, %dma_wait3A_159] : memref<51200x32xf32, #tpu.memory_space<vmem_shared>> -> memref<16x32xf32, #tpu.memory_space<vmem_shared>>
    %dma_wait3A_161 = arith.constant 0 : i32
    %dma_wait3A_162 = tpu.memref_slice %arg32[%add3A_158, %dma_wait3A_161] : memref<51200x32xf32, #tpu.memory_space<vmem_shared>> -> memref<16x32xf32, #tpu.memory_space<vmem_shared>>
    tpu.wait_dma2 semaphore(%arg37 : memref<!tpu.dma_semaphore, #tpu.memory_space<semaphore_mem>>) src(%arg31 : memref<16x32xf32, #tpu.memory_space<vmem>>) dst(%dma_wait3A_162 : memref<16x32xf32, #tpu.memory_space<vmem_shared>>)
    %mul3A_163 = arith.constant 3200 : i32
    %mul3A_164 = arith.muli %arg1, %mul3A_163 : i32
    %add3A_165 = arith.constant 3072 : i32
    %add3A_166 = arith.addi %mul3A_164, %add3A_165 : i32
    %add3A_167 = arith.constant 96 : i32
    %add3A_168 = arith.addi %add3A_166, %add3A_167 : i32
    %dma_wait3A_169 = arith.constant 0 : i32
    %dma_wait3A_170 = tpu.memref_slice %arg32[%add3A_168, %dma_wait3A_169] : memref<51200x32xf32, #tpu.memory_space<vmem_shared>> -> memref<16x32xf32, #tpu.memory_space<vmem_shared>>
    %dma_wait3A_171 = arith.constant 0 : i32
    %dma_wait3A_172 = tpu.memref_slice %arg32[%add3A_168, %dma_wait3A_171] : memref<51200x32xf32, #tpu.memory_space<vmem_shared>> -> memref<16x32xf32, #tpu.memory_space<vmem_shared>>
    tpu.wait_dma2 semaphore(%arg37 : memref<!tpu.dma_semaphore, #tpu.memory_space<semaphore_mem>>) src(%arg31 : memref<16x32xf32, #tpu.memory_space<vmem>>) dst(%dma_wait3A_172 : memref<16x32xf32, #tpu.memory_space<vmem_shared>>)
    %mul3A_173 = arith.constant 3200 : i32
    %mul3A_174 = arith.muli %arg1, %mul3A_173 : i32
    %add3A_175 = arith.constant 3072 : i32
    %add3A_176 = arith.addi %mul3A_174, %add3A_175 : i32
    %add3A_177 = arith.constant 112 : i32
    %add3A_178 = arith.addi %add3A_176, %add3A_177 : i32
    %dma_wait3A_179 = arith.constant 0 : i32
    %dma_wait3A_180 = tpu.memref_slice %arg32[%add3A_178, %dma_wait3A_179] : memref<51200x32xf32, #tpu.memory_space<vmem_shared>> -> memref<16x32xf32, #tpu.memory_space<vmem_shared>>
    %dma_wait3A_181 = arith.constant 0 : i32
    %dma_wait3A_182 = tpu.memref_slice %arg32[%add3A_178, %dma_wait3A_181] : memref<51200x32xf32, #tpu.memory_space<vmem_shared>> -> memref<16x32xf32, #tpu.memory_space<vmem_shared>>
    tpu.wait_dma2 semaphore(%arg37 : memref<!tpu.dma_semaphore, #tpu.memory_space<semaphore_mem>>) src(%arg31 : memref<16x32xf32, #tpu.memory_space<vmem>>) dst(%dma_wait3A_182 : memref<16x32xf32, #tpu.memory_space<vmem_shared>>)
    %barrier3A_183 = arith.constant 0 : index
    tpu.barrier barrier_id(%barrier3A_183)
    %scan3A_184 = arith.constant 0 : i32
    %scan3A_185 = arith.constant 4 : i32
    %scan3A_186 = arith.addi %scan3A_184, %scan3A_185 : i32
    %scan3A_187 = arith.constant 1 : i32
    scf.for %scan3A_189 = %scan3A_184 to %scan3A_186 step %scan3A_187  : i32 {
      %mul3A_190 = arith.constant 1 : i32
      %mul3A_191 = arith.muli %scan3A_189, %mul3A_190 : i32
      %add3A_192 = arith.constant 0 : i32
      %add3A_193 = arith.addi %add3A_192, %mul3A_191 : i32
      %add3A_194 = arith.constant 0 : i32
      %add3A_195 = arith.addi %mul3A_2, %add3A_194 : i32
      %dma_start3A_196 = tpu.memref_slice %arg2[%arg0, %add3A_195] : memref<2x819200xi32, #tpu.memory_space<hbm>> -> memref<1x128xi32, #tpu.memory_space<hbm>>
      %dma_start3A_197 = tpu.memref_squeeze %dma_start3A_196 : memref<1x128xi32, #tpu.memory_space<hbm>> -> memref<128xi32, #tpu.memory_space<hbm>>
      %dma_start3A_198 = tpu.memref_slice %arg2[%arg0, %add3A_195] : memref<2x819200xi32, #tpu.memory_space<hbm>> -> memref<1x128xi32, #tpu.memory_space<hbm>>
      %dma_start3A_199 = tpu.memref_squeeze %dma_start3A_198 : memref<1x128xi32, #tpu.memory_space<hbm>> -> memref<128xi32, #tpu.memory_space<hbm>>
      tpu.enqueue_dma source(%dma_start3A_199 : memref<128xi32, #tpu.memory_space<hbm>>) target(%arg11 : memref<128xi32, #tpu.memory_space<vmem>>) target_semaphore(%arg37 : memref<!tpu.dma_semaphore, #tpu.memory_space<semaphore_mem>>)
      %dma_start3A_200 = tpu.memref_slice %arg3[%add3A_195] : memref<819200xi32, #tpu.memory_space<hbm>> -> memref<128xi32, #tpu.memory_space<hbm>>
      %dma_start3A_201 = tpu.memref_slice %arg3[%add3A_195] : memref<819200xi32, #tpu.memory_space<hbm>> -> memref<128xi32, #tpu.memory_space<hbm>>
      tpu.enqueue_dma source(%dma_start3A_201 : memref<128xi32, #tpu.memory_space<hbm>>) target(%arg12 : memref<128xi32, #tpu.memory_space<vmem>>) target_semaphore(%arg37 : memref<!tpu.dma_semaphore, #tpu.memory_space<semaphore_mem>>)
      %add3A_202 = arith.constant 128 : i32
      %add3A_203 = arith.addi %mul3A_2, %add3A_202 : i32
      %dma_start3A_204 = tpu.memref_slice %arg2[%arg0, %add3A_203] : memref<2x819200xi32, #tpu.memory_space<hbm>> -> memref<1x128xi32, #tpu.memory_space<hbm>>
      %dma_start3A_205 = tpu.memref_squeeze %dma_start3A_204 : memref<1x128xi32, #tpu.memory_space<hbm>> -> memref<128xi32, #tpu.memory_space<hbm>>
      %dma_start3A_206 = tpu.memref_slice %arg2[%arg0, %add3A_203] : memref<2x819200xi32, #tpu.memory_space<hbm>> -> memref<1x128xi32, #tpu.memory_space<hbm>>
      %dma_start3A_207 = tpu.memref_squeeze %dma_start3A_206 : memref<1x128xi32, #tpu.memory_space<hbm>> -> memref<128xi32, #tpu.memory_space<hbm>>
      tpu.enqueue_dma source(%dma_start3A_207 : memref<128xi32, #tpu.memory_space<hbm>>) target(%arg13 : memref<128xi32, #tpu.memory_space<vmem>>) target_semaphore(%arg37 : memref<!tpu.dma_semaphore, #tpu.memory_space<semaphore_mem>>)
      %dma_start3A_208 = tpu.memref_slice %arg3[%add3A_203] : memref<819200xi32, #tpu.memory_space<hbm>> -> memref<128xi32, #tpu.memory_space<hbm>>
      %dma_start3A_209 = tpu.memref_slice %arg3[%add3A_203] : memref<819200xi32, #tpu.memory_space<hbm>> -> memref<128xi32, #tpu.memory_space<hbm>>
      tpu.enqueue_dma source(%dma_start3A_209 : memref<128xi32, #tpu.memory_space<hbm>>) target(%arg14 : memref<128xi32, #tpu.memory_space<vmem>>) target_semaphore(%arg37 : memref<!tpu.dma_semaphore, #tpu.memory_space<semaphore_mem>>)
      %add3A_210 = arith.constant 256 : i32
      %add3A_211 = arith.addi %mul3A_2, %add3A_210 : i32
      %dma_start3A_212 = tpu.memref_slice %arg2[%arg0, %add3A_211] : memref<2x819200xi32, #tpu.memory_space<hbm>> -> memref<1x128xi32, #tpu.memory_space<hbm>>
      %dma_start3A_213 = tpu.memref_squeeze %dma_start3A_212 : memref<1x128xi32, #tpu.memory_space<hbm>> -> memref<128xi32, #tpu.memory_space<hbm>>
      %dma_start3A_214 = tpu.memref_slice %arg2[%arg0, %add3A_211] : memref<2x819200xi32, #tpu.memory_space<hbm>> -> memref<1x128xi32, #tpu.memory_space<hbm>>
      %dma_start3A_215 = tpu.memref_squeeze %dma_start3A_214 : memref<1x128xi32, #tpu.memory_space<hbm>> -> memref<128xi32, #tpu.memory_space<hbm>>
      tpu.enqueue_dma source(%dma_start3A_215 : memref<128xi32, #tpu.memory_space<hbm>>) target(%arg15 : memref<128xi32, #tpu.memory_space<vmem>>) target_semaphore(%arg37 : memref<!tpu.dma_semaphore, #tpu.memory_space<semaphore_mem>>)
      %dma_start3A_216 = tpu.memref_slice %arg3[%add3A_211] : memref<819200xi32, #tpu.memory_space<hbm>> -> memref<128xi32, #tpu.memory_space<hbm>>
      %dma_start3A_217 = tpu.memref_slice %arg3[%add3A_211] : memref<819200xi32, #tpu.memory_space<hbm>> -> memref<128xi32, #tpu.memory_space<hbm>>
      tpu.enqueue_dma source(%dma_start3A_217 : memref<128xi32, #tpu.memory_space<hbm>>) target(%arg16 : memref<128xi32, #tpu.memory_space<vmem>>) target_semaphore(%arg37 : memref<!tpu.dma_semaphore, #tpu.memory_space<semaphore_mem>>)
      %add3A_218 = arith.constant 384 : i32
      %add3A_219 = arith.addi %mul3A_2, %add3A_218 : i32
      %dma_start3A_220 = tpu.memref_slice %arg2[%arg0, %add3A_219] : memref<2x819200xi32, #tpu.memory_space<hbm>> -> memref<1x128xi32, #tpu.memory_space<hbm>>
      %dma_start3A_221 = tpu.memref_squeeze %dma_start3A_220 : memref<1x128xi32, #tpu.memory_space<hbm>> -> memref<128xi32, #tpu.memory_space<hbm>>
      %dma_start3A_222 = tpu.memref_slice %arg2[%arg0, %add3A_219] : memref<2x819200xi32, #tpu.memory_space<hbm>> -> memref<1x128xi32, #tpu.memory_space<hbm>>
      %dma_start3A_223 = tpu.memref_squeeze %dma_start3A_222 : memref<1x128xi32, #tpu.memory_space<hbm>> -> memref<128xi32, #tpu.memory_space<hbm>>
      tpu.enqueue_dma source(%dma_start3A_223 : memref<128xi32, #tpu.memory_space<hbm>>) target(%arg17 : memref<128xi32, #tpu.memory_space<vmem>>) target_semaphore(%arg37 : memref<!tpu.dma_semaphore, #tpu.memory_space<semaphore_mem>>)
      %dma_start3A_224 = tpu.memref_slice %arg3[%add3A_219] : memref<819200xi32, #tpu.memory_space<hbm>> -> memref<128xi32, #tpu.memory_space<hbm>>
      %dma_start3A_225 = tpu.memref_slice %arg3[%add3A_219] : memref<819200xi32, #tpu.memory_space<hbm>> -> memref<128xi32, #tpu.memory_space<hbm>>
      tpu.enqueue_dma source(%dma_start3A_225 : memref<128xi32, #tpu.memory_space<hbm>>) target(%arg18 : memref<128xi32, #tpu.memory_space<vmem>>) target_semaphore(%arg37 : memref<!tpu.dma_semaphore, #tpu.memory_space<semaphore_mem>>)
      %scan3A_226 = arith.constant 0 : i32
      %scan3A_227 = arith.constant 50 : i32
      %scan3A_228 = arith.addi %scan3A_226, %scan3A_227 : i32
      %scan3A_229 = arith.constant 1 : i32
      scf.for %scan3A_343 = %scan3A_226 to %scan3A_228 step %scan3A_229  : i32 {
        %mul3A_344 = arith.constant 1 : i32
        %mul3A_345 = arith.muli %scan3A_343, %mul3A_344 : i32
        %add3A_346 = arith.constant 0 : i32
        %add3A_347 = arith.addi %add3A_346, %mul3A_345 : i32
        %mul3A_348 = arith.constant 8 : i32
        %mul3A_349 = arith.muli %add3A_347, %mul3A_348 : i32
        %add3A_350 = arith.constant 0 : i32
        %add3A_351 = arith.addi %mul3A_349, %add3A_350 : i32
        %mul3A_352 = arith.constant 128 : i32
        %mul3A_353 = arith.muli %add3A_351, %mul3A_352 : i32
        %add3A_354 = arith.addi %mul3A_2, %mul3A_353 : i32
        %dma_wait3A_355 = tpu.memref_slice %arg2[%arg0, %add3A_354] : memref<2x819200xi32, #tpu.memory_space<hbm>> -> memref<1x128xi32, #tpu.memory_space<hbm>>
        %dma_wait3A_356 = tpu.memref_squeeze %dma_wait3A_355 : memref<1x128xi32, #tpu.memory_space<hbm>> -> memref<128xi32, #tpu.memory_space<hbm>>
        %dma_wait3A_357 = tpu.memref_slice %arg2[%arg0, %add3A_354] : memref<2x819200xi32, #tpu.memory_space<hbm>> -> memref<1x128xi32, #tpu.memory_space<hbm>>
        %dma_wait3A_358 = tpu.memref_squeeze %dma_wait3A_357 : memref<1x128xi32, #tpu.memory_space<hbm>> -> memref<128xi32, #tpu.memory_space<hbm>>
        tpu.wait_dma2 semaphore(%arg37 : memref<!tpu.dma_semaphore, #tpu.memory_space<semaphore_mem>>) src(%dma_wait3A_358 : memref<128xi32, #tpu.memory_space<hbm>>) dst(%arg11 : memref<128xi32, #tpu.memory_space<vmem>>)
        %dma_wait3A_359 = tpu.memref_slice %arg3[%add3A_354] : memref<819200xi32, #tpu.memory_space<hbm>> -> memref<128xi32, #tpu.memory_space<hbm>>
        %dma_wait3A_360 = tpu.memref_slice %arg3[%add3A_354] : memref<819200xi32, #tpu.memory_space<hbm>> -> memref<128xi32, #tpu.memory_space<hbm>>
        tpu.wait_dma2 semaphore(%arg37 : memref<!tpu.dma_semaphore, #tpu.memory_space<semaphore_mem>>) src(%dma_wait3A_360 : memref<128xi32, #tpu.memory_space<hbm>>) dst(%arg12 : memref<128xi32, #tpu.memory_space<vmem>>)
        %gt3A = arith.constant 0 : i32
        %gt3A_361 = arith.cmpi sgt, %add3A_347, %gt3A : i32
        %convert_element_type3A = arith.extui %gt3A_361 : i1 to i32
        %cond3A = arith.constant 0 : i32
        %cond3A_362 = arith.cmpi ne, %convert_element_type3A, %cond3A : i32
        scf.if %cond3A_362 {
          %dma_wait3A_614 = arith.constant 0 : i32
          %dma_wait3A_615 = arith.constant 0 : i32
          %dma_wait3A_616 = tpu.memref_slice %arg32[%dma_wait3A_614, %dma_wait3A_615] : memref<51200x32xf32, #tpu.memory_space<vmem_shared>> -> memref<51200x32xf32, #tpu.memory_space<vmem_shared>>
          tpu.wait_indirect_dma semaphore(%arg38 : memref<!tpu.dma_semaphore, #tpu.memory_space<semaphore_mem>>) src(%arg27 : memref<128x32xf32, #tpu.memory_space<vmem>>) dst(%dma_wait3A_616 : memref<51200x32xf32, #tpu.memory_space<vmem_shared>>)
        } else {
        }
        %dma_start3A_363 = arith.constant 0 : i32
        %dma_start3A_364 = arith.constant 0 : i32
        %dma_start3A_365 = tpu.memref_slice %arg7[%dma_start3A_363, %dma_start3A_364] : memref<102400x32xf32, #tpu.memory_space<hbm>> -> memref<102400x32xf32, #tpu.memory_space<hbm>>
        tpu.enqueue_indirect_dma source(%dma_start3A_365 : memref<102400x32xf32, #tpu.memory_space<hbm>>) target(%arg27 : memref<128x32xf32, #tpu.memory_space<vmem>>) offsets(%arg11 : memref<128xi32, #tpu.memory_space<vmem>>) semaphore(%arg33 : memref<!tpu.dma_semaphore, #tpu.memory_space<semaphore_mem>>)
        %add3A_366 = arith.constant 4 : i32
        %add3A_367 = arith.addi %add3A_351, %add3A_366 : i32
        %mul3A_368 = arith.constant 128 : i32
        %mul3A_369 = arith.muli %add3A_367, %mul3A_368 : i32
        %add3A_370 = arith.addi %mul3A_2, %mul3A_369 : i32
        %dma_start3A_371 = tpu.memref_slice %arg2[%arg0, %add3A_370] : memref<2x819200xi32, #tpu.memory_space<hbm>> -> memref<1x128xi32, #tpu.memory_space<hbm>>
        %dma_start3A_372 = tpu.memref_squeeze %dma_start3A_371 : memref<1x128xi32, #tpu.memory_space<hbm>> -> memref<128xi32, #tpu.memory_space<hbm>>
        %dma_start3A_373 = tpu.memref_slice %arg2[%arg0, %add3A_370] : memref<2x819200xi32, #tpu.memory_space<hbm>> -> memref<1x128xi32, #tpu.memory_space<hbm>>
        %dma_start3A_374 = tpu.memref_squeeze %dma_start3A_373 : memref<1x128xi32, #tpu.memory_space<hbm>> -> memref<128xi32, #tpu.memory_space<hbm>>
        tpu.enqueue_dma source(%dma_start3A_374 : memref<128xi32, #tpu.memory_space<hbm>>) target(%arg19 : memref<128xi32, #tpu.memory_space<vmem>>) target_semaphore(%arg37 : memref<!tpu.dma_semaphore, #tpu.memory_space<semaphore_mem>>)
        %dma_start3A_375 = tpu.memref_slice %arg3[%add3A_370] : memref<819200xi32, #tpu.memory_space<hbm>> -> memref<128xi32, #tpu.memory_space<hbm>>
        %dma_start3A_376 = tpu.memref_slice %arg3[%add3A_370] : memref<819200xi32, #tpu.memory_space<hbm>> -> memref<128xi32, #tpu.memory_space<hbm>>
        tpu.enqueue_dma source(%dma_start3A_376 : memref<128xi32, #tpu.memory_space<hbm>>) target(%arg20 : memref<128xi32, #tpu.memory_space<vmem>>) target_semaphore(%arg37 : memref<!tpu.dma_semaphore, #tpu.memory_space<semaphore_mem>>)
        %gt3A_377 = arith.constant 0 : i32
        %gt3A_378 = arith.cmpi sgt, %add3A_347, %gt3A_377 : i32
        %convert_element_type3A_379 = arith.extui %gt3A_378 : i1 to i32
        %cond3A_380 = arith.constant 0 : i32
        %cond3A_381 = arith.cmpi ne, %convert_element_type3A_379, %cond3A_380 : i32
        scf.if %cond3A_381 {
          %dma_wait3A_614 = arith.constant 0 : i32
          %dma_wait3A_615 = arith.constant 0 : i32
          %dma_wait3A_616 = tpu.memref_slice %arg7[%dma_wait3A_614, %dma_wait3A_615] : memref<102400x32xf32, #tpu.memory_space<hbm>> -> memref<102400x32xf32, #tpu.memory_space<hbm>>
          tpu.wait_indirect_dma semaphore(%arg35 : memref<!tpu.dma_semaphore, #tpu.memory_space<semaphore_mem>>) src(%dma_wait3A_616 : memref<102400x32xf32, #tpu.memory_space<hbm>>) dst(%arg28 : memref<128x32xf32, #tpu.memory_space<vmem>>)
          %dma_start3A_617 = arith.constant 0 : i32
          %dma_start3A_618 = arith.constant 0 : i32
          %dma_start3A_619 = tpu.memref_slice %arg32[%dma_start3A_617, %dma_start3A_618] : memref<51200x32xf32, #tpu.memory_space<vmem_shared>> -> memref<51200x32xf32, #tpu.memory_space<vmem_shared>>
          tpu.enqueue_indirect_dma source(%arg28 : memref<128x32xf32, #tpu.memory_space<vmem>>) target(%dma_start3A_619 : memref<51200x32xf32, #tpu.memory_space<vmem_shared>>) offsets(%arg24 : memref<128xi32, #tpu.memory_space<vmem>>) semaphore(%arg40 : memref<!tpu.dma_semaphore, #tpu.memory_space<semaphore_mem>>) {add = true}
        } else {
        }
        %mul3A_382 = arith.constant 8 : i32
        %mul3A_383 = arith.muli %add3A_347, %mul3A_382 : i32
        %add3A_384 = arith.constant 1 : i32
        %add3A_385 = arith.addi %mul3A_383, %add3A_384 : i32
        %mul3A_386 = arith.constant 128 : i32
        %mul3A_387 = arith.muli %add3A_385, %mul3A_386 : i32
        %add3A_388 = arith.addi %mul3A_2, %mul3A_387 : i32
        %dma_wait3A_389 = tpu.memref_slice %arg2[%arg0, %add3A_388] : memref<2x819200xi32, #tpu.memory_space<hbm>> -> memref<1x128xi32, #tpu.memory_space<hbm>>
        %dma_wait3A_390 = tpu.memref_squeeze %dma_wait3A_389 : memref<1x128xi32, #tpu.memory_space<hbm>> -> memref<128xi32, #tpu.memory_space<hbm>>
        %dma_wait3A_391 = tpu.memref_slice %arg2[%arg0, %add3A_388] : memref<2x819200xi32, #tpu.memory_space<hbm>> -> memref<1x128xi32, #tpu.memory_space<hbm>>
        %dma_wait3A_392 = tpu.memref_squeeze %dma_wait3A_391 : memref<1x128xi32, #tpu.memory_space<hbm>> -> memref<128xi32, #tpu.memory_space<hbm>>
        tpu.wait_dma2 semaphore(%arg37 : memref<!tpu.dma_semaphore, #tpu.memory_space<semaphore_mem>>) src(%dma_wait3A_392 : memref<128xi32, #tpu.memory_space<hbm>>) dst(%arg13 : memref<128xi32, #tpu.memory_space<vmem>>)
        %dma_wait3A_393 = tpu.memref_slice %arg3[%add3A_388] : memref<819200xi32, #tpu.memory_space<hbm>> -> memref<128xi32, #tpu.memory_space<hbm>>
        %dma_wait3A_394 = tpu.memref_slice %arg3[%add3A_388] : memref<819200xi32, #tpu.memory_space<hbm>> -> memref<128xi32, #tpu.memory_space<hbm>>
        tpu.wait_dma2 semaphore(%arg37 : memref<!tpu.dma_semaphore, #tpu.memory_space<semaphore_mem>>) src(%dma_wait3A_394 : memref<128xi32, #tpu.memory_space<hbm>>) dst(%arg14 : memref<128xi32, #tpu.memory_space<vmem>>)
        %gt3A_395 = arith.constant 0 : i32
        %gt3A_396 = arith.cmpi sgt, %add3A_347, %gt3A_395 : i32
        %convert_element_type3A_397 = arith.extui %gt3A_396 : i1 to i32
        %cond3A_398 = arith.constant 0 : i32
        %cond3A_399 = arith.cmpi ne, %convert_element_type3A_397, %cond3A_398 : i32
        scf.if %cond3A_399 {
          %dma_wait3A_614 = arith.constant 0 : i32
          %dma_wait3A_615 = arith.constant 0 : i32
          %dma_wait3A_616 = tpu.memref_slice %arg32[%dma_wait3A_614, %dma_wait3A_615] : memref<51200x32xf32, #tpu.memory_space<vmem_shared>> -> memref<51200x32xf32, #tpu.memory_space<vmem_shared>>
          tpu.wait_indirect_dma semaphore(%arg39 : memref<!tpu.dma_semaphore, #tpu.memory_space<semaphore_mem>>) src(%arg30 : memref<128x32xf32, #tpu.memory_space<vmem>>) dst(%dma_wait3A_616 : memref<51200x32xf32, #tpu.memory_space<vmem_shared>>)
        } else {
        }
        %dma_start3A_400 = arith.constant 0 : i32
        %dma_start3A_401 = arith.constant 0 : i32
        %dma_start3A_402 = tpu.memref_slice %arg7[%dma_start3A_400, %dma_start3A_401] : memref<102400x32xf32, #tpu.memory_space<hbm>> -> memref<102400x32xf32, #tpu.memory_space<hbm>>
        tpu.enqueue_indirect_dma source(%dma_start3A_402 : memref<102400x32xf32, #tpu.memory_space<hbm>>) target(%arg30 : memref<128x32xf32, #tpu.memory_space<vmem>>) offsets(%arg13 : memref<128xi32, #tpu.memory_space<vmem>>) semaphore(%arg34 : memref<!tpu.dma_semaphore, #tpu.memory_space<semaphore_mem>>)
        %add3A_403 = arith.constant 4 : i32
        %add3A_404 = arith.addi %add3A_385, %add3A_403 : i32
        %mul3A_405 = arith.constant 128 : i32
        %mul3A_406 = arith.muli %add3A_404, %mul3A_405 : i32
        %add3A_407 = arith.addi %mul3A_2, %mul3A_406 : i32
        %dma_start3A_408 = tpu.memref_slice %arg2[%arg0, %add3A_407] : memref<2x819200xi32, #tpu.memory_space<hbm>> -> memref<1x128xi32, #tpu.memory_space<hbm>>
        %dma_start3A_409 = tpu.memref_squeeze %dma_start3A_408 : memref<1x128xi32, #tpu.memory_space<hbm>> -> memref<128xi32, #tpu.memory_space<hbm>>
        %dma_start3A_410 = tpu.memref_slice %arg2[%arg0, %add3A_407] : memref<2x819200xi32, #tpu.memory_space<hbm>> -> memref<1x128xi32, #tpu.memory_space<hbm>>
        %dma_start3A_411 = tpu.memref_squeeze %dma_start3A_410 : memref<1x128xi32, #tpu.memory_space<hbm>> -> memref<128xi32, #tpu.memory_space<hbm>>
        tpu.enqueue_dma source(%dma_start3A_411 : memref<128xi32, #tpu.memory_space<hbm>>) target(%arg21 : memref<128xi32, #tpu.memory_space<vmem>>) target_semaphore(%arg37 : memref<!tpu.dma_semaphore, #tpu.memory_space<semaphore_mem>>)
        %dma_start3A_412 = tpu.memref_slice %arg3[%add3A_407] : memref<819200xi32, #tpu.memory_space<hbm>> -> memref<128xi32, #tpu.memory_space<hbm>>
        %dma_start3A_413 = tpu.memref_slice %arg3[%add3A_407] : memref<819200xi32, #tpu.memory_space<hbm>> -> memref<128xi32, #tpu.memory_space<hbm>>
        tpu.enqueue_dma source(%dma_start3A_413 : memref<128xi32, #tpu.memory_space<hbm>>) target(%arg22 : memref<128xi32, #tpu.memory_space<vmem>>) target_semaphore(%arg37 : memref<!tpu.dma_semaphore, #tpu.memory_space<semaphore_mem>>)
        %gt3A_414 = arith.constant 0 : i32
        %gt3A_415 = arith.cmpi sgt, %add3A_347, %gt3A_414 : i32
        %convert_element_type3A_416 = arith.extui %gt3A_415 : i1 to i32
        %cond3A_417 = arith.constant 0 : i32
        %cond3A_418 = arith.cmpi ne, %convert_element_type3A_416, %cond3A_417 : i32
        scf.if %cond3A_418 {
          %dma_wait3A_614 = arith.constant 0 : i32
          %dma_wait3A_615 = arith.constant 0 : i32
          %dma_wait3A_616 = tpu.memref_slice %arg7[%dma_wait3A_614, %dma_wait3A_615] : memref<102400x32xf32, #tpu.memory_space<hbm>> -> memref<102400x32xf32, #tpu.memory_space<hbm>>
          tpu.wait_indirect_dma semaphore(%arg36 : memref<!tpu.dma_semaphore, #tpu.memory_space<semaphore_mem>>) src(%dma_wait3A_616 : memref<102400x32xf32, #tpu.memory_space<hbm>>) dst(%arg29 : memref<128x32xf32, #tpu.memory_space<vmem>>)
          %dma_start3A_617 = arith.constant 0 : i32
          %dma_start3A_618 = arith.constant 0 : i32
          %dma_start3A_619 = tpu.memref_slice %arg32[%dma_start3A_617, %dma_start3A_618] : memref<51200x32xf32, #tpu.memory_space<vmem_shared>> -> memref<51200x32xf32, #tpu.memory_space<vmem_shared>>
          tpu.enqueue_indirect_dma source(%arg29 : memref<128x32xf32, #tpu.memory_space<vmem>>) target(%dma_start3A_619 : memref<51200x32xf32, #tpu.memory_space<vmem_shared>>) offsets(%arg26 : memref<128xi32, #tpu.memory_space<vmem>>) semaphore(%arg41 : memref<!tpu.dma_semaphore, #tpu.memory_space<semaphore_mem>>) {add = true}
        } else {
        }
        %mul3A_419 = arith.constant 8 : i32
        %mul3A_420 = arith.muli %add3A_347, %mul3A_419 : i32
        %add3A_421 = arith.constant 2 : i32
        %add3A_422 = arith.addi %mul3A_420, %add3A_421 : i32
        %mul3A_423 = arith.constant 128 : i32
        %mul3A_424 = arith.muli %add3A_422, %mul3A_423 : i32
        %add3A_425 = arith.addi %mul3A_2, %mul3A_424 : i32
        %dma_wait3A_426 = tpu.memref_slice %arg2[%arg0, %add3A_425] : memref<2x819200xi32, #tpu.memory_space<hbm>> -> memref<1x128xi32, #tpu.memory_space<hbm>>
        %dma_wait3A_427 = tpu.memref_squeeze %dma_wait3A_426 : memref<1x128xi32, #tpu.memory_space<hbm>> -> memref<128xi32, #tpu.memory_space<hbm>>
        %dma_wait3A_428 = tpu.memref_slice %arg2[%arg0, %add3A_425] : memref<2x819200xi32, #tpu.memory_space<hbm>> -> memref<1x128xi32, #tpu.memory_space<hbm>>
        %dma_wait3A_429 = tpu.memref_squeeze %dma_wait3A_428 : memref<1x128xi32, #tpu.memory_space<hbm>> -> memref<128xi32, #tpu.memory_space<hbm>>
        tpu.wait_dma2 semaphore(%arg37 : memref<!tpu.dma_semaphore, #tpu.memory_space<semaphore_mem>>) src(%dma_wait3A_429 : memref<128xi32, #tpu.memory_space<hbm>>) dst(%arg15 : memref<128xi32, #tpu.memory_space<vmem>>)
        %dma_wait3A_430 = tpu.memref_slice %arg3[%add3A_425] : memref<819200xi32, #tpu.memory_space<hbm>> -> memref<128xi32, #tpu.memory_space<hbm>>
        %dma_wait3A_431 = tpu.memref_slice %arg3[%add3A_425] : memref<819200xi32, #tpu.memory_space<hbm>> -> memref<128xi32, #tpu.memory_space<hbm>>
        tpu.wait_dma2 semaphore(%arg37 : memref<!tpu.dma_semaphore, #tpu.memory_space<semaphore_mem>>) src(%dma_wait3A_431 : memref<128xi32, #tpu.memory_space<hbm>>) dst(%arg16 : memref<128xi32, #tpu.memory_space<vmem>>)
        %gt3A_432 = arith.constant 0 : i32
        %gt3A_433 = arith.cmpi sgt, %add3A_347, %gt3A_432 : i32
        %convert_element_type3A_434 = arith.extui %gt3A_433 : i1 to i32
        %cond3A_435 = arith.constant 0 : i32
        %cond3A_436 = arith.cmpi ne, %convert_element_type3A_434, %cond3A_435 : i32
        scf.if %cond3A_436 {
          %dma_wait3A_614 = arith.constant 0 : i32
          %dma_wait3A_615 = arith.constant 0 : i32
          %dma_wait3A_616 = tpu.memref_slice %arg32[%dma_wait3A_614, %dma_wait3A_615] : memref<51200x32xf32, #tpu.memory_space<vmem_shared>> -> memref<51200x32xf32, #tpu.memory_space<vmem_shared>>
          tpu.wait_indirect_dma semaphore(%arg40 : memref<!tpu.dma_semaphore, #tpu.memory_space<semaphore_mem>>) src(%arg28 : memref<128x32xf32, #tpu.memory_space<vmem>>) dst(%dma_wait3A_616 : memref<51200x32xf32, #tpu.memory_space<vmem_shared>>)
        } else {
        }
        %dma_start3A_437 = arith.constant 0 : i32
        %dma_start3A_438 = arith.constant 0 : i32
        %dma_start3A_439 = tpu.memref_slice %arg7[%dma_start3A_437, %dma_start3A_438] : memref<102400x32xf32, #tpu.memory_space<hbm>> -> memref<102400x32xf32, #tpu.memory_space<hbm>>
        tpu.enqueue_indirect_dma source(%dma_start3A_439 : memref<102400x32xf32, #tpu.memory_space<hbm>>) target(%arg28 : memref<128x32xf32, #tpu.memory_space<vmem>>) offsets(%arg15 : memref<128xi32, #tpu.memory_space<vmem>>) semaphore(%arg35 : memref<!tpu.dma_semaphore, #tpu.memory_space<semaphore_mem>>)
        %add3A_440 = arith.constant 4 : i32
        %add3A_441 = arith.addi %add3A_422, %add3A_440 : i32
        %mul3A_442 = arith.constant 128 : i32
        %mul3A_443 = arith.muli %add3A_441, %mul3A_442 : i32
        %add3A_444 = arith.addi %mul3A_2, %mul3A_443 : i32
        %dma_start3A_445 = tpu.memref_slice %arg2[%arg0, %add3A_444] : memref<2x819200xi32, #tpu.memory_space<hbm>> -> memref<1x128xi32, #tpu.memory_space<hbm>>
        %dma_start3A_446 = tpu.memref_squeeze %dma_start3A_445 : memref<1x128xi32, #tpu.memory_space<hbm>> -> memref<128xi32, #tpu.memory_space<hbm>>
        %dma_start3A_447 = tpu.memref_slice %arg2[%arg0, %add3A_444] : memref<2x819200xi32, #tpu.memory_space<hbm>> -> memref<1x128xi32, #tpu.memory_space<hbm>>
        %dma_start3A_448 = tpu.memref_squeeze %dma_start3A_447 : memref<1x128xi32, #tpu.memory_space<hbm>> -> memref<128xi32, #tpu.memory_space<hbm>>
        tpu.enqueue_dma source(%dma_start3A_448 : memref<128xi32, #tpu.memory_space<hbm>>) target(%arg23 : memref<128xi32, #tpu.memory_space<vmem>>) target_semaphore(%arg37 : memref<!tpu.dma_semaphore, #tpu.memory_space<semaphore_mem>>)
        %dma_start3A_449 = tpu.memref_slice %arg3[%add3A_444] : memref<819200xi32, #tpu.memory_space<hbm>> -> memref<128xi32, #tpu.memory_space<hbm>>
        %dma_start3A_450 = tpu.memref_slice %arg3[%add3A_444] : memref<819200xi32, #tpu.memory_space<hbm>> -> memref<128xi32, #tpu.memory_space<hbm>>
        tpu.enqueue_dma source(%dma_start3A_450 : memref<128xi32, #tpu.memory_space<hbm>>) target(%arg24 : memref<128xi32, #tpu.memory_space<vmem>>) target_semaphore(%arg37 : memref<!tpu.dma_semaphore, #tpu.memory_space<semaphore_mem>>)
        %dma_wait3A_451 = arith.constant 0 : i32
        %dma_wait3A_452 = arith.constant 0 : i32
        %dma_wait3A_453 = tpu.memref_slice %arg7[%dma_wait3A_451, %dma_wait3A_452] : memref<102400x32xf32, #tpu.memory_space<hbm>> -> memref<102400x32xf32, #tpu.memory_space<hbm>>
        tpu.wait_indirect_dma semaphore(%arg33 : memref<!tpu.dma_semaphore, #tpu.memory_space<semaphore_mem>>) src(%dma_wait3A_453 : memref<102400x32xf32, #tpu.memory_space<hbm>>) dst(%arg27 : memref<128x32xf32, #tpu.memory_space<vmem>>)
        %dma_start3A_454 = arith.constant 0 : i32
        %dma_start3A_455 = arith.constant 0 : i32
        %dma_start3A_456 = tpu.memref_slice %arg32[%dma_start3A_454, %dma_start3A_455] : memref<51200x32xf32, #tpu.memory_space<vmem_shared>> -> memref<51200x32xf32, #tpu.memory_space<vmem_shared>>
        tpu.enqueue_indirect_dma source(%arg27 : memref<128x32xf32, #tpu.memory_space<vmem>>) target(%dma_start3A_456 : memref<51200x32xf32, #tpu.memory_space<vmem_shared>>) offsets(%arg12 : memref<128xi32, #tpu.memory_space<vmem>>) semaphore(%arg38 : memref<!tpu.dma_semaphore, #tpu.memory_space<semaphore_mem>>) {add = true}
        %mul3A_457 = arith.constant 8 : i32
        %mul3A_458 = arith.muli %add3A_347, %mul3A_457 : i32
        %add3A_459 = arith.constant 3 : i32
        %add3A_460 = arith.addi %mul3A_458, %add3A_459 : i32
        %mul3A_461 = arith.constant 128 : i32
        %mul3A_462 = arith.muli %add3A_460, %mul3A_461 : i32
        %add3A_463 = arith.addi %mul3A_2, %mul3A_462 : i32
        %dma_wait3A_464 = tpu.memref_slice %arg2[%arg0, %add3A_463] : memref<2x819200xi32, #tpu.memory_space<hbm>> -> memref<1x128xi32, #tpu.memory_space<hbm>>
        %dma_wait3A_465 = tpu.memref_squeeze %dma_wait3A_464 : memref<1x128xi32, #tpu.memory_space<hbm>> -> memref<128xi32, #tpu.memory_space<hbm>>
        %dma_wait3A_466 = tpu.memref_slice %arg2[%arg0, %add3A_463] : memref<2x819200xi32, #tpu.memory_space<hbm>> -> memref<1x128xi32, #tpu.memory_space<hbm>>
        %dma_wait3A_467 = tpu.memref_squeeze %dma_wait3A_466 : memref<1x128xi32, #tpu.memory_space<hbm>> -> memref<128xi32, #tpu.memory_space<hbm>>
        tpu.wait_dma2 semaphore(%arg37 : memref<!tpu.dma_semaphore, #tpu.memory_space<semaphore_mem>>) src(%dma_wait3A_467 : memref<128xi32, #tpu.memory_space<hbm>>) dst(%arg17 : memref<128xi32, #tpu.memory_space<vmem>>)
        %dma_wait3A_468 = tpu.memref_slice %arg3[%add3A_463] : memref<819200xi32, #tpu.memory_space<hbm>> -> memref<128xi32, #tpu.memory_space<hbm>>
        %dma_wait3A_469 = tpu.memref_slice %arg3[%add3A_463] : memref<819200xi32, #tpu.memory_space<hbm>> -> memref<128xi32, #tpu.memory_space<hbm>>
        tpu.wait_dma2 semaphore(%arg37 : memref<!tpu.dma_semaphore, #tpu.memory_space<semaphore_mem>>) src(%dma_wait3A_469 : memref<128xi32, #tpu.memory_space<hbm>>) dst(%arg18 : memref<128xi32, #tpu.memory_space<vmem>>)
        %gt3A_470 = arith.constant 0 : i32
        %gt3A_471 = arith.cmpi sgt, %add3A_347, %gt3A_470 : i32
        %convert_element_type3A_472 = arith.extui %gt3A_471 : i1 to i32
        %cond3A_473 = arith.constant 0 : i32
        %cond3A_474 = arith.cmpi ne, %convert_element_type3A_472, %cond3A_473 : i32
        scf.if %cond3A_474 {
          %dma_wait3A_614 = arith.constant 0 : i32
          %dma_wait3A_615 = arith.constant 0 : i32
          %dma_wait3A_616 = tpu.memref_slice %arg32[%dma_wait3A_614, %dma_wait3A_615] : memref<51200x32xf32, #tpu.memory_space<vmem_shared>> -> memref<51200x32xf32, #tpu.memory_space<vmem_shared>>
          tpu.wait_indirect_dma semaphore(%arg41 : memref<!tpu.dma_semaphore, #tpu.memory_space<semaphore_mem>>) src(%arg29 : memref<128x32xf32, #tpu.memory_space<vmem>>) dst(%dma_wait3A_616 : memref<51200x32xf32, #tpu.memory_space<vmem_shared>>)
        } else {
        }
        %dma_start3A_475 = arith.constant 0 : i32
        %dma_start3A_476 = arith.constant 0 : i32
        %dma_start3A_477 = tpu.memref_slice %arg7[%dma_start3A_475, %dma_start3A_476] : memref<102400x32xf32, #tpu.memory_space<hbm>> -> memref<102400x32xf32, #tpu.memory_space<hbm>>
        tpu.enqueue_indirect_dma source(%dma_start3A_477 : memref<102400x32xf32, #tpu.memory_space<hbm>>) target(%arg29 : memref<128x32xf32, #tpu.memory_space<vmem>>) offsets(%arg17 : memref<128xi32, #tpu.memory_space<vmem>>) semaphore(%arg36 : memref<!tpu.dma_semaphore, #tpu.memory_space<semaphore_mem>>)
        %add3A_478 = arith.constant 4 : i32
        %add3A_479 = arith.addi %add3A_460, %add3A_478 : i32
        %mul3A_480 = arith.constant 128 : i32
        %mul3A_481 = arith.muli %add3A_479, %mul3A_480 : i32
        %add3A_482 = arith.addi %mul3A_2, %mul3A_481 : i32
        %dma_start3A_483 = tpu.memref_slice %arg2[%arg0, %add3A_482] : memref<2x819200xi32, #tpu.memory_space<hbm>> -> memref<1x128xi32, #tpu.memory_space<hbm>>
        %dma_start3A_484 = tpu.memref_squeeze %dma_start3A_483 : memref<1x128xi32, #tpu.memory_space<hbm>> -> memref<128xi32, #tpu.memory_space<hbm>>
        %dma_start3A_485 = tpu.memref_slice %arg2[%arg0, %add3A_482] : memref<2x819200xi32, #tpu.memory_space<hbm>> -> memref<1x128xi32, #tpu.memory_space<hbm>>
        %dma_start3A_486 = tpu.memref_squeeze %dma_start3A_485 : memref<1x128xi32, #tpu.memory_space<hbm>> -> memref<128xi32, #tpu.memory_space<hbm>>
        tpu.enqueue_dma source(%dma_start3A_486 : memref<128xi32, #tpu.memory_space<hbm>>) target(%arg25 : memref<128xi32, #tpu.memory_space<vmem>>) target_semaphore(%arg37 : memref<!tpu.dma_semaphore, #tpu.memory_space<semaphore_mem>>)
        %dma_start3A_487 = tpu.memref_slice %arg3[%add3A_482] : memref<819200xi32, #tpu.memory_space<hbm>> -> memref<128xi32, #tpu.memory_space<hbm>>
        %dma_start3A_488 = tpu.memref_slice %arg3[%add3A_482] : memref<819200xi32, #tpu.memory_space<hbm>> -> memref<128xi32, #tpu.memory_space<hbm>>
        tpu.enqueue_dma source(%dma_start3A_488 : memref<128xi32, #tpu.memory_space<hbm>>) target(%arg26 : memref<128xi32, #tpu.memory_space<vmem>>) target_semaphore(%arg37 : memref<!tpu.dma_semaphore, #tpu.memory_space<semaphore_mem>>)
        %dma_wait3A_489 = arith.constant 0 : i32
        %dma_wait3A_490 = arith.constant 0 : i32
        %dma_wait3A_491 = tpu.memref_slice %arg7[%dma_wait3A_489, %dma_wait3A_490] : memref<102400x32xf32, #tpu.memory_space<hbm>> -> memref<102400x32xf32, #tpu.memory_space<hbm>>
        tpu.wait_indirect_dma semaphore(%arg34 : memref<!tpu.dma_semaphore, #tpu.memory_space<semaphore_mem>>) src(%dma_wait3A_491 : memref<102400x32xf32, #tpu.memory_space<hbm>>) dst(%arg30 : memref<128x32xf32, #tpu.memory_space<vmem>>)
        %dma_start3A_492 = arith.constant 0 : i32
        %dma_start3A_493 = arith.constant 0 : i32
        %dma_start3A_494 = tpu.memref_slice %arg32[%dma_start3A_492, %dma_start3A_493] : memref<51200x32xf32, #tpu.memory_space<vmem_shared>> -> memref<51200x32xf32, #tpu.memory_space<vmem_shared>>
        tpu.enqueue_indirect_dma source(%arg30 : memref<128x32xf32, #tpu.memory_space<vmem>>) target(%dma_start3A_494 : memref<51200x32xf32, #tpu.memory_space<vmem_shared>>) offsets(%arg14 : memref<128xi32, #tpu.memory_space<vmem>>) semaphore(%arg39 : memref<!tpu.dma_semaphore, #tpu.memory_space<semaphore_mem>>) {add = true}
        %mul3A_495 = arith.constant 8 : i32
        %mul3A_496 = arith.muli %add3A_347, %mul3A_495 : i32
        %add3A_497 = arith.constant 4 : i32
        %add3A_498 = arith.addi %mul3A_496, %add3A_497 : i32
        %mul3A_499 = arith.constant 128 : i32
        %mul3A_500 = arith.muli %add3A_498, %mul3A_499 : i32
        %add3A_501 = arith.addi %mul3A_2, %mul3A_500 : i32
        %dma_wait3A_502 = tpu.memref_slice %arg2[%arg0, %add3A_501] : memref<2x819200xi32, #tpu.memory_space<hbm>> -> memref<1x128xi32, #tpu.memory_space<hbm>>
        %dma_wait3A_503 = tpu.memref_squeeze %dma_wait3A_502 : memref<1x128xi32, #tpu.memory_space<hbm>> -> memref<128xi32, #tpu.memory_space<hbm>>
        %dma_wait3A_504 = tpu.memref_slice %arg2[%arg0, %add3A_501] : memref<2x819200xi32, #tpu.memory_space<hbm>> -> memref<1x128xi32, #tpu.memory_space<hbm>>
        %dma_wait3A_505 = tpu.memref_squeeze %dma_wait3A_504 : memref<1x128xi32, #tpu.memory_space<hbm>> -> memref<128xi32, #tpu.memory_space<hbm>>
        tpu.wait_dma2 semaphore(%arg37 : memref<!tpu.dma_semaphore, #tpu.memory_space<semaphore_mem>>) src(%dma_wait3A_505 : memref<128xi32, #tpu.memory_space<hbm>>) dst(%arg19 : memref<128xi32, #tpu.memory_space<vmem>>)
        %dma_wait3A_506 = tpu.memref_slice %arg3[%add3A_501] : memref<819200xi32, #tpu.memory_space<hbm>> -> memref<128xi32, #tpu.memory_space<hbm>>
        %dma_wait3A_507 = tpu.memref_slice %arg3[%add3A_501] : memref<819200xi32, #tpu.memory_space<hbm>> -> memref<128xi32, #tpu.memory_space<hbm>>
        tpu.wait_dma2 semaphore(%arg37 : memref<!tpu.dma_semaphore, #tpu.memory_space<semaphore_mem>>) src(%dma_wait3A_507 : memref<128xi32, #tpu.memory_space<hbm>>) dst(%arg20 : memref<128xi32, #tpu.memory_space<vmem>>)
        %dma_wait3A_508 = arith.constant 0 : i32
        %dma_wait3A_509 = arith.constant 0 : i32
        %dma_wait3A_510 = tpu.memref_slice %arg32[%dma_wait3A_508, %dma_wait3A_509] : memref<51200x32xf32, #tpu.memory_space<vmem_shared>> -> memref<51200x32xf32, #tpu.memory_space<vmem_shared>>
        tpu.wait_indirect_dma semaphore(%arg38 : memref<!tpu.dma_semaphore, #tpu.memory_space<semaphore_mem>>) src(%arg27 : memref<128x32xf32, #tpu.memory_space<vmem>>) dst(%dma_wait3A_510 : memref<51200x32xf32, #tpu.memory_space<vmem_shared>>)
        %dma_start3A_511 = arith.constant 0 : i32
        %dma_start3A_512 = arith.constant 0 : i32
        %dma_start3A_513 = tpu.memref_slice %arg7[%dma_start3A_511, %dma_start3A_512] : memref<102400x32xf32, #tpu.memory_space<hbm>> -> memref<102400x32xf32, #tpu.memory_space<hbm>>
        tpu.enqueue_indirect_dma source(%dma_start3A_513 : memref<102400x32xf32, #tpu.memory_space<hbm>>) target(%arg27 : memref<128x32xf32, #tpu.memory_space<vmem>>) offsets(%arg19 : memref<128xi32, #tpu.memory_space<vmem>>) semaphore(%arg33 : memref<!tpu.dma_semaphore, #tpu.memory_space<semaphore_mem>>)
        %lt3A = arith.constant 49 : i32
        %lt3A_514 = arith.cmpi slt, %add3A_347, %lt3A : i32
        %convert_element_type3A_515 = arith.extui %lt3A_514 : i1 to i32
        %cond3A_516 = arith.constant 0 : i32
        %cond3A_517 = arith.cmpi ne, %convert_element_type3A_515, %cond3A_516 : i32
        scf.if %cond3A_517 {
          %add3A_614 = arith.constant 4 : i32
          %add3A_615 = arith.addi %add3A_498, %add3A_614 : i32
          %mul3A_616 = arith.constant 128 : i32
          %mul3A_617 = arith.muli %add3A_615, %mul3A_616 : i32
          %add3A_618 = arith.addi %mul3A_2, %mul3A_617 : i32
          %dma_start3A_619 = tpu.memref_slice %arg2[%arg0, %add3A_618] : memref<2x819200xi32, #tpu.memory_space<hbm>> -> memref<1x128xi32, #tpu.memory_space<hbm>>
          %dma_start3A_620 = tpu.memref_squeeze %dma_start3A_619 : memref<1x128xi32, #tpu.memory_space<hbm>> -> memref<128xi32, #tpu.memory_space<hbm>>
          %dma_start3A_621 = tpu.memref_slice %arg2[%arg0, %add3A_618] : memref<2x819200xi32, #tpu.memory_space<hbm>> -> memref<1x128xi32, #tpu.memory_space<hbm>>
          %dma_start3A_622 = tpu.memref_squeeze %dma_start3A_621 : memref<1x128xi32, #tpu.memory_space<hbm>> -> memref<128xi32, #tpu.memory_space<hbm>>
          tpu.enqueue_dma source(%dma_start3A_622 : memref<128xi32, #tpu.memory_space<hbm>>) target(%arg11 : memref<128xi32, #tpu.memory_space<vmem>>) target_semaphore(%arg37 : memref<!tpu.dma_semaphore, #tpu.memory_space<semaphore_mem>>)
          %dma_start3A_623 = tpu.memref_slice %arg3[%add3A_618] : memref<819200xi32, #tpu.memory_space<hbm>> -> memref<128xi32, #tpu.memory_space<hbm>>
          %dma_start3A_624 = tpu.memref_slice %arg3[%add3A_618] : memref<819200xi32, #tpu.memory_space<hbm>> -> memref<128xi32, #tpu.memory_space<hbm>>
          tpu.enqueue_dma source(%dma_start3A_624 : memref<128xi32, #tpu.memory_space<hbm>>) target(%arg12 : memref<128xi32, #tpu.memory_space<vmem>>) target_semaphore(%arg37 : memref<!tpu.dma_semaphore, #tpu.memory_space<semaphore_mem>>)
        } else {
        }
        %dma_wait3A_518 = arith.constant 0 : i32
        %dma_wait3A_519 = arith.constant 0 : i32
        %dma_wait3A_520 = tpu.memref_slice %arg7[%dma_wait3A_518, %dma_wait3A_519] : memref<102400x32xf32, #tpu.memory_space<hbm>> -> memref<102400x32xf32, #tpu.memory_space<hbm>>
        tpu.wait_indirect_dma semaphore(%arg35 : memref<!tpu.dma_semaphore, #tpu.memory_space<semaphore_mem>>) src(%dma_wait3A_520 : memref<102400x32xf32, #tpu.memory_space<hbm>>) dst(%arg28 : memref<128x32xf32, #tpu.memory_space<vmem>>)
        %dma_start3A_521 = arith.constant 0 : i32
        %dma_start3A_522 = arith.constant 0 : i32
        %dma_start3A_523 = tpu.memref_slice %arg32[%dma_start3A_521, %dma_start3A_522] : memref<51200x32xf32, #tpu.memory_space<vmem_shared>> -> memref<51200x32xf32, #tpu.memory_space<vmem_shared>>
        tpu.enqueue_indirect_dma source(%arg28 : memref<128x32xf32, #tpu.memory_space<vmem>>) target(%dma_start3A_523 : memref<51200x32xf32, #tpu.memory_space<vmem_shared>>) offsets(%arg16 : memref<128xi32, #tpu.memory_space<vmem>>) semaphore(%arg40 : memref<!tpu.dma_semaphore, #tpu.memory_space<semaphore_mem>>) {add = true}
        %mul3A_524 = arith.constant 8 : i32
        %mul3A_525 = arith.muli %add3A_347, %mul3A_524 : i32
        %add3A_526 = arith.constant 5 : i32
        %add3A_527 = arith.addi %mul3A_525, %add3A_526 : i32
        %mul3A_528 = arith.constant 128 : i32
        %mul3A_529 = arith.muli %add3A_527, %mul3A_528 : i32
        %add3A_530 = arith.addi %mul3A_2, %mul3A_529 : i32
        %dma_wait3A_531 = tpu.memref_slice %arg2[%arg0, %add3A_530] : memref<2x819200xi32, #tpu.memory_space<hbm>> -> memref<1x128xi32, #tpu.memory_space<hbm>>
        %dma_wait3A_532 = tpu.memref_squeeze %dma_wait3A_531 : memref<1x128xi32, #tpu.memory_space<hbm>> -> memref<128xi32, #tpu.memory_space<hbm>>
        %dma_wait3A_533 = tpu.memref_slice %arg2[%arg0, %add3A_530] : memref<2x819200xi32, #tpu.memory_space<hbm>> -> memref<1x128xi32, #tpu.memory_space<hbm>>
        %dma_wait3A_534 = tpu.memref_squeeze %dma_wait3A_533 : memref<1x128xi32, #tpu.memory_space<hbm>> -> memref<128xi32, #tpu.memory_space<hbm>>
        tpu.wait_dma2 semaphore(%arg37 : memref<!tpu.dma_semaphore, #tpu.memory_space<semaphore_mem>>) src(%dma_wait3A_534 : memref<128xi32, #tpu.memory_space<hbm>>) dst(%arg21 : memref<128xi32, #tpu.memory_space<vmem>>)
        %dma_wait3A_535 = tpu.memref_slice %arg3[%add3A_530] : memref<819200xi32, #tpu.memory_space<hbm>> -> memref<128xi32, #tpu.memory_space<hbm>>
        %dma_wait3A_536 = tpu.memref_slice %arg3[%add3A_530] : memref<819200xi32, #tpu.memory_space<hbm>> -> memref<128xi32, #tpu.memory_space<hbm>>
        tpu.wait_dma2 semaphore(%arg37 : memref<!tpu.dma_semaphore, #tpu.memory_space<semaphore_mem>>) src(%dma_wait3A_536 : memref<128xi32, #tpu.memory_space<hbm>>) dst(%arg22 : memref<128xi32, #tpu.memory_space<vmem>>)
        %dma_wait3A_537 = arith.constant 0 : i32
        %dma_wait3A_538 = arith.constant 0 : i32
        %dma_wait3A_539 = tpu.memref_slice %arg32[%dma_wait3A_537, %dma_wait3A_538] : memref<51200x32xf32, #tpu.memory_space<vmem_shared>> -> memref<51200x32xf32, #tpu.memory_space<vmem_shared>>
        tpu.wait_indirect_dma semaphore(%arg39 : memref<!tpu.dma_semaphore, #tpu.memory_space<semaphore_mem>>) src(%arg30 : memref<128x32xf32, #tpu.memory_space<vmem>>) dst(%dma_wait3A_539 : memref<51200x32xf32, #tpu.memory_space<vmem_shared>>)
        %dma_start3A_540 = arith.constant 0 : i32
        %dma_start3A_541 = arith.constant 0 : i32
        %dma_start3A_542 = tpu.memref_slice %arg7[%dma_start3A_540, %dma_start3A_541] : memref<102400x32xf32, #tpu.memory_space<hbm>> -> memref<102400x32xf32, #tpu.memory_space<hbm>>
        tpu.enqueue_indirect_dma source(%dma_start3A_542 : memref<102400x32xf32, #tpu.memory_space<hbm>>) target(%arg30 : memref<128x32xf32, #tpu.memory_space<vmem>>) offsets(%arg21 : memref<128xi32, #tpu.memory_space<vmem>>) semaphore(%arg34 : memref<!tpu.dma_semaphore, #tpu.memory_space<semaphore_mem>>)
        %lt3A_543 = arith.constant 49 : i32
        %lt3A_544 = arith.cmpi slt, %add3A_347, %lt3A_543 : i32
        %convert_element_type3A_545 = arith.extui %lt3A_544 : i1 to i32
        %cond3A_546 = arith.constant 0 : i32
        %cond3A_547 = arith.cmpi ne, %convert_element_type3A_545, %cond3A_546 : i32
        scf.if %cond3A_547 {
          %add3A_614 = arith.constant 4 : i32
          %add3A_615 = arith.addi %add3A_527, %add3A_614 : i32
          %mul3A_616 = arith.constant 128 : i32
          %mul3A_617 = arith.muli %add3A_615, %mul3A_616 : i32
          %add3A_618 = arith.addi %mul3A_2, %mul3A_617 : i32
          %dma_start3A_619 = tpu.memref_slice %arg2[%arg0, %add3A_618] : memref<2x819200xi32, #tpu.memory_space<hbm>> -> memref<1x128xi32, #tpu.memory_space<hbm>>
          %dma_start3A_620 = tpu.memref_squeeze %dma_start3A_619 : memref<1x128xi32, #tpu.memory_space<hbm>> -> memref<128xi32, #tpu.memory_space<hbm>>
          %dma_start3A_621 = tpu.memref_slice %arg2[%arg0, %add3A_618] : memref<2x819200xi32, #tpu.memory_space<hbm>> -> memref<1x128xi32, #tpu.memory_space<hbm>>
          %dma_start3A_622 = tpu.memref_squeeze %dma_start3A_621 : memref<1x128xi32, #tpu.memory_space<hbm>> -> memref<128xi32, #tpu.memory_space<hbm>>
          tpu.enqueue_dma source(%dma_start3A_622 : memref<128xi32, #tpu.memory_space<hbm>>) target(%arg13 : memref<128xi32, #tpu.memory_space<vmem>>) target_semaphore(%arg37 : memref<!tpu.dma_semaphore, #tpu.memory_space<semaphore_mem>>)
          %dma_start3A_623 = tpu.memref_slice %arg3[%add3A_618] : memref<819200xi32, #tpu.memory_space<hbm>> -> memref<128xi32, #tpu.memory_space<hbm>>
          %dma_start3A_624 = tpu.memref_slice %arg3[%add3A_618] : memref<819200xi32, #tpu.memory_space<hbm>> -> memref<128xi32, #tpu.memory_space<hbm>>
          tpu.enqueue_dma source(%dma_start3A_624 : memref<128xi32, #tpu.memory_space<hbm>>) target(%arg14 : memref<128xi32, #tpu.memory_space<vmem>>) target_semaphore(%arg37 : memref<!tpu.dma_semaphore, #tpu.memory_space<semaphore_mem>>)
        } else {
        }
        %dma_wait3A_548 = arith.constant 0 : i32
        %dma_wait3A_549 = arith.constant 0 : i32
        %dma_wait3A_550 = tpu.memref_slice %arg7[%dma_wait3A_548, %dma_wait3A_549] : memref<102400x32xf32, #tpu.memory_space<hbm>> -> memref<102400x32xf32, #tpu.memory_space<hbm>>
        tpu.wait_indirect_dma semaphore(%arg36 : memref<!tpu.dma_semaphore, #tpu.memory_space<semaphore_mem>>) src(%dma_wait3A_550 : memref<102400x32xf32, #tpu.memory_space<hbm>>) dst(%arg29 : memref<128x32xf32, #tpu.memory_space<vmem>>)
        %dma_start3A_551 = arith.constant 0 : i32
        %dma_start3A_552 = arith.constant 0 : i32
        %dma_start3A_553 = tpu.memref_slice %arg32[%dma_start3A_551, %dma_start3A_552] : memref<51200x32xf32, #tpu.memory_space<vmem_shared>> -> memref<51200x32xf32, #tpu.memory_space<vmem_shared>>
        tpu.enqueue_indirect_dma source(%arg29 : memref<128x32xf32, #tpu.memory_space<vmem>>) target(%dma_start3A_553 : memref<51200x32xf32, #tpu.memory_space<vmem_shared>>) offsets(%arg18 : memref<128xi32, #tpu.memory_space<vmem>>) semaphore(%arg41 : memref<!tpu.dma_semaphore, #tpu.memory_space<semaphore_mem>>) {add = true}
        %mul3A_554 = arith.constant 8 : i32
        %mul3A_555 = arith.muli %add3A_347, %mul3A_554 : i32
        %add3A_556 = arith.constant 6 : i32
        %add3A_557 = arith.addi %mul3A_555, %add3A_556 : i32
        %mul3A_558 = arith.constant 128 : i32
        %mul3A_559 = arith.muli %add3A_557, %mul3A_558 : i32
        %add3A_560 = arith.addi %mul3A_2, %mul3A_559 : i32
        %dma_wait3A_561 = tpu.memref_slice %arg2[%arg0, %add3A_560] : memref<2x819200xi32, #tpu.memory_space<hbm>> -> memref<1x128xi32, #tpu.memory_space<hbm>>
        %dma_wait3A_562 = tpu.memref_squeeze %dma_wait3A_561 : memref<1x128xi32, #tpu.memory_space<hbm>> -> memref<128xi32, #tpu.memory_space<hbm>>
        %dma_wait3A_563 = tpu.memref_slice %arg2[%arg0, %add3A_560] : memref<2x819200xi32, #tpu.memory_space<hbm>> -> memref<1x128xi32, #tpu.memory_space<hbm>>
        %dma_wait3A_564 = tpu.memref_squeeze %dma_wait3A_563 : memref<1x128xi32, #tpu.memory_space<hbm>> -> memref<128xi32, #tpu.memory_space<hbm>>
        tpu.wait_dma2 semaphore(%arg37 : memref<!tpu.dma_semaphore, #tpu.memory_space<semaphore_mem>>) src(%dma_wait3A_564 : memref<128xi32, #tpu.memory_space<hbm>>) dst(%arg23 : memref<128xi32, #tpu.memory_space<vmem>>)
        %dma_wait3A_565 = tpu.memref_slice %arg3[%add3A_560] : memref<819200xi32, #tpu.memory_space<hbm>> -> memref<128xi32, #tpu.memory_space<hbm>>
        %dma_wait3A_566 = tpu.memref_slice %arg3[%add3A_560] : memref<819200xi32, #tpu.memory_space<hbm>> -> memref<128xi32, #tpu.memory_space<hbm>>
        tpu.wait_dma2 semaphore(%arg37 : memref<!tpu.dma_semaphore, #tpu.memory_space<semaphore_mem>>) src(%dma_wait3A_566 : memref<128xi32, #tpu.memory_space<hbm>>) dst(%arg24 : memref<128xi32, #tpu.memory_space<vmem>>)
        %dma_wait3A_567 = arith.constant 0 : i32
        %dma_wait3A_568 = arith.constant 0 : i32
        %dma_wait3A_569 = tpu.memref_slice %arg32[%dma_wait3A_567, %dma_wait3A_568] : memref<51200x32xf32, #tpu.memory_space<vmem_shared>> -> memref<51200x32xf32, #tpu.memory_space<vmem_shared>>
        tpu.wait_indirect_dma semaphore(%arg40 : memref<!tpu.dma_semaphore, #tpu.memory_space<semaphore_mem>>) src(%arg28 : memref<128x32xf32, #tpu.memory_space<vmem>>) dst(%dma_wait3A_569 : memref<51200x32xf32, #tpu.memory_space<vmem_shared>>)
        %dma_start3A_570 = arith.constant 0 : i32
        %dma_start3A_571 = arith.constant 0 : i32
        %dma_start3A_572 = tpu.memref_slice %arg7[%dma_start3A_570, %dma_start3A_571] : memref<102400x32xf32, #tpu.memory_space<hbm>> -> memref<102400x32xf32, #tpu.memory_space<hbm>>
        tpu.enqueue_indirect_dma source(%dma_start3A_572 : memref<102400x32xf32, #tpu.memory_space<hbm>>) target(%arg28 : memref<128x32xf32, #tpu.memory_space<vmem>>) offsets(%arg23 : memref<128xi32, #tpu.memory_space<vmem>>) semaphore(%arg35 : memref<!tpu.dma_semaphore, #tpu.memory_space<semaphore_mem>>)
        %lt3A_573 = arith.constant 49 : i32
        %lt3A_574 = arith.cmpi slt, %add3A_347, %lt3A_573 : i32
        %convert_element_type3A_575 = arith.extui %lt3A_574 : i1 to i32
        %cond3A_576 = arith.constant 0 : i32
        %cond3A_577 = arith.cmpi ne, %convert_element_type3A_575, %cond3A_576 : i32
        scf.if %cond3A_577 {
          %add3A_614 = arith.constant 4 : i32
          %add3A_615 = arith.addi %add3A_557, %add3A_614 : i32
          %mul3A_616 = arith.constant 128 : i32
          %mul3A_617 = arith.muli %add3A_615, %mul3A_616 : i32
          %add3A_618 = arith.addi %mul3A_2, %mul3A_617 : i32
          %dma_start3A_619 = tpu.memref_slice %arg2[%arg0, %add3A_618] : memref<2x819200xi32, #tpu.memory_space<hbm>> -> memref<1x128xi32, #tpu.memory_space<hbm>>
          %dma_start3A_620 = tpu.memref_squeeze %dma_start3A_619 : memref<1x128xi32, #tpu.memory_space<hbm>> -> memref<128xi32, #tpu.memory_space<hbm>>
          %dma_start3A_621 = tpu.memref_slice %arg2[%arg0, %add3A_618] : memref<2x819200xi32, #tpu.memory_space<hbm>> -> memref<1x128xi32, #tpu.memory_space<hbm>>
          %dma_start3A_622 = tpu.memref_squeeze %dma_start3A_621 : memref<1x128xi32, #tpu.memory_space<hbm>> -> memref<128xi32, #tpu.memory_space<hbm>>
          tpu.enqueue_dma source(%dma_start3A_622 : memref<128xi32, #tpu.memory_space<hbm>>) target(%arg15 : memref<128xi32, #tpu.memory_space<vmem>>) target_semaphore(%arg37 : memref<!tpu.dma_semaphore, #tpu.memory_space<semaphore_mem>>)
          %dma_start3A_623 = tpu.memref_slice %arg3[%add3A_618] : memref<819200xi32, #tpu.memory_space<hbm>> -> memref<128xi32, #tpu.memory_space<hbm>>
          %dma_start3A_624 = tpu.memref_slice %arg3[%add3A_618] : memref<819200xi32, #tpu.memory_space<hbm>> -> memref<128xi32, #tpu.memory_space<hbm>>
          tpu.enqueue_dma source(%dma_start3A_624 : memref<128xi32, #tpu.memory_space<hbm>>) target(%arg16 : memref<128xi32, #tpu.memory_space<vmem>>) target_semaphore(%arg37 : memref<!tpu.dma_semaphore, #tpu.memory_space<semaphore_mem>>)
        } else {
        }
        %dma_wait3A_578 = arith.constant 0 : i32
        %dma_wait3A_579 = arith.constant 0 : i32
        %dma_wait3A_580 = tpu.memref_slice %arg7[%dma_wait3A_578, %dma_wait3A_579] : memref<102400x32xf32, #tpu.memory_space<hbm>> -> memref<102400x32xf32, #tpu.memory_space<hbm>>
        tpu.wait_indirect_dma semaphore(%arg33 : memref<!tpu.dma_semaphore, #tpu.memory_space<semaphore_mem>>) src(%dma_wait3A_580 : memref<102400x32xf32, #tpu.memory_space<hbm>>) dst(%arg27 : memref<128x32xf32, #tpu.memory_space<vmem>>)
        %dma_start3A_581 = arith.constant 0 : i32
        %dma_start3A_582 = arith.constant 0 : i32
        %dma_start3A_583 = tpu.memref_slice %arg32[%dma_start3A_581, %dma_start3A_582] : memref<51200x32xf32, #tpu.memory_space<vmem_shared>> -> memref<51200x32xf32, #tpu.memory_space<vmem_shared>>
        tpu.enqueue_indirect_dma source(%arg27 : memref<128x32xf32, #tpu.memory_space<vmem>>) target(%dma_start3A_583 : memref<51200x32xf32, #tpu.memory_space<vmem_shared>>) offsets(%arg20 : memref<128xi32, #tpu.memory_space<vmem>>) semaphore(%arg38 : memref<!tpu.dma_semaphore, #tpu.memory_space<semaphore_mem>>) {add = true}
        %mul3A_584 = arith.constant 8 : i32
        %mul3A_585 = arith.muli %add3A_347, %mul3A_584 : i32
        %add3A_586 = arith.constant 7 : i32
        %add3A_587 = arith.addi %mul3A_585, %add3A_586 : i32
        %mul3A_588 = arith.constant 128 : i32
        %mul3A_589 = arith.muli %add3A_587, %mul3A_588 : i32
        %add3A_590 = arith.addi %mul3A_2, %mul3A_589 : i32
        %dma_wait3A_591 = tpu.memref_slice %arg2[%arg0, %add3A_590] : memref<2x819200xi32, #tpu.memory_space<hbm>> -> memref<1x128xi32, #tpu.memory_space<hbm>>
        %dma_wait3A_592 = tpu.memref_squeeze %dma_wait3A_591 : memref<1x128xi32, #tpu.memory_space<hbm>> -> memref<128xi32, #tpu.memory_space<hbm>>
        %dma_wait3A_593 = tpu.memref_slice %arg2[%arg0, %add3A_590] : memref<2x819200xi32, #tpu.memory_space<hbm>> -> memref<1x128xi32, #tpu.memory_space<hbm>>
        %dma_wait3A_594 = tpu.memref_squeeze %dma_wait3A_593 : memref<1x128xi32, #tpu.memory_space<hbm>> -> memref<128xi32, #tpu.memory_space<hbm>>
        tpu.wait_dma2 semaphore(%arg37 : memref<!tpu.dma_semaphore, #tpu.memory_space<semaphore_mem>>) src(%dma_wait3A_594 : memref<128xi32, #tpu.memory_space<hbm>>) dst(%arg25 : memref<128xi32, #tpu.memory_space<vmem>>)
        %dma_wait3A_595 = tpu.memref_slice %arg3[%add3A_590] : memref<819200xi32, #tpu.memory_space<hbm>> -> memref<128xi32, #tpu.memory_space<hbm>>
        %dma_wait3A_596 = tpu.memref_slice %arg3[%add3A_590] : memref<819200xi32, #tpu.memory_space<hbm>> -> memref<128xi32, #tpu.memory_space<hbm>>
        tpu.wait_dma2 semaphore(%arg37 : memref<!tpu.dma_semaphore, #tpu.memory_space<semaphore_mem>>) src(%dma_wait3A_596 : memref<128xi32, #tpu.memory_space<hbm>>) dst(%arg26 : memref<128xi32, #tpu.memory_space<vmem>>)
        %dma_wait3A_597 = arith.constant 0 : i32
        %dma_wait3A_598 = arith.constant 0 : i32
        %dma_wait3A_599 = tpu.memref_slice %arg32[%dma_wait3A_597, %dma_wait3A_598] : memref<51200x32xf32, #tpu.memory_space<vmem_shared>> -> memref<51200x32xf32, #tpu.memory_space<vmem_shared>>
        tpu.wait_indirect_dma semaphore(%arg41 : memref<!tpu.dma_semaphore, #tpu.memory_space<semaphore_mem>>) src(%arg29 : memref<128x32xf32, #tpu.memory_space<vmem>>) dst(%dma_wait3A_599 : memref<51200x32xf32, #tpu.memory_space<vmem_shared>>)
        %dma_start3A_600 = arith.constant 0 : i32
        %dma_start3A_601 = arith.constant 0 : i32
        %dma_start3A_602 = tpu.memref_slice %arg7[%dma_start3A_600, %dma_start3A_601] : memref<102400x32xf32, #tpu.memory_space<hbm>> -> memref<102400x32xf32, #tpu.memory_space<hbm>>
        tpu.enqueue_indirect_dma source(%dma_start3A_602 : memref<102400x32xf32, #tpu.memory_space<hbm>>) target(%arg29 : memref<128x32xf32, #tpu.memory_space<vmem>>) offsets(%arg25 : memref<128xi32, #tpu.memory_space<vmem>>) semaphore(%arg36 : memref<!tpu.dma_semaphore, #tpu.memory_space<semaphore_mem>>)
        %lt3A_603 = arith.constant 49 : i32
        %lt3A_604 = arith.cmpi slt, %add3A_347, %lt3A_603 : i32
        %convert_element_type3A_605 = arith.extui %lt3A_604 : i1 to i32
        %cond3A_606 = arith.constant 0 : i32
        %cond3A_607 = arith.cmpi ne, %convert_element_type3A_605, %cond3A_606 : i32
        scf.if %cond3A_607 {
          %add3A_614 = arith.constant 4 : i32
          %add3A_615 = arith.addi %add3A_587, %add3A_614 : i32
          %mul3A_616 = arith.constant 128 : i32
          %mul3A_617 = arith.muli %add3A_615, %mul3A_616 : i32
          %add3A_618 = arith.addi %mul3A_2, %mul3A_617 : i32
          %dma_start3A_619 = tpu.memref_slice %arg2[%arg0, %add3A_618] : memref<2x819200xi32, #tpu.memory_space<hbm>> -> memref<1x128xi32, #tpu.memory_space<hbm>>
          %dma_start3A_620 = tpu.memref_squeeze %dma_start3A_619 : memref<1x128xi32, #tpu.memory_space<hbm>> -> memref<128xi32, #tpu.memory_space<hbm>>
          %dma_start3A_621 = tpu.memref_slice %arg2[%arg0, %add3A_618] : memref<2x819200xi32, #tpu.memory_space<hbm>> -> memref<1x128xi32, #tpu.memory_space<hbm>>
          %dma_start3A_622 = tpu.memref_squeeze %dma_start3A_621 : memref<1x128xi32, #tpu.memory_space<hbm>> -> memref<128xi32, #tpu.memory_space<hbm>>
          tpu.enqueue_dma source(%dma_start3A_622 : memref<128xi32, #tpu.memory_space<hbm>>) target(%arg17 : memref<128xi32, #tpu.memory_space<vmem>>) target_semaphore(%arg37 : memref<!tpu.dma_semaphore, #tpu.memory_space<semaphore_mem>>)
          %dma_start3A_623 = tpu.memref_slice %arg3[%add3A_618] : memref<819200xi32, #tpu.memory_space<hbm>> -> memref<128xi32, #tpu.memory_space<hbm>>
          %dma_start3A_624 = tpu.memref_slice %arg3[%add3A_618] : memref<819200xi32, #tpu.memory_space<hbm>> -> memref<128xi32, #tpu.memory_space<hbm>>
          tpu.enqueue_dma source(%dma_start3A_624 : memref<128xi32, #tpu.memory_space<hbm>>) target(%arg18 : memref<128xi32, #tpu.memory_space<vmem>>) target_semaphore(%arg37 : memref<!tpu.dma_semaphore, #tpu.memory_space<semaphore_mem>>)
        } else {
        }
        %dma_wait3A_608 = arith.constant 0 : i32
        %dma_wait3A_609 = arith.constant 0 : i32
        %dma_wait3A_610 = tpu.memref_slice %arg7[%dma_wait3A_608, %dma_wait3A_609] : memref<102400x32xf32, #tpu.memory_space<hbm>> -> memref<102400x32xf32, #tpu.memory_space<hbm>>
        tpu.wait_indirect_dma semaphore(%arg34 : memref<!tpu.dma_semaphore, #tpu.memory_space<semaphore_mem>>) src(%dma_wait3A_610 : memref<102400x32xf32, #tpu.memory_space<hbm>>) dst(%arg30 : memref<128x32xf32, #tpu.memory_space<vmem>>)
        %dma_start3A_611 = arith.constant 0 : i32
        %dma_start3A_612 = arith.constant 0 : i32
        %dma_start3A_613 = tpu.memref_slice %arg32[%dma_start3A_611, %dma_start3A_612] : memref<51200x32xf32, #tpu.memory_space<vmem_shared>> -> memref<51200x32xf32, #tpu.memory_space<vmem_shared>>
        tpu.enqueue_indirect_dma source(%arg30 : memref<128x32xf32, #tpu.memory_space<vmem>>) target(%dma_start3A_613 : memref<51200x32xf32, #tpu.memory_space<vmem_shared>>) offsets(%arg22 : memref<128xi32, #tpu.memory_space<vmem>>) semaphore(%arg39 : memref<!tpu.dma_semaphore, #tpu.memory_space<semaphore_mem>>) {add = true}
      }
      %scan3A_230 = arith.constant 50 : i32
      %dma_wait3A_231 = arith.constant 0 : i32
      %dma_wait3A_232 = arith.constant 0 : i32
      %dma_wait3A_233 = tpu.memref_slice %arg7[%dma_wait3A_231, %dma_wait3A_232] : memref<102400x32xf32, #tpu.memory_space<hbm>> -> memref<102400x32xf32, #tpu.memory_space<hbm>>
      tpu.wait_indirect_dma semaphore(%arg35 : memref<!tpu.dma_semaphore, #tpu.memory_space<semaphore_mem>>) src(%dma_wait3A_233 : memref<102400x32xf32, #tpu.memory_space<hbm>>) dst(%arg28 : memref<128x32xf32, #tpu.memory_space<vmem>>)
      %dma_start3A_234 = arith.constant 0 : i32
      %dma_start3A_235 = arith.constant 0 : i32
      %dma_start3A_236 = tpu.memref_slice %arg32[%dma_start3A_234, %dma_start3A_235] : memref<51200x32xf32, #tpu.memory_space<vmem_shared>> -> memref<51200x32xf32, #tpu.memory_space<vmem_shared>>
      tpu.enqueue_indirect_dma source(%arg28 : memref<128x32xf32, #tpu.memory_space<vmem>>) target(%dma_start3A_236 : memref<51200x32xf32, #tpu.memory_space<vmem_shared>>) offsets(%arg24 : memref<128xi32, #tpu.memory_space<vmem>>) semaphore(%arg40 : memref<!tpu.dma_semaphore, #tpu.memory_space<semaphore_mem>>) {add = true}
      %dma_wait3A_237 = arith.constant 0 : i32
      %dma_wait3A_238 = arith.constant 0 : i32
      %dma_wait3A_239 = tpu.memref_slice %arg7[%dma_wait3A_237, %dma_wait3A_238] : memref<102400x32xf32, #tpu.memory_space<hbm>> -> memref<102400x32xf32, #tpu.memory_space<hbm>>
      tpu.wait_indirect_dma semaphore(%arg36 : memref<!tpu.dma_semaphore, #tpu.memory_space<semaphore_mem>>) src(%dma_wait3A_239 : memref<102400x32xf32, #tpu.memory_space<hbm>>) dst(%arg29 : memref<128x32xf32, #tpu.memory_space<vmem>>)
      %dma_start3A_240 = arith.constant 0 : i32
      %dma_start3A_241 = arith.constant 0 : i32
      %dma_start3A_242 = tpu.memref_slice %arg32[%dma_start3A_240, %dma_start3A_241] : memref<51200x32xf32, #tpu.memory_space<vmem_shared>> -> memref<51200x32xf32, #tpu.memory_space<vmem_shared>>
      tpu.enqueue_indirect_dma source(%arg29 : memref<128x32xf32, #tpu.memory_space<vmem>>) target(%dma_start3A_242 : memref<51200x32xf32, #tpu.memory_space<vmem_shared>>) offsets(%arg26 : memref<128xi32, #tpu.memory_space<vmem>>) semaphore(%arg41 : memref<!tpu.dma_semaphore, #tpu.memory_space<semaphore_mem>>) {add = true}
      %dma_wait3A_243 = arith.constant 0 : i32
      %dma_wait3A_244 = arith.constant 0 : i32
      %dma_wait3A_245 = tpu.memref_slice %arg32[%dma_wait3A_243, %dma_wait3A_244] : memref<51200x32xf32, #tpu.memory_space<vmem_shared>> -> memref<51200x32xf32, #tpu.memory_space<vmem_shared>>
      tpu.wait_indirect_dma semaphore(%arg38 : memref<!tpu.dma_semaphore, #tpu.memory_space<semaphore_mem>>) src(%arg27 : memref<128x32xf32, #tpu.memory_space<vmem>>) dst(%dma_wait3A_245 : memref<51200x32xf32, #tpu.memory_space<vmem_shared>>)
      %dma_wait3A_246 = arith.constant 0 : i32
      %dma_wait3A_247 = arith.constant 0 : i32
      %dma_wait3A_248 = tpu.memref_slice %arg32[%dma_wait3A_246, %dma_wait3A_247] : memref<51200x32xf32, #tpu.memory_space<vmem_shared>> -> memref<51200x32xf32, #tpu.memory_space<vmem_shared>>
      tpu.wait_indirect_dma semaphore(%arg39 : memref<!tpu.dma_semaphore, #tpu.memory_space<semaphore_mem>>) src(%arg30 : memref<128x32xf32, #tpu.memory_space<vmem>>) dst(%dma_wait3A_248 : memref<51200x32xf32, #tpu.memory_space<vmem_shared>>)
      %dma_wait3A_249 = arith.constant 0 : i32
      %dma_wait3A_250 = arith.constant 0 : i32
      %dma_wait3A_251 = tpu.memref_slice %arg32[%dma_wait3A_249, %dma_wait3A_250] : memref<51200x32xf32, #tpu.memory_space<vmem_shared>> -> memref<51200x32xf32, #tpu.memory_space<vmem_shared>>
      tpu.wait_indirect_dma semaphore(%arg40 : memref<!tpu.dma_semaphore, #tpu.memory_space<semaphore_mem>>) src(%arg28 : memref<128x32xf32, #tpu.memory_space<vmem>>) dst(%dma_wait3A_251 : memref<51200x32xf32, #tpu.memory_space<vmem_shared>>)
      %dma_wait3A_252 = arith.constant 0 : i32
      %dma_wait3A_253 = arith.constant 0 : i32
      %dma_wait3A_254 = tpu.memref_slice %arg32[%dma_wait3A_252, %dma_wait3A_253] : memref<51200x32xf32, #tpu.memory_space<vmem_shared>> -> memref<51200x32xf32, #tpu.memory_space<vmem_shared>>
      tpu.wait_indirect_dma semaphore(%arg41 : memref<!tpu.dma_semaphore, #tpu.memory_space<semaphore_mem>>) src(%arg29 : memref<128x32xf32, #tpu.memory_space<vmem>>) dst(%dma_wait3A_254 : memref<51200x32xf32, #tpu.memory_space<vmem_shared>>)
      %barrier3A_255 = arith.constant 0 : index
      tpu.barrier barrier_id(%barrier3A_255)
      %eq3A = arith.constant 3 : i32
      %eq3A_256 = arith.cmpi eq, %add3A_193, %eq3A : i32
      %scan3A_257 = arith.constant 0 : i32
      %scan3A_258 = arith.constant 25 : i32
      %scan3A_259 = arith.addi %scan3A_257, %scan3A_258 : i32
      %scan3A_260 = arith.constant 1 : i32
      scf.for %scan3A_343 = %scan3A_257 to %scan3A_259 step %scan3A_260  : i32 {
        %mul3A_344 = arith.constant 1 : i32
        %mul3A_345 = arith.muli %scan3A_343, %mul3A_344 : i32
        %add3A_346 = arith.constant 0 : i32
        %add3A_347 = arith.addi %add3A_346, %mul3A_345 : i32
        %mul3A_348 = arith.constant 128 : i32
        %mul3A_349 = arith.muli %add3A_347, %mul3A_348 : i32
        %add3A_350 = arith.addi %add3A, %mul3A_349 : i32
        %not3A = arith.constant true
        %not3A_351 = arith.xori %eq3A_256, %not3A : i1
        %convert_element_type3A = arith.extui %not3A_351 : i1 to i32
        %cond3A = arith.constant 0 : i32
        %cond3A_352 = arith.cmpi ne, %convert_element_type3A, %cond3A : i32
        scf.if %cond3A_352 {
          "tpu.region"() ({
            %run_scoped3A = tpu.sem_alloc : memref<!tpu.dma_semaphore, #tpu.memory_space<semaphore_mem>>
            %dma_start3A_466 = arith.constant 0 : i32
            %dma_start3A_467 = tpu.memref_slice %arg5[%add3A_350, %dma_start3A_466] : memref<102400x32xf32, #tpu.memory_space<hbm>> -> memref<128x32xf32, #tpu.memory_space<hbm>>
            %dma_start3A_468 = arith.constant 0 : i32
            %dma_start3A_469 = tpu.memref_slice %arg5[%add3A_350, %dma_start3A_468] : memref<102400x32xf32, #tpu.memory_space<hbm>> -> memref<128x32xf32, #tpu.memory_space<hbm>>
            tpu.enqueue_dma source(%dma_start3A_469 : memref<128x32xf32, #tpu.memory_space<hbm>>) target(%arg28 : memref<128x32xf32, #tpu.memory_space<vmem>>) target_semaphore(%run_scoped3A : memref<!tpu.dma_semaphore, #tpu.memory_space<semaphore_mem>>)
            %dma_wait3A_470 = arith.constant 0 : i32
            %dma_wait3A_471 = tpu.memref_slice %arg5[%add3A_350, %dma_wait3A_470] : memref<102400x32xf32, #tpu.memory_space<hbm>> -> memref<128x32xf32, #tpu.memory_space<hbm>>
            %dma_wait3A_472 = arith.constant 0 : i32
            %dma_wait3A_473 = tpu.memref_slice %arg5[%add3A_350, %dma_wait3A_472] : memref<102400x32xf32, #tpu.memory_space<hbm>> -> memref<128x32xf32, #tpu.memory_space<hbm>>
            tpu.wait_dma2 semaphore(%run_scoped3A : memref<!tpu.dma_semaphore, #tpu.memory_space<semaphore_mem>>) src(%dma_wait3A_473 : memref<128x32xf32, #tpu.memory_space<hbm>>) dst(%arg28 : memref<128x32xf32, #tpu.memory_space<vmem>>)
            tpu.yield
          }) : () -> ()
        } else {
        }
        %convert_element_type3A_353 = arith.extui %eq3A_256 : i1 to i32
        %cond3A_354 = arith.constant 0 : i32
        %cond3A_355 = arith.cmpi ne, %convert_element_type3A_353, %cond3A_354 : i32
        scf.if %cond3A_355 {
          "tpu.region"() ({
            %run_scoped3A = tpu.sem_alloc : memref<!tpu.dma_semaphore, #tpu.memory_space<semaphore_mem>>
            %dma_start3A_466 = arith.constant 0 : i32
            %dma_start3A_467 = tpu.memref_slice %arg4[%add3A_350, %dma_start3A_466] : memref<102400x32xf32, #tpu.memory_space<hbm>> -> memref<128x32xf32, #tpu.memory_space<hbm>>
            %dma_start3A_468 = arith.constant 0 : i32
            %dma_start3A_469 = tpu.memref_slice %arg4[%add3A_350, %dma_start3A_468] : memref<102400x32xf32, #tpu.memory_space<hbm>> -> memref<128x32xf32, #tpu.memory_space<hbm>>
            tpu.enqueue_dma source(%dma_start3A_469 : memref<128x32xf32, #tpu.memory_space<hbm>>) target(%arg28 : memref<128x32xf32, #tpu.memory_space<vmem>>) target_semaphore(%run_scoped3A : memref<!tpu.dma_semaphore, #tpu.memory_space<semaphore_mem>>)
            %dma_wait3A_470 = arith.constant 0 : i32
            %dma_wait3A_471 = tpu.memref_slice %arg4[%add3A_350, %dma_wait3A_470] : memref<102400x32xf32, #tpu.memory_space<hbm>> -> memref<128x32xf32, #tpu.memory_space<hbm>>
            %dma_wait3A_472 = arith.constant 0 : i32
            %dma_wait3A_473 = tpu.memref_slice %arg4[%add3A_350, %dma_wait3A_472] : memref<102400x32xf32, #tpu.memory_space<hbm>> -> memref<128x32xf32, #tpu.memory_space<hbm>>
            tpu.wait_dma2 semaphore(%run_scoped3A : memref<!tpu.dma_semaphore, #tpu.memory_space<semaphore_mem>>) src(%dma_wait3A_473 : memref<128x32xf32, #tpu.memory_space<hbm>>) dst(%arg28 : memref<128x32xf32, #tpu.memory_space<vmem>>)
            tpu.yield
          }) : () -> ()
        } else {
        }
        %mul3A_356 = arith.constant 3200 : i32
        %mul3A_357 = arith.muli %arg1, %mul3A_356 : i32
        %mul3A_358 = arith.constant 128 : i32
        %mul3A_359 = arith.muli %add3A_347, %mul3A_358 : i32
        %add3A_360 = arith.addi %mul3A_357, %mul3A_359 : i32
        "tpu.region"() ({
          %run_scoped3A = tpu.sem_alloc : memref<!tpu.dma_semaphore, #tpu.memory_space<semaphore_mem>>
          %dma_start3A_466 = arith.constant 0 : i32
          %dma_start3A_467 = tpu.memref_slice %arg32[%add3A_360, %dma_start3A_466] : memref<51200x32xf32, #tpu.memory_space<vmem_shared>> -> memref<128x32xf32, #tpu.memory_space<vmem_shared>>
          %dma_start3A_468 = arith.constant 0 : i32
          %dma_start3A_469 = tpu.memref_slice %arg32[%add3A_360, %dma_start3A_468] : memref<51200x32xf32, #tpu.memory_space<vmem_shared>> -> memref<128x32xf32, #tpu.memory_space<vmem_shared>>
          tpu.enqueue_dma source(%dma_start3A_469 : memref<128x32xf32, #tpu.memory_space<vmem_shared>>) target(%arg29 : memref<128x32xf32, #tpu.memory_space<vmem>>) target_semaphore(%run_scoped3A : memref<!tpu.dma_semaphore, #tpu.memory_space<semaphore_mem>>)
          %dma_wait3A_470 = arith.constant 0 : i32
          %dma_wait3A_471 = tpu.memref_slice %arg32[%add3A_360, %dma_wait3A_470] : memref<51200x32xf32, #tpu.memory_space<vmem_shared>> -> memref<128x32xf32, #tpu.memory_space<vmem_shared>>
          %dma_wait3A_472 = arith.constant 0 : i32
          %dma_wait3A_473 = tpu.memref_slice %arg32[%add3A_360, %dma_wait3A_472] : memref<51200x32xf32, #tpu.memory_space<vmem_shared>> -> memref<128x32xf32, #tpu.memory_space<vmem_shared>>
          tpu.wait_dma2 semaphore(%run_scoped3A : memref<!tpu.dma_semaphore, #tpu.memory_space<semaphore_mem>>) src(%dma_wait3A_473 : memref<128x32xf32, #tpu.memory_space<vmem_shared>>) dst(%arg29 : memref<128x32xf32, #tpu.memory_space<vmem>>)
          tpu.yield
        }) : () -> ()
        %scan3A_361 = arith.constant 0 : i32
        %scan3A_362 = arith.constant 128 : i32
        %scan3A_363 = arith.addi %scan3A_361, %scan3A_362 : i32
        %scan3A_364 = arith.constant 1 : i32
        scf.for %scan3A_466 = %scan3A_361 to %scan3A_363 step %scan3A_364  : i32 {
          %mul3A_467 = arith.constant 1 : i32
          %mul3A_468 = arith.muli %scan3A_466, %mul3A_467 : i32
          %add3A_469 = arith.constant 0 : i32
          %add3A_470 = arith.addi %add3A_469, %mul3A_468 : i32
          %mul3A_471 = arith.constant 128 : i32
          %mul3A_472 = arith.muli %add3A_347, %mul3A_471 : i32
          %add3A_473 = arith.addi %mul3A_472, %add3A_470 : i32
          %get3A = arith.index_cast %add3A_473 : i32 to index
          %get3A_474 = tpu.vector_load %arg9[%get3A] {strides = array<i32>} : memref<3216xf32, #tpu.memory_space<vmem>>, vector<16xf32>,
          %slice3A = vector.extract_strided_slice %get3A_474 {offsets = [0], sizes = [1], strides = [1]} : vector<16xf32> to vector<1xf32>
          %squeeze3A = vector.extract %slice3A[0] : f32 from vector<1xf32>
          %get3A_475 = arith.index_cast %add3A_473 : i32 to index
          %get3A_476 = tpu.vector_load %arg10[%get3A_475] {strides = array<i32>} : memref<3216xf32, #tpu.memory_space<vmem>>, vector<16xf32>,
          %slice3A_477 = vector.extract_strided_slice %get3A_476 {offsets = [0], sizes = [1], strides = [1]} : vector<16xf32> to vector<1xf32>
          %squeeze3A_478 = vector.extract %slice3A_477[0] : f32 from vector<1xf32>
          %get3A_479 = arith.index_cast %add3A_470 : i32 to index
          %get3A_480 = arith.constant 0 : index
          %get3A_481 = tpu.vector_load %arg28[%get3A_479, %get3A_480] {strides = array<i32>} : memref<128x32xf32, #tpu.memory_space<vmem>>, vector<16xf32>,
          %mul3A_482 = arith.constant 1.000000e-01 : f32
          %mul3A_483 = vector.broadcast %mul3A_482 : f32 to vector<16xf32>
          %mul3A_484 = arith.mulf %mul3A_483, %get3A_481 : vector<16xf32>
          %get3A_485 = arith.index_cast %add3A_470 : i32 to index
          %get3A_486 = arith.constant 0 : index
          %get3A_487 = tpu.vector_load %arg29[%get3A_485, %get3A_486] {strides = array<i32>} : memref<128x32xf32, #tpu.memory_space<vmem>>, vector<16xf32>,
          %mul3A_488 = vector.broadcast %squeeze3A : f32 to vector<16xf32>
          %mul3A_489 = arith.mulf %mul3A_488, %get3A_487 : vector<16xf32>
          %add3A_490 = arith.addf %mul3A_484, %mul3A_489 : vector<16xf32>
          %get3A_491 = arith.index_cast %add3A_470 : i32 to index
          %get3A_492 = arith.constant 0 : index
          %get3A_493 = tpu.vector_load %arg28[%get3A_491, %get3A_492] {strides = array<i32>} : memref<128x32xf32, #tpu.memory_space<vmem>>, vector<16xf32>,
          %mul3A_494 = arith.constant 1.000000e-01 : f32
          %mul3A_495 = vector.broadcast %mul3A_494 : f32 to vector<16xf32>
          %mul3A_496 = arith.mulf %mul3A_495, %get3A_493 : vector<16xf32>
          %get3A_497 = arith.index_cast %add3A_470 : i32 to index
          %get3A_498 = arith.constant 0 : index
          %get3A_499 = tpu.vector_load %arg29[%get3A_497, %get3A_498] {strides = array<i32>} : memref<128x32xf32, #tpu.memory_space<vmem>>, vector<16xf32>,
          %mul3A_500 = vector.broadcast %squeeze3A_478 : f32 to vector<16xf32>
          %mul3A_501 = arith.mulf %mul3A_500, %get3A_499 : vector<16xf32>
          %add3A_502 = arith.addf %mul3A_496, %mul3A_501 : vector<16xf32>
          %select_n3A = arith.select %eq3A_256, %add3A_502, %add3A_490 : vector<16xf32>
          %swap3A = arith.index_cast %add3A_470 : i32 to index
          %swap3A_503 = arith.constant 0 : index
          %swap3A_504 = tpu.vector_load %arg30[%swap3A, %swap3A_503] {strides = array<i32>} : memref<128x32xf32, #tpu.memory_space<vmem>>, vector<16xf32>,
          tpu.vector_store %arg30[%swap3A, %swap3A_503], %select_n3A {strides = array<i32>} : memref<128x32xf32, #tpu.memory_space<vmem>>, vector<16xf32>,
          %get3A_505 = arith.index_cast %add3A_470 : i32 to index
          %get3A_506 = arith.constant 16 : index
          %get3A_507 = tpu.vector_load %arg28[%get3A_505, %get3A_506] {strides = array<i32>} : memref<128x32xf32, #tpu.memory_space<vmem>>, vector<16xf32>,
          %mul3A_508 = arith.constant 1.000000e-01 : f32
          %mul3A_509 = vector.broadcast %mul3A_508 : f32 to vector<16xf32>
          %mul3A_510 = arith.mulf %mul3A_509, %get3A_507 : vector<16xf32>
          %get3A_511 = arith.index_cast %add3A_470 : i32 to index
          %get3A_512 = arith.constant 16 : index
          %get3A_513 = tpu.vector_load %arg29[%get3A_511, %get3A_512] {strides = array<i32>} : memref<128x32xf32, #tpu.memory_space<vmem>>, vector<16xf32>,
          %mul3A_514 = vector.broadcast %squeeze3A : f32 to vector<16xf32>
          %mul3A_515 = arith.mulf %mul3A_514, %get3A_513 : vector<16xf32>
          %add3A_516 = arith.addf %mul3A_510, %mul3A_515 : vector<16xf32>
          %get3A_517 = arith.index_cast %add3A_470 : i32 to index
          %get3A_518 = arith.constant 16 : index
          %get3A_519 = tpu.vector_load %arg28[%get3A_517, %get3A_518] {strides = array<i32>} : memref<128x32xf32, #tpu.memory_space<vmem>>, vector<16xf32>,
          %mul3A_520 = arith.constant 1.000000e-01 : f32
          %mul3A_521 = vector.broadcast %mul3A_520 : f32 to vector<16xf32>
          %mul3A_522 = arith.mulf %mul3A_521, %get3A_519 : vector<16xf32>
          %get3A_523 = arith.index_cast %add3A_470 : i32 to index
          %get3A_524 = arith.constant 16 : index
          %get3A_525 = tpu.vector_load %arg29[%get3A_523, %get3A_524] {strides = array<i32>} : memref<128x32xf32, #tpu.memory_space<vmem>>, vector<16xf32>,
          %mul3A_526 = vector.broadcast %squeeze3A_478 : f32 to vector<16xf32>
          %mul3A_527 = arith.mulf %mul3A_526, %get3A_525 : vector<16xf32>
          %add3A_528 = arith.addf %mul3A_522, %mul3A_527 : vector<16xf32>
          %select_n3A_529 = arith.select %eq3A_256, %add3A_528, %add3A_516 : vector<16xf32>
          %swap3A_530 = arith.index_cast %add3A_470 : i32 to index
          %swap3A_531 = arith.constant 16 : index
          %swap3A_532 = tpu.vector_load %arg30[%swap3A_530, %swap3A_531] {strides = array<i32>} : memref<128x32xf32, #tpu.memory_space<vmem>>, vector<16xf32>,
          tpu.vector_store %arg30[%swap3A_530, %swap3A_531], %select_n3A_529 {strides = array<i32>} : memref<128x32xf32, #tpu.memory_space<vmem>>, vector<16xf32>,
        }
        %scan3A_365 = arith.constant 128 : i32
        %not3A_366 = arith.constant true
        %not3A_367 = arith.xori %eq3A_256, %not3A_366 : i1
        %convert_element_type3A_368 = arith.extui %not3A_367 : i1 to i32
        %cond3A_369 = arith.constant 0 : i32
        %cond3A_370 = arith.cmpi ne, %convert_element_type3A_368, %cond3A_369 : i32
        scf.if %cond3A_370 {
          "tpu.region"() ({
            %run_scoped3A = tpu.sem_alloc : memref<!tpu.dma_semaphore, #tpu.memory_space<semaphore_mem>>
            %dma_start3A_466 = arith.constant 0 : i32
            %dma_start3A_467 = tpu.memref_slice %arg7[%add3A_350, %dma_start3A_466] : memref<102400x32xf32, #tpu.memory_space<hbm>> -> memref<128x32xf32, #tpu.memory_space<hbm>>
            %dma_start3A_468 = arith.constant 0 : i32
            %dma_start3A_469 = tpu.memref_slice %arg7[%add3A_350, %dma_start3A_468] : memref<102400x32xf32, #tpu.memory_space<hbm>> -> memref<128x32xf32, #tpu.memory_space<hbm>>
            tpu.enqueue_dma source(%arg30 : memref<128x32xf32, #tpu.memory_space<vmem>>) target(%dma_start3A_469 : memref<128x32xf32, #tpu.memory_space<hbm>>) target_semaphore(%run_scoped3A : memref<!tpu.dma_semaphore, #tpu.memory_space<semaphore_mem>>)
            %dma_wait3A_470 = arith.constant 0 : i32
            %dma_wait3A_471 = tpu.memref_slice %arg7[%add3A_350, %dma_wait3A_470] : memref<102400x32xf32, #tpu.memory_space<hbm>> -> memref<128x32xf32, #tpu.memory_space<hbm>>
            %dma_wait3A_472 = arith.constant 0 : i32
            %dma_wait3A_473 = tpu.memref_slice %arg7[%add3A_350, %dma_wait3A_472] : memref<102400x32xf32, #tpu.memory_space<hbm>> -> memref<128x32xf32, #tpu.memory_space<hbm>>
            tpu.wait_dma2 semaphore(%run_scoped3A : memref<!tpu.dma_semaphore, #tpu.memory_space<semaphore_mem>>) src(%arg30 : memref<128x32xf32, #tpu.memory_space<vmem>>) dst(%dma_wait3A_473 : memref<128x32xf32, #tpu.memory_space<hbm>>)
            tpu.yield
          }) : () -> ()
        } else {
        }
        %convert_element_type3A_371 = arith.extui %eq3A_256 : i1 to i32
        %cond3A_372 = arith.constant 0 : i32
        %cond3A_373 = arith.cmpi ne, %convert_element_type3A_371, %cond3A_372 : i32
        scf.if %cond3A_373 {
          "tpu.region"() ({
            %run_scoped3A = tpu.sem_alloc : memref<!tpu.dma_semaphore, #tpu.memory_space<semaphore_mem>>
            %dma_start3A_466 = arith.constant 0 : i32
            %dma_start3A_467 = tpu.memref_slice %arg6[%add3A_350, %dma_start3A_466] : memref<102400x32xf32, #tpu.memory_space<hbm>> -> memref<128x32xf32, #tpu.memory_space<hbm>>
            %dma_start3A_468 = arith.constant 0 : i32
            %dma_start3A_469 = tpu.memref_slice %arg6[%add3A_350, %dma_start3A_468] : memref<102400x32xf32, #tpu.memory_space<hbm>> -> memref<128x32xf32, #tpu.memory_space<hbm>>
            tpu.enqueue_dma source(%arg30 : memref<128x32xf32, #tpu.memory_space<vmem>>) target(%dma_start3A_469 : memref<128x32xf32, #tpu.memory_space<hbm>>) target_semaphore(%run_scoped3A : memref<!tpu.dma_semaphore, #tpu.memory_space<semaphore_mem>>)
            %dma_wait3A_470 = arith.constant 0 : i32
            %dma_wait3A_471 = tpu.memref_slice %arg6[%add3A_350, %dma_wait3A_470] : memref<102400x32xf32, #tpu.memory_space<hbm>> -> memref<128x32xf32, #tpu.memory_space<hbm>>
            %dma_wait3A_472 = arith.constant 0 : i32
            %dma_wait3A_473 = tpu.memref_slice %arg6[%add3A_350, %dma_wait3A_472] : memref<102400x32xf32, #tpu.memory_space<hbm>> -> memref<128x32xf32, #tpu.memory_space<hbm>>
            tpu.wait_dma2 semaphore(%run_scoped3A : memref<!tpu.dma_semaphore, #tpu.memory_space<semaphore_mem>>) src(%arg30 : memref<128x32xf32, #tpu.memory_space<vmem>>) dst(%dma_wait3A_473 : memref<128x32xf32, #tpu.memory_space<hbm>>)
            tpu.yield
          }) : () -> ()
        } else {
        }
        %gt3A = arith.constant 0 : i32
        %gt3A_374 = arith.cmpi sgt, %add3A_347, %gt3A : i32
        %convert_element_type3A_375 = arith.extui %gt3A_374 : i1 to i32
        %cond3A_376 = arith.constant 0 : i32
        %cond3A_377 = arith.cmpi ne, %convert_element_type3A_375, %cond3A_376 : i32
        scf.if %cond3A_377 {
          %sub3A = arith.constant 1 : i32
          %sub3A_466 = arith.subi %add3A_347, %sub3A : i32
          %mul3A_467 = arith.constant 3200 : i32
          %mul3A_468 = arith.muli %arg1, %mul3A_467 : i32
          %mul3A_469 = arith.constant 128 : i32
          %mul3A_470 = arith.muli %sub3A_466, %mul3A_469 : i32
          %add3A_471 = arith.addi %mul3A_468, %mul3A_470 : i32
          %add3A_472 = arith.constant 0 : i32
          %add3A_473 = arith.addi %add3A_471, %add3A_472 : i32
          %dma_wait3A_474 = arith.constant 0 : i32
          %dma_wait3A_475 = tpu.memref_slice %arg32[%add3A_473, %dma_wait3A_474] : memref<51200x32xf32, #tpu.memory_space<vmem_shared>> -> memref<16x32xf32, #tpu.memory_space<vmem_shared>>
          %dma_wait3A_476 = arith.constant 0 : i32
          %dma_wait3A_477 = tpu.memref_slice %arg32[%add3A_473, %dma_wait3A_476] : memref<51200x32xf32, #tpu.memory_space<vmem_shared>> -> memref<16x32xf32, #tpu.memory_space<vmem_shared>>
          tpu.wait_dma2 semaphore(%arg37 : memref<!tpu.dma_semaphore, #tpu.memory_space<semaphore_mem>>) src(%arg31 : memref<16x32xf32, #tpu.memory_space<vmem>>) dst(%dma_wait3A_477 : memref<16x32xf32, #tpu.memory_space<vmem_shared>>)
          %mul3A_478 = arith.constant 3200 : i32
          %mul3A_479 = arith.muli %arg1, %mul3A_478 : i32
          %mul3A_480 = arith.constant 128 : i32
          %mul3A_481 = arith.muli %sub3A_466, %mul3A_480 : i32
          %add3A_482 = arith.addi %mul3A_479, %mul3A_481 : i32
          %add3A_483 = arith.constant 16 : i32
          %add3A_484 = arith.addi %add3A_482, %add3A_483 : i32
          %dma_wait3A_485 = arith.constant 0 : i32
          %dma_wait3A_486 = tpu.memref_slice %arg32[%add3A_484, %dma_wait3A_485] : memref<51200x32xf32, #tpu.memory_space<vmem_shared>> -> memref<16x32xf32, #tpu.memory_space<vmem_shared>>
          %dma_wait3A_487 = arith.constant 0 : i32
          %dma_wait3A_488 = tpu.memref_slice %arg32[%add3A_484, %dma_wait3A_487] : memref<51200x32xf32, #tpu.memory_space<vmem_shared>> -> memref<16x32xf32, #tpu.memory_space<vmem_shared>>
          tpu.wait_dma2 semaphore(%arg37 : memref<!tpu.dma_semaphore, #tpu.memory_space<semaphore_mem>>) src(%arg31 : memref<16x32xf32, #tpu.memory_space<vmem>>) dst(%dma_wait3A_488 : memref<16x32xf32, #tpu.memory_space<vmem_shared>>)
          %mul3A_489 = arith.constant 3200 : i32
          %mul3A_490 = arith.muli %arg1, %mul3A_489 : i32
          %mul3A_491 = arith.constant 128 : i32
          %mul3A_492 = arith.muli %sub3A_466, %mul3A_491 : i32
          %add3A_493 = arith.addi %mul3A_490, %mul3A_492 : i32
          %add3A_494 = arith.constant 32 : i32
          %add3A_495 = arith.addi %add3A_493, %add3A_494 : i32
          %dma_wait3A_496 = arith.constant 0 : i32
          %dma_wait3A_497 = tpu.memref_slice %arg32[%add3A_495, %dma_wait3A_496] : memref<51200x32xf32, #tpu.memory_space<vmem_shared>> -> memref<16x32xf32, #tpu.memory_space<vmem_shared>>
          %dma_wait3A_498 = arith.constant 0 : i32
          %dma_wait3A_499 = tpu.memref_slice %arg32[%add3A_495, %dma_wait3A_498] : memref<51200x32xf32, #tpu.memory_space<vmem_shared>> -> memref<16x32xf32, #tpu.memory_space<vmem_shared>>
          tpu.wait_dma2 semaphore(%arg37 : memref<!tpu.dma_semaphore, #tpu.memory_space<semaphore_mem>>) src(%arg31 : memref<16x32xf32, #tpu.memory_space<vmem>>) dst(%dma_wait3A_499 : memref<16x32xf32, #tpu.memory_space<vmem_shared>>)
          %mul3A_500 = arith.constant 3200 : i32
          %mul3A_501 = arith.muli %arg1, %mul3A_500 : i32
          %mul3A_502 = arith.constant 128 : i32
          %mul3A_503 = arith.muli %sub3A_466, %mul3A_502 : i32
          %add3A_504 = arith.addi %mul3A_501, %mul3A_503 : i32
          %add3A_505 = arith.constant 48 : i32
          %add3A_506 = arith.addi %add3A_504, %add3A_505 : i32
          %dma_wait3A_507 = arith.constant 0 : i32
          %dma_wait3A_508 = tpu.memref_slice %arg32[%add3A_506, %dma_wait3A_507] : memref<51200x32xf32, #tpu.memory_space<vmem_shared>> -> memref<16x32xf32, #tpu.memory_space<vmem_shared>>
          %dma_wait3A_509 = arith.constant 0 : i32
          %dma_wait3A_510 = tpu.memref_slice %arg32[%add3A_506, %dma_wait3A_509] : memref<51200x32xf32, #tpu.memory_space<vmem_shared>> -> memref<16x32xf32, #tpu.memory_space<vmem_shared>>
          tpu.wait_dma2 semaphore(%arg37 : memref<!tpu.dma_semaphore, #tpu.memory_space<semaphore_mem>>) src(%arg31 : memref<16x32xf32, #tpu.memory_space<vmem>>) dst(%dma_wait3A_510 : memref<16x32xf32, #tpu.memory_space<vmem_shared>>)
          %mul3A_511 = arith.constant 3200 : i32
          %mul3A_512 = arith.muli %arg1, %mul3A_511 : i32
          %mul3A_513 = arith.constant 128 : i32
          %mul3A_514 = arith.muli %sub3A_466, %mul3A_513 : i32
          %add3A_515 = arith.addi %mul3A_512, %mul3A_514 : i32
          %add3A_516 = arith.constant 64 : i32
          %add3A_517 = arith.addi %add3A_515, %add3A_516 : i32
          %dma_wait3A_518 = arith.constant 0 : i32
          %dma_wait3A_519 = tpu.memref_slice %arg32[%add3A_517, %dma_wait3A_518] : memref<51200x32xf32, #tpu.memory_space<vmem_shared>> -> memref<16x32xf32, #tpu.memory_space<vmem_shared>>
          %dma_wait3A_520 = arith.constant 0 : i32
          %dma_wait3A_521 = tpu.memref_slice %arg32[%add3A_517, %dma_wait3A_520] : memref<51200x32xf32, #tpu.memory_space<vmem_shared>> -> memref<16x32xf32, #tpu.memory_space<vmem_shared>>
          tpu.wait_dma2 semaphore(%arg37 : memref<!tpu.dma_semaphore, #tpu.memory_space<semaphore_mem>>) src(%arg31 : memref<16x32xf32, #tpu.memory_space<vmem>>) dst(%dma_wait3A_521 : memref<16x32xf32, #tpu.memory_space<vmem_shared>>)
          %mul3A_522 = arith.constant 3200 : i32
          %mul3A_523 = arith.muli %arg1, %mul3A_522 : i32
          %mul3A_524 = arith.constant 128 : i32
          %mul3A_525 = arith.muli %sub3A_466, %mul3A_524 : i32
          %add3A_526 = arith.addi %mul3A_523, %mul3A_525 : i32
          %add3A_527 = arith.constant 80 : i32
          %add3A_528 = arith.addi %add3A_526, %add3A_527 : i32
          %dma_wait3A_529 = arith.constant 0 : i32
          %dma_wait3A_530 = tpu.memref_slice %arg32[%add3A_528, %dma_wait3A_529] : memref<51200x32xf32, #tpu.memory_space<vmem_shared>> -> memref<16x32xf32, #tpu.memory_space<vmem_shared>>
          %dma_wait3A_531 = arith.constant 0 : i32
          %dma_wait3A_532 = tpu.memref_slice %arg32[%add3A_528, %dma_wait3A_531] : memref<51200x32xf32, #tpu.memory_space<vmem_shared>> -> memref<16x32xf32, #tpu.memory_space<vmem_shared>>
          tpu.wait_dma2 semaphore(%arg37 : memref<!tpu.dma_semaphore, #tpu.memory_space<semaphore_mem>>) src(%arg31 : memref<16x32xf32, #tpu.memory_space<vmem>>) dst(%dma_wait3A_532 : memref<16x32xf32, #tpu.memory_space<vmem_shared>>)
          %mul3A_533 = arith.constant 3200 : i32
          %mul3A_534 = arith.muli %arg1, %mul3A_533 : i32
          %mul3A_535 = arith.constant 128 : i32
          %mul3A_536 = arith.muli %sub3A_466, %mul3A_535 : i32
          %add3A_537 = arith.addi %mul3A_534, %mul3A_536 : i32
          %add3A_538 = arith.constant 96 : i32
          %add3A_539 = arith.addi %add3A_537, %add3A_538 : i32
          %dma_wait3A_540 = arith.constant 0 : i32
          %dma_wait3A_541 = tpu.memref_slice %arg32[%add3A_539, %dma_wait3A_540] : memref<51200x32xf32, #tpu.memory_space<vmem_shared>> -> memref<16x32xf32, #tpu.memory_space<vmem_shared>>
          %dma_wait3A_542 = arith.constant 0 : i32
          %dma_wait3A_543 = tpu.memref_slice %arg32[%add3A_539, %dma_wait3A_542] : memref<51200x32xf32, #tpu.memory_space<vmem_shared>> -> memref<16x32xf32, #tpu.memory_space<vmem_shared>>
          tpu.wait_dma2 semaphore(%arg37 : memref<!tpu.dma_semaphore, #tpu.memory_space<semaphore_mem>>) src(%arg31 : memref<16x32xf32, #tpu.memory_space<vmem>>) dst(%dma_wait3A_543 : memref<16x32xf32, #tpu.memory_space<vmem_shared>>)
          %mul3A_544 = arith.constant 3200 : i32
          %mul3A_545 = arith.muli %arg1, %mul3A_544 : i32
          %mul3A_546 = arith.constant 128 : i32
          %mul3A_547 = arith.muli %sub3A_466, %mul3A_546 : i32
          %add3A_548 = arith.addi %mul3A_545, %mul3A_547 : i32
          %add3A_549 = arith.constant 112 : i32
          %add3A_550 = arith.addi %add3A_548, %add3A_549 : i32
          %dma_wait3A_551 = arith.constant 0 : i32
          %dma_wait3A_552 = tpu.memref_slice %arg32[%add3A_550, %dma_wait3A_551] : memref<51200x32xf32, #tpu.memory_space<vmem_shared>> -> memref<16x32xf32, #tpu.memory_space<vmem_shared>>
          %dma_wait3A_553 = arith.constant 0 : i32
          %dma_wait3A_554 = tpu.memref_slice %arg32[%add3A_550, %dma_wait3A_553] : memref<51200x32xf32, #tpu.memory_space<vmem_shared>> -> memref<16x32xf32, #tpu.memory_space<vmem_shared>>
          tpu.wait_dma2 semaphore(%arg37 : memref<!tpu.dma_semaphore, #tpu.memory_space<semaphore_mem>>) src(%arg31 : memref<16x32xf32, #tpu.memory_space<vmem>>) dst(%dma_wait3A_554 : memref<16x32xf32, #tpu.memory_space<vmem_shared>>)
        } else {
        }
        %mul3A_378 = arith.constant 3200 : i32
        %mul3A_379 = arith.muli %arg1, %mul3A_378 : i32
        %mul3A_380 = arith.constant 128 : i32
        %mul3A_381 = arith.muli %add3A_347, %mul3A_380 : i32
        %add3A_382 = arith.addi %mul3A_379, %mul3A_381 : i32
        %add3A_383 = arith.constant 0 : i32
        %add3A_384 = arith.addi %add3A_382, %add3A_383 : i32
        %dma_start3A_385 = arith.constant 0 : i32
        %dma_start3A_386 = tpu.memref_slice %arg32[%add3A_384, %dma_start3A_385] : memref<51200x32xf32, #tpu.memory_space<vmem_shared>> -> memref<16x32xf32, #tpu.memory_space<vmem_shared>>
        %dma_start3A_387 = arith.constant 0 : i32
        %dma_start3A_388 = tpu.memref_slice %arg32[%add3A_384, %dma_start3A_387] : memref<51200x32xf32, #tpu.memory_space<vmem_shared>> -> memref<16x32xf32, #tpu.memory_space<vmem_shared>>
        tpu.enqueue_dma source(%arg31 : memref<16x32xf32, #tpu.memory_space<vmem>>) target(%dma_start3A_388 : memref<16x32xf32, #tpu.memory_space<vmem_shared>>) target_semaphore(%arg37 : memref<!tpu.dma_semaphore, #tpu.memory_space<semaphore_mem>>)
        %mul3A_389 = arith.constant 3200 : i32
        %mul3A_390 = arith.muli %arg1, %mul3A_389 : i32
        %mul3A_391 = arith.constant 128 : i32
        %mul3A_392 = arith.muli %add3A_347, %mul3A_391 : i32
        %add3A_393 = arith.addi %mul3A_390, %mul3A_392 : i32
        %add3A_394 = arith.constant 16 : i32
        %add3A_395 = arith.addi %add3A_393, %add3A_394 : i32
        %dma_start3A_396 = arith.constant 0 : i32
        %dma_start3A_397 = tpu.memref_slice %arg32[%add3A_395, %dma_start3A_396] : memref<51200x32xf32, #tpu.memory_space<vmem_shared>> -> memref<16x32xf32, #tpu.memory_space<vmem_shared>>
        %dma_start3A_398 = arith.constant 0 : i32
        %dma_start3A_399 = tpu.memref_slice %arg32[%add3A_395, %dma_start3A_398] : memref<51200x32xf32, #tpu.memory_space<vmem_shared>> -> memref<16x32xf32, #tpu.memory_space<vmem_shared>>
        tpu.enqueue_dma source(%arg31 : memref<16x32xf32, #tpu.memory_space<vmem>>) target(%dma_start3A_399 : memref<16x32xf32, #tpu.memory_space<vmem_shared>>) target_semaphore(%arg37 : memref<!tpu.dma_semaphore, #tpu.memory_space<semaphore_mem>>)
        %mul3A_400 = arith.constant 3200 : i32
        %mul3A_401 = arith.muli %arg1, %mul3A_400 : i32
        %mul3A_402 = arith.constant 128 : i32
        %mul3A_403 = arith.muli %add3A_347, %mul3A_402 : i32
        %add3A_404 = arith.addi %mul3A_401, %mul3A_403 : i32
        %add3A_405 = arith.constant 32 : i32
        %add3A_406 = arith.addi %add3A_404, %add3A_405 : i32
        %dma_start3A_407 = arith.constant 0 : i32
        %dma_start3A_408 = tpu.memref_slice %arg32[%add3A_406, %dma_start3A_407] : memref<51200x32xf32, #tpu.memory_space<vmem_shared>> -> memref<16x32xf32, #tpu.memory_space<vmem_shared>>
        %dma_start3A_409 = arith.constant 0 : i32
        %dma_start3A_410 = tpu.memref_slice %arg32[%add3A_406, %dma_start3A_409] : memref<51200x32xf32, #tpu.memory_space<vmem_shared>> -> memref<16x32xf32, #tpu.memory_space<vmem_shared>>
        tpu.enqueue_dma source(%arg31 : memref<16x32xf32, #tpu.memory_space<vmem>>) target(%dma_start3A_410 : memref<16x32xf32, #tpu.memory_space<vmem_shared>>) target_semaphore(%arg37 : memref<!tpu.dma_semaphore, #tpu.memory_space<semaphore_mem>>)
        %mul3A_411 = arith.constant 3200 : i32
        %mul3A_412 = arith.muli %arg1, %mul3A_411 : i32
        %mul3A_413 = arith.constant 128 : i32
        %mul3A_414 = arith.muli %add3A_347, %mul3A_413 : i32
        %add3A_415 = arith.addi %mul3A_412, %mul3A_414 : i32
        %add3A_416 = arith.constant 48 : i32
        %add3A_417 = arith.addi %add3A_415, %add3A_416 : i32
        %dma_start3A_418 = arith.constant 0 : i32
        %dma_start3A_419 = tpu.memref_slice %arg32[%add3A_417, %dma_start3A_418] : memref<51200x32xf32, #tpu.memory_space<vmem_shared>> -> memref<16x32xf32, #tpu.memory_space<vmem_shared>>
        %dma_start3A_420 = arith.constant 0 : i32
        %dma_start3A_421 = tpu.memref_slice %arg32[%add3A_417, %dma_start3A_420] : memref<51200x32xf32, #tpu.memory_space<vmem_shared>> -> memref<16x32xf32, #tpu.memory_space<vmem_shared>>
        tpu.enqueue_dma source(%arg31 : memref<16x32xf32, #tpu.memory_space<vmem>>) target(%dma_start3A_421 : memref<16x32xf32, #tpu.memory_space<vmem_shared>>) target_semaphore(%arg37 : memref<!tpu.dma_semaphore, #tpu.memory_space<semaphore_mem>>)
        %mul3A_422 = arith.constant 3200 : i32
        %mul3A_423 = arith.muli %arg1, %mul3A_422 : i32
        %mul3A_424 = arith.constant 128 : i32
        %mul3A_425 = arith.muli %add3A_347, %mul3A_424 : i32
        %add3A_426 = arith.addi %mul3A_423, %mul3A_425 : i32
        %add3A_427 = arith.constant 64 : i32
        %add3A_428 = arith.addi %add3A_426, %add3A_427 : i32
        %dma_start3A_429 = arith.constant 0 : i32
        %dma_start3A_430 = tpu.memref_slice %arg32[%add3A_428, %dma_start3A_429] : memref<51200x32xf32, #tpu.memory_space<vmem_shared>> -> memref<16x32xf32, #tpu.memory_space<vmem_shared>>
        %dma_start3A_431 = arith.constant 0 : i32
        %dma_start3A_432 = tpu.memref_slice %arg32[%add3A_428, %dma_start3A_431] : memref<51200x32xf32, #tpu.memory_space<vmem_shared>> -> memref<16x32xf32, #tpu.memory_space<vmem_shared>>
        tpu.enqueue_dma source(%arg31 : memref<16x32xf32, #tpu.memory_space<vmem>>) target(%dma_start3A_432 : memref<16x32xf32, #tpu.memory_space<vmem_shared>>) target_semaphore(%arg37 : memref<!tpu.dma_semaphore, #tpu.memory_space<semaphore_mem>>)
        %mul3A_433 = arith.constant 3200 : i32
        %mul3A_434 = arith.muli %arg1, %mul3A_433 : i32
        %mul3A_435 = arith.constant 128 : i32
        %mul3A_436 = arith.muli %add3A_347, %mul3A_435 : i32
        %add3A_437 = arith.addi %mul3A_434, %mul3A_436 : i32
        %add3A_438 = arith.constant 80 : i32
        %add3A_439 = arith.addi %add3A_437, %add3A_438 : i32
        %dma_start3A_440 = arith.constant 0 : i32
        %dma_start3A_441 = tpu.memref_slice %arg32[%add3A_439, %dma_start3A_440] : memref<51200x32xf32, #tpu.memory_space<vmem_shared>> -> memref<16x32xf32, #tpu.memory_space<vmem_shared>>
        %dma_start3A_442 = arith.constant 0 : i32
        %dma_start3A_443 = tpu.memref_slice %arg32[%add3A_439, %dma_start3A_442] : memref<51200x32xf32, #tpu.memory_space<vmem_shared>> -> memref<16x32xf32, #tpu.memory_space<vmem_shared>>
        tpu.enqueue_dma source(%arg31 : memref<16x32xf32, #tpu.memory_space<vmem>>) target(%dma_start3A_443 : memref<16x32xf32, #tpu.memory_space<vmem_shared>>) target_semaphore(%arg37 : memref<!tpu.dma_semaphore, #tpu.memory_space<semaphore_mem>>)
        %mul3A_444 = arith.constant 3200 : i32
        %mul3A_445 = arith.muli %arg1, %mul3A_444 : i32
        %mul3A_446 = arith.constant 128 : i32
        %mul3A_447 = arith.muli %add3A_347, %mul3A_446 : i32
        %add3A_448 = arith.addi %mul3A_445, %mul3A_447 : i32
        %add3A_449 = arith.constant 96 : i32
        %add3A_450 = arith.addi %add3A_448, %add3A_449 : i32
        %dma_start3A_451 = arith.constant 0 : i32
        %dma_start3A_452 = tpu.memref_slice %arg32[%add3A_450, %dma_start3A_451] : memref<51200x32xf32, #tpu.memory_space<vmem_shared>> -> memref<16x32xf32, #tpu.memory_space<vmem_shared>>
        %dma_start3A_453 = arith.constant 0 : i32
        %dma_start3A_454 = tpu.memref_slice %arg32[%add3A_450, %dma_start3A_453] : memref<51200x32xf32, #tpu.memory_space<vmem_shared>> -> memref<16x32xf32, #tpu.memory_space<vmem_shared>>
        tpu.enqueue_dma source(%arg31 : memref<16x32xf32, #tpu.memory_space<vmem>>) target(%dma_start3A_454 : memref<16x32xf32, #tpu.memory_space<vmem_shared>>) target_semaphore(%arg37 : memref<!tpu.dma_semaphore, #tpu.memory_space<semaphore_mem>>)
        %mul3A_455 = arith.constant 3200 : i32
        %mul3A_456 = arith.muli %arg1, %mul3A_455 : i32
        %mul3A_457 = arith.constant 128 : i32
        %mul3A_458 = arith.muli %add3A_347, %mul3A_457 : i32
        %add3A_459 = arith.addi %mul3A_456, %mul3A_458 : i32
        %add3A_460 = arith.constant 112 : i32
        %add3A_461 = arith.addi %add3A_459, %add3A_460 : i32
        %dma_start3A_462 = arith.constant 0 : i32
        %dma_start3A_463 = tpu.memref_slice %arg32[%add3A_461, %dma_start3A_462] : memref<51200x32xf32, #tpu.memory_space<vmem_shared>> -> memref<16x32xf32, #tpu.memory_space<vmem_shared>>
        %dma_start3A_464 = arith.constant 0 : i32
        %dma_start3A_465 = tpu.memref_slice %arg32[%add3A_461, %dma_start3A_464] : memref<51200x32xf32, #tpu.memory_space<vmem_shared>> -> memref<16x32xf32, #tpu.memory_space<vmem_shared>>
        tpu.enqueue_dma source(%arg31 : memref<16x32xf32, #tpu.memory_space<vmem>>) target(%dma_start3A_465 : memref<16x32xf32, #tpu.memory_space<vmem_shared>>) target_semaphore(%arg37 : memref<!tpu.dma_semaphore, #tpu.memory_space<semaphore_mem>>)
      }
      %scan3A_261 = arith.constant 25 : i32
      %mul3A_262 = arith.constant 3200 : i32
      %mul3A_263 = arith.muli %arg1, %mul3A_262 : i32
      %add3A_264 = arith.constant 3072 : i32
      %add3A_265 = arith.addi %mul3A_263, %add3A_264 : i32
      %add3A_266 = arith.constant 0 : i32
      %add3A_267 = arith.addi %add3A_265, %add3A_266 : i32
      %dma_wait3A_268 = arith.constant 0 : i32
      %dma_wait3A_269 = tpu.memref_slice %arg32[%add3A_267, %dma_wait3A_268] : memref<51200x32xf32, #tpu.memory_space<vmem_shared>> -> memref<16x32xf32, #tpu.memory_space<vmem_shared>>
      %dma_wait3A_270 = arith.constant 0 : i32
      %dma_wait3A_271 = tpu.memref_slice %arg32[%add3A_267, %dma_wait3A_270] : memref<51200x32xf32, #tpu.memory_space<vmem_shared>> -> memref<16x32xf32, #tpu.memory_space<vmem_shared>>
      tpu.wait_dma2 semaphore(%arg37 : memref<!tpu.dma_semaphore, #tpu.memory_space<semaphore_mem>>) src(%arg31 : memref<16x32xf32, #tpu.memory_space<vmem>>) dst(%dma_wait3A_271 : memref<16x32xf32, #tpu.memory_space<vmem_shared>>)
      %mul3A_272 = arith.constant 3200 : i32
      %mul3A_273 = arith.muli %arg1, %mul3A_272 : i32
      %add3A_274 = arith.constant 3072 : i32
      %add3A_275 = arith.addi %mul3A_273, %add3A_274 : i32
      %add3A_276 = arith.constant 16 : i32
      %add3A_277 = arith.addi %add3A_275, %add3A_276 : i32
      %dma_wait3A_278 = arith.constant 0 : i32
      %dma_wait3A_279 = tpu.memref_slice %arg32[%add3A_277, %dma_wait3A_278] : memref<51200x32xf32, #tpu.memory_space<vmem_shared>> -> memref<16x32xf32, #tpu.memory_space<vmem_shared>>
      %dma_wait3A_280 = arith.constant 0 : i32
      %dma_wait3A_281 = tpu.memref_slice %arg32[%add3A_277, %dma_wait3A_280] : memref<51200x32xf32, #tpu.memory_space<vmem_shared>> -> memref<16x32xf32, #tpu.memory_space<vmem_shared>>
      tpu.wait_dma2 semaphore(%arg37 : memref<!tpu.dma_semaphore, #tpu.memory_space<semaphore_mem>>) src(%arg31 : memref<16x32xf32, #tpu.memory_space<vmem>>) dst(%dma_wait3A_281 : memref<16x32xf32, #tpu.memory_space<vmem_shared>>)
      %mul3A_282 = arith.constant 3200 : i32
      %mul3A_283 = arith.muli %arg1, %mul3A_282 : i32
      %add3A_284 = arith.constant 3072 : i32
      %add3A_285 = arith.addi %mul3A_283, %add3A_284 : i32
      %add3A_286 = arith.constant 32 : i32
      %add3A_287 = arith.addi %add3A_285, %add3A_286 : i32
      %dma_wait3A_288 = arith.constant 0 : i32
      %dma_wait3A_289 = tpu.memref_slice %arg32[%add3A_287, %dma_wait3A_288] : memref<51200x32xf32, #tpu.memory_space<vmem_shared>> -> memref<16x32xf32, #tpu.memory_space<vmem_shared>>
      %dma_wait3A_290 = arith.constant 0 : i32
      %dma_wait3A_291 = tpu.memref_slice %arg32[%add3A_287, %dma_wait3A_290] : memref<51200x32xf32, #tpu.memory_space<vmem_shared>> -> memref<16x32xf32, #tpu.memory_space<vmem_shared>>
      tpu.wait_dma2 semaphore(%arg37 : memref<!tpu.dma_semaphore, #tpu.memory_space<semaphore_mem>>) src(%arg31 : memref<16x32xf32, #tpu.memory_space<vmem>>) dst(%dma_wait3A_291 : memref<16x32xf32, #tpu.memory_space<vmem_shared>>)
      %mul3A_292 = arith.constant 3200 : i32
      %mul3A_293 = arith.muli %arg1, %mul3A_292 : i32
      %add3A_294 = arith.constant 3072 : i32
      %add3A_295 = arith.addi %mul3A_293, %add3A_294 : i32
      %add3A_296 = arith.constant 48 : i32
      %add3A_297 = arith.addi %add3A_295, %add3A_296 : i32
      %dma_wait3A_298 = arith.constant 0 : i32
      %dma_wait3A_299 = tpu.memref_slice %arg32[%add3A_297, %dma_wait3A_298] : memref<51200x32xf32, #tpu.memory_space<vmem_shared>> -> memref<16x32xf32, #tpu.memory_space<vmem_shared>>
      %dma_wait3A_300 = arith.constant 0 : i32
      %dma_wait3A_301 = tpu.memref_slice %arg32[%add3A_297, %dma_wait3A_300] : memref<51200x32xf32, #tpu.memory_space<vmem_shared>> -> memref<16x32xf32, #tpu.memory_space<vmem_shared>>
      tpu.wait_dma2 semaphore(%arg37 : memref<!tpu.dma_semaphore, #tpu.memory_space<semaphore_mem>>) src(%arg31 : memref<16x32xf32, #tpu.memory_space<vmem>>) dst(%dma_wait3A_301 : memref<16x32xf32, #tpu.memory_space<vmem_shared>>)
      %mul3A_302 = arith.constant 3200 : i32
      %mul3A_303 = arith.muli %arg1, %mul3A_302 : i32
      %add3A_304 = arith.constant 3072 : i32
      %add3A_305 = arith.addi %mul3A_303, %add3A_304 : i32
      %add3A_306 = arith.constant 64 : i32
      %add3A_307 = arith.addi %add3A_305, %add3A_306 : i32
      %dma_wait3A_308 = arith.constant 0 : i32
      %dma_wait3A_309 = tpu.memref_slice %arg32[%add3A_307, %dma_wait3A_308] : memref<51200x32xf32, #tpu.memory_space<vmem_shared>> -> memref<16x32xf32, #tpu.memory_space<vmem_shared>>
      %dma_wait3A_310 = arith.constant 0 : i32
      %dma_wait3A_311 = tpu.memref_slice %arg32[%add3A_307, %dma_wait3A_310] : memref<51200x32xf32, #tpu.memory_space<vmem_shared>> -> memref<16x32xf32, #tpu.memory_space<vmem_shared>>
      tpu.wait_dma2 semaphore(%arg37 : memref<!tpu.dma_semaphore, #tpu.memory_space<semaphore_mem>>) src(%arg31 : memref<16x32xf32, #tpu.memory_space<vmem>>) dst(%dma_wait3A_311 : memref<16x32xf32, #tpu.memory_space<vmem_shared>>)
      %mul3A_312 = arith.constant 3200 : i32
      %mul3A_313 = arith.muli %arg1, %mul3A_312 : i32
      %add3A_314 = arith.constant 3072 : i32
      %add3A_315 = arith.addi %mul3A_313, %add3A_314 : i32
      %add3A_316 = arith.constant 80 : i32
      %add3A_317 = arith.addi %add3A_315, %add3A_316 : i32
      %dma_wait3A_318 = arith.constant 0 : i32
      %dma_wait3A_319 = tpu.memref_slice %arg32[%add3A_317, %dma_wait3A_318] : memref<51200x32xf32, #tpu.memory_space<vmem_shared>> -> memref<16x32xf32, #tpu.memory_space<vmem_shared>>
      %dma_wait3A_320 = arith.constant 0 : i32
      %dma_wait3A_321 = tpu.memref_slice %arg32[%add3A_317, %dma_wait3A_320] : memref<51200x32xf32, #tpu.memory_space<vmem_shared>> -> memref<16x32xf32, #tpu.memory_space<vmem_shared>>
      tpu.wait_dma2 semaphore(%arg37 : memref<!tpu.dma_semaphore, #tpu.memory_space<semaphore_mem>>) src(%arg31 : memref<16x32xf32, #tpu.memory_space<vmem>>) dst(%dma_wait3A_321 : memref<16x32xf32, #tpu.memory_space<vmem_shared>>)
      %mul3A_322 = arith.constant 3200 : i32
      %mul3A_323 = arith.muli %arg1, %mul3A_322 : i32
      %add3A_324 = arith.constant 3072 : i32
      %add3A_325 = arith.addi %mul3A_323, %add3A_324 : i32
      %add3A_326 = arith.constant 96 : i32
      %add3A_327 = arith.addi %add3A_325, %add3A_326 : i32
      %dma_wait3A_328 = arith.constant 0 : i32
      %dma_wait3A_329 = tpu.memref_slice %arg32[%add3A_327, %dma_wait3A_328] : memref<51200x32xf32, #tpu.memory_space<vmem_shared>> -> memref<16x32xf32, #tpu.memory_space<vmem_shared>>
      %dma_wait3A_330 = arith.constant 0 : i32
      %dma_wait3A_331 = tpu.memref_slice %arg32[%add3A_327, %dma_wait3A_330] : memref<51200x32xf32, #tpu.memory_space<vmem_shared>> -> memref<16x32xf32, #tpu.memory_space<vmem_shared>>
      tpu.wait_dma2 semaphore(%arg37 : memref<!tpu.dma_semaphore, #tpu.memory_space<semaphore_mem>>) src(%arg31 : memref<16x32xf32, #tpu.memory_space<vmem>>) dst(%dma_wait3A_331 : memref<16x32xf32, #tpu.memory_space<vmem_shared>>)
      %mul3A_332 = arith.constant 3200 : i32
      %mul3A_333 = arith.muli %arg1, %mul3A_332 : i32
      %add3A_334 = arith.constant 3072 : i32
      %add3A_335 = arith.addi %mul3A_333, %add3A_334 : i32
      %add3A_336 = arith.constant 112 : i32
      %add3A_337 = arith.addi %add3A_335, %add3A_336 : i32
      %dma_wait3A_338 = arith.constant 0 : i32
      %dma_wait3A_339 = tpu.memref_slice %arg32[%add3A_337, %dma_wait3A_338] : memref<51200x32xf32, #tpu.memory_space<vmem_shared>> -> memref<16x32xf32, #tpu.memory_space<vmem_shared>>
      %dma_wait3A_340 = arith.constant 0 : i32
      %dma_wait3A_341 = tpu.memref_slice %arg32[%add3A_337, %dma_wait3A_340] : memref<51200x32xf32, #tpu.memory_space<vmem_shared>> -> memref<16x32xf32, #tpu.memory_space<vmem_shared>>
      tpu.wait_dma2 semaphore(%arg37 : memref<!tpu.dma_semaphore, #tpu.memory_space<semaphore_mem>>) src(%arg31 : memref<16x32xf32, #tpu.memory_space<vmem>>) dst(%dma_wait3A_341 : memref<16x32xf32, #tpu.memory_space<vmem_shared>>)
      %barrier3A_342 = arith.constant 0 : index
      tpu.barrier barrier_id(%barrier3A_342)
    }
    %scan3A_188 = arith.constant 4 : i32
    return
  }
}

module attributes {stable_mosaic.version = 14 : i64} {
  func.func @_enc_kernel(%arg0: i32, %arg1: memref<1000x384xf32, #tpu.memory_space<vmem>>, %arg2: memref<1000x512xf32, #tpu.memory_space<vmem>>, %arg3: memref<384x64xf32, #tpu.memory_space<vmem>>, %arg4: memref<1x64xf32, #tpu.memory_space<vmem>>, %arg5: memref<1x64xf32, #tpu.memory_space<vmem>>, %arg6: memref<1x64xf32, #tpu.memory_space<vmem>>, %arg7: memref<1x1xf32, #tpu.memory_space<vmem>>, %arg8: memref<512x64xf32, #tpu.memory_space<vmem>>, %arg9: memref<1x64xf32, #tpu.memory_space<vmem>>, %arg10: memref<1x64xf32, #tpu.memory_space<vmem>>, %arg11: memref<1x64xf32, #tpu.memory_space<vmem>>, %arg12: memref<1x1xf32, #tpu.memory_space<vmem>>, %arg13: memref<1000x64xf32, #tpu.memory_space<vmem>>) attributes {dimension_semantics = [#tpu.dimension_semantics<arbitrary>], iteration_bounds = array<i64: 25>, scalar_prefetch = 0 : i64, scratch_operands = 0 : i64, tpu.core_type = #tpu.core_type<tc>, window_params = [{transform_indices = @transform_0, window_bounds = array<i64: 1000, 384>}, {transform_indices = @transform_1, window_bounds = array<i64: 1000, 512>}, {pipeline_mode = #tpu.pipeline_mode<synchronous>, transform_indices = @transform_2, window_bounds = array<i64: 384, 64>}, {pipeline_mode = #tpu.pipeline_mode<synchronous>, transform_indices = @transform_3, window_bounds = array<i64: 1, 64>}, {pipeline_mode = #tpu.pipeline_mode<synchronous>, transform_indices = @transform_4, window_bounds = array<i64: 1, 64>}, {pipeline_mode = #tpu.pipeline_mode<synchronous>, transform_indices = @transform_5, window_bounds = array<i64: 1, 64>}, {pipeline_mode = #tpu.pipeline_mode<synchronous>, transform_indices = @transform_6, window_bounds = array<i64: 1, 1>}, {pipeline_mode = #tpu.pipeline_mode<synchronous>, transform_indices = @transform_7, window_bounds = array<i64: 512, 64>}, {pipeline_mode = #tpu.pipeline_mode<synchronous>, transform_indices = @transform_8, window_bounds = array<i64: 1, 64>}, {pipeline_mode = #tpu.pipeline_mode<synchronous>, transform_indices = @transform_9, window_bounds = array<i64: 1, 64>}, {pipeline_mode = #tpu.pipeline_mode<synchronous>, transform_indices = @transform_10, window_bounds = array<i64: 1, 64>}, {pipeline_mode = #tpu.pipeline_mode<synchronous>, transform_indices = @transform_11, window_bounds = array<i64: 1, 1>}, {transform_indices = @transform_12, window_bounds = array<i64: 1000, 64>}]} {
    %get3A = arith.constant 0 : index
    %get3A_0 = arith.constant 0 : index
    %get3A_1 = vector.load %arg1[%get3A, %get3A_0] : memref<1000x384xf32, #tpu.memory_space<vmem>>, vector<1000x384xf32>
    %get3A_2 = arith.constant 0 : index
    %get3A_3 = arith.constant 0 : index
    %get3A_4 = vector.load %arg3[%get3A_2, %get3A_3] : memref<384x64xf32, #tpu.memory_space<vmem>>, vector<384x64xf32>
    %dot_general3A = arith.constant dense<0.000000e+00> : vector<1000x64xf32>
    %dot_general3A_5 = tpu.matmul %get3A_1, %get3A_4, %dot_general3A {dimension_numbers = #tpu.dot_dimension_numbers<[1], [0], [0], [1], [0, 0, 1, 1], [], []>, transpose_lhs_hint = false} : vector<1000x384xf32>, vector<384x64xf32>, vector<1000x64xf32> -> vector<1000x64xf32>
    %get3A_6 = arith.constant 0 : index
    %get3A_7 = arith.constant 0 : index
    %get3A_8 = vector.load %arg4[%get3A_6, %get3A_7] : memref<1x64xf32, #tpu.memory_space<vmem>>, vector<1x64xf32>
    %add3A = vector.broadcast %get3A_8 : vector<1x64xf32> to vector<1000x64xf32>
    %add3A_9 = arith.addf %dot_general3A_5, %add3A : vector<1000x64xf32>
    %get3A_10 = arith.constant 0 : index
    %get3A_11 = arith.constant 0 : index
    %get3A_12 = vector.load %arg5[%get3A_10, %get3A_11] : memref<1x64xf32, #tpu.memory_space<vmem>>, vector<1x64xf32>
    %mul3A = arith.constant 0.999994993 : f32
    %mul3A_13 = vector.broadcast %mul3A : f32 to vector<1x64xf32>
    %mul3A_14 = arith.mulf %mul3A_13, %get3A_12 : vector<1x64xf32>
    %mul3A_15 = vector.broadcast %mul3A_14 : vector<1x64xf32> to vector<1000x64xf32>
    %mul3A_16 = arith.mulf %add3A_9, %mul3A_15 : vector<1000x64xf32>
    %get3A_17 = arith.constant 0 : index
    %get3A_18 = arith.constant 0 : index
    %get3A_19 = vector.load %arg6[%get3A_17, %get3A_18] : memref<1x64xf32, #tpu.memory_space<vmem>>, vector<1x64xf32>
    %add3A_20 = vector.broadcast %get3A_19 : vector<1x64xf32> to vector<1000x64xf32>
    %add3A_21 = arith.addf %mul3A_16, %add3A_20 : vector<1000x64xf32>
    %gt3A = arith.constant 0.000000e+00 : f32
    %gt3A_22 = vector.broadcast %gt3A : f32 to vector<1000x64xf32>
    %gt3A_23 = arith.cmpf ogt, %add3A_21, %gt3A_22 : vector<1000x64xf32>
    %get3A_24 = arith.constant 0 : index
    %get3A_25 = arith.constant 0 : index
    %get3A_26 = vector.load %arg7[%get3A_24, %get3A_25] : memref<1x1xf32, #tpu.memory_space<vmem>>, vector<1x1xf32>
    %mul3A_27 = vector.broadcast %get3A_26 : vector<1x1xf32> to vector<1000x64xf32>
    %mul3A_28 = arith.mulf %mul3A_27, %add3A_21 : vector<1000x64xf32>
    %select_n3A = arith.select %gt3A_23, %add3A_21, %mul3A_28 : vector<1000x64xi1>, vector<1000x64xf32>
    %get3A_29 = arith.constant 0 : index
    %get3A_30 = arith.constant 0 : index
    %get3A_31 = vector.load %arg2[%get3A_29, %get3A_30] : memref<1000x512xf32, #tpu.memory_space<vmem>>, vector<1000x512xf32>
    %get3A_32 = arith.constant 0 : index
    %get3A_33 = arith.constant 0 : index
    %get3A_34 = vector.load %arg8[%get3A_32, %get3A_33] : memref<512x64xf32, #tpu.memory_space<vmem>>, vector<512x64xf32>
    %dot_general3A_35 = arith.constant dense<0.000000e+00> : vector<1000x64xf32>
    %dot_general3A_36 = tpu.matmul %get3A_31, %get3A_34, %dot_general3A_35 {dimension_numbers = #tpu.dot_dimension_numbers<[1], [0], [0], [1], [0, 0, 1, 1], [], []>, transpose_lhs_hint = false} : vector<1000x512xf32>, vector<512x64xf32>, vector<1000x64xf32> -> vector<1000x64xf32>
    %get3A_37 = arith.constant 0 : index
    %get3A_38 = arith.constant 0 : index
    %get3A_39 = vector.load %arg9[%get3A_37, %get3A_38] : memref<1x64xf32, #tpu.memory_space<vmem>>, vector<1x64xf32>
    %add3A_40 = vector.broadcast %get3A_39 : vector<1x64xf32> to vector<1000x64xf32>
    %add3A_41 = arith.addf %dot_general3A_36, %add3A_40 : vector<1000x64xf32>
    %get3A_42 = arith.constant 0 : index
    %get3A_43 = arith.constant 0 : index
    %get3A_44 = vector.load %arg10[%get3A_42, %get3A_43] : memref<1x64xf32, #tpu.memory_space<vmem>>, vector<1x64xf32>
    %mul3A_45 = arith.constant 0.999994993 : f32
    %mul3A_46 = vector.broadcast %mul3A_45 : f32 to vector<1x64xf32>
    %mul3A_47 = arith.mulf %mul3A_46, %get3A_44 : vector<1x64xf32>
    %mul3A_48 = vector.broadcast %mul3A_47 : vector<1x64xf32> to vector<1000x64xf32>
    %mul3A_49 = arith.mulf %add3A_41, %mul3A_48 : vector<1000x64xf32>
    %get3A_50 = arith.constant 0 : index
    %get3A_51 = arith.constant 0 : index
    %get3A_52 = vector.load %arg11[%get3A_50, %get3A_51] : memref<1x64xf32, #tpu.memory_space<vmem>>, vector<1x64xf32>
    %add3A_53 = vector.broadcast %get3A_52 : vector<1x64xf32> to vector<1000x64xf32>
    %add3A_54 = arith.addf %mul3A_49, %add3A_53 : vector<1000x64xf32>
    %gt3A_55 = arith.constant 0.000000e+00 : f32
    %gt3A_56 = vector.broadcast %gt3A_55 : f32 to vector<1000x64xf32>
    %gt3A_57 = arith.cmpf ogt, %add3A_54, %gt3A_56 : vector<1000x64xf32>
    %get3A_58 = arith.constant 0 : index
    %get3A_59 = arith.constant 0 : index
    %get3A_60 = vector.load %arg12[%get3A_58, %get3A_59] : memref<1x1xf32, #tpu.memory_space<vmem>>, vector<1x1xf32>
    %mul3A_61 = vector.broadcast %get3A_60 : vector<1x1xf32> to vector<1000x64xf32>
    %mul3A_62 = arith.mulf %mul3A_61, %add3A_54 : vector<1000x64xf32>
    %select_n3A_63 = arith.select %gt3A_57, %add3A_54, %mul3A_62 : vector<1000x64xi1>, vector<1000x64xf32>
    %add3A_64 = arith.addf %select_n3A, %select_n3A_63 : vector<1000x64xf32>
    %swap3A = arith.constant 0 : index
    %swap3A_65 = arith.constant 0 : index
    %swap3A_66 = vector.load %arg13[%swap3A, %swap3A_65] : memref<1000x64xf32, #tpu.memory_space<vmem>>, vector<1000x64xf32>
    tpu.vector_store %arg13[%swap3A, %swap3A_65], %add3A_64 {strides = array<i32>} : memref<1000x64xf32, #tpu.memory_space<vmem>>, vector<1000x64xf32>,
    return
  }
  func.func @transform_0(%arg0: i32) -> (i32, i32) {
    %c0_i32 = arith.constant 0 : i32
    %c0_i32_0 = arith.constant 0 : i32
    return %arg0, %c0_i32 : i32, i32
  }
  func.func @transform_1(%arg0: i32) -> (i32, i32) {
    %c0_i32 = arith.constant 0 : i32
    %c0_i32_0 = arith.constant 0 : i32
    return %arg0, %c0_i32 : i32, i32
  }
  func.func @transform_2(%arg0: i32) -> (i32, i32) {
    %c0_i32 = arith.constant 0 : i32
    %c0_i32_0 = arith.constant 0 : i32
    %c0_i32_1 = arith.constant 0 : i32
    return %c0_i32, %c0_i32_0 : i32, i32
  }
  func.func @transform_3(%arg0: i32) -> (i32, i32) {
    %c0_i32 = arith.constant 0 : i32
    %c0_i32_0 = arith.constant 0 : i32
    %c0_i32_1 = arith.constant 0 : i32
    return %c0_i32, %c0_i32_0 : i32, i32
  }
  func.func @transform_4(%arg0: i32) -> (i32, i32) {
    %c0_i32 = arith.constant 0 : i32
    %c0_i32_0 = arith.constant 0 : i32
    %c0_i32_1 = arith.constant 0 : i32
    return %c0_i32, %c0_i32_0 : i32, i32
  }
  func.func @transform_5(%arg0: i32) -> (i32, i32) {
    %c0_i32 = arith.constant 0 : i32
    %c0_i32_0 = arith.constant 0 : i32
    %c0_i32_1 = arith.constant 0 : i32
    return %c0_i32, %c0_i32_0 : i32, i32
  }
  func.func @transform_6(%arg0: i32) -> (i32, i32) {
    %c0_i32 = arith.constant 0 : i32
    %c0_i32_0 = arith.constant 0 : i32
    %c0_i32_1 = arith.constant 0 : i32
    return %c0_i32, %c0_i32_0 : i32, i32
  }
  func.func @transform_7(%arg0: i32) -> (i32, i32) {
    %c0_i32 = arith.constant 0 : i32
    %c0_i32_0 = arith.constant 0 : i32
    %c0_i32_1 = arith.constant 0 : i32
    return %c0_i32, %c0_i32_0 : i32, i32
  }
  func.func @transform_8(%arg0: i32) -> (i32, i32) {
    %c0_i32 = arith.constant 0 : i32
    %c0_i32_0 = arith.constant 0 : i32
    %c0_i32_1 = arith.constant 0 : i32
    return %c0_i32, %c0_i32_0 : i32, i32
  }
  func.func @transform_9(%arg0: i32) -> (i32, i32) {
    %c0_i32 = arith.constant 0 : i32
    %c0_i32_0 = arith.constant 0 : i32
    %c0_i32_1 = arith.constant 0 : i32
    return %c0_i32, %c0_i32_0 : i32, i32
  }
  func.func @transform_10(%arg0: i32) -> (i32, i32) {
    %c0_i32 = arith.constant 0 : i32
    %c0_i32_0 = arith.constant 0 : i32
    %c0_i32_1 = arith.constant 0 : i32
    return %c0_i32, %c0_i32_0 : i32, i32
  }
  func.func @transform_11(%arg0: i32) -> (i32, i32) {
    %c0_i32 = arith.constant 0 : i32
    %c0_i32_0 = arith.constant 0 : i32
    %c0_i32_1 = arith.constant 0 : i32
    return %c0_i32, %c0_i32_0 : i32, i32
  }
  func.func @transform_12(%arg0: i32) -> (i32, i32) {
    %c0_i32 = arith.constant 0 : i32
    %c0_i32_0 = arith.constant 0 : i32
    return %arg0, %c0_i32 : i32, i32
  }
}

</mosaic_0001>

<sc_bundles>
// kernel: kernel.4.cloned.1.call-start
scs
__scs_entry_jumppad:
0x0: {  	(pc) =	sbr.rel $0x88, $3  }
0x1: {  	(tag) =	ssettag $0x0;
	lr =	simm.s32 $0x1  }
0x2: {  	[smem:$0x3F93] =	sst lr;
	_ =	strace $0xD0000000  }
0x3: {  	_ = 	snop  }
0x4: {  	_ = 	snop  }
0x5: {  	_ = 	snop  }
0x6: {  	_ = 	snop  }
0x7: {  	_ = 	snop  }
__scs_overlays_trampoline_lowered:
0x8: {  	[smem:$0x3FA2] =	sst s0  }
0x9: {  	[smem:$0x3FA3] =	sst s1  }
0xa: {  	[smem:$0x3FA4] =	sst s2  }
0xb: {  	[smem:$0x3FA5] =	sst s3  }
0xc: {  	[smem:$0x3FA6] =	sst s4  }
0xd: {  	[smem:$0x3FA7] =	sst s5  }
0xe: {  	[smem:$0x3FA8] =	sst s6  }
0xf: {  	[smem:$0x3FA9] =	sst s7  }
0x10: {  	[smem:$0x3FAA] =	sst s8  }
0x11: {  	[smem:$0x3FAB] =	sst s9;
	s0 =	simm.s32 @!p0 $0x0  }
0x12: {  	s1 =	sld [smem:$0x3F91];
	s0 =	simm.s32 @p0 $0x1  }
0x13: {  	[smem:$0x3FAC] =	sst s0;
	s0 =	simm.s32 @!p1 $0x0  }
0x14: {  	s2 =	sld [smem:$0x3F90];
	s0 =	simm.s32 @p1 $0x1  }
0x15: {  	[smem:$0x3FAD] =	sst s0;
	s0 =	simm.s32 @!p2 $0x0  }
0x16: {  	s3 =	sld [smem:$0x3FDB];
	s0 =	simm.s32 @p2 $0x1  }
0x17: {  	s4 =	simm.s32 $0x1BF5;
	[smem:$0x3FAF] =	sst s0  }
0x18: {  	s0 =	sld [smem:$0x3F92];
	_ =	swait.ge [sflag:s4], $0x0  }
0x19: {  	s7 =	sld [smem:$0x3F93]  }
0x1a: {  	s8 =	sadd.s32 $0xFFFFE003, lr  }
0x1b: {  	s9 =	sadd.s32 $0xFFFFFEF7, lr;
	s5 =	simm.s32 $0xFFFFFFFF;
	p2 =	slt.u32 s8, $0xFFFFF086  }
0x1c: {  	p1 =	slt.u32 s9, $0xF7A;
	s5 =	simm.s32 @!p2 $0x0  }
0x1d: {  	s5 =	simm.s32 @p1 $0x1;
	p0 =	seq.s32 s7, s2  }
0x1e: {  	s7 =	smul.u32 @!p0 $0xF7A, s2;
	p2 =	seq.s32 @!p0 s5, $0x0  }
0x1f: {  	s9 =	smul.u32 $0xF7A, s1;
	s8 =	simm.s32 @!p0 $0x1BF5;
	p2 =	por !p2, p0  }
0x20: {  	[sflag:s8] =	ssyncset.s32 @!p0 $0xFFFFF086;
	s6 =	sadd.s32 @!p0 s3, s7;
	s7 =	simm.s32 @!p0 $0x108  }
0x21: {  	s3 =	sadd.s32 s3, s9;
	s6 =	sadd.s32 @!p0 $0x88, s6;
	s7 =	simm.s32 @p2 $0x1082  }
0x22: {  	[simem:s7], [sflag:s8] =	dma.local @!p0 [hbm:s6], $0xF7A  }
0x23: {  	s9 =	sor.u32 $0xD0000000, s2;
	s6 =	simm.s32 $0x108;
	_ =	swait.ge @!p0 [sflag:s8], $0x0  }
0x24: {  	s3 =	sadd.s32 $0x88, s3;
	s6 =	simm.s32 @!p1 $0x1082;
	[sflag:s4] =	ssyncset.s32 $0xFFFFF086  }
0x25: {  	[simem:s6], [sflag:s4] =	dma.local [hbm:s3], $0xF7A  }
0x26: {  	[smem:$0x3F93] =	sst s1;
	(tag) =	ssettag s2;
	_ =	strace s9  }
0x27: {  	s1 =	sld [smem:$0x3FA3]  }
0x28: {  	s2 =	sld [smem:$0x3FA4]  }
0x29: {  	s4 =	sld [smem:$0x3FA6]  }
0x2a: {  	p0 =	seq.s32 s5, $0x0;
	s5 =	sld [smem:$0x3FA7]  }
0x2b: {  	s6 =	sld [smem:$0x3FA8]  }
0x2c: {  	s7 =	sld [smem:$0x3FA9]  }
0x2d: {  	s3 =	simm.s32 $0x108;
	s8 =	sld [smem:$0x3FAA]  }
0x2e: {  	s3 =	simm.s32 @!p0 $0x1082;
	s9 =	sld [smem:$0x3FAB]  }
0x2f: {  	lr =	sadd.s32 s0, s3;
	s0 =	sld [smem:$0x3FA2]  }
0x30: {  	s3 =	sld [smem:$0x3FA5]  }
0x31: {  	[smem:$0x3FAE] =	sst s10  }
0x32: {  	s10 =	sld [smem:$0x3FAC];
	_ =	sdelay $0x3  }
0x33: {  	p0 =	seq.s32 s10, $0x1;
	s10 =	sld [smem:$0x3FAE];
	_ =	sdelay $0x3  }
0x34: {  	[smem:$0x3FAE] =	sst s10  }
0x35: {  	s10 =	sld [smem:$0x3FAD];
	_ =	sdelay $0x3  }
0x36: {  	p1 =	seq.s32 s10, $0x1;
	s10 =	sld [smem:$0x3FAE];
	_ =	sdelay $0x3  }
0x37: {  	[smem:$0x3FAE] =	sst s10  }
0x38: {  	s10 =	sld [smem:$0x3FAF]  }
0x39: {  	_ = 	snop;
	(pc) =	sbr.ind lr, $3  }
0x3a: {  	_ = 	snop  }
0x3b: {  	_ = 	snop  }
0x3c: {  	p2 =	seq.s32 s10, $0x1;
	s10 =	sld [smem:$0x3FAE]  }
0x3d: {  	_ =	shalt  }
0x3e: {  	_ =	shalt  }
0x3f: {  	_ =	shalt  }
0x40: {  	_ =	shalt  }
0x41: {  	_ =	shalt  }
0x42: {  	_ =	shalt  }
0x43: {  	_ =	shalt  }
0x44: {  	_ =	shalt  }
0x45: {  	_ =	shalt  }
0x46: {  	_ =	shalt  }
0x47: {  	_ =	shalt  }
0x48: {  	_ =	shalt  }
0x49: {  	_ =	shalt  }
0x4a: {  	_ =	shalt  }
0x4b: {  	_ =	shalt  }
0x4c: {  	_ =	shalt  }
0x4d: {  	_ =	shalt  }
0x4e: {  	_ =	shalt  }
0x4f: {  	_ =	shalt  }
0x50: {  	_ =	shalt  }
0x51: {  	_ =	shalt  }
0x52: {  	_ =	shalt  }
0x53: {  	_ =	shalt  }
0x54: {  	_ =	shalt  }
0x55: {  	_ =	shalt  }
0x56: {  	_ =	shalt  }
0x57: {  	_ =	shalt  }
0x58: {  	_ =	shalt  }
0x59: {  	_ =	shalt  }
0x5a: {  	_ =	shalt  }
0x5b: {  	_ =	shalt  }
0x5c: {  	_ =	shalt  }
0x5d: {  	_ =	shalt  }
0x5e: {  	_ =	shalt  }
0x5f: {  	_ =	shalt  }
0x60: {  	_ =	shalt  }
0x61: {  	_ =	shalt  }
0x62: {  	_ =	shalt  }
0x63: {  	_ =	shalt  }
0x64: {  	_ =	shalt  }
0x65: {  	_ =	shalt  }
0x66: {  	_ =	shalt  }
0x67: {  	_ =	shalt  }
0x68: {  	_ =	shalt  }
0x69: {  	_ =	shalt  }
0x6a: {  	_ =	shalt  }
0x6b: {  	_ =	shalt  }
0x6c: {  	_ =	shalt  }
0x6d: {  	_ =	shalt  }
0x6e: {  	_ =	shalt  }
0x6f: {  	_ =	shalt  }
0x70: {  	_ =	shalt  }
0x71: {  	_ =	shalt  }
0x72: {  	_ =	shalt  }
0x73: {  	_ =	shalt  }
0x74: {  	_ =	shalt  }
0x75: {  	_ =	shalt  }
0x76: {  	_ =	shalt  }
0x77: {  	_ =	shalt  }
0x78: {  	_ =	shalt  }
0x79: {  	_ =	shalt  }
0x7a: {  	_ =	shalt  }
0x7b: {  	_ =	shalt  }
0x7c: {  	_ =	shalt  }
0x7d: {  	_ =	shalt  }
0x7e: {  	_ =	shalt  }
0x7f: {  	_ =	shalt  }
0x80: {  	_ =	shalt  }
0x81: {  	_ =	shalt  }
0x82: {  	_ =	shalt  }
0x83: {  	_ =	shalt  }
0x84: {  	_ =	shalt  }
0x85: {  	_ =	shalt  }
0x86: {  	_ =	shalt  }
0x87: {  	_ =	shalt  }
.Lfunc_end0:
.L_simem_size_0:
called_computation_lowered:
.L_overlay_start_0:
0x88: {  	s2 =	sld [smem:$0x3FD9]  }
0x89: {  	s3 =	sld [smem:$0x3FFE];
	_ =	sdelay $0x1  }
0x8a: {  	s1 =	srdreg.scid  }
0x8b: {  	s0 =	sand.u32 $0x1, s1  }
0x8c: {  	s17 =	sshll.u32 s0, $0xA;
	s2 =	sadd.s32 s3, s2  }
0x8d: {  	s2 =	sadd.s32 s2, s17  }
0x8e: {  	[smem:$0x3FBA] =	sst s2  }
0x8f: {  	_ = 	snop  }
0x90: {  	s2 =	sld [smem:$0x3FD0];
	(tm) =	ssettm $0x1  }
0x91: {  	s18 =	sld [smem:$0x3FFB];
	_ =	sdelay $0x3  }
0x92: {  	_ =	strace s18  }
0x93: {  	s3 =	sld [smem:$0x3FFC];
	_ =	sdelay $0x3  }
0x94: {  	_ =	strace s3  }
0x95: {  	s3 =	sld [smem:$0x3FFD];
	_ =	sdelay $0x3  }
0x96: {  	_ =	strace s3  }
0x97: {  	_ =	strace $0x8FFFFFFF  }
0x98: {  	s19 =	sld [smem:$0x3FDB];
	_ =	sdelay $0x1  }
0x99: {  	s4 =	simm.s32 $_scs_section_size  }
0x9a: {  	s5 =	simm.s32 $_size__tile_overlayer_lowered;
	s6 =	simm.s32 $_tile_overlayer_lowered  }
0x9b: {  	s22 =	simm.s32 $0x1BFF;
	s21 =	sshll.u32 s6, $0x1;
	s3 =	sadd.s32 s4, s19  }
0x9c: {  	s7 =	simm.s32 $0x0;
	s20 =	sshll.u32 s5, $0x1;
	s5 =	sadd.s32 s21, s3  }
0x9d: {  	[timem:s7], [sflag:s22] =	dma.local [hbm:s5], s20  }
0x9e: {  	_ =	swait.ge [sflag:s22], s20  }
0x9f: {  	s4 =	ssub.s32 $0x0, s20;
	[sflag:s22] =	ssyncset.done $0x0  }
0xa0: {  	[sflag:s22] =	ssyncadd.s32 s4;
	_ =	sdelay $0x1  }
0xa1: {  	s23 =	simm.s32 $0x1B8B  }
0xa2: {  	_ =	swait.ge [sflag:s23], $0x1  }
0xa3: {  	[sflag:s23] =	ssyncset.done $0x0  }
0xa4: {  	s25 =	simm.s32 $0x1B8E;
	s24 =	sld [smem:$0x3FFE];
	[sflag:s23] =	ssyncadd.s32 $0xFFFFFFFF  }
0xa5: {  	s26 =	simm.s32 $execute0_lowered;
	[smem:$0x3FD2] =	sst s25  }
0xa6: {  	s5 =	sshll.u32 s26, $0x1;
	_ =	strace $0x80000046;
	[dreg:$0x1] =	wrdreg $0xFFFFFFFF  }
0xa7: {  	s28 =	simm.s32 $_size_execute0_lowered;
	s3 =	sadd.s32 s3, s5;
	[dreg:$0x0] =	wrdreg $0x0  }
0xa8: {  	s5 =	sshll.u32 s28, $0x1;
	[dreg:$0x2] =	wrdreg s3  }
0xa9: {  	[dreg:$0x3] =	wrdreg s5  }
0xaa: {  	[dreg:$0x4] =	wrdreg $0xC0  }
0xab: {  	_ =	task [dreg:s7], $0x5FFFF  }
0xac: {  	[dreg:$0x1] =	wrdreg $0xFFFFFFFF  }
0xad: {  	[dreg:$0x0] =	wrdreg $0x60  }
0xae: {  	[dreg:$0x2] =	wrdreg s2  }
0xaf: {  	[dreg:$0x3] =	wrdreg s24  }
0xb0: {  	[dreg:$0x4] =	wrdreg $0x6FB00  }
0xb1: {  	[dreg:$0x5] =	wrdreg $0x9  }
0xb2: {  	_ =	task.clear_ibuf [dreg:s7], $0x6FFFF;
	_ =	strace $0x90000046  }
0xb3: {  	s29 =	simm.s32 $0x9;
	_ =	strace $0x80000048  }
0xb4: {  	_ =	swait.ge [sflag:s29], $0x1  }
0xb5: {  	[sflag:s29] =	ssyncadd.s32 $0xFFFFFFFF  }
0xb6: {  	_ =	strace $0x90000048  }
0xb7: {  	_ =	sfence  }
0xb8: {  	s30 =	sld [smem:$0x0];
	_ =	sdelay $0x2  }
0xb9: {  	s31 =	sshll.u32 s1, $0xD;
	s1 =	sshrl.u32 s1, $0x2  }
0xba: {  	s3 =	sand.u32 $0x4000, s31;
	s1 =	sadd.s32 s1, s30  }
0xbb: {  	s0 =	sor.u32 s3, s0;
	s1 =	sshll.u32 s1, $0x11  }
0xbc: {  	s0 =	sor.u32 s1, s0  }
0xbd: {  	s0 =	sadd.s32 $0x8F2B, s0  }
0xbe: {  	[sflag:s0] =	ssyncadd.remote.s32 $0x1  }
0xbf: {  	_ =	sfence.sel $0xFFFF  }
0xc0: {  	[dreg:$0x0] =	wrdreg $0xFFFFFFFF;
	(pc) =	sbr.abs _section_cstart, $3  }
0xc1: {  	[dreg:$0x1] =	wrdreg $0xFFFFFFFF  }
0xc2: {  	_ =	task.clear_ibuf [dreg:s7], $0x2FFFF;
	_ =	strace $0x9FFFFFFF  }
0xc3: {  	(tm) =	ssettm $0x7FFFFFFF  }
tec
execute0_lowered:
.L_overlay_start_1:
0x0: {  	(tag) =	ssettag $0x1  }
0x1: {  	s1 =	rddreg [dreg:$0x0]  }
0x2: {  	s0 =	rddreg [dreg:$0x1]  }
0x3: {  	s2 =	rddreg [dreg:$0x2]  }
0x4: {  	s4 =	srdreg.scid;
	s3 =	simm.s32 $0x0;
	s16 =	stileid.u32  }
0x5: {  	s29 =	simm.s32 $0xA;
	s31 =	simm.s32 $0x2;
	s30 =	simm.s32 $0x4DB0  }
0x6: {  	s28 =	simm.s32 $0x3;
	s7 =	sand.u32 $0x1, s4;
	s8 =	smul.u32 $0xC800, s16  }
0x7: {  	[smem:$0x7FF] =	sst s3;
	s6 =	sadd.s32 $0x65800, s0;
	s4 =	ssub.s32 $0x2, s7  }
0x8: {  	_ =	strace $0x80000047;
	s5 =	sshrl.u32 s4, $0x1;
	s9 =	sor.u32 $0x80, s8  }
0x9: {  	s10 =	sshrl.u32 s8, $0x3;
	s26 =	sor.u32 $0x100, s8;
	s13 =	sor.u32 $0x180, s8  }
0xa: {  	s14 =	sor.u32 $0x200, s8;
	s15 =	sor.u32 $0x280, s8;
	s4 =	ssub.s32 s4, s5  }
0xb: {  	s5 =	smul.u32 $0xC800, s7;
	s11 =	sshrl.u32 s9, $0x3;
	s12 =	sadd.s32 s1, s10  }
0xc: {  	s7 =	smul.u32 $0xC8000, s7;
	s10 =	sadd.s32 s6, s10;
	[dreg:$0xc] =	wrdreg s12  }
0xd: {  	s21 =	sshrl.u32 s26, $0x3;
	s25 =	sadd.s32 s1, s11;
	[dreg:$0xe] =	wrdreg s10  }
0xe: {  	s24 =	sshrl.u32 s13, $0x3;
	s17 =	sadd.s32 s6, s11;
	[dreg:$0xd] =	wrdreg s25  }
0xf: {  	s22 =	sadd.s32 s6, s21;
	s8 =	sadd.s32 s8, s7;
	[dreg:$0xf] =	wrdreg s17  }
0x10: {  	s9 =	sadd.s32 s7, s9;
	s19 =	sadd.s32 s7, s26;
	s7 =	sadd.s32 s7, s13  }
0x11: {  	[dreg:$0x13] =	wrdreg s22;
	s26 =	sadd.s32 s6, s24;
	s18 =	sshrl.u32 s8, $0x3  }
0x12: {  	s9 =	sshrl.u32 s9, $0x3;
	s20 =	sshrl.u32 s19, $0x3;
	s7 =	sshrl.u32 s7, $0x3  }
0x13: {  	s23 =	sor.u32 $0x580, s8;
	s25 =	sor.u32 $0x500, s8;
	[dreg:$0x15] =	wrdreg s26  }
0x14: {  	s13 =	sor.u32 $0x480, s8;
	s26 =	sshrl.u32 s14, $0x3;
	s14 =	smul.u32 $0x1900, s16  }
0x15: {  	s10 =	sadd.s32 s1, s18;
	s9 =	sadd.s32 s1, s9;
	s7 =	sadd.s32 s1, s7  }
0x16: {  	s11 =	sshrl.u32 s25, $0x3;
	s17 =	sshrl.u32 s13, $0x3;
	[dreg:$0x10] =	wrdreg s10  }
0x17: {  	s18 =	sor.u32 $0x400, s8;
	s25 =	sor.u32 $0x280, s8;
	[dreg:$0x11] =	wrdreg s9  }
0x18: {  	s13 =	sshrl.u32 s15, $0x3;
	s9 =	sadd.s32 s1, s20;
	[dreg:$0x14] =	wrdreg s7  }
0x19: {  	s7 =	sshrl.u32 s23, $0x3;
	s12 =	sadd.s32 s11, s1;
	[dreg:$0x12] =	wrdreg s9  }
0x1a: {  	s19 =	sshrl.u32 s18, $0x3;
	s10 =	sadd.s32 s1, s24;
	[dreg:$0x5] =	wrdreg s12  }
0x1b: {  	s23 =	sor.u32 $0x300, s8;
	s15 =	sadd.s32 s1, s13;
	[dreg:$0x17] =	wrdreg s10  }
0x1c: {  	s11 =	sshrl.u32 s25, $0x3;
	s18 =	sadd.s32 $0x1800, s0;
	[dreg:$0x1a] =	wrdreg s15  }
0x1d: {  	s25 =	smax.u32 s4, $0x1;
	s4 =	simm.s32 $0x0;
	[dreg:$0x1d] =	wrdreg s18  }
0x1e: {  	s7 =	sadd.s32 s7, s1;
	s9 =	sadd.s32 s1, s21;
	[smem:$0x7FB] =	sst s25  }
0x1f: {  	s20 =	sadd.s32 s19, s1;
	s21 =	sor.u32 $0x380, s8;
	[dreg:$0x4] =	wrdreg s7  }
0x20: {  	s12 =	sadd.s32 s1, s26;
	s8 =	sor.u32 $0x200, s8;
	[dreg:$0x16] =	wrdreg s9  }
0x21: {  	s10 =	sadd.s32 s6, s26;
	s19 =	sadd.s32 $0x7E800, s0;
	[dreg:$0x7] =	wrdreg s20  }
0x22: {  	s26 =	sadd.s32 $0xE2800, s0;
	s25 =	simm.s32 $0x6DB0;
	[dreg:$0x18] =	wrdreg s12  }
0x23: {  	s15 =	simm.s32 $0x2DB0;
	s18 =	simm.s32 $0x6;
	[dreg:$0x19] =	wrdreg s10  }
0x24: {  	s7 =	sadd.s32 s17, s1;
	s22 =	sshrl.u32 s21, $0x3;
	[dreg:$0x1e] =	wrdreg s19  }
0x25: {  	s9 =	sshrl.u32 s23, $0x3;
	s21 =	sadd.s32 s14, s6;
	[dreg:$0x6] =	wrdreg s7  }
0x26: {  	s8 =	sshrl.u32 s8, $0x3;
	s7 =	sadd.s32 s22, s1;
	[smem:$0x7FD] =	sst s21  }
0x27: {  	s17 =	smul.u32 $0x64000, s16;
	s24 =	sadd.s32 s9, s1;
	[dreg:$0x8] =	wrdreg s7  }
0x28: {  	s20 =	smul.u32 $0xC80, s16;
	s9 =	sadd.s32 s6, s13;
	[dreg:$0x9] =	wrdreg s24  }
0x29: {  	s19 =	simm.s32 $0x7;
	s8 =	sadd.s32 s8, s1;
	[dreg:$0x1b] =	wrdreg s9  }
0x2a: {  	s10 =	simm.s32 $0x4DB0;
	s22 =	sadd.s32 $0x146800, s0;
	[dreg:$0xb] =	wrdreg s8  }
0x2b: {  	v0 =	vlaneseq.u32;
	s7 =	sadd.s32 s11, s1;
	s11 =	sadd.s32 s14, s1;
	[smem:$0x7F9] =	sst s22  }
0x2c: {  	v0 =	vmul.u32 $0x20, v0;
	s23 =	sshrl.u32 s17, $0x2;
	[dreg:$0x1f] =	wrdreg s20;
	s24 =	sadd.s32 s20, s5  }
0x2d: {  	s5 =	simm.s32 $0x5;
	s14 =	simm.s32 $0x80;
	[dreg:$0xa] =	wrdreg s7  }
0x2e: {  	v1 =	vimm.f32 $0.0e+00;
	v2 =	vimm.f32 $1.000000000e+00;
	v3 =	vor.u32 $0x200, v0;
	s22 =	simm.s32 $0x2930;
	s8 =	simm.s32 $0x3DB0;
	[smem:$0x7FA] =	sst s24  }
0x2f: {  	v4 =	vor.u32 $0x400, v0;
	v5 =	vor.u32 $0x600, v0;
	v6 =	vor.u32 $0x800, v0;
	s9 =	simm.s32 $0x5DB0;
	s23 =	sadd.s32 s23, s2;
	[dreg:$0x1c] =	wrdreg s11  }
0x30: {  	v7 =	vor.u32 $0xA00, v0;
	v8 =	vor.u32 $0xC00, v0;
	v9 =	vor.u32 $0xE00, v0;
	s1 =	simm.s32 $0x26B0;
	s24 =	simm.s32 $0x1;
	[smem:$0x7FC] =	sst s23  }
.LBB2_1:
0x31: {  	[tilespmem:$0x6DB0] =	vst v1  }
0x32: {  	[tilespmem:$0x6DC0] =	vst v1  }
0x33: {  	[tilespmem:$0x6DD0] =	vst v1  }
0x34: {  	[tilespmem:$0x6DE0] =	vst v1  }
0x35: {  	[tilespmem:$0x6DF0] =	vst v1  }
0x36: {  	[tilespmem:$0x6E00] =	vst v1  }
0x37: {  	[tilespmem:$0x6E10] =	vst v1  }
0x38: {  	[tilespmem:$0x6E20] =	vst v1  }
0x39: {  	[tilespmem:$0x6E30] =	vst v1  }
0x3a: {  	[tilespmem:$0x6E40] =	vst v1  }
0x3b: {  	[tilespmem:$0x6E50] =	vst v1  }
0x3c: {  	[tilespmem:$0x6E60] =	vst v1  }
0x3d: {  	[tilespmem:$0x6E70] =	vst v1  }
0x3e: {  	[tilespmem:$0x6E80] =	vst v1  }
0x3f: {  	[tilespmem:$0x6E90] =	vst v1  }
0x40: {  	[tilespmem:$0x6EA0] =	vst v1  }
0x41: {  	[tilespmem:$0x6EB0] =	vst v1  }
0x42: {  	[tilespmem:$0x6EC0] =	vst v1  }
0x43: {  	[tilespmem:$0x6ED0] =	vst v1  }
0x44: {  	[tilespmem:$0x6EE0] =	vst v1  }
0x45: {  	[tilespmem:$0x6EF0] =	vst v1  }
0x46: {  	[tilespmem:$0x6F00] =	vst v1  }
0x47: {  	[tilespmem:$0x6F10] =	vst v1  }
0x48: {  	[tilespmem:$0x6F20] =	vst v1  }
0x49: {  	[tilespmem:$0x6F30] =	vst v1  }
0x4a: {  	[tilespmem:$0x6F40] =	vst v1  }
0x4b: {  	[tilespmem:$0x6F50] =	vst v1  }
0x4c: {  	[tilespmem:$0x6F60] =	vst v1  }
0x4d: {  	[tilespmem:$0x6F70] =	vst v1  }
0x4e: {  	[tilespmem:$0x6F80] =	vst v1  }
0x4f: {  	[tilespmem:$0x6F90] =	vst v1  }
0x50: {  	[smem:$0x7F8] =	sst s4;
	[tilespmem:$0x6FA0] =	vst v1;
	s0 =	simm.s32 $0x0  }
.LBB2_2:
0x51: {  	p0 =	sne.s32 s0, $0x3F80  }
.Ltmp0:
0x52: {  	_ = 	snop;
	(pc) =	sbr.rel @p0 .LBB2_2-.Ltmp0, $4  }
0x53: {  	_ = 	snop  }
0x54: {  	s6 =	sshra.s32 s0, $0x2  }
0x55: {  	[tilespmem:s6+$0x2DB0] =	vst v2  }
0x56: {  	s0 =	sadd.s32 $0x80, s0;
	[tilespmem:s6+$0x2DC0] =	vst v2  }
0x57: {  	s0 =	sadd.s32 $0x0, s23  }
0x58: {  	[spmem:s0] =	stream.linear.scatter [tilespmem:s25], [sflag:$0xA], $0x200, $0x38;
	[tilespmem:$0x1FFB0] =	vst v63  }
0x59: {  	_ =	swait.ge [sflag:s29], $0x200  }
0x5a: {  	[sflag:s29] =	ssyncset.done $0x0  }
0x5b: {  	s6 =	sadd.s32 $0x200, s0;
	[sflag:s29] =	ssyncadd.s32 $0xFFFFFE00  }
0x5c: {  	[spmem:s6] =	stream.linear.scatter [tilespmem:s25], [sflag:$0xA], $0x200, $0x38;
	[tilespmem:$0x1FFB0] =	vst v63  }
0x5d: {  	_ =	swait.ge [sflag:s29], $0x200  }
0x5e: {  	[sflag:s29] =	ssyncset.done $0x0  }
0x5f: {  	s12 =	sadd.s32 $0x400, s0;
	[sflag:s29] =	ssyncadd.s32 $0xFFFFFE00  }
0x60: {  	[spmem:s12] =	stream.linear.scatter [tilespmem:s25], [sflag:$0xA], $0x200, $0x38;
	[tilespmem:$0x1FFB0] =	vst v63  }
0x61: {  	_ =	swait.ge [sflag:s29], $0x200  }
0x62: {  	[sflag:s29] =	ssyncset.done $0x0  }
0x63: {  	s13 =	sadd.s32 $0x600, s0;
	[sflag:s29] =	ssyncadd.s32 $0xFFFFFE00  }
0x64: {  	[spmem:s13] =	stream.linear.scatter [tilespmem:s25], [sflag:$0xA], $0x200, $0x38;
	[tilespmem:$0x1FFB0] =	vst v63  }
0x65: {  	_ =	swait.ge [sflag:s29], $0x200  }
0x66: {  	[sflag:s29] =	ssyncset.done $0x0  }
0x67: {  	s16 =	sadd.s32 $0x800, s0;
	[sflag:s29] =	ssyncadd.s32 $0xFFFFFE00  }
0x68: {  	[spmem:s16] =	stream.linear.scatter [tilespmem:s25], [sflag:$0xA], $0x200, $0x38;
	[tilespmem:$0x1FFB0] =	vst v63  }
0x69: {  	_ =	swait.ge [sflag:s29], $0x200  }
0x6a: {  	[sflag:s29] =	ssyncset.done $0x0  }
0x6b: {  	s17 =	sadd.s32 $0xA00, s0;
	[sflag:s29] =	ssyncadd.s32 $0xFFFFFE00  }
0x6c: {  	[spmem:s17] =	stream.linear.scatter [tilespmem:s25], [sflag:$0xA], $0x200, $0x38;
	[tilespmem:$0x1FFB0] =	vst v63  }
0x6d: {  	_ =	swait.ge [sflag:s29], $0x200  }
0x6e: {  	[sflag:s29] =	ssyncset.done $0x0  }
0x6f: {  	s20 =	sadd.s32 $0xC00, s0;
	[sflag:s29] =	ssyncadd.s32 $0xFFFFFE00  }
0x70: {  	[spmem:s20] =	stream.linear.scatter [tilespmem:s25], [sflag:$0xA], $0x200, $0x38;
	[tilespmem:$0x1FFB0] =	vst v63  }
0x71: {  	_ =	swait.ge [sflag:s29], $0x200  }
0x72: {  	[sflag:s29] =	ssyncset.done $0x0  }
0x73: {  	s0 =	sadd.s32 $0xE00, s0;
	[sflag:s29] =	ssyncadd.s32 $0xFFFFFE00  }
0x74: {  	[spmem:s0] =	stream.linear.scatter [tilespmem:s25], [sflag:$0xA], $0x200, $0x38;
	[tilespmem:$0x1FFB0] =	vst v63  }
0x75: {  	_ =	swait.ge [sflag:s29], $0x200  }
0x76: {  	s7 =	simm.s32 $0x1000;
	s0 =	simm.s32 $0x8000;
	[sflag:s29] =	ssyncset.done $0x0  }
.LBB2_4:
0x77: {  	s17 =	sadd.s32 s7, s23  }
0x78: {  	[sflag:s29] =	ssyncadd.s32 $0xFFFFFE00;
	s12 =	smov.u32 s0;
	s6 =	sadd.s32 $0x4000, s0  }
0x79: {  	[spmem:s17] =	stream.linear.scatter [tilespmem:s25], [sflag:$0xA], $0x200, $0x38;
	[tilespmem:$0x1FFB0] =	vst v63  }
0x7a: {  	p0 =	sne.s32 s0, $0x60000;
	_ =	swait.ge [sflag:s29], $0x200  }
0x7b: {  	[sflag:s29] =	ssyncset.done $0x0  }
0x7c: {  	s0 =	sadd.s32 $0x200, s17;
	[sflag:s29] =	ssyncadd.s32 $0xFFFFFE00  }
0x7d: {  	[spmem:s0] =	stream.linear.scatter [tilespmem:s25], [sflag:$0xA], $0x200, $0x38;
	[tilespmem:$0x1FFB0] =	vst v63  }
0x7e: {  	_ =	swait.ge [sflag:s29], $0x200  }
0x7f: {  	[sflag:s29] =	ssyncset.done $0x0  }
0x80: {  	s0 =	sadd.s32 $0x400, s17;
	[sflag:s29] =	ssyncadd.s32 $0xFFFFFE00  }
0x81: {  	[spmem:s0] =	stream.linear.scatter [tilespmem:s25], [sflag:$0xA], $0x200, $0x38;
	[tilespmem:$0x1FFB0] =	vst v63  }
0x82: {  	_ =	swait.ge [sflag:s29], $0x200  }
0x83: {  	[sflag:s29] =	ssyncset.done $0x0  }
0x84: {  	s0 =	sadd.s32 $0x600, s17;
	[sflag:s29] =	ssyncadd.s32 $0xFFFFFE00  }
0x85: {  	[spmem:s0] =	stream.linear.scatter [tilespmem:s25], [sflag:$0xA], $0x200, $0x38;
	[tilespmem:$0x1FFB0] =	vst v63  }
0x86: {  	_ =	swait.ge [sflag:s29], $0x200  }
0x87: {  	[sflag:s29] =	ssyncset.done $0x0  }
0x88: {  	s0 =	sadd.s32 $0x800, s17;
	[sflag:s29] =	ssyncadd.s32 $0xFFFFFE00  }
0x89: {  	[spmem:s0] =	stream.linear.scatter [tilespmem:s25], [sflag:$0xA], $0x200, $0x38;
	[tilespmem:$0x1FFB0] =	vst v63  }
0x8a: {  	_ =	swait.ge [sflag:s29], $0x200  }
0x8b: {  	[sflag:s29] =	ssyncset.done $0x0  }
0x8c: {  	s0 =	sadd.s32 $0xA00, s17;
	[sflag:s29] =	ssyncadd.s32 $0xFFFFFE00  }
0x8d: {  	[spmem:s0] =	stream.linear.scatter [tilespmem:s25], [sflag:$0xA], $0x200, $0x38;
	[tilespmem:$0x1FFB0] =	vst v63  }
0x8e: {  	_ =	swait.ge [sflag:s29], $0x200  }
0x8f: {  	[sflag:s29] =	ssyncset.done $0x0  }
0x90: {  	s0 =	sadd.s32 $0xC00, s17;
	[sflag:s29] =	ssyncadd.s32 $0xFFFFFE00  }
0x91: {  	[spmem:s0] =	stream.linear.scatter [tilespmem:s25], [sflag:$0xA], $0x200, $0x38;
	[tilespmem:$0x1FFB0] =	vst v63  }
0x92: {  	_ =	swait.ge [sflag:s29], $0x200  }
.Ltmp1:
0x93: {  	[sflag:s29] =	ssyncset.done $0x0;
	(pc) =	sbr.rel @p0 .LBB2_4-.Ltmp1, $4  }
0x94: {  	s0 =	sadd.s32 $0xE00, s17;
	[sflag:s29] =	ssyncadd.s32 $0xFFFFFE00  }
0x95: {  	[spmem:s0] =	stream.linear.scatter [tilespmem:s25], [sflag:$0xA], $0x200, $0x38;
	[tilespmem:$0x1FFB0] =	vst v63  }
0x96: {  	_ =	swait.ge [sflag:s29], $0x200  }
0x97: {  	s7 =	sshra.s32 s12, $0x2;
	s0 =	smov.u32 s6;
	[sflag:s29] =	ssyncset.done $0x0  }
0x98: {  	s0 =	sadd.s32 s7, s23;
	[sflag:s29] =	ssyncadd.s32 $0xFFFFFE00  }
0x99: {  	[spmem:s0] =	stream.linear.scatter [tilespmem:s25], [sflag:$0xA], $0x200, $0x38;
	[tilespmem:$0x1FFB0] =	vst v63  }
0x9a: {  	_ =	swait.ge [sflag:s29], $0x200  }
0x9b: {  	[sflag:s29] =	ssyncset.done $0x0  }
0x9c: {  	s6 =	sadd.s32 $0x200, s0;
	[sflag:s29] =	ssyncadd.s32 $0xFFFFFE00  }
0x9d: {  	[spmem:s6] =	stream.linear.scatter [tilespmem:s25], [sflag:$0xA], $0x200, $0x38;
	[tilespmem:$0x1FFB0] =	vst v63  }
0x9e: {  	_ =	swait.ge [sflag:s29], $0x200  }
0x9f: {  	[sflag:s29] =	ssyncset.done $0x0  }
0xa0: {  	s7 =	sadd.s32 $0x400, s0;
	[sflag:s29] =	ssyncadd.s32 $0xFFFFFE00  }
0xa1: {  	[spmem:s7] =	stream.linear.scatter [tilespmem:s25], [sflag:$0xA], $0x200, $0x38;
	[tilespmem:$0x1FFB0] =	vst v63  }
0xa2: {  	_ =	swait.ge [sflag:s29], $0x200  }
0xa3: {  	[sflag:s29] =	ssyncset.done $0x0  }
0xa4: {  	s12 =	sadd.s32 $0x600, s0;
	[sflag:s29] =	ssyncadd.s32 $0xFFFFFE00  }
0xa5: {  	[spmem:s12] =	stream.linear.scatter [tilespmem:s25], [sflag:$0xA], $0x200, $0x38;
	[tilespmem:$0x1FFB0] =	vst v63  }
0xa6: {  	_ =	swait.ge [sflag:s29], $0x200  }
0xa7: {  	[sflag:s29] =	ssyncset.done $0x0  }
0xa8: {  	s13 =	sadd.s32 $0x800, s0;
	[sflag:s29] =	ssyncadd.s32 $0xFFFFFE00  }
0xa9: {  	[spmem:s13] =	stream.linear.scatter [tilespmem:s25], [sflag:$0xA], $0x200, $0x38;
	[tilespmem:$0x1FFB0] =	vst v63  }
0xaa: {  	_ =	swait.ge [sflag:s29], $0x200  }
0xab: {  	[sflag:s29] =	ssyncset.done $0x0  }
0xac: {  	s16 =	sadd.s32 $0xA00, s0;
	[sflag:s29] =	ssyncadd.s32 $0xFFFFFE00  }
0xad: {  	[spmem:s16] =	stream.linear.scatter [tilespmem:s25], [sflag:$0xA], $0x200, $0x38;
	[tilespmem:$0x1FFB0] =	vst v63  }
0xae: {  	_ =	swait.ge [sflag:s29], $0x200  }
0xaf: {  	[sflag:s29] =	ssyncset.done $0x0  }
0xb0: {  	s17 =	sadd.s32 $0xC00, s0;
	[sflag:s29] =	ssyncadd.s32 $0xFFFFFE00  }
0xb1: {  	[spmem:s17] =	stream.linear.scatter [tilespmem:s25], [sflag:$0xA], $0x200, $0x38;
	[tilespmem:$0x1FFB0] =	vst v63  }
0xb2: {  	_ =	swait.ge [sflag:s29], $0x200  }
0xb3: {  	[sflag:s29] =	ssyncset.done $0x0  }
0xb4: {  	s0 =	sadd.s32 $0xE00, s0;
	[sflag:s29] =	ssyncadd.s32 $0xFFFFFE00  }
0xb5: {  	[spmem:s0] =	stream.linear.scatter [tilespmem:s25], [sflag:$0xA], $0x200, $0x38;
	[tilespmem:$0x1FFB0] =	vst v63  }
0xb6: {  	_ =	swait.ge [sflag:s29], $0x200  }
0xb7: {  	[sflag:s29] =	ssyncset.done $0x0  }
0xb8: {  	[sflag:s29] =	ssyncadd.s32 $0xFFFFFE00  }
0xb9: {  	[bflag:$0x0] =	sbarrier.arrive $0xFFFF  }
0xba: {  	s12 =	simm.s32 $0x2630;
	s20 =	rddreg [dreg:$0xc]  }
0xbb: {  	[tilespmem:s12], [sflag:$0x5] =	stream.linear.gather [hbm4b:s20+s3], $0x80, $0x38;
	[tilespmem:$0x1FFB0] =	vst v63  }
0xbc: {  	s13 =	simm.s32 $0x2730;
	s4 =	rddreg [dreg:$0xd]  }
0xbd: {  	[tilespmem:s13], [sflag:$0x5] =	stream.linear.gather [hbm4b:s4+s3], $0x80, $0x38;
	[tilespmem:$0x1FFB0] =	vst v63  }
0xbe: {  	_ =	swait.ge [sflag:s5], $0x80  }
0xbf: {  	[sflag:s5] =	ssyncset.done $0x0  }
0xc0: {  	[sflag:s5] =	ssyncadd.s32 $0xFFFFFF80  }
0xc1: {  	[spmem:s2] =	stream.indirect.scatter.add.f32 [tilespmem:s15], [sflag:$0x6], $0x20, s12, s14, $0xb8;
	[tilespmem:$0x1FFB0] =	vst v63  }
0xc2: {  	s17 =	simm.s32 $0x2830;
	s6 =	rddreg [dreg:$0x16]  }
0xc3: {  	[tilespmem:s17], [sflag:$0x5] =	stream.linear.gather [hbm4b:s6+s3], $0x80, $0x38;
	[tilespmem:$0x1FFB0] =	vst v63  }
0xc4: {  	_ =	swait.ge [sflag:s5], $0x80  }
0xc5: {  	[sflag:s5] =	ssyncset.done $0x0  }
0xc6: {  	[sflag:s5] =	ssyncadd.s32 $0xFFFFFF80  }
0xc7: {  	[spmem:s2] =	stream.indirect.scatter.add.f32 [tilespmem:s15], [sflag:$0x7], $0x20, s13, s14, $0xb8;
	[tilespmem:$0x1FFB0] =	vst v63  }
0xc8: {  	s7 =	rddreg [dreg:$0x17]  }
0xc9: {  	[tilespmem:s22], [sflag:$0x5] =	stream.linear.gather [hbm4b:s7+s3], $0x80, $0x38;
	[tilespmem:$0x1FFB0] =	vst v63  }
0xca: {  	_ =	swait.ge [sflag:s5], $0x80  }
0xcb: {  	[sflag:s5] =	ssyncset.done $0x0  }
0xcc: {  	[sflag:s5] =	ssyncadd.s32 $0xFFFFFF80  }
0xcd: {  	_ =	swait.ge [sflag:s18], $0x1000  }
0xce: {  	[sflag:s18] =	ssyncset.done $0x0  }
0xcf: {  	[sflag:s18] =	ssyncadd.s32 $0xFFFFF000  }
0xd0: {  	[spmem:s2] =	stream.indirect.scatter.add.f32 [tilespmem:s15], [sflag:$0x6], $0x20, s17, s14, $0xb8;
	[tilespmem:$0x1FFB0] =	vst v63  }
0xd1: {  	s16 =	rddreg [dreg:$0x18]  }
0xd2: {  	[tilespmem:s12], [sflag:$0x5] =	stream.linear.gather [hbm4b:s16+s3], $0x80, $0x38;
	[tilespmem:$0x1FFB0] =	vst v63  }
0xd3: {  	_ =	swait.ge [sflag:s5], $0x80  }
0xd4: {  	[sflag:s5] =	ssyncset.done $0x0  }
0xd5: {  	[sflag:s5] =	ssyncadd.s32 $0xFFFFFF80  }
0xd6: {  	_ =	swait.ge [sflag:s19], $0x1000  }
0xd7: {  	[sflag:s19] =	ssyncset.done $0x0  }
0xd8: {  	[sflag:s19] =	ssyncadd.s32 $0xFFFFF000  }
0xd9: {  	[spmem:s2] =	stream.indirect.scatter.add.f32 [tilespmem:s15], [sflag:$0x7], $0x20, s22, s14, $0xb8;
	[tilespmem:$0x1FFB0] =	vst v63  }
0xda: {  	s6 =	simm.s32 $0xFFFFE780;
	s20 =	rddreg [dreg:$0x1a]  }
0xdb: {  	[tilespmem:s13], [sflag:$0x5] =	stream.linear.gather [hbm4b:s20+s3], $0x80, $0x38;
	[tilespmem:$0x1FFB0] =	vst v63  }
.LBB2_6:
0xdc: {  	_ =	swait.ge [sflag:s5], $0x80  }
0xdd: {  	[sflag:s5] =	ssyncset.done $0x0  }
0xde: {  	[sflag:s5] =	ssyncadd.s32 $0xFFFFFF80  }
0xdf: {  	_ =	swait.ge [sflag:s18], $0x1000  }
0xe0: {  	[sflag:s18] =	ssyncset.done $0x0  }
0xe1: {  	s0 =	sadd.s32 s6, s11;
	[sflag:s18] =	ssyncadd.s32 $0xFFFFF000  }
0xe2: {  	[spmem:s2] =	stream.indirect.scatter.add.f32 [tilespmem:s15], [sflag:$0x6], $0x20, s12, s14, $0xb8;
	[tilespmem:$0x1FFB0] =	vst v63  }
0xe3: {  	s7 =	sadd.s32 $0x18E0, s0  }
0xe4: {  	[tilespmem:s17], [sflag:$0x5] =	stream.linear.gather [hbm4b:s7+s3], $0x80, $0x38;
	[tilespmem:$0x1FFB0] =	vst v63  }
0xe5: {  	_ =	swait.ge [sflag:s5], $0x80  }
0xe6: {  	[sflag:s5] =	ssyncset.done $0x0  }
0xe7: {  	[sflag:s5] =	ssyncadd.s32 $0xFFFFFF80  }
0xe8: {  	_ =	swait.ge [sflag:s19], $0x1000  }
0xe9: {  	[sflag:s19] =	ssyncset.done $0x0  }
0xea: {  	[sflag:s19] =	ssyncadd.s32 $0xFFFFF000  }
0xeb: {  	[spmem:s2] =	stream.indirect.scatter.add.f32 [tilespmem:s15], [sflag:$0x7], $0x20, s13, s14, $0xb8;
	[tilespmem:$0x1FFB0] =	vst v63  }
0xec: {  	s20 =	sadd.s32 $0x18F0, s0  }
0xed: {  	[tilespmem:s22], [sflag:$0x5] =	stream.linear.gather [hbm4b:s20+s3], $0x80, $0x38;
	[tilespmem:$0x1FFB0] =	vst v63  }
0xee: {  	_ =	swait.ge [sflag:s5], $0x80  }
0xef: {  	p0 =	seq.s32 s6, $0x0;
	[sflag:s5] =	ssyncset.done $0x0  }
.Ltmp2:
0xf0: {  	[sflag:s5] =	ssyncadd.s32 $0xFFFFFF80;
	(pc) =	sbr.rel @p0 .LBB2_8-.Ltmp2, $4  }
0xf1: {  	_ =	swait.ge [sflag:s18], $0x1000  }
0xf2: {  	[sflag:s18] =	ssyncset.done $0x0  }
0xf3: {  	[sflag:s18] =	ssyncadd.s32 $0xFFFFF000  }
0xf4: {  	[spmem:s2] =	stream.indirect.scatter.add.f32 [tilespmem:s15], [sflag:$0x6], $0x20, s17, s14, $0xb8;
	[tilespmem:$0x1FFB0] =	vst v63  }
0xf5: {  	s7 =	sadd.s32 $0x1900, s0  }
0xf6: {  	[tilespmem:s12], [sflag:$0x5] =	stream.linear.gather [hbm4b:s7+s3], $0x80, $0x38;
	[tilespmem:$0x1FFB0] =	vst v63  }
0xf7: {  	_ =	swait.ge [sflag:s5], $0x80  }
0xf8: {  	[sflag:s5] =	ssyncset.done $0x0  }
0xf9: {  	[sflag:s5] =	ssyncadd.s32 $0xFFFFFF80  }
0xfa: {  	_ =	swait.ge [sflag:s19], $0x1000  }
.Ltmp3:
0xfb: {  	[sflag:s19] =	ssyncset.done $0x0;
	(pc) =	sbr.rel .LBB2_6-.Ltmp3, $4  }
0xfc: {  	[sflag:s19] =	ssyncadd.s32 $0xFFFFF000  }
0xfd: {  	[spmem:s2] =	stream.indirect.scatter.add.f32 [tilespmem:s15], [sflag:$0x7], $0x20, s22, s14, $0xb8;
	[tilespmem:$0x1FFB0] =	vst v63  }
0xfe: {  	s20 =	sadd.s32 $0x1910, s0;
	s6 =	sadd.s32 $0x40, s6  }
0xff: {  	[tilespmem:s13], [sflag:$0x5] =	stream.linear.gather [hbm4b:s20+s3], $0x80, $0x38;
	[tilespmem:$0x1FFB0] =	vst v63  }
.LBB2_8:
0x100: {  	_ =	swait.ge [sflag:s5], $0x80  }
0x101: {  	[sflag:s5] =	ssyncset.done $0x0  }
0x102: {  	[sflag:s5] =	ssyncadd.s32 $0xFFFFFF80  }
0x103: {  	_ =	swait.ge [sflag:s19], $0x1000  }
0x104: {  	[sflag:s19] =	ssyncset.done $0x0  }
0x105: {  	[sflag:s19] =	ssyncadd.s32 $0xFFFFF000  }
0x106: {  	[spmem:s2] =	stream.indirect.scatter.add.f32 [tilespmem:s15], [sflag:$0x7], $0x20, s22, s14, $0xb8;
	[tilespmem:$0x1FFB0] =	vst v63  }
0x107: {  	_ =	swait.ge [sflag:s18], $0x1000  }
0x108: {  	[sflag:s18] =	ssyncset.done $0x0  }
0x109: {  	[sflag:s18] =	ssyncadd.s32 $0xFFFFF000  }
0x10a: {  	_ =	swait.ge [sflag:s19], $0x1000  }
0x10b: {  	[sflag:s19] =	ssyncset.done $0x0  }
0x10c: {  	[sflag:s19] =	ssyncadd.s32 $0xFFFFF000  }
0x10d: {  	s12 =	sadd.s32 $0x0, s23;
	[bflag:$0x0] =	sbarrier.arrive $0xFFFF  }
0x10e: {  	[tilespmem:s10], [sflag:$0xA] =	stream.linear.gather [spmem:s12], $0x1000, $0x38;
	[tilespmem:$0x1FFB0] =	vst v63  }
0x10f: {  	_ =	swait.ge [sflag:s29], $0x1000  }
0x110: {  	[sflag:s29] =	ssyncset.done $0x0  }
0x111: {  	[sflag:s29] =	ssyncadd.s32 $0xFFFFF000  }
0x112: {  	v10 =	vld.idx.msk [tilespmem:v0+s10+$0x0], $0xffff;
	_ =	sdelay $0x3  }
0x113: {  	s17 =	simm.s32 $0x40  }
0x114: {  	[tilespmem:s17+$0xFFFFFFC0] =	vst v10  }
0x115: {  	v10 =	vld.idx.msk [tilespmem:v3+s10+$0x0], $0xffff;
	_ =	sdelay $0x4  }
0x116: {  	[tilespmem:s17+$0xFFFFFFD0] =	vst v10  }
0x117: {  	v10 =	vld.idx.msk [tilespmem:v4+s10+$0x0], $0xffff;
	_ =	sdelay $0x4  }
0x118: {  	[tilespmem:s17+$0xFFFFFFE0] =	vst v10  }
0x119: {  	v10 =	vld.idx.msk [tilespmem:v5+s10+$0x0], $0xffff;
	_ =	sdelay $0x4  }
0x11a: {  	[tilespmem:s17+$0xFFFFFFF0] =	vst v10  }
0x11b: {  	v10 =	vld.idx.msk [tilespmem:v6+s10+$0x0], $0xffff;
	_ =	sdelay $0x4  }
0x11c: {  	[tilespmem:s17+$0x0] =	vst v10  }
0x11d: {  	v10 =	vld.idx.msk [tilespmem:v7+s10+$0x0], $0xffff;
	_ =	sdelay $0x4  }
0x11e: {  	[tilespmem:s17+$0x10] =	vst v10  }
0x11f: {  	v10 =	vld.idx.msk [tilespmem:v8+s10+$0x0], $0xffff;
	_ =	sdelay $0x4  }
0x120: {  	[tilespmem:s17+$0x20] =	vst v10  }
0x121: {  	v10 =	vld.idx.msk [tilespmem:v9+s10+$0x0], $0xffff;
	_ =	sdelay $0x2  }
0x122: {  	s0 =	simm.s32 $0x8000;
	s6 =	simm.s32 $0x1000  }
.LBB2_9:
0x123: {  	s7 =	sadd.s32 s6, s23  }
0x124: {  	[tilespmem:s17+$0x30] =	vst v10;
	s17 =	sadd.s32 $0x80, s17;
	s6 =	smov.u32 s0;
	s20 =	sadd.s32 $0x4000, s0  }
0x125: {  	[tilespmem:s10], [sflag:$0xA] =	stream.linear.gather [spmem:s7], $0x1000, $0x38;
	[tilespmem:$0x1FFB0] =	vst v63  }
0x126: {  	p0 =	sne.s32 s0, $0x60000;
	_ =	swait.ge [sflag:s29], $0x1000  }
0x127: {  	[sflag:s29] =	ssyncset.done $0x0  }
0x128: {  	[sflag:s29] =	ssyncadd.s32 $0xFFFFF000  }
0x129: {  	v10 =	vld.idx.msk [tilespmem:v0+s10+$0x0], $0xffff;
	_ =	sdelay $0x5  }
0x12a: {  	[tilespmem:s17+$0xFFFFFFC0] =	vst v10  }
0x12b: {  	v10 =	vld.idx.msk [tilespmem:v3+s10+$0x0], $0xffff;
	_ =	sdelay $0x5  }
0x12c: {  	[tilespmem:s17+$0xFFFFFFD0] =	vst v10  }
0x12d: {  	v10 =	vld.idx.msk [tilespmem:v4+s10+$0x0], $0xffff;
	_ =	sdelay $0x5  }
0x12e: {  	[tilespmem:s17+$0xFFFFFFE0] =	vst v10  }
0x12f: {  	v10 =	vld.idx.msk [tilespmem:v5+s10+$0x0], $0xffff;
	_ =	sdelay $0x5  }
0x130: {  	[tilespmem:s17+$0xFFFFFFF0] =	vst v10  }
0x131: {  	v10 =	vld.idx.msk [tilespmem:v6+s10+$0x0], $0xffff;
	_ =	sdelay $0x5  }
0x132: {  	[tilespmem:s17+$0x0] =	vst v10  }
0x133: {  	v10 =	vld.idx.msk [tilespmem:v7+s10+$0x0], $0xffff;
	_ =	sdelay $0x5  }
0x134: {  	[tilespmem:s17+$0x10] =	vst v10  }
0x135: {  	v10 =	vld.idx.msk [tilespmem:v8+s10+$0x0], $0xffff;
	_ =	sdelay $0x5  }
0x136: {  	[tilespmem:s17+$0x20] =	vst v10  }
0x137: {  	v10 =	vld.idx.msk [tilespmem:v9+s10+$0x0], $0xffff  }
.Ltmp4:
0x138: {  	(pc) =	sbr.rel @p0 .LBB2_9-.Ltmp4, $2  }
0x139: {  	_ =	sdelay $0x2  }
0x13a: {  	s6 =	sshra.s32 s6, $0x2;
	s0 =	smov.u32 s20  }
0x13b: {  	s0 =	sadd.s32 s6, s23;
	[tilespmem:s17+$0x30] =	vst v10  }
0x13c: {  	[tilespmem:s10], [sflag:$0xA] =	stream.linear.gather [spmem:s0], $0x1000, $0x38;
	[tilespmem:$0x1FFB0] =	vst v63  }
0x13d: {  	_ =	swait.ge [sflag:s29], $0x1000  }
0x13e: {  	[sflag:s29] =	ssyncset.done $0x0  }
0x13f: {  	[sflag:s29] =	ssyncadd.s32 $0xFFFFF000  }
0x140: {  	v10 =	vld.idx.msk [tilespmem:v0+s10+$0x0], $0xffff;
	_ =	sdelay $0x3  }
0x141: {  	s4 =	sadd.s32 $0x80, s17  }
0x142: {  	[tilespmem:s4+$0xFFFFFFC0] =	vst v10  }
0x143: {  	v10 =	vld.idx.msk [tilespmem:v3+s10+$0x0], $0xffff;
	_ =	sdelay $0x4  }
0x144: {  	[tilespmem:s4+$0xFFFFFFD0] =	vst v10  }
0x145: {  	v10 =	vld.idx.msk [tilespmem:v4+s10+$0x0], $0xffff;
	_ =	sdelay $0x4  }
0x146: {  	[tilespmem:s4+$0xFFFFFFE0] =	vst v10  }
0x147: {  	v10 =	vld.idx.msk [tilespmem:v5+s10+$0x0], $0xffff;
	_ =	sdelay $0x4  }
0x148: {  	[tilespmem:s4+$0xFFFFFFF0] =	vst v10  }
0x149: {  	v10 =	vld.idx.msk [tilespmem:v6+s10+$0x0], $0xffff;
	_ =	sdelay $0x4  }
0x14a: {  	[tilespmem:s4+$0x0] =	vst v10  }
0x14b: {  	v10 =	vld.idx.msk [tilespmem:v7+s10+$0x0], $0xffff;
	_ =	sdelay $0x4  }
0x14c: {  	[tilespmem:s4+$0x10] =	vst v10  }
0x14d: {  	v10 =	vld.idx.msk [tilespmem:v8+s10+$0x0], $0xffff;
	_ =	sdelay $0x4  }
0x14e: {  	[tilespmem:s4+$0x20] =	vst v10  }
0x14f: {  	v10 =	vld.idx.msk [tilespmem:v9+s10+$0x0], $0xffff;
	_ =	sdelay $0x4  }
0x150: {  	[tilespmem:s4+$0x30] =	vst v10  }
0x151: {  	[spmem:s12] =	stream.linear.scatter [tilespmem:s25], [sflag:$0xA], $0x200, $0x38;
	[tilespmem:$0x1FFB0] =	vst v63  }
0x152: {  	_ =	swait.ge [sflag:s29], $0x200  }
0x153: {  	[sflag:s29] =	ssyncset.done $0x0  }
0x154: {  	s6 =	sadd.s32 $0x200, s12;
	[sflag:s29] =	ssyncadd.s32 $0xFFFFFE00  }
0x155: {  	[spmem:s6] =	stream.linear.scatter [tilespmem:s25], [sflag:$0xA], $0x200, $0x38;
	[tilespmem:$0x1FFB0] =	vst v63  }
0x156: {  	_ =	swait.ge [sflag:s29], $0x200  }
0x157: {  	[sflag:s29] =	ssyncset.done $0x0  }
0x158: {  	s7 =	sadd.s32 $0x400, s12;
	[sflag:s29] =	ssyncadd.s32 $0xFFFFFE00  }
0x159: {  	[spmem:s7] =	stream.linear.scatter [tilespmem:s25], [sflag:$0xA], $0x200, $0x38;
	[tilespmem:$0x1FFB0] =	vst v63  }
0x15a: {  	_ =	swait.ge [sflag:s29], $0x200  }
0x15b: {  	[sflag:s29] =	ssyncset.done $0x0  }
0x15c: {  	s11 =	sadd.s32 $0x600, s12;
	[sflag:s29] =	ssyncadd.s32 $0xFFFFFE00  }
0x15d: {  	[spmem:s11] =	stream.linear.scatter [tilespmem:s25], [sflag:$0xA], $0x200, $0x38;
	[tilespmem:$0x1FFB0] =	vst v63  }
0x15e: {  	_ =	swait.ge [sflag:s29], $0x200  }
0x15f: {  	[sflag:s29] =	ssyncset.done $0x0  }
0x160: {  	s13 =	sadd.s32 $0x800, s12;
	[sflag:s29] =	ssyncadd.s32 $0xFFFFFE00  }
0x161: {  	[spmem:s13] =	stream.linear.scatter [tilespmem:s25], [sflag:$0xA], $0x200, $0x38;
	[tilespmem:$0x1FFB0] =	vst v63  }
0x162: {  	_ =	swait.ge [sflag:s29], $0x200  }
0x163: {  	[sflag:s29] =	ssyncset.done $0x0  }
0x164: {  	s16 =	sadd.s32 $0xA00, s12;
	[sflag:s29] =	ssyncadd.s32 $0xFFFFFE00  }
0x165: {  	[spmem:s16] =	stream.linear.scatter [tilespmem:s25], [sflag:$0xA], $0x200, $0x38;
	[tilespmem:$0x1FFB0] =	vst v63  }
0x166: {  	_ =	swait.ge [sflag:s29], $0x200  }
0x167: {  	[sflag:s29] =	ssyncset.done $0x0  }
0x168: {  	s17 =	sadd.s32 $0xC00, s12;
	[sflag:s29] =	ssyncadd.s32 $0xFFFFFE00  }
0x169: {  	[spmem:s17] =	stream.linear.scatter [tilespmem:s25], [sflag:$0xA], $0x200, $0x38;
	[tilespmem:$0x1FFB0] =	vst v63  }
0x16a: {  	_ =	swait.ge [sflag:s29], $0x200  }
0x16b: {  	[sflag:s29] =	ssyncset.done $0x0  }
0x16c: {  	s20 =	sadd.s32 $0xE00, s12;
	[sflag:s29] =	ssyncadd.s32 $0xFFFFFE00  }
0x16d: {  	[spmem:s20] =	stream.linear.scatter [tilespmem:s25], [sflag:$0xA], $0x200, $0x38;
	[tilespmem:$0x1FFB0] =	vst v63  }
0x16e: {  	_ =	swait.ge [sflag:s29], $0x200  }
0x16f: {  	s0 =	simm.s32 $0x8000;
	s7 =	simm.s32 $0x1000;
	[sflag:s29] =	ssyncset.done $0x0  }
.LBB2_11:
0x170: {  	s17 =	sadd.s32 s7, s23  }
0x171: {  	[sflag:s29] =	ssyncadd.s32 $0xFFFFFE00;
	s12 =	smov.u32 s0;
	s6 =	sadd.s32 $0x4000, s0  }
0x172: {  	[spmem:s17] =	stream.linear.scatter [tilespmem:s25], [sflag:$0xA], $0x200, $0x38;
	[tilespmem:$0x1FFB0] =	vst v63  }
0x173: {  	p0 =	sne.s32 s0, $0x60000;
	_ =	swait.ge [sflag:s29], $0x200  }
0x174: {  	[sflag:s29] =	ssyncset.done $0x0  }
0x175: {  	s0 =	sadd.s32 $0x200, s17;
	[sflag:s29] =	ssyncadd.s32 $0xFFFFFE00  }
0x176: {  	[spmem:s0] =	stream.linear.scatter [tilespmem:s25], [sflag:$0xA], $0x200, $0x38;
	[tilespmem:$0x1FFB0] =	vst v63  }
0x177: {  	_ =	swait.ge [sflag:s29], $0x200  }
0x178: {  	[sflag:s29] =	ssyncset.done $0x0  }
0x179: {  	s0 =	sadd.s32 $0x400, s17;
	[sflag:s29] =	ssyncadd.s32 $0xFFFFFE00  }
0x17a: {  	[spmem:s0] =	stream.linear.scatter [tilespmem:s25], [sflag:$0xA], $0x200, $0x38;
	[tilespmem:$0x1FFB0] =	vst v63  }
0x17b: {  	_ =	swait.ge [sflag:s29], $0x200  }
0x17c: {  	[sflag:s29] =	ssyncset.done $0x0  }
0x17d: {  	s0 =	sadd.s32 $0x600, s17;
	[sflag:s29] =	ssyncadd.s32 $0xFFFFFE00  }
0x17e: {  	[spmem:s0] =	stream.linear.scatter [tilespmem:s25], [sflag:$0xA], $0x200, $0x38;
	[tilespmem:$0x1FFB0] =	vst v63  }
0x17f: {  	_ =	swait.ge [sflag:s29], $0x200  }
0x180: {  	[sflag:s29] =	ssyncset.done $0x0  }
0x181: {  	s0 =	sadd.s32 $0x800, s17;
	[sflag:s29] =	ssyncadd.s32 $0xFFFFFE00  }
0x182: {  	[spmem:s0] =	stream.linear.scatter [tilespmem:s25], [sflag:$0xA], $0x200, $0x38;
	[tilespmem:$0x1FFB0] =	vst v63  }
0x183: {  	_ =	swait.ge [sflag:s29], $0x200  }
0x184: {  	[sflag:s29] =	ssyncset.done $0x0  }
0x185: {  	s0 =	sadd.s32 $0xA00, s17;
	[sflag:s29] =	ssyncadd.s32 $0xFFFFFE00  }
0x186: {  	[spmem:s0] =	stream.linear.scatter [tilespmem:s25], [sflag:$0xA], $0x200, $0x38;
	[tilespmem:$0x1FFB0] =	vst v63  }
0x187: {  	_ =	swait.ge [sflag:s29], $0x200  }
0x188: {  	[sflag:s29] =	ssyncset.done $0x0  }
0x189: {  	s0 =	sadd.s32 $0xC00, s17;
	[sflag:s29] =	ssyncadd.s32 $0xFFFFFE00  }
0x18a: {  	[spmem:s0] =	stream.linear.scatter [tilespmem:s25], [sflag:$0xA], $0x200, $0x38;
	[tilespmem:$0x1FFB0] =	vst v63  }
0x18b: {  	_ =	swait.ge [sflag:s29], $0x200  }
.Ltmp5:
0x18c: {  	[sflag:s29] =	ssyncset.done $0x0;
	(pc) =	sbr.rel @p0 .LBB2_11-.Ltmp5, $4  }
0x18d: {  	s0 =	sadd.s32 $0xE00, s17;
	[sflag:s29] =	ssyncadd.s32 $0xFFFFFE00  }
0x18e: {  	[spmem:s0] =	stream.linear.scatter [tilespmem:s25], [sflag:$0xA], $0x200, $0x38;
	[tilespmem:$0x1FFB0] =	vst v63  }
0x18f: {  	_ =	swait.ge [sflag:s29], $0x200  }
0x190: {  	s7 =	sshra.s32 s12, $0x2;
	s0 =	smov.u32 s6;
	[sflag:s29] =	ssyncset.done $0x0  }
0x191: {  	s0 =	sadd.s32 s7, s23;
	[sflag:s29] =	ssyncadd.s32 $0xFFFFFE00  }
0x192: {  	[spmem:s0] =	stream.linear.scatter [tilespmem:s25], [sflag:$0xA], $0x200, $0x38;
	[tilespmem:$0x1FFB0] =	vst v63  }
0x193: {  	_ =	swait.ge [sflag:s29], $0x200  }
0x194: {  	[sflag:s29] =	ssyncset.done $0x0  }
0x195: {  	s6 =	sadd.s32 $0x200, s0;
	[sflag:s29] =	ssyncadd.s32 $0xFFFFFE00  }
0x196: {  	[spmem:s6] =	stream.linear.scatter [tilespmem:s25], [sflag:$0xA], $0x200, $0x38;
	[tilespmem:$0x1FFB0] =	vst v63  }
0x197: {  	_ =	swait.ge [sflag:s29], $0x200  }
0x198: {  	[sflag:s29] =	ssyncset.done $0x0  }
0x199: {  	s13 =	sadd.s32 $0x400, s0;
	[sflag:s29] =	ssyncadd.s32 $0xFFFFFE00  }
0x19a: {  	[spmem:s13] =	stream.linear.scatter [tilespmem:s25], [sflag:$0xA], $0x200, $0x38;
	[tilespmem:$0x1FFB0] =	vst v63  }
0x19b: {  	_ =	swait.ge [sflag:s29], $0x200  }
0x19c: {  	[sflag:s29] =	ssyncset.done $0x0  }
0x19d: {  	s16 =	sadd.s32 $0x600, s0;
	[sflag:s29] =	ssyncadd.s32 $0xFFFFFE00  }
0x19e: {  	[spmem:s16] =	stream.linear.scatter [tilespmem:s25], [sflag:$0xA], $0x200, $0x38;
	[tilespmem:$0x1FFB0] =	vst v63  }
0x19f: {  	_ =	swait.ge [sflag:s29], $0x200  }
0x1a0: {  	[sflag:s29] =	ssyncset.done $0x0  }
0x1a1: {  	s17 =	sadd.s32 $0x800, s0;
	[sflag:s29] =	ssyncadd.s32 $0xFFFFFE00  }
0x1a2: {  	[spmem:s17] =	stream.linear.scatter [tilespmem:s25], [sflag:$0xA], $0x200, $0x38;
	[tilespmem:$0x1FFB0] =	vst v63  }
0x1a3: {  	_ =	swait.ge [sflag:s29], $0x200  }
0x1a4: {  	[sflag:s29] =	ssyncset.done $0x0  }
0x1a5: {  	s20 =	sadd.s32 $0xA00, s0;
	[sflag:s29] =	ssyncadd.s32 $0xFFFFFE00  }
0x1a6: {  	[spmem:s20] =	stream.linear.scatter [tilespmem:s25], [sflag:$0xA], $0x200, $0x38;
	[tilespmem:$0x1FFB0] =	vst v63  }
0x1a7: {  	_ =	swait.ge [sflag:s29], $0x200  }
0x1a8: {  	[sflag:s29] =	ssyncset.done $0x0  }
0x1a9: {  	s4 =	sadd.s32 $0xC00, s0;
	[sflag:s29] =	ssyncadd.s32 $0xFFFFFE00  }
0x1aa: {  	[spmem:s4] =	stream.linear.scatter [tilespmem:s25], [sflag:$0xA], $0x200, $0x38;
	[tilespmem:$0x1FFB0] =	vst v63  }
0x1ab: {  	_ =	swait.ge [sflag:s29], $0x200  }
0x1ac: {  	[sflag:s29] =	ssyncset.done $0x0  }
0x1ad: {  	s0 =	sadd.s32 $0xE00, s0;
	[sflag:s29] =	ssyncadd.s32 $0xFFFFFE00  }
0x1ae: {  	[spmem:s0] =	stream.linear.scatter [tilespmem:s25], [sflag:$0xA], $0x200, $0x38;
	[tilespmem:$0x1FFB0] =	vst v63  }
0x1af: {  	_ =	swait.ge [sflag:s29], $0x200  }
0x1b0: {  	[sflag:s29] =	ssyncset.done $0x0  }
0x1b1: {  	[sflag:s29] =	ssyncadd.s32 $0xFFFFFE00  }
0x1b2: {  	[bflag:$0x0] =	sbarrier.arrive $0xFFFF  }
0x1b3: {  	s12 =	simm.s32 $0x2630;
	s6 =	rddreg [dreg:$0xe]  }
0x1b4: {  	[tilespmem:s12], [sflag:$0x5] =	stream.linear.gather [hbm4b:s6+s3], $0x80, $0x38;
	[tilespmem:$0x1FFB0] =	vst v63  }
0x1b5: {  	s13 =	simm.s32 $0x2730;
	s7 =	rddreg [dreg:$0xf]  }
0x1b6: {  	[tilespmem:s13], [sflag:$0x5] =	stream.linear.gather [hbm4b:s7+s3], $0x80, $0x38;
	[tilespmem:$0x1FFB0] =	vst v63  }
0x1b7: {  	_ =	swait.ge [sflag:s5], $0x80  }
0x1b8: {  	[sflag:s5] =	ssyncset.done $0x0  }
0x1b9: {  	[sflag:s5] =	ssyncadd.s32 $0xFFFFFF80  }
0x1ba: {  	[spmem:s2] =	stream.indirect.scatter.add.f32 [tilespmem:s15], [sflag:$0x6], $0x20, s12, s14, $0xb8;
	[tilespmem:$0x1FFB0] =	vst v63  }
0x1bb: {  	s17 =	simm.s32 $0x2830;
	s11 =	rddreg [dreg:$0x13]  }
0x1bc: {  	[tilespmem:s17], [sflag:$0x5] =	stream.linear.gather [hbm4b:s11+s3], $0x80, $0x38;
	[tilespmem:$0x1FFB0] =	vst v63  }
0x1bd: {  	_ =	swait.ge [sflag:s5], $0x80  }
0x1be: {  	[sflag:s5] =	ssyncset.done $0x0  }
0x1bf: {  	[sflag:s5] =	ssyncadd.s32 $0xFFFFFF80  }
0x1c0: {  	[spmem:s2] =	stream.indirect.scatter.add.f32 [tilespmem:s15], [sflag:$0x7], $0x20, s13, s14, $0xb8;
	[tilespmem:$0x1FFB0] =	vst v63  }
0x1c1: {  	s16 =	rddreg [dreg:$0x15]  }
0x1c2: {  	[tilespmem:s22], [sflag:$0x5] =	stream.linear.gather [hbm4b:s16+s3], $0x80, $0x38;
	[tilespmem:$0x1FFB0] =	vst v63  }
0x1c3: {  	_ =	swait.ge [sflag:s5], $0x80  }
0x1c4: {  	[sflag:s5] =	ssyncset.done $0x0  }
0x1c5: {  	[sflag:s5] =	ssyncadd.s32 $0xFFFFFF80  }
0x1c6: {  	_ =	swait.ge [sflag:s18], $0x1000  }
0x1c7: {  	[sflag:s18] =	ssyncset.done $0x0  }
0x1c8: {  	[sflag:s18] =	ssyncadd.s32 $0xFFFFF000  }
0x1c9: {  	[spmem:s2] =	stream.indirect.scatter.add.f32 [tilespmem:s15], [sflag:$0x6], $0x20, s17, s14, $0xb8;
	[tilespmem:$0x1FFB0] =	vst v63  }
0x1ca: {  	s20 =	rddreg [dreg:$0x19]  }
0x1cb: {  	[tilespmem:s12], [sflag:$0x5] =	stream.linear.gather [hbm4b:s20+s3], $0x80, $0x38;
	[tilespmem:$0x1FFB0] =	vst v63  }
0x1cc: {  	_ =	swait.ge [sflag:s5], $0x80  }
0x1cd: {  	[sflag:s5] =	ssyncset.done $0x0  }
0x1ce: {  	[sflag:s5] =	ssyncadd.s32 $0xFFFFFF80  }
0x1cf: {  	_ =	swait.ge [sflag:s19], $0x1000  }
0x1d0: {  	[sflag:s19] =	ssyncset.done $0x0  }
0x1d1: {  	[sflag:s19] =	ssyncadd.s32 $0xFFFFF000  }
0x1d2: {  	[spmem:s2] =	stream.indirect.scatter.add.f32 [tilespmem:s15], [sflag:$0x7], $0x20, s22, s14, $0xb8;
	[tilespmem:$0x1FFB0] =	vst v63  }
0x1d3: {  	s6 =	simm.s32 $0xFFFFE780;
	s25 =	rddreg [dreg:$0x1b]  }
0x1d4: {  	[tilespmem:s13], [sflag:$0x5] =	stream.linear.gather [hbm4b:s25+s3], $0x80, $0x38;
	[tilespmem:$0x1FFB0] =	vst v63  }
.LBB2_13:
0x1d5: {  	_ =	swait.ge [sflag:s5], $0x80  }
0x1d6: {  	[sflag:s5] =	ssyncset.done $0x0  }
0x1d7: {  	[sflag:s5] =	ssyncadd.s32 $0xFFFFFF80  }
0x1d8: {  	_ =	swait.ge [sflag:s18], $0x1000  }
0x1d9: {  	[sflag:s18] =	ssyncset.done $0x0  }
0x1da: {  	s0 =	sadd.s32 s6, s21;
	[sflag:s18] =	ssyncadd.s32 $0xFFFFF000  }
0x1db: {  	[spmem:s2] =	stream.indirect.scatter.add.f32 [tilespmem:s15], [sflag:$0x6], $0x20, s12, s14, $0xb8;
	[tilespmem:$0x1FFB0] =	vst v63  }
0x1dc: {  	s7 =	sadd.s32 $0x18E0, s0  }
0x1dd: {  	[tilespmem:s17], [sflag:$0x5] =	stream.linear.gather [hbm4b:s7+s3], $0x80, $0x38;
	[tilespmem:$0x1FFB0] =	vst v63  }
0x1de: {  	_ =	swait.ge [sflag:s5], $0x80  }
0x1df: {  	[sflag:s5] =	ssyncset.done $0x0  }
0x1e0: {  	[sflag:s5] =	ssyncadd.s32 $0xFFFFFF80  }
0x1e1: {  	_ =	swait.ge [sflag:s19], $0x1000  }
0x1e2: {  	[sflag:s19] =	ssyncset.done $0x0  }
0x1e3: {  	[sflag:s19] =	ssyncadd.s32 $0xFFFFF000  }
0x1e4: {  	[spmem:s2] =	stream.indirect.scatter.add.f32 [tilespmem:s15], [sflag:$0x7], $0x20, s13, s14, $0xb8;
	[tilespmem:$0x1FFB0] =	vst v63  }
0x1e5: {  	s25 =	sadd.s32 $0x18F0, s0  }
0x1e6: {  	[tilespmem:s22], [sflag:$0x5] =	stream.linear.gather [hbm4b:s25+s3], $0x80, $0x38;
	[tilespmem:$0x1FFB0] =	vst v63  }
0x1e7: {  	_ =	swait.ge [sflag:s5], $0x80  }
0x1e8: {  	p0 =	seq.s32 s6, $0x0;
	[sflag:s5] =	ssyncset.done $0x0  }
.Ltmp6:
0x1e9: {  	[sflag:s5] =	ssyncadd.s32 $0xFFFFFF80;
	(pc) =	sbr.rel @p0 .LBB2_15-.Ltmp6, $4  }
0x1ea: {  	_ =	swait.ge [sflag:s18], $0x1000  }
0x1eb: {  	[sflag:s18] =	ssyncset.done $0x0  }
0x1ec: {  	[sflag:s18] =	ssyncadd.s32 $0xFFFFF000  }
0x1ed: {  	[spmem:s2] =	stream.indirect.scatter.add.f32 [tilespmem:s15], [sflag:$0x6], $0x20, s17, s14, $0xb8;
	[tilespmem:$0x1FFB0] =	vst v63  }
0x1ee: {  	s7 =	sadd.s32 $0x1900, s0  }
0x1ef: {  	[tilespmem:s12], [sflag:$0x5] =	stream.linear.gather [hbm4b:s7+s3], $0x80, $0x38;
	[tilespmem:$0x1FFB0] =	vst v63  }
0x1f0: {  	_ =	swait.ge [sflag:s5], $0x80  }
0x1f1: {  	[sflag:s5] =	ssyncset.done $0x0  }
0x1f2: {  	[sflag:s5] =	ssyncadd.s32 $0xFFFFFF80  }
0x1f3: {  	_ =	swait.ge [sflag:s19], $0x1000  }
.Ltmp7:
0x1f4: {  	[sflag:s19] =	ssyncset.done $0x0;
	(pc) =	sbr.rel .LBB2_13-.Ltmp7, $4  }
0x1f5: {  	[sflag:s19] =	ssyncadd.s32 $0xFFFFF000  }
0x1f6: {  	[spmem:s2] =	stream.indirect.scatter.add.f32 [tilespmem:s15], [sflag:$0x7], $0x20, s22, s14, $0xb8;
	[tilespmem:$0x1FFB0] =	vst v63  }
0x1f7: {  	s25 =	sadd.s32 $0x1910, s0;
	s6 =	sadd.s32 $0x40, s6  }
0x1f8: {  	[tilespmem:s13], [sflag:$0x5] =	stream.linear.gather [hbm4b:s25+s3], $0x80, $0x38;
	[tilespmem:$0x1FFB0] =	vst v63  }
.LBB2_15:
0x1f9: {  	_ =	swait.ge [sflag:s5], $0x80  }
0x1fa: {  	[sflag:s5] =	ssyncset.done $0x0  }
0x1fb: {  	[sflag:s5] =	ssyncadd.s32 $0xFFFFFF80  }
0x1fc: {  	_ =	swait.ge [sflag:s19], $0x1000  }
0x1fd: {  	[sflag:s19] =	ssyncset.done $0x0  }
0x1fe: {  	[sflag:s19] =	ssyncadd.s32 $0xFFFFF000  }
0x1ff: {  	[spmem:s2] =	stream.indirect.scatter.add.f32 [tilespmem:s15], [sflag:$0x7], $0x20, s22, s14, $0xb8;
	[tilespmem:$0x1FFB0] =	vst v63  }
0x200: {  	_ =	swait.ge [sflag:s18], $0x1000  }
0x201: {  	[sflag:s18] =	ssyncset.done $0x0  }
0x202: {  	[sflag:s18] =	ssyncadd.s32 $0xFFFFF000  }
0x203: {  	_ =	swait.ge [sflag:s19], $0x1000  }
0x204: {  	[sflag:s19] =	ssyncset.done $0x0  }
0x205: {  	[sflag:s19] =	ssyncadd.s32 $0xFFFFF000  }
0x206: {  	s0 =	sadd.s32 $0x0, s23;
	[bflag:$0x0] =	sbarrier.arrive $0xFFFF  }
0x207: {  	[tilespmem:s10], [sflag:$0xA] =	stream.linear.gather [spmem:s0], $0x1000, $0x38;
	[tilespmem:$0x1FFB0] =	vst v63  }
0x208: {  	_ =	swait.ge [sflag:s29], $0x1000  }
0x209: {  	[sflag:s29] =	ssyncset.done $0x0  }
0x20a: {  	[sflag:s29] =	ssyncadd.s32 $0xFFFFF000  }
0x20b: {  	v10 =	vld.idx.msk [tilespmem:v0+s10+$0x0], $0xffff;
	_ =	sdelay $0x3  }
0x20c: {  	s17 =	simm.s32 $0x1960  }
0x20d: {  	[tilespmem:s17+$0xFFFFFFC0] =	vst v10  }
0x20e: {  	v10 =	vld.idx.msk [tilespmem:v3+s10+$0x0], $0xffff;
	_ =	sdelay $0x4  }
0x20f: {  	[tilespmem:s17+$0xFFFFFFD0] =	vst v10  }
0x210: {  	v10 =	vld.idx.msk [tilespmem:v4+s10+$0x0], $0xffff;
	_ =	sdelay $0x4  }
0x211: {  	[tilespmem:s17+$0xFFFFFFE0] =	vst v10  }
0x212: {  	v10 =	vld.idx.msk [tilespmem:v5+s10+$0x0], $0xffff;
	_ =	sdelay $0x4  }
0x213: {  	[tilespmem:s17+$0xFFFFFFF0] =	vst v10  }
0x214: {  	v10 =	vld.idx.msk [tilespmem:v6+s10+$0x0], $0xffff;
	_ =	sdelay $0x4  }
0x215: {  	[tilespmem:s17+$0x0] =	vst v10  }
0x216: {  	v10 =	vld.idx.msk [tilespmem:v7+s10+$0x0], $0xffff;
	_ =	sdelay $0x4  }
0x217: {  	[tilespmem:s17+$0x10] =	vst v10  }
0x218: {  	v10 =	vld.idx.msk [tilespmem:v8+s10+$0x0], $0xffff;
	_ =	sdelay $0x4  }
0x219: {  	[tilespmem:s17+$0x20] =	vst v10  }
0x21a: {  	v10 =	vld.idx.msk [tilespmem:v9+s10+$0x0], $0xffff;
	_ =	sdelay $0x2  }
0x21b: {  	s12 =	simm.s32 $0x0;
	s6 =	simm.s32 $0x1000;
	s0 =	simm.s32 $0x8000  }
.LBB2_16:
0x21c: {  	s7 =	sadd.s32 s6, s23  }
0x21d: {  	[tilespmem:s17+$0x30] =	vst v10;
	s17 =	sadd.s32 $0x80, s17;
	s6 =	smov.u32 s0;
	s20 =	sadd.s32 $0x4000, s0  }
0x21e: {  	[tilespmem:s10], [sflag:$0xA] =	stream.linear.gather [spmem:s7], $0x1000, $0x38;
	[tilespmem:$0x1FFB0] =	vst v63  }
0x21f: {  	p0 =	sne.s32 s0, $0x60000;
	_ =	swait.ge [sflag:s29], $0x1000  }
0x220: {  	[sflag:s29] =	ssyncset.done $0x0  }
0x221: {  	[sflag:s29] =	ssyncadd.s32 $0xFFFFF000  }
0x222: {  	v10 =	vld.idx.msk [tilespmem:v0+s10+$0x0], $0xffff;
	_ =	sdelay $0x5  }
0x223: {  	[tilespmem:s17+$0xFFFFFFC0] =	vst v10  }
0x224: {  	v10 =	vld.idx.msk [tilespmem:v3+s10+$0x0], $0xffff;
	_ =	sdelay $0x5  }
0x225: {  	[tilespmem:s17+$0xFFFFFFD0] =	vst v10  }
0x226: {  	v10 =	vld.idx.msk [tilespmem:v4+s10+$0x0], $0xffff;
	_ =	sdelay $0x5  }
0x227: {  	[tilespmem:s17+$0xFFFFFFE0] =	vst v10  }
0x228: {  	v10 =	vld.idx.msk [tilespmem:v5+s10+$0x0], $0xffff;
	_ =	sdelay $0x5  }
0x229: {  	[tilespmem:s17+$0xFFFFFFF0] =	vst v10  }
0x22a: {  	v10 =	vld.idx.msk [tilespmem:v6+s10+$0x0], $0xffff;
	_ =	sdelay $0x5  }
0x22b: {  	[tilespmem:s17+$0x0] =	vst v10  }
0x22c: {  	v10 =	vld.idx.msk [tilespmem:v7+s10+$0x0], $0xffff;
	_ =	sdelay $0x5  }
0x22d: {  	[tilespmem:s17+$0x10] =	vst v10  }
0x22e: {  	v10 =	vld.idx.msk [tilespmem:v8+s10+$0x0], $0xffff;
	_ =	sdelay $0x5  }
0x22f: {  	[tilespmem:s17+$0x20] =	vst v10  }
0x230: {  	v10 =	vld.idx.msk [tilespmem:v9+s10+$0x0], $0xffff  }
.Ltmp8:
0x231: {  	(pc) =	sbr.rel @p0 .LBB2_16-.Ltmp8, $2  }
0x232: {  	_ =	sdelay $0x2  }
0x233: {  	s6 =	sshra.s32 s6, $0x2;
	s0 =	smov.u32 s20  }
0x234: {  	s0 =	sadd.s32 s6, s23;
	[tilespmem:s17+$0x30] =	vst v10  }
0x235: {  	[tilespmem:s10], [sflag:$0xA] =	stream.linear.gather [spmem:s0], $0x1000, $0x38;
	[tilespmem:$0x1FFB0] =	vst v63  }
0x236: {  	_ =	swait.ge [sflag:s29], $0x1000  }
0x237: {  	[sflag:s29] =	ssyncset.done $0x0  }
0x238: {  	[sflag:s29] =	ssyncadd.s32 $0xFFFFF000  }
0x239: {  	v10 =	vld.idx.msk [tilespmem:v0+s10+$0x0], $0xffff;
	_ =	sdelay $0x3  }
0x23a: {  	s25 =	sadd.s32 $0x80, s17  }
0x23b: {  	[tilespmem:s25+$0xFFFFFFC0] =	vst v10  }
0x23c: {  	v10 =	vld.idx.msk [tilespmem:v3+s10+$0x0], $0xffff;
	_ =	sdelay $0x4  }
0x23d: {  	[tilespmem:s25+$0xFFFFFFD0] =	vst v10  }
0x23e: {  	v10 =	vld.idx.msk [tilespmem:v4+s10+$0x0], $0xffff;
	_ =	sdelay $0x4  }
0x23f: {  	[tilespmem:s25+$0xFFFFFFE0] =	vst v10  }
0x240: {  	v10 =	vld.idx.msk [tilespmem:v5+s10+$0x0], $0xffff;
	_ =	sdelay $0x4  }
0x241: {  	[tilespmem:s25+$0xFFFFFFF0] =	vst v10  }
0x242: {  	v10 =	vld.idx.msk [tilespmem:v6+s10+$0x0], $0xffff;
	_ =	sdelay $0x4  }
0x243: {  	[tilespmem:s25+$0x0] =	vst v10  }
0x244: {  	v10 =	vld.idx.msk [tilespmem:v7+s10+$0x0], $0xffff;
	_ =	sdelay $0x4  }
0x245: {  	[tilespmem:s25+$0x10] =	vst v10  }
0x246: {  	v10 =	vld.idx.msk [tilespmem:v8+s10+$0x0], $0xffff;
	_ =	sdelay $0x4  }
0x247: {  	[tilespmem:s25+$0x20] =	vst v10  }
0x248: {  	v10 =	vld.idx.msk [tilespmem:v9+s10+$0x0], $0xffff;
	_ =	sdelay $0x4  }
0x249: {  	[tilespmem:s25+$0x30] =	vst v10  }
0x24a: {  	v10 =	vld [tilespmem:s12+$0x1920]  }
0x24b: {  	v11 =	vld [tilespmem:s12+$0x0];
	_ =	sdelay $0x3  }
0x24c: {  	v10 =	vmax.f32 v10, $1.000000000e+00  }
0x24d: {  	v11 =	vmax.f32 v11, $1.000000000e+00;
	v12 =	vshra.s32 v10, $0x1;
	v10 =	vmul.f32 $5.000000000e-01, v10  }
0x24e: {  	v13 =	vshra.s32 v11, $0x1;
	v11 =	vmul.f32 $5.000000000e-01, v11;
	v12 =	vsub.s32 $0x5F3759DF, v12  }
0x24f: {  	v13 =	vsub.s32 $0x5F3759DF, v13;
	v14 =	vmul.f32 v12, v10  }
0x250: {  	v15 =	vmul.f32 v13, v11  }
0x251: {  	v14 =	vmul.f32 v12, v14  }
0x252: {  	v15 =	vmul.f32 v13, v15  }
0x253: {  	v14 =	vsub.f32 $1.500000000e+00, v14  }
0x254: {  	v15 =	vsub.f32 $1.500000000e+00, v15  }
0x255: {  	v12 =	vmul.f32 v12, v14  }
0x256: {  	v13 =	vmul.f32 v13, v15  }
0x257: {  	v14 =	vmul.f32 v12, v10  }
0x258: {  	v15 =	vmul.f32 v13, v11  }
0x259: {  	v14 =	vmul.f32 v14, v12  }
0x25a: {  	v15 =	vmul.f32 v15, v13  }
0x25b: {  	v14 =	vsub.f32 $1.500000000e+00, v14  }
0x25c: {  	v15 =	vsub.f32 $1.500000000e+00, v15  }
0x25d: {  	v12 =	vmul.f32 v14, v12  }
0x25e: {  	v13 =	vmul.f32 v15, v13  }
0x25f: {  	v10 =	vmul.f32 v12, v10  }
0x260: {  	v11 =	vmul.f32 v13, v11  }
0x261: {  	v10 =	vmul.f32 v10, v12  }
0x262: {  	v11 =	vmul.f32 v11, v13  }
0x263: {  	v10 =	vsub.f32 $1.500000000e+00, v10  }
0x264: {  	v11 =	vsub.f32 $1.500000000e+00, v11  }
0x265: {  	v10 =	vmul.f32 v10, v12  }
0x266: {  	v11 =	vmul.f32 v11, v13  }
0x267: {  	s6 =	simm.s32 $0x40;
	s17 =	simm.s32 $0x80;
	v12 =	vmul.f32 $8.999999760e-01, v10  }
.LBB2_18:
0x268: {  	p0 =	sne.s32 s17, $0x31C0;
	[tilespmem:s12+$0x0] =	vst v11;
	v11 =	vmul.f32 $8.999999760e-01, v11  }
0x269: {  	s0 =	sshra.s32 s6, $0x2;
	s6 =	smov.u32 s17;
	[tilespmem:s12+$0x1920] =	vst v12  }
0x26a: {  	v12 =	vld [tilespmem:s0+$0x1920];
	v10 =	vmul.f32 v10, v11  }
0x26b: {  	v11 =	vld [tilespmem:s0+$0x0]  }
0x26c: {  	[tilespmem:s12+$0xC90] =	vst v10;
	s12 =	smov.u32 s0;
	_ =	sdelay $0x2  }
0x26d: {  	v10 =	vmax.f32 v12, $1.000000000e+00  }
0x26e: {  	v11 =	vmax.f32 v11, $1.000000000e+00;
	v12 =	vshra.s32 v10, $0x1;
	v10 =	vmul.f32 $5.000000000e-01, v10  }
0x26f: {  	v13 =	vshra.s32 v11, $0x1;
	v11 =	vmul.f32 $5.000000000e-01, v11;
	v12 =	vsub.s32 $0x5F3759DF, v12  }
0x270: {  	v13 =	vsub.s32 $0x5F3759DF, v13;
	v14 =	vmul.f32 v12, v10  }
0x271: {  	v15 =	vmul.f32 v13, v11  }
0x272: {  	v14 =	vmul.f32 v12, v14  }
0x273: {  	v15 =	vmul.f32 v13, v15  }
0x274: {  	v14 =	vsub.f32 $1.500000000e+00, v14  }
0x275: {  	v15 =	vsub.f32 $1.500000000e+00, v15  }
0x276: {  	v12 =	vmul.f32 v12, v14  }
0x277: {  	v13 =	vmul.f32 v13, v15  }
0x278: {  	v14 =	vmul.f32 v12, v10  }
0x279: {  	v15 =	vmul.f32 v13, v11  }
0x27a: {  	v14 =	vmul.f32 v14, v12  }
0x27b: {  	v15 =	vmul.f32 v15, v13  }
0x27c: {  	v14 =	vsub.f32 $1.500000000e+00, v14  }
0x27d: {  	v15 =	vsub.f32 $1.500000000e+00, v15  }
0x27e: {  	v12 =	vmul.f32 v14, v12  }
0x27f: {  	v13 =	vmul.f32 v15, v13  }
0x280: {  	v10 =	vmul.f32 v12, v10  }
0x281: {  	v11 =	vmul.f32 v13, v11  }
0x282: {  	v10 =	vmul.f32 v10, v12  }
0x283: {  	v11 =	vmul.f32 v11, v13  }
.Ltmp9:
0x284: {  	v10 =	vsub.f32 $1.500000000e+00, v10;
	(pc) =	sbr.rel @p0 .LBB2_18-.Ltmp9, $4  }
0x285: {  	v11 =	vsub.f32 $1.500000000e+00, v11  }
0x286: {  	v10 =	vmul.f32 v10, v12  }
0x287: {  	v11 =	vmul.f32 v11, v13  }
0x288: {  	s17 =	sadd.s32 $0x40, s17;
	v12 =	vmul.f32 $8.999999760e-01, v10  }
0x289: {  	[tilespmem:s12+$0x0] =	vst v11  }
0x28a: {  	s0 =	sshra.s32 s6, $0x2;
	[tilespmem:s12+$0x1920] =	vst v12  }
0x28b: {  	v12 =	vld [tilespmem:s0+$0x0]  }
0x28c: {  	v13 =	vld [tilespmem:s0+$0x1920];
	_ =	sdelay $0x3  }
0x28d: {  	v12 =	vmax.f32 v12, $1.000000000e+00  }
0x28e: {  	v13 =	vmax.f32 v13, $1.000000000e+00;
	v14 =	vshra.s32 v12, $0x1;
	v12 =	vmul.f32 $5.000000000e-01, v12  }
0x28f: {  	v15 =	vshra.s32 v13, $0x1;
	v13 =	vmul.f32 $5.000000000e-01, v13;
	v14 =	vsub.s32 $0x5F3759DF, v14  }
0x290: {  	v15 =	vsub.s32 $0x5F3759DF, v15;
	v16 =	vmul.f32 v14, v12  }
0x291: {  	v17 =	vmul.f32 v15, v13  }
0x292: {  	v16 =	vmul.f32 v14, v16  }
0x293: {  	v17 =	vmul.f32 v15, v17  }
0x294: {  	v16 =	vsub.f32 $1.500000000e+00, v16  }
0x295: {  	v17 =	vsub.f32 $1.500000000e+00, v17  }
0x296: {  	v14 =	vmul.f32 v14, v16  }
0x297: {  	v15 =	vmul.f32 v15, v17  }
0x298: {  	v16 =	vmul.f32 v14, v12  }
0x299: {  	v17 =	vmul.f32 v15, v13  }
0x29a: {  	v16 =	vmul.f32 v16, v14  }
0x29b: {  	v17 =	vmul.f32 v17, v15  }
0x29c: {  	v16 =	vsub.f32 $1.500000000e+00, v16  }
0x29d: {  	v17 =	vsub.f32 $1.500000000e+00, v17  }
0x29e: {  	v14 =	vmul.f32 v16, v14  }
0x29f: {  	v15 =	vmul.f32 v17, v15  }
0x2a0: {  	v12 =	vmul.f32 v14, v12  }
0x2a1: {  	v13 =	vmul.f32 v15, v13  }
0x2a2: {  	v12 =	vmul.f32 v12, v14  }
0x2a3: {  	v13 =	vmul.f32 v13, v15  }
0x2a4: {  	v12 =	vsub.f32 $1.500000000e+00, v12  }
0x2a5: {  	v11 =	vmul.f32 $8.999999760e-01, v11;
	v13 =	vsub.f32 $1.500000000e+00, v13  }
0x2a6: {  	v12 =	vmul.f32 v12, v14  }
0x2a7: {  	v10 =	vmul.f32 v10, v11;
	v11 =	vmul.f32 v13, v15  }
0x2a8: {  	v63 =	vmul.f32 $8.999999760e-01, v12  }
0x2a9: {  	[tilespmem:s12+$0xC90] =	vst v10;
	v10 =	vmul.f32 $8.999999760e-01, v11  }
0x2aa: {  	[tilespmem:s0+$0x0] =	vst v12;
	v11 =	vmul.f32 v11, v63  }
0x2ab: {  	[tilespmem:s0+$0x1920] =	vst v10  }
0x2ac: {  	s6 =	simm.s32 $0x0;
	s17 =	simm.s32 $0x0;
	s12 =	simm.s32 $0x0;
	[tilespmem:s0+$0xC90] =	vst v11  }
.LBB2_20:
0x2ad: {  	s0 =	sld [smem:$0x7FA];
	_ =	sdelay $0x1  }
0x2ae: {  	s20 =	sshll.u32 s17, $0x7  }
0x2af: {  	s0 =	sadd.s32 s0, s20  }
0x2b0: {  	s25 =	rddreg [dreg:$0x1d];
	s23 =	sshll.u32 s0, $0x2  }
0x2b1: {  	s0 =	sadd.s32 s25, s23  }
0x2b2: {  	[tilespmem:s8], [sflag:$0xA] =	stream.linear.gather [hbm4b:s0+s6], $0x1000, $0x38;
	[tilespmem:$0x1FFB0] =	vst v63  }
0x2b3: {  	_ =	swait.ge [sflag:s29], $0x1000  }
0x2b4: {  	[sflag:s29] =	ssyncset.done $0x0  }
0x2b5: {  	s0 =	simm.s32 $0x0;
	[sflag:s29] =	ssyncadd.s32 $0xFFFFF000  }
0x2b6: {  	v10 =	vld [tilespmem:s0+$0x3DB0]  }
0x2b7: {  	s7 =	simm.s32 $0x80;
	s25 =	smov.u32 s12;
	v11 =	vld.msk [tilespmem:s12+$0x0 ss:$0x0], $0xffff  }
.LBB2_21:
0x2b8: {  	p0 =	sne.s32 s7, $0x3F80;
	v12 =	vld [tilespmem:s0+$0x3DC0];
	_ =	sdelay $0x4  }
.Ltmp10:
0x2b9: {  	v10 =	vmul.f32 v10, v11;
	v11 =	vmul.f32 v12, v11;
	(pc) =	sbr.rel @p0 .LBB2_21-.Ltmp10, $4  }
0x2ba: {  	_ = 	snop  }
0x2bb: {  	s29 =	sshra.s32 s7, $0x2;
	[tilespmem:s0+$0x5DB0] =	vst v10  }
0x2bc: {  	s25 =	sadd.s32 $0x1, s25;
	v10 =	vld [tilespmem:s29+$0x3DB0];
	[tilespmem:s0+$0x5DC0] =	vst v11;
	s0 =	smov.u32 s29  }
0x2bd: {  	s7 =	sadd.s32 $0x80, s7;
	v11 =	vld.msk [tilespmem:s25+$0x0 ss:$0x0], $0xffff  }
0x2be: {  	v12 =	vld [tilespmem:s0+$0x3DC0];
	_ =	sdelay $0x3  }
0x2bf: {  	v10 =	vmul.f32 v10, v11  }
0x2c0: {  	v11 =	vmul.f32 v12, v11  }
0x2c1: {  	[tilespmem:s0+$0x5DB0] =	vst v10  }
0x2c2: {  	s13 =	sadd.s32 s26, s23;
	s29 =	simm.s32 $0xA;
	[tilespmem:s0+$0x5DC0] =	vst v11  }
0x2c3: {  	[hbm4b:s13+s3] =	stream.linear.scatter [tilespmem:s9], [sflag:$0xA], $0x1000, $0x38;
	[tilespmem:$0x1FFB0] =	vst v63  }
0x2c4: {  	_ =	swait.ge [sflag:s29], $0x1000  }
0x2c5: {  	[sflag:s29] =	ssyncset.done $0x0;
	s15 =	rddreg [dreg:$0x1e]  }
0x2c6: {  	[sflag:s29] =	ssyncadd.s32 $0xFFFFF000;
	s0 =	sadd.s32 s15, s23  }
0x2c7: {  	[hbm4b:s0+s3] =	stream.linear.scatter [tilespmem:s9], [sflag:$0xA], $0x1000, $0x38;
	[tilespmem:$0x1FFB0] =	vst v63  }
0x2c8: {  	_ =	swait.ge [sflag:s29], $0x1000  }
0x2c9: {  	p0 =	seq.s32 s17, $0x0;
	[sflag:s29] =	ssyncset.done $0x0  }
0x2ca: {  	s0 =	simm.s32 @!p0 $0x5;
	[sflag:s29] =	ssyncadd.s32 $0xFFFFF000  }
0x2cb: {  	_ =	swait.ge @!p0 [sflag:s0], $0x200  }
0x2cc: {  	[sflag:s0] =	ssyncset.done @!p0 $0x0  }
0x2cd: {  	[sflag:s0] =	ssyncadd.s32 @!p0 $0xFFFFFE00  }
0x2ce: {  	_ =	swait.ge @!p0 [sflag:s0], $0x200  }
0x2cf: {  	[sflag:s0] =	ssyncset.done @!p0 $0x0  }
0x2d0: {  	[sflag:s0] =	ssyncadd.s32 @!p0 $0xFFFFFE00  }
0x2d1: {  	_ =	swait.ge @!p0 [sflag:s0], $0x200  }
0x2d2: {  	[sflag:s0] =	ssyncset.done @!p0 $0x0  }
0x2d3: {  	[sflag:s0] =	ssyncadd.s32 @!p0 $0xFFFFFE00  }
0x2d4: {  	_ =	swait.ge @!p0 [sflag:s0], $0x200  }
0x2d5: {  	[sflag:s0] =	ssyncset.done @!p0 $0x0  }
0x2d6: {  	[sflag:s0] =	ssyncadd.s32 @!p0 $0xFFFFFE00  }
0x2d7: {  	_ =	swait.ge @!p0 [sflag:s0], $0x200  }
0x2d8: {  	[sflag:s0] =	ssyncset.done @!p0 $0x0  }
0x2d9: {  	[sflag:s0] =	ssyncadd.s32 @!p0 $0xFFFFFE00  }
0x2da: {  	_ =	swait.ge @!p0 [sflag:s0], $0x200  }
0x2db: {  	[sflag:s0] =	ssyncset.done @!p0 $0x0  }
0x2dc: {  	[sflag:s0] =	ssyncadd.s32 @!p0 $0xFFFFFE00  }
0x2dd: {  	_ =	swait.ge @!p0 [sflag:s0], $0x200  }
0x2de: {  	[sflag:s0] =	ssyncset.done @!p0 $0x0;
	s7 =	rddreg [dreg:$0x1f]  }
0x2df: {  	[sflag:s0] =	ssyncadd.s32 @!p0 $0xFFFFFE00;
	s7 =	sadd.s32 s7, s20  }
0x2e0: {  	_ =	swait.ge @!p0 [sflag:s0], $0x200;
	s7 =	sshll.u32 s7, $0x5  }
0x2e1: {  	[sflag:s0] =	ssyncset.done @!p0 $0x0;
	s7 =	sand.u32 $0x3FFFFFE0, s7  }
0x2e2: {  	s18 =	simm.s32 $0x6DB0;
	[sflag:s0] =	ssyncadd.s32 @!p0 $0xFFFFFE00;
	s16 =	sadd.s32 s7, s2  }
0x2e3: {  	[spmem:s16] =	stream.linear.scatter [tilespmem:s18], [sflag:$0x5], $0x200, $0x38;
	[tilespmem:$0x1FFB0] =	vst v63  }
0x2e4: {  	s7 =	sadd.s32 $0x200, s16  }
0x2e5: {  	[spmem:s7] =	stream.linear.scatter [tilespmem:s18], [sflag:$0x5], $0x200, $0x38;
	[tilespmem:$0x1FFB0] =	vst v63  }
0x2e6: {  	s19 =	sadd.s32 $0x400, s16  }
0x2e7: {  	[spmem:s19] =	stream.linear.scatter [tilespmem:s18], [sflag:$0x5], $0x200, $0x38;
	[tilespmem:$0x1FFB0] =	vst v63  }
0x2e8: {  	s21 =	sadd.s32 $0x600, s16  }
0x2e9: {  	[spmem:s21] =	stream.linear.scatter [tilespmem:s18], [sflag:$0x5], $0x200, $0x38;
	[tilespmem:$0x1FFB0] =	vst v63  }
0x2ea: {  	s17 =	sadd.s32 $0x1, s17;
	s22 =	sadd.s32 $0x800, s16  }
0x2eb: {  	[spmem:s22] =	stream.linear.scatter [tilespmem:s18], [sflag:$0x5], $0x200, $0x38;
	[tilespmem:$0x1FFB0] =	vst v63  }
0x2ec: {  	p0 =	sne.s32 s17, $0x19;
	s23 =	sadd.s32 $0xA00, s16  }
0x2ed: {  	[spmem:s23] =	stream.linear.scatter [tilespmem:s18], [sflag:$0x5], $0x200, $0x38;
	[tilespmem:$0x1FFB0] =	vst v63  }
.Ltmp11:
0x2ee: {  	_ = 	snop;
	(pc) =	sbr.rel @p0 .LBB2_20-.Ltmp11, $4  }
0x2ef: {  	s25 =	sadd.s32 $0xC00, s16  }
0x2f0: {  	[spmem:s25] =	stream.linear.scatter [tilespmem:s18], [sflag:$0x5], $0x200, $0x38;
	[tilespmem:$0x1FFB0] =	vst v63  }
0x2f1: {  	s12 =	sadd.s32 $0x80, s12;
	s0 =	sadd.s32 $0xE00, s16  }
0x2f2: {  	[spmem:s0] =	stream.linear.scatter [tilespmem:s18], [sflag:$0x5], $0x200, $0x38;
	[tilespmem:$0x1FFB0] =	vst v63  }
0x2f3: {  	_ =	swait.ge [sflag:s5], $0x200  }
0x2f4: {  	[sflag:s5] =	ssyncset.done $0x0  }
0x2f5: {  	[sflag:s5] =	ssyncadd.s32 $0xFFFFFE00  }
0x2f6: {  	_ =	swait.ge [sflag:s5], $0x200  }
0x2f7: {  	[sflag:s5] =	ssyncset.done $0x0  }
0x2f8: {  	[sflag:s5] =	ssyncadd.s32 $0xFFFFFE00  }
0x2f9: {  	_ =	swait.ge [sflag:s5], $0x200  }
0x2fa: {  	[sflag:s5] =	ssyncset.done $0x0  }
0x2fb: {  	[sflag:s5] =	ssyncadd.s32 $0xFFFFFE00  }
0x2fc: {  	_ =	swait.ge [sflag:s5], $0x200  }
0x2fd: {  	[sflag:s5] =	ssyncset.done $0x0  }
0x2fe: {  	[sflag:s5] =	ssyncadd.s32 $0xFFFFFE00  }
0x2ff: {  	_ =	swait.ge [sflag:s5], $0x200  }
0x300: {  	[sflag:s5] =	ssyncset.done $0x0  }
0x301: {  	[sflag:s5] =	ssyncadd.s32 $0xFFFFFE00  }
0x302: {  	_ =	swait.ge [sflag:s5], $0x200  }
0x303: {  	[sflag:s5] =	ssyncset.done $0x0  }
0x304: {  	[sflag:s5] =	ssyncadd.s32 $0xFFFFFE00  }
0x305: {  	_ =	swait.ge [sflag:s5], $0x200  }
0x306: {  	[sflag:s5] =	ssyncset.done $0x0  }
0x307: {  	[sflag:s5] =	ssyncadd.s32 $0xFFFFFE00  }
0x308: {  	_ =	swait.ge [sflag:s5], $0x200  }
0x309: {  	[sflag:s5] =	ssyncset.done $0x0  }
0x30a: {  	[sflag:s5] =	ssyncadd.s32 $0xFFFFFE00  }
0x30b: {  	s4 =	simm.s32 $0x0;
	[bflag:$0x0] =	sbarrier.arrive $0xFFFF  }
.LBB2_24:
0x30c: {  	[smem:$0x7F7] =	sst s4  }
0x30d: {  	s0 =	rddreg [dreg:$0x10];
	s7 =	simm.s32 $0x25B0;
	s6 =	simm.s32 $0x0  }
0x30e: {  	[tilespmem:s7], [sflag:$0x5] =	stream.linear.gather [hbm4b:s0+s6], $0x80, $0x38;
	[tilespmem:$0x1FFB0] =	vst v63  }
0x30f: {  	s12 =	rddreg [dreg:$0xe];
	s29 =	simm.s32 $0x2630  }
0x310: {  	[tilespmem:s29], [sflag:$0x5] =	stream.linear.gather [hbm4b:s12+s6], $0x80, $0x38;
	[tilespmem:$0x1FFB0] =	vst v63  }
0x311: {  	s13 =	rddreg [dreg:$0x11]  }
0x312: {  	[tilespmem:s1], [sflag:$0x5] =	stream.linear.gather [hbm4b:s13+s6], $0x80, $0x38;
	[tilespmem:$0x1FFB0] =	vst v63  }
0x313: {  	s15 =	rddreg [dreg:$0xf];
	s23 =	simm.s32 $0x2730  }
0x314: {  	[tilespmem:s23], [sflag:$0x5] =	stream.linear.gather [hbm4b:s15+s6], $0x80, $0x38;
	[tilespmem:$0x1FFB0] =	vst v63  }
0x315: {  	s16 =	rddreg [dreg:$0x12];
	s22 =	simm.s32 $0x27B0  }
0x316: {  	[tilespmem:s22], [sflag:$0x5] =	stream.linear.gather [hbm4b:s16+s6], $0x80, $0x38;
	[tilespmem:$0x1FFB0] =	vst v63  }
0x317: {  	s17 =	rddreg [dreg:$0x13];
	s18 =	simm.s32 $0x2830  }
0x318: {  	[tilespmem:s18], [sflag:$0x5] =	stream.linear.gather [hbm4b:s17+s6], $0x80, $0x38;
	[tilespmem:$0x1FFB0] =	vst v63  }
0x319: {  	s20 =	rddreg [dreg:$0x14];
	s10 =	simm.s32 $0x28B0  }
0x31a: {  	[tilespmem:s10], [sflag:$0x5] =	stream.linear.gather [hbm4b:s20+s6], $0x80, $0x38;
	[tilespmem:$0x1FFB0] =	vst v63  }
0x31b: {  	s21 =	rddreg [dreg:$0x15];
	s25 =	simm.s32 $0x2930  }
0x31c: {  	[tilespmem:s25], [sflag:$0x5] =	stream.linear.gather [hbm4b:s21+s6], $0x80, $0x38;
	[tilespmem:$0x1FFB0] =	vst v63  }
0x31d: {  	_ =	swait.ge [sflag:s5], $0x80  }
0x31e: {  	[sflag:s5] =	ssyncset.done $0x0  }
0x31f: {  	[sflag:s5] =	ssyncadd.s32 $0xFFFFFF80  }
0x320: {  	_ =	swait.ge [sflag:s5], $0x80  }
0x321: {  	p0 =	por $0x1, $0x1;
	[sflag:s5] =	ssyncset.done $0x0  }
0x322: {  	s0 =	simm.s32 @!p0 $0x6;
	[sflag:s5] =	ssyncadd.s32 $0xFFFFFF80  }
0x323: {  	_ =	swait.ge @!p0 [sflag:s0], $0x1000  }
0x324: {  	[sflag:s0] =	ssyncset.done @!p0 $0x0;
	s21 =	sld [smem:$0x7FD]  }
0x325: {  	s4 =	simm.s32 $0x2DB0;
	s12 =	rddreg [dreg:$0xb];
	[sflag:s0] =	ssyncadd.s32 @!p0 $0xFFFFF000  }
0x326: {  	[tilespmem:s4], [sflag:$0x1] =	stream.indirect.gather [hbm4b:s26+s14], $0x20, s7, s14, $0xb8;
	[tilespmem:$0x1FFB0] =	vst v63  }
0x327: {  	s18 =	simm.s32 $0x29B0;
	s17 =	sadd.s32 $0x0, s12;
	s6 =	sadd.s32 $0x0, s21  }
0x328: {  	[tilespmem:s18], [sflag:$0x5] =	stream.linear.gather [hbm4b:s17+s3], $0x80, $0x38;
	[tilespmem:$0x1FFB0] =	vst v63  }
0x329: {  	s25 =	simm.s32 $0x2A30;
	s7 =	simm.s32 @p0 $0x5;
	s20 =	sadd.s32 $0x40, s6  }
0x32a: {  	[tilespmem:s25], [sflag:$0x5] =	stream.linear.gather [hbm4b:s20+s3], $0x80, $0x38;
	[tilespmem:$0x1FFB0] =	vst v63  }
0x32b: {  	_ =	swait.ge @p0 [sflag:s7], $0x80  }
0x32c: {  	[sflag:s7] =	ssyncset.done @p0 $0x0  }
0x32d: {  	[sflag:s7] =	ssyncadd.s32 @p0 $0xFFFFFF80  }
0x32e: {  	_ =	swait.ge @p0 [sflag:s7], $0x80  }
0x32f: {  	[sflag:s7] =	ssyncset.done @p0 $0x0  }
0x330: {  	s0 =	simm.s32 @!p0 $0x3;
	[sflag:s7] =	ssyncadd.s32 @p0 $0xFFFFFF80  }
0x331: {  	_ =	swait.ge @!p0 [sflag:s0], $0x1000  }
0x332: {  	s12 =	simm.s32 @!p0 $0x3DB0;
	s17 =	simm.s32 @!p0 $0x5;
	[sflag:s0] =	ssyncset.done @!p0 $0x0  }
0x333: {  	s20 =	simm.s32 @!p0 $0x80;
	[sflag:s0] =	ssyncadd.s32 @!p0 $0xFFFFF000;
	s0 =	simm.s32 @!p0 $0x2C30  }
0x334: {  	[spmem:s2] =	stream.indirect.scatter.add.f32 @!p0 [tilespmem:s12], [sflag:$0x8], $0x20, s0, s20, $0xb8;
	[tilespmem:$0x1FFB0] =	vst v63  }
0x335: {  	_ =	swait.ge @!p0 [sflag:s17], $0x80  }
0x336: {  	[sflag:s17] =	ssyncset.done @!p0 $0x0  }
0x337: {  	[sflag:s17] =	ssyncadd.s32 @!p0 $0xFFFFFF80  }
0x338: {  	_ =	swait.ge @!p0 [sflag:s17], $0x80  }
0x339: {  	[sflag:s17] =	ssyncset.done @!p0 $0x0  }
0x33a: {  	s0 =	simm.s32 @!p0 $0x7;
	[sflag:s17] =	ssyncadd.s32 @!p0 $0xFFFFFF80  }
0x33b: {  	_ =	swait.ge @!p0 [sflag:s0], $0x1000  }
0x33c: {  	[sflag:s0] =	ssyncset.done @!p0 $0x0  }
0x33d: {  	s11 =	simm.s32 $0x26B0;
	s12 =	rddreg [dreg:$0xa];
	[sflag:s0] =	ssyncadd.s32 @!p0 $0xFFFFF000  }
0x33e: {  	[tilespmem:s9], [sflag:$0x2] =	stream.indirect.gather [hbm4b:s26+s14], $0x20, s11, s14, $0xb8;
	[tilespmem:$0x1FFB0] =	vst v63  }
0x33f: {  	s12 =	sadd.s32 $0x0, s12;
	s11 =	simm.s32 $0x2AB0  }
0x340: {  	[tilespmem:s11], [sflag:$0x5] =	stream.linear.gather [hbm4b:s12+s3], $0x80, $0x38;
	[tilespmem:$0x1FFB0] =	vst v63  }
0x341: {  	s13 =	simm.s32 $0x2B30;
	s12 =	sadd.s32 $0x50, s6  }
0x342: {  	[tilespmem:s13], [sflag:$0x5] =	stream.linear.gather [hbm4b:s12+s3], $0x80, $0x38;
	[tilespmem:$0x1FFB0] =	vst v63  }
0x343: {  	_ =	swait.ge @p0 [sflag:s7], $0x80  }
0x344: {  	[sflag:s7] =	ssyncset.done @p0 $0x0  }
0x345: {  	[sflag:s7] =	ssyncadd.s32 @p0 $0xFFFFFF80  }
0x346: {  	_ =	swait.ge @p0 [sflag:s7], $0x80  }
0x347: {  	[sflag:s7] =	ssyncset.done @p0 $0x0  }
0x348: {  	s0 =	simm.s32 @!p0 $0x4;
	[sflag:s7] =	ssyncadd.s32 @p0 $0xFFFFFF80  }
0x349: {  	_ =	swait.ge @!p0 [sflag:s0], $0x1000  }
0x34a: {  	[sflag:s0] =	ssyncset.done @!p0 $0x0  }
0x34b: {  	s7 =	simm.s32 @!p0 $0x2D30;
	[sflag:s0] =	ssyncadd.s32 @!p0 $0xFFFFF000;
	s0 =	simm.s32 @!p0 $0x4DB0  }
0x34c: {  	[spmem:s2] =	stream.indirect.scatter.add.f32 @!p0 [tilespmem:s0], [sflag:$0x9], $0x20, s7, s20, $0xb8;
	[tilespmem:$0x1FFB0] =	vst v63  }
0x34d: {  	_ =	swait.ge @!p0 [sflag:s17], $0x80  }
0x34e: {  	[sflag:s17] =	ssyncset.done @!p0 $0x0  }
0x34f: {  	[sflag:s17] =	ssyncadd.s32 @!p0 $0xFFFFFF80  }
0x350: {  	_ =	swait.ge @!p0 [sflag:s17], $0x80  }
0x351: {  	[sflag:s17] =	ssyncset.done @!p0 $0x0  }
0x352: {  	s0 =	simm.s32 @!p0 $0x8;
	[sflag:s17] =	ssyncadd.s32 @!p0 $0xFFFFFF80  }
0x353: {  	_ =	swait.ge @!p0 [sflag:s0], $0x1000  }
0x354: {  	[sflag:s0] =	ssyncset.done @!p0 $0x0  }
0x355: {  	s1 =	simm.s32 $0x3DB0;
	s12 =	rddreg [dreg:$0x9];
	[sflag:s0] =	ssyncadd.s32 @!p0 $0xFFFFF000  }
0x356: {  	[tilespmem:s1], [sflag:$0x3] =	stream.indirect.gather [hbm4b:s26+s14], $0x20, s22, s14, $0xb8;
	[tilespmem:$0x1FFB0] =	vst v63  }
0x357: {  	s17 =	sadd.s32 $0x0, s12;
	s22 =	simm.s32 $0x2BB0  }
0x358: {  	[tilespmem:s22], [sflag:$0x5] =	stream.linear.gather [hbm4b:s17+s3], $0x80, $0x38;
	[tilespmem:$0x1FFB0] =	vst v63  }
0x359: {  	s15 =	simm.s32 $0x2C30;
	s20 =	sadd.s32 $0x60, s6  }
0x35a: {  	[tilespmem:s15], [sflag:$0x5] =	stream.linear.gather [hbm4b:s20+s3], $0x80, $0x38;
	[tilespmem:$0x1FFB0] =	vst v63  }
0x35b: {  	_ =	swait.ge [sflag:s24], $0x1000  }
0x35c: {  	[sflag:s24] =	ssyncset.done $0x0  }
0x35d: {  	[sflag:s24] =	ssyncadd.s32 $0xFFFFF000  }
0x35e: {  	[spmem:s2] =	stream.indirect.scatter.add.f32 [tilespmem:s4], [sflag:$0x6], $0x20, s29, s14, $0xb8;
	[tilespmem:$0x1FFB0] =	vst v63  }
0x35f: {  	_ =	swait.ge [sflag:s5], $0x80  }
0x360: {  	[sflag:s5] =	ssyncset.done $0x0  }
0x361: {  	[sflag:s5] =	ssyncadd.s32 $0xFFFFFF80  }
0x362: {  	_ =	swait.ge [sflag:s5], $0x80  }
0x363: {  	[sflag:s5] =	ssyncset.done $0x0  }
0x364: {  	s0 =	simm.s32 @!p0 $0x9;
	[sflag:s5] =	ssyncadd.s32 $0xFFFFFF80  }
0x365: {  	_ =	swait.ge @!p0 [sflag:s0], $0x1000  }
0x366: {  	[sflag:s0] =	ssyncset.done @!p0 $0x0  }
0x367: {  	s29 =	rddreg [dreg:$0x8];
	[sflag:s0] =	ssyncadd.s32 @!p0 $0xFFFFF000  }
0x368: {  	[tilespmem:s30], [sflag:$0x4] =	stream.indirect.gather [hbm4b:s26+s14], $0x20, s10, s14, $0xb8;
	[tilespmem:$0x1FFB0] =	vst v63  }
0x369: {  	s7 =	sadd.s32 $0x0, s29;
	s10 =	simm.s32 $0x2CB0  }
0x36a: {  	[tilespmem:s10], [sflag:$0x5] =	stream.linear.gather [hbm4b:s7+s3], $0x80, $0x38;
	[tilespmem:$0x1FFB0] =	vst v63  }
0x36b: {  	s12 =	sadd.s32 $0x70, s6;
	s15 =	simm.s32 $0x2D30  }
0x36c: {  	[tilespmem:s15], [sflag:$0x5] =	stream.linear.gather [hbm4b:s12+s3], $0x80, $0x38;
	[tilespmem:$0x1FFB0] =	vst v63  }
0x36d: {  	_ =	swait.ge [sflag:s31], $0x1000  }
0x36e: {  	[sflag:s31] =	ssyncset.done $0x0  }
0x36f: {  	[sflag:s31] =	ssyncadd.s32 $0xFFFFF000  }
0x370: {  	[spmem:s2] =	stream.indirect.scatter.add.f32 [tilespmem:s9], [sflag:$0x7], $0x20, s23, s14, $0xb8;
	[tilespmem:$0x1FFB0] =	vst v63  }
0x371: {  	_ =	swait.ge [sflag:s5], $0x80  }
0x372: {  	[sflag:s5] =	ssyncset.done $0x0  }
0x373: {  	[sflag:s5] =	ssyncadd.s32 $0xFFFFFF80  }
0x374: {  	_ =	swait.ge [sflag:s5], $0x80  }
0x375: {  	[sflag:s5] =	ssyncset.done $0x0  }
0x376: {  	s19 =	simm.s32 $0x6;
	[sflag:s5] =	ssyncadd.s32 $0xFFFFFF80  }
0x377: {  	_ =	swait.ge [sflag:s19], $0x1000  }
0x378: {  	p0 =	por $0x0, $0x0;
	[sflag:s19] =	ssyncset.done $0x0  }
0x379: {  	s6 =	simm.s32 @!p0 $0x0;
	s0 =	rddreg [dreg:$0x7];
	[sflag:s19] =	ssyncadd.s32 $0xFFFFF000  }
0x37a: {  	[tilespmem:s4], [sflag:$0x1] =	stream.indirect.gather [hbm4b:s26+s14], $0x20, s18, s14, $0xb8;
	[tilespmem:$0x1FFB0] =	vst v63  }
0x37b: {  	s7 =	simm.s32 @!p0 $0x25B0;
	s12 =	sadd.s32 @!p0 $0x0, s21;
	s0 =	sadd.s32 @!p0 $0x0, s0  }
0x37c: {  	[tilespmem:s7], [sflag:$0x5] =	stream.linear.gather @!p0 [hbm4b:s0+s6], $0x80, $0x38;
	[tilespmem:$0x1FFB0] =	vst v63  }
0x37d: {  	s0 =	simm.s32 @!p0 $0x2630;
	s7 =	sadd.s32 @!p0 $0x80, s12  }
0x37e: {  	[tilespmem:s0], [sflag:$0x5] =	stream.linear.gather @!p0 [hbm4b:s7+s6], $0x80, $0x38;
	[tilespmem:$0x1FFB0] =	vst v63  }
0x37f: {  	_ =	swait.ge [sflag:s28], $0x1000  }
0x380: {  	[sflag:s28] =	ssyncset.done $0x0  }
0x381: {  	s17 =	simm.s32 $0x2830;
	[sflag:s28] =	ssyncadd.s32 $0xFFFFF000  }
0x382: {  	[spmem:s2] =	stream.indirect.scatter.add.f32 [tilespmem:s1], [sflag:$0x8], $0x20, s17, s14, $0xb8;
	[tilespmem:$0x1FFB0] =	vst v63  }
0x383: {  	_ =	swait.ge [sflag:s5], $0x80  }
0x384: {  	[sflag:s5] =	ssyncset.done $0x0  }
0x385: {  	[sflag:s5] =	ssyncadd.s32 $0xFFFFFF80  }
0x386: {  	_ =	swait.ge [sflag:s5], $0x80  }
0x387: {  	[sflag:s5] =	ssyncset.done $0x0  }
0x388: {  	s8 =	simm.s32 $0x7;
	[sflag:s5] =	ssyncadd.s32 $0xFFFFFF80  }
0x389: {  	_ =	swait.ge [sflag:s8], $0x1000  }
0x38a: {  	[sflag:s8] =	ssyncset.done $0x0  }
0x38b: {  	s15 =	simm.s32 $0x5DB0;
	s0 =	rddreg [dreg:$0x6];
	[sflag:s8] =	ssyncadd.s32 $0xFFFFF000  }
0x38c: {  	[tilespmem:s15], [sflag:$0x2] =	stream.indirect.gather [hbm4b:s26+s14], $0x20, s11, s14, $0xb8;
	[tilespmem:$0x1FFB0] =	vst v63  }
0x38d: {  	s7 =	simm.s32 @!p0 $0x26B0;
	s0 =	sadd.s32 @!p0 $0x0, s0  }
0x38e: {  	[tilespmem:s7], [sflag:$0x5] =	stream.linear.gather @!p0 [hbm4b:s0+s6], $0x80, $0x38;
	[tilespmem:$0x1FFB0] =	vst v63  }
0x38f: {  	s20 =	simm.s32 $0x4;
	s0 =	sadd.s32 @!p0 $0x90, s12;
	s7 =	simm.s32 @!p0 $0x2730  }
0x390: {  	[tilespmem:s7], [sflag:$0x5] =	stream.linear.gather @!p0 [hbm4b:s0+s6], $0x80, $0x38;
	[tilespmem:$0x1FFB0] =	vst v63  }
0x391: {  	_ =	swait.ge [sflag:s20], $0x1000  }
0x392: {  	[sflag:s20] =	ssyncset.done $0x0  }
0x393: {  	s23 =	simm.s32 $0x2930;
	[sflag:s20] =	ssyncadd.s32 $0xFFFFF000  }
0x394: {  	[spmem:s2] =	stream.indirect.scatter.add.f32 [tilespmem:s30], [sflag:$0x9], $0x20, s23, s14, $0xb8;
	[tilespmem:$0x1FFB0] =	vst v63  }
0x395: {  	_ =	swait.ge [sflag:s5], $0x80  }
0x396: {  	[sflag:s5] =	ssyncset.done $0x0  }
0x397: {  	[sflag:s5] =	ssyncadd.s32 $0xFFFFFF80  }
0x398: {  	_ =	swait.ge [sflag:s5], $0x80  }
0x399: {  	[sflag:s5] =	ssyncset.done $0x0  }
0x39a: {  	s16 =	simm.s32 $0x8;
	[sflag:s5] =	ssyncadd.s32 $0xFFFFFF80  }
0x39b: {  	_ =	swait.ge [sflag:s16], $0x1000  }
0x39c: {  	[sflag:s16] =	ssyncset.done $0x0  }
0x39d: {  	s0 =	rddreg [dreg:$0x5];
	[sflag:s16] =	ssyncadd.s32 $0xFFFFF000  }
0x39e: {  	[tilespmem:s1], [sflag:$0x3] =	stream.indirect.gather [hbm4b:s26+s14], $0x20, s22, s14, $0xb8;
	[tilespmem:$0x1FFB0] =	vst v63  }
0x39f: {  	s7 =	simm.s32 @!p0 $0x27B0;
	s0 =	sadd.s32 @!p0 $0x0, s0  }
0x3a0: {  	[tilespmem:s7], [sflag:$0x5] =	stream.linear.gather @!p0 [hbm4b:s0+s6], $0x80, $0x38;
	[tilespmem:$0x1FFB0] =	vst v63  }
0x3a1: {  	s0 =	sadd.s32 @!p0 $0xA0, s12;
	s7 =	simm.s32 @!p0 $0x2830  }
0x3a2: {  	[tilespmem:s7], [sflag:$0x5] =	stream.linear.gather @!p0 [hbm4b:s0+s6], $0x80, $0x38;
	[tilespmem:$0x1FFB0] =	vst v63  }
0x3a3: {  	_ =	swait.ge [sflag:s24], $0x1000  }
0x3a4: {  	[sflag:s24] =	ssyncset.done $0x0  }
0x3a5: {  	[sflag:s24] =	ssyncadd.s32 $0xFFFFF000  }
0x3a6: {  	[spmem:s2] =	stream.indirect.scatter.add.f32 [tilespmem:s4], [sflag:$0x6], $0x20, s25, s14, $0xb8;
	[tilespmem:$0x1FFB0] =	vst v63  }
0x3a7: {  	_ =	swait.ge [sflag:s5], $0x80  }
0x3a8: {  	[sflag:s5] =	ssyncset.done $0x0  }
0x3a9: {  	[sflag:s5] =	ssyncadd.s32 $0xFFFFFF80  }
0x3aa: {  	_ =	swait.ge [sflag:s5], $0x80  }
0x3ab: {  	[sflag:s5] =	ssyncset.done $0x0  }
0x3ac: {  	s29 =	simm.s32 $0x9;
	[sflag:s5] =	ssyncadd.s32 $0xFFFFFF80  }
0x3ad: {  	_ =	swait.ge [sflag:s29], $0x1000  }
0x3ae: {  	[sflag:s29] =	ssyncset.done $0x0  }
0x3af: {  	s0 =	rddreg [dreg:$0x4];
	[sflag:s29] =	ssyncadd.s32 $0xFFFFF000  }
0x3b0: {  	[tilespmem:s30], [sflag:$0x4] =	stream.indirect.gather [hbm4b:s26+s14], $0x20, s10, s14, $0xb8;
	[tilespmem:$0x1FFB0] =	vst v63  }
0x3b1: {  	s7 =	simm.s32 @!p0 $0x28B0;
	s0 =	sadd.s32 @!p0 $0x0, s0  }
0x3b2: {  	[tilespmem:s7], [sflag:$0x5] =	stream.linear.gather @!p0 [hbm4b:s0+s6], $0x80, $0x38;
	[tilespmem:$0x1FFB0] =	vst v63  }
0x3b3: {  	s0 =	sadd.s32 @!p0 $0xB0, s12;
	s7 =	simm.s32 @!p0 $0x2930  }
0x3b4: {  	[tilespmem:s7], [sflag:$0x5] =	stream.linear.gather @!p0 [hbm4b:s0+s6], $0x80, $0x38;
	[tilespmem:$0x1FFB0] =	vst v63  }
0x3b5: {  	_ =	swait.ge [sflag:s31], $0x1000  }
0x3b6: {  	s9 =	simm.s32 $0x2930;
	s17 =	simm.s32 $0x80;
	[sflag:s31] =	ssyncset.done $0x0  }
.LBB2_25:
0x3b7: {  	[sflag:s31] =	ssyncadd.s32 $0xFFFFF000  }
0x3b8: {  	[spmem:s2] =	stream.indirect.scatter.add.f32 [tilespmem:s15], [sflag:$0x7], $0x20, s13, s14, $0xb8;
	[tilespmem:$0x1FFB0] =	vst v63  }
0x3b9: {  	_ =	swait.ge [sflag:s5], $0x80  }
0x3ba: {  	[sflag:s5] =	ssyncset.done $0x0  }
0x3bb: {  	[sflag:s5] =	ssyncadd.s32 $0xFFFFFF80  }
0x3bc: {  	s12 =	smov.u32 s17;
	_ =	swait.ge [sflag:s5], $0x80  }
0x3bd: {  	p1 =	seq.s32 s12, $0x0;
	[sflag:s5] =	ssyncset.done $0x0  }
0x3be: {  	s0 =	simm.s32 @!p1 $0x6;
	[sflag:s5] =	ssyncadd.s32 $0xFFFFFF80  }
0x3bf: {  	_ =	swait.ge @!p1 [sflag:s0], $0x1000  }
0x3c0: {  	[sflag:s0] =	ssyncset.done @!p1 $0x0  }
0x3c1: {  	s20 =	simm.s32 $0x25B0;
	s6 =	rddreg [dreg:$0xb];
	[sflag:s0] =	ssyncadd.s32 @!p1 $0xFFFFF000  }
0x3c2: {  	[tilespmem:s4], [sflag:$0x1] =	stream.indirect.gather [hbm4b:s26+s14], $0x20, s20, s14, $0xb8;
	[tilespmem:$0x1FFB0] =	vst v63  }
0x3c3: {  	s23 =	sadd.s32 s12, s6;
	s20 =	sadd.s32 s12, s21  }
0x3c4: {  	[tilespmem:s18], [sflag:$0x5] =	stream.linear.gather [hbm4b:s23+s3], $0x80, $0x38;
	[tilespmem:$0x1FFB0] =	vst v63  }
0x3c5: {  	s6 =	sadd.s32 $0x40, s20;
	s23 =	simm.s32 @p1 $0x5  }
0x3c6: {  	[tilespmem:s25], [sflag:$0x5] =	stream.linear.gather [hbm4b:s6+s3], $0x80, $0x38;
	[tilespmem:$0x1FFB0] =	vst v63  }
0x3c7: {  	_ =	swait.ge @p1 [sflag:s23], $0x80  }
0x3c8: {  	[sflag:s23] =	ssyncset.done @p1 $0x0  }
0x3c9: {  	[sflag:s23] =	ssyncadd.s32 @p1 $0xFFFFFF80  }
0x3ca: {  	_ =	swait.ge @p1 [sflag:s23], $0x80  }
0x3cb: {  	[sflag:s23] =	ssyncset.done @p1 $0x0  }
0x3cc: {  	s0 =	simm.s32 @!p1 $0x3;
	[sflag:s23] =	ssyncadd.s32 @p1 $0xFFFFFF80  }
0x3cd: {  	_ =	swait.ge @!p1 [sflag:s0], $0x1000  }
0x3ce: {  	s7 =	simm.s32 @!p1 $0x3DB0;
	s29 =	simm.s32 @!p1 $0x2C30;
	[sflag:s0] =	ssyncset.done @!p1 $0x0  }
0x3cf: {  	s6 =	simm.s32 @!p1 $0x5;
	s25 =	simm.s32 @!p1 $0x80;
	[sflag:s0] =	ssyncadd.s32 @!p1 $0xFFFFF000  }
0x3d0: {  	[spmem:s2] =	stream.indirect.scatter.add.f32 @!p1 [tilespmem:s7], [sflag:$0x8], $0x20, s29, s25, $0xb8;
	[tilespmem:$0x1FFB0] =	vst v63  }
0x3d1: {  	_ =	swait.ge @!p1 [sflag:s6], $0x80  }
0x3d2: {  	[sflag:s6] =	ssyncset.done @!p1 $0x0  }
0x3d3: {  	[sflag:s6] =	ssyncadd.s32 @!p1 $0xFFFFFF80  }
0x3d4: {  	_ =	swait.ge @!p1 [sflag:s6], $0x80  }
0x3d5: {  	[sflag:s6] =	ssyncset.done @!p1 $0x0  }
0x3d6: {  	s0 =	simm.s32 @!p1 $0x7;
	[sflag:s6] =	ssyncadd.s32 @!p1 $0xFFFFFF80  }
0x3d7: {  	_ =	swait.ge @!p1 [sflag:s0], $0x1000  }
0x3d8: {  	[sflag:s0] =	ssyncset.done @!p1 $0x0  }
0x3d9: {  	s7 =	rddreg [dreg:$0xa];
	[sflag:s0] =	ssyncadd.s32 @!p1 $0xFFFFF000;
	s0 =	simm.s32 $0x26B0  }
0x3da: {  	[tilespmem:s15], [sflag:$0x2] =	stream.indirect.gather [hbm4b:s26+s14], $0x20, s0, s14, $0xb8;
	[tilespmem:$0x1FFB0] =	vst v63  }
0x3db: {  	s7 =	sadd.s32 s12, s7  }
0x3dc: {  	[tilespmem:s11], [sflag:$0x5] =	stream.linear.gather [hbm4b:s7+s3], $0x80, $0x38;
	[tilespmem:$0x1FFB0] =	vst v63  }
0x3dd: {  	s7 =	sadd.s32 $0x50, s20  }
0x3de: {  	[tilespmem:s13], [sflag:$0x5] =	stream.linear.gather [hbm4b:s7+s3], $0x80, $0x38;
	[tilespmem:$0x1FFB0] =	vst v63  }
0x3df: {  	_ =	swait.ge @p1 [sflag:s23], $0x80  }
0x3e0: {  	[sflag:s23] =	ssyncset.done @p1 $0x0  }
0x3e1: {  	[sflag:s23] =	ssyncadd.s32 @p1 $0xFFFFFF80  }
0x3e2: {  	_ =	swait.ge @p1 [sflag:s23], $0x80  }
0x3e3: {  	[sflag:s23] =	ssyncset.done @p1 $0x0  }
0x3e4: {  	s0 =	simm.s32 @!p1 $0x4;
	[sflag:s23] =	ssyncadd.s32 @p1 $0xFFFFFF80  }
0x3e5: {  	_ =	swait.ge @!p1 [sflag:s0], $0x1000  }
0x3e6: {  	[sflag:s0] =	ssyncset.done @!p1 $0x0  }
0x3e7: {  	s7 =	simm.s32 @!p1 $0x2D30;
	s23 =	simm.s32 @!p1 $0x4DB0;
	[sflag:s0] =	ssyncadd.s32 @!p1 $0xFFFFF000  }
0x3e8: {  	[spmem:s2] =	stream.indirect.scatter.add.f32 @!p1 [tilespmem:s23], [sflag:$0x9], $0x20, s7, s25, $0xb8;
	[tilespmem:$0x1FFB0] =	vst v63  }
0x3e9: {  	_ =	swait.ge @!p1 [sflag:s6], $0x80  }
0x3ea: {  	[sflag:s6] =	ssyncset.done @!p1 $0x0  }
0x3eb: {  	[sflag:s6] =	ssyncadd.s32 @!p1 $0xFFFFFF80  }
0x3ec: {  	_ =	swait.ge @!p1 [sflag:s6], $0x80  }
0x3ed: {  	[sflag:s6] =	ssyncset.done @!p1 $0x0  }
0x3ee: {  	s0 =	simm.s32 @!p1 $0x8;
	[sflag:s6] =	ssyncadd.s32 @!p1 $0xFFFFFF80  }
0x3ef: {  	_ =	swait.ge @!p1 [sflag:s0], $0x1000  }
0x3f0: {  	[sflag:s0] =	ssyncset.done @!p1 $0x0  }
0x3f1: {  	s25 =	simm.s32 $0x27B0;
	s23 =	rddreg [dreg:$0x9];
	[sflag:s0] =	ssyncadd.s32 @!p1 $0xFFFFF000  }
0x3f2: {  	[tilespmem:s1], [sflag:$0x3] =	stream.indirect.gather [hbm4b:s26+s14], $0x20, s25, s14, $0xb8;
	[tilespmem:$0x1FFB0] =	vst v63  }
0x3f3: {  	s7 =	sadd.s32 s12, s23  }
0x3f4: {  	[tilespmem:s22], [sflag:$0x5] =	stream.linear.gather [hbm4b:s7+s3], $0x80, $0x38;
	[tilespmem:$0x1FFB0] =	vst v63  }
0x3f5: {  	s23 =	sadd.s32 $0x60, s20;
	s25 =	simm.s32 $0x2C30  }
0x3f6: {  	[tilespmem:s25], [sflag:$0x5] =	stream.linear.gather [hbm4b:s23+s3], $0x80, $0x38;
	[tilespmem:$0x1FFB0] =	vst v63  }
0x3f7: {  	_ =	swait.ge [sflag:s24], $0x1000  }
0x3f8: {  	[sflag:s24] =	ssyncset.done $0x0  }
0x3f9: {  	s7 =	simm.s32 $0x2630;
	[sflag:s24] =	ssyncadd.s32 $0xFFFFF000  }
0x3fa: {  	[spmem:s2] =	stream.indirect.scatter.add.f32 [tilespmem:s4], [sflag:$0x6], $0x20, s7, s14, $0xb8;
	[tilespmem:$0x1FFB0] =	vst v63  }
0x3fb: {  	_ =	swait.ge [sflag:s5], $0x80  }
0x3fc: {  	[sflag:s5] =	ssyncset.done $0x0  }
0x3fd: {  	[sflag:s5] =	ssyncadd.s32 $0xFFFFFF80  }
0x3fe: {  	_ =	swait.ge [sflag:s5], $0x80  }
0x3ff: {  	[sflag:s5] =	ssyncset.done $0x0  }
0x400: {  	s0 =	simm.s32 @!p1 $0x9;
	[sflag:s5] =	ssyncadd.s32 $0xFFFFFF80  }
0x401: {  	_ =	swait.ge @!p1 [sflag:s0], $0x1000  }
0x402: {  	[sflag:s0] =	ssyncset.done @!p1 $0x0  }
0x403: {  	s25 =	simm.s32 $0x28B0;
	s23 =	rddreg [dreg:$0x8];
	[sflag:s0] =	ssyncadd.s32 @!p1 $0xFFFFF000  }
0x404: {  	[tilespmem:s30], [sflag:$0x4] =	stream.indirect.gather [hbm4b:s26+s14], $0x20, s25, s14, $0xb8;
	[tilespmem:$0x1FFB0] =	vst v63  }
0x405: {  	s6 =	sadd.s32 s12, s23  }
0x406: {  	[tilespmem:s10], [sflag:$0x5] =	stream.linear.gather [hbm4b:s6+s3], $0x80, $0x38;
	[tilespmem:$0x1FFB0] =	vst v63  }
0x407: {  	s7 =	sadd.s32 $0x70, s20;
	s20 =	simm.s32 $0x2D30  }
0x408: {  	[tilespmem:s20], [sflag:$0x5] =	stream.linear.gather [hbm4b:s7+s3], $0x80, $0x38;
	[tilespmem:$0x1FFB0] =	vst v63  }
0x409: {  	_ =	swait.ge [sflag:s31], $0x1000  }
0x40a: {  	[sflag:s31] =	ssyncset.done $0x0  }
0x40b: {  	s23 =	simm.s32 $0x2730;
	[sflag:s31] =	ssyncadd.s32 $0xFFFFF000  }
0x40c: {  	[spmem:s2] =	stream.indirect.scatter.add.f32 [tilespmem:s15], [sflag:$0x7], $0x20, s23, s14, $0xb8;
	[tilespmem:$0x1FFB0] =	vst v63  }
0x40d: {  	_ =	swait.ge [sflag:s5], $0x80  }
0x40e: {  	[sflag:s5] =	ssyncset.done $0x0  }
0x40f: {  	[sflag:s5] =	ssyncadd.s32 $0xFFFFFF80  }
0x410: {  	_ =	swait.ge [sflag:s5], $0x80  }
0x411: {  	[sflag:s5] =	ssyncset.done $0x0  }
0x412: {  	[sflag:s5] =	ssyncadd.s32 $0xFFFFFF80  }
0x413: {  	_ =	swait.ge [sflag:s19], $0x1000  }
0x414: {  	p1 =	seq.s32 s12, $0x1880;
	[sflag:s19] =	ssyncset.done $0x0  }
0x415: {  	s6 =	simm.s32 @!p1 $0x25B0;
	s0 =	rddreg [dreg:$0x7];
	[sflag:s19] =	ssyncadd.s32 $0xFFFFF000  }
0x416: {  	[tilespmem:s4], [sflag:$0x1] =	stream.indirect.gather [hbm4b:s26+s14], $0x20, s18, s14, $0xb8;
	[tilespmem:$0x1FFB0] =	vst v63  }
0x417: {  	s20 =	simm.s32 @!p1 $0x0;
	s7 =	sadd.s32 @!p1 s12, s21;
	s0 =	sadd.s32 @!p1 s12, s0  }
0x418: {  	[tilespmem:s6], [sflag:$0x5] =	stream.linear.gather @!p1 [hbm4b:s0+s20], $0x80, $0x38;
	[tilespmem:$0x1FFB0] =	vst v63  }
0x419: {  	s25 =	simm.s32 @!p1 $0x2630;
	s0 =	sadd.s32 @!p1 $0x80, s7  }
0x41a: {  	[tilespmem:s25], [sflag:$0x5] =	stream.linear.gather @!p1 [hbm4b:s0+s20], $0x80, $0x38;
	[tilespmem:$0x1FFB0] =	vst v63  }
0x41b: {  	_ =	swait.ge [sflag:s28], $0x1000  }
0x41c: {  	[sflag:s28] =	ssyncset.done $0x0  }
0x41d: {  	s25 =	simm.s32 $0x2830;
	[sflag:s28] =	ssyncadd.s32 $0xFFFFF000  }
0x41e: {  	[spmem:s2] =	stream.indirect.scatter.add.f32 [tilespmem:s1], [sflag:$0x8], $0x20, s25, s14, $0xb8;
	[tilespmem:$0x1FFB0] =	vst v63  }
0x41f: {  	_ =	swait.ge [sflag:s5], $0x80  }
0x420: {  	[sflag:s5] =	ssyncset.done $0x0  }
0x421: {  	[sflag:s5] =	ssyncadd.s32 $0xFFFFFF80  }
0x422: {  	_ =	swait.ge [sflag:s5], $0x80  }
0x423: {  	[sflag:s5] =	ssyncset.done $0x0  }
0x424: {  	[sflag:s5] =	ssyncadd.s32 $0xFFFFFF80  }
0x425: {  	_ =	swait.ge [sflag:s8], $0x1000  }
0x426: {  	s29 =	sadd.s32 @!p1 $0x90, s7;
	[sflag:s8] =	ssyncset.done $0x0  }
0x427: {  	s23 =	sadd.s32 @!p1 $0xA0, s7;
	s0 =	rddreg [dreg:$0x6];
	[sflag:s8] =	ssyncadd.s32 $0xFFFFF000  }
0x428: {  	[tilespmem:s15], [sflag:$0x2] =	stream.indirect.gather [hbm4b:s26+s14], $0x20, s11, s14, $0xb8;
	[tilespmem:$0x1FFB0] =	vst v63  }
0x429: {  	s6 =	sadd.s32 @!p1 $0xB0, s7;
	s7 =	simm.s32 @!p1 $0x26B0;
	s0 =	sadd.s32 @!p1 s12, s0  }
0x42a: {  	[tilespmem:s7], [sflag:$0x5] =	stream.linear.gather @!p1 [hbm4b:s0+s20], $0x80, $0x38;
	[tilespmem:$0x1FFB0] =	vst v63  }
0x42b: {  	s25 =	simm.s32 @!p1 $0x2730  }
0x42c: {  	[tilespmem:s25], [sflag:$0x5] =	stream.linear.gather @!p1 [hbm4b:s29+s20], $0x80, $0x38;
	[tilespmem:$0x1FFB0] =	vst v63  }
0x42d: {  	s29 =	simm.s32 $0x4  }
0x42e: {  	_ =	swait.ge [sflag:s29], $0x1000  }
0x42f: {  	[sflag:s29] =	ssyncset.done $0x0  }
0x430: {  	[sflag:s29] =	ssyncadd.s32 $0xFFFFF000  }
0x431: {  	[spmem:s2] =	stream.indirect.scatter.add.f32 [tilespmem:s30], [sflag:$0x9], $0x20, s9, s14, $0xb8;
	[tilespmem:$0x1FFB0] =	vst v63  }
0x432: {  	_ =	swait.ge [sflag:s5], $0x80  }
0x433: {  	[sflag:s5] =	ssyncset.done $0x0  }
0x434: {  	[sflag:s5] =	ssyncadd.s32 $0xFFFFFF80  }
0x435: {  	_ =	swait.ge [sflag:s5], $0x80  }
0x436: {  	[sflag:s5] =	ssyncset.done $0x0  }
0x437: {  	[sflag:s5] =	ssyncadd.s32 $0xFFFFFF80  }
0x438: {  	_ =	swait.ge [sflag:s16], $0x1000  }
0x439: {  	[sflag:s16] =	ssyncset.done $0x0  }
0x43a: {  	s0 =	rddreg [dreg:$0x5];
	[sflag:s16] =	ssyncadd.s32 $0xFFFFF000  }
0x43b: {  	[tilespmem:s1], [sflag:$0x3] =	stream.indirect.gather [hbm4b:s26+s14], $0x20, s22, s14, $0xb8;
	[tilespmem:$0x1FFB0] =	vst v63  }
0x43c: {  	s7 =	simm.s32 @!p1 $0x27B0;
	s0 =	sadd.s32 @!p1 s12, s0  }
0x43d: {  	[tilespmem:s7], [sflag:$0x5] =	stream.linear.gather @!p1 [hbm4b:s0+s20], $0x80, $0x38;
	[tilespmem:$0x1FFB0] =	vst v63  }
0x43e: {  	s25 =	simm.s32 @!p1 $0x2830  }
0x43f: {  	[tilespmem:s25], [sflag:$0x5] =	stream.linear.gather @!p1 [hbm4b:s23+s20], $0x80, $0x38;
	[tilespmem:$0x1FFB0] =	vst v63  }
0x440: {  	_ =	swait.ge [sflag:s24], $0x1000  }
0x441: {  	[sflag:s24] =	ssyncset.done $0x0  }
0x442: {  	s25 =	simm.s32 $0x2A30;
	[sflag:s24] =	ssyncadd.s32 $0xFFFFF000  }
0x443: {  	[spmem:s2] =	stream.indirect.scatter.add.f32 [tilespmem:s4], [sflag:$0x6], $0x20, s25, s14, $0xb8;
	[tilespmem:$0x1FFB0] =	vst v63  }
0x444: {  	_ =	swait.ge [sflag:s5], $0x80  }
0x445: {  	[sflag:s5] =	ssyncset.done $0x0  }
0x446: {  	[sflag:s5] =	ssyncadd.s32 $0xFFFFFF80  }
0x447: {  	_ =	swait.ge [sflag:s5], $0x80  }
0x448: {  	[sflag:s5] =	ssyncset.done $0x0  }
0x449: {  	s23 =	simm.s32 $0x9;
	[sflag:s5] =	ssyncadd.s32 $0xFFFFFF80  }
0x44a: {  	_ =	swait.ge [sflag:s23], $0x1000  }
0x44b: {  	[sflag:s23] =	ssyncset.done $0x0  }
0x44c: {  	s17 =	sadd.s32 $0x80, s17;
	s0 =	rddreg [dreg:$0x4];
	[sflag:s23] =	ssyncadd.s32 $0xFFFFF000  }
0x44d: {  	[tilespmem:s30], [sflag:$0x4] =	stream.indirect.gather [hbm4b:s26+s14], $0x20, s10, s14, $0xb8;
	[tilespmem:$0x1FFB0] =	vst v63  }
0x44e: {  	p0 =	sne.s32 s17, $0x1900;
	s7 =	simm.s32 @!p1 $0x28B0;
	s0 =	sadd.s32 @!p1 s12, s0  }
0x44f: {  	[tilespmem:s7], [sflag:$0x5] =	stream.linear.gather @!p1 [hbm4b:s0+s20], $0x80, $0x38;
	[tilespmem:$0x1FFB0] =	vst v63  }
.Ltmp12:
0x450: {  	_ = 	snop;
	(pc) =	sbr.rel @p0 .LBB2_25-.Ltmp12, $4  }
0x451: {  	s12 =	simm.s32 @!p1 $0x2930  }
0x452: {  	[tilespmem:s12], [sflag:$0x5] =	stream.linear.gather @!p1 [hbm4b:s6+s20], $0x80, $0x38;
	[tilespmem:$0x1FFB0] =	vst v63  }
0x453: {  	_ =	swait.ge [sflag:s31], $0x1000  }
0x454: {  	[sflag:s31] =	ssyncset.done $0x0  }
0x455: {  	[sflag:s31] =	ssyncadd.s32 $0xFFFFF000  }
0x456: {  	[spmem:s2] =	stream.indirect.scatter.add.f32 [tilespmem:s15], [sflag:$0x7], $0x20, s13, s14, $0xb8;
	[tilespmem:$0x1FFB0] =	vst v63  }
0x457: {  	_ =	swait.ge [sflag:s28], $0x1000  }
0x458: {  	[sflag:s28] =	ssyncset.done $0x0  }
0x459: {  	s0 =	simm.s32 $0x2C30;
	[sflag:s28] =	ssyncadd.s32 $0xFFFFF000  }
0x45a: {  	[spmem:s2] =	stream.indirect.scatter.add.f32 [tilespmem:s1], [sflag:$0x8], $0x20, s0, s14, $0xb8;
	[tilespmem:$0x1FFB0] =	vst v63  }
0x45b: {  	_ =	swait.ge [sflag:s29], $0x1000  }
0x45c: {  	[sflag:s29] =	ssyncset.done $0x0  }
0x45d: {  	s25 =	simm.s32 $0x2D30;
	[sflag:s29] =	ssyncadd.s32 $0xFFFFF000  }
0x45e: {  	[spmem:s2] =	stream.indirect.scatter.add.f32 [tilespmem:s30], [sflag:$0x9], $0x20, s25, s14, $0xb8;
	[tilespmem:$0x1FFB0] =	vst v63  }
0x45f: {  	_ =	swait.ge [sflag:s19], $0x1000  }
0x460: {  	[sflag:s19] =	ssyncset.done $0x0  }
0x461: {  	[sflag:s19] =	ssyncadd.s32 $0xFFFFF000  }
0x462: {  	_ =	swait.ge [sflag:s8], $0x1000  }
0x463: {  	[sflag:s8] =	ssyncset.done $0x0  }
0x464: {  	[sflag:s8] =	ssyncadd.s32 $0xFFFFF000  }
0x465: {  	_ =	swait.ge [sflag:s16], $0x1000  }
0x466: {  	[sflag:s16] =	ssyncset.done $0x0  }
0x467: {  	[sflag:s16] =	ssyncadd.s32 $0xFFFFF000  }
0x468: {  	_ =	swait.ge [sflag:s23], $0x1000  }
0x469: {  	[sflag:s23] =	ssyncset.done $0x0  }
0x46a: {  	[sflag:s23] =	ssyncadd.s32 $0xFFFFF000  }
0x46b: {  	[bflag:$0x0] =	sbarrier.arrive $0xFFFF  }
0x46c: {  	s4 =	sld [smem:$0x7F7];
	_ =	sdelay $0x1  }
0x46d: {  	s7 =	simm.s32 $0x1920;
	s17 =	simm.s32 $0x0;
	s13 =	rddreg [dreg:$0x1e]  }
0x46e: {  	s18 =	simm.s32 $0x6;
	s0 =	rddreg [dreg:$0x1d];
	p0 =	seq.s32 s4, $0x3  }
0x46f: {  	s10 =	simm.s32 $0x4DB0;
	s13 =	smov.u32 @p0 s0;
	s0 =	sld [smem:$0x7F9]  }
0x470: {  	s9 =	simm.s32 $0x5DB0;
	s15 =	smov.u32 s26;
	s1 =	simm.s32 $0x26B0  }
0x471: {  	s29 =	simm.s32 $0xA;
	s25 =	simm.s32 $0xC90;
	s19 =	simm.s32 $0x7  }
0x472: {  	s8 =	simm.s32 $0x3DB0;
	s16 =	simm.s32 $0x0;
	s15 =	smov.u32 @p0 s0  }
.LBB2_27:
0x473: {  	s6 =	sld [smem:$0x7FA];
	_ =	sdelay $0x1  }
0x474: {  	s0 =	sshll.u32 s17, $0x7  }
0x475: {  	s6 =	sadd.s32 s6, s0  }
0x476: {  	s22 =	rddreg [dreg:$0x1f];
	s23 =	sshll.u32 s6, $0x2  }
0x477: {  	s0 =	sadd.s32 s22, s0;
	s6 =	sadd.s32 s13, s23  }
0x478: {  	[tilespmem:s8], [sflag:$0xA] =	stream.linear.gather [hbm4b:s6+s16], $0x1000, $0x38;
	[tilespmem:$0x1FFB0] =	vst v63  }
0x479: {  	s0 =	sshll.u32 s0, $0x5;
	_ =	swait.ge [sflag:s29], $0x1000  }
0x47a: {  	s0 =	sand.u32 $0x3FFFFFE0, s0;
	[sflag:s29] =	ssyncset.done $0x0  }
0x47b: {  	s6 =	sadd.s32 s0, s2;
	[sflag:s29] =	ssyncadd.s32 $0xFFFFF000  }
0x47c: {  	[tilespmem:s10], [sflag:$0xA] =	stream.linear.gather [spmem:s6], $0x1000, $0x38;
	[tilespmem:$0x1FFB0] =	vst v63  }
0x47d: {  	_ =	swait.ge [sflag:s29], $0x1000  }
0x47e: {  	[sflag:s29] =	ssyncset.done $0x0  }
0x47f: {  	[sflag:s29] =	ssyncadd.s32 $0xFFFFF000;
	s29 =	simm.s32 $0x0  }
0x480: {  	v11 =	vld [tilespmem:s29+$0x3DB0]  }
0x481: {  	v10 =	vld [tilespmem:s29+$0x4DB0]  }
0x482: {  	v12 =	vld.msk [tilespmem:s7+$0x0 ss:$0x0], $0xffff  }
0x483: {  	s20 =	smov.u32 s7;
	s12 =	smov.u32 s25;
	s0 =	simm.s32 $0x80;
	v13 =	vld.msk [tilespmem:s25+$0x0 ss:$0x0], $0xffff  }
.LBB2_28:
0x484: {  	p1 =	sne.s32 s0, $0x3F80;
	v14 =	vld [tilespmem:s29+$0x3DC0]  }
0x485: {  	v15 =	vld [tilespmem:s29+$0x4DC0];
	_ =	sdelay $0x3  }
0x486: {  	v11 =	vmul.f32 $1.000000010e-01, v11;
	v12 =	vpsel p0, v12, v13;
	v13 =	vmul.f32 $1.000000010e-01, v14  }
0x487: {  	v10 =	vmul.f32 v10, v12;
	v12 =	vmul.f32 v15, v12;
	_ =	sdelay $0x1  }
0x488: {  	v10 =	vadd.f32 v10, v11;
	v12 =	vadd.f32 v12, v13  }
.Ltmp13:
0x489: {  	s11 =	sshra.s32 s0, $0x2;
	(pc) =	sbr.rel @p1 .LBB2_28-.Ltmp13, $4  }
0x48a: {  	v11 =	vld [tilespmem:s11+$0x3DB0];
	[tilespmem:s29+$0x5DB0] =	vst v10  }
0x48b: {  	s20 =	sadd.s32 $0x1, s20;
	v10 =	vld [tilespmem:s11+$0x4DB0];
	[tilespmem:s29+$0x5DC0] =	vst v12;
	s29 =	smov.u32 s11  }
0x48c: {  	s12 =	sadd.s32 $0x1, s12;
	v12 =	vld.msk [tilespmem:s20+$0x0 ss:$0x0], $0xffff  }
0x48d: {  	s0 =	sadd.s32 $0x80, s0;
	v13 =	vld.msk [tilespmem:s12+$0x0 ss:$0x0], $0xffff  }
0x48e: {  	v14 =	vld [tilespmem:s29+$0x3DC0]  }
0x48f: {  	v15 =	vld [tilespmem:s29+$0x4DC0];
	_ =	sdelay $0x2  }
0x490: {  	v12 =	vpsel p0, v12, v13  }
0x491: {  	v11 =	vmul.f32 $1.000000010e-01, v11;
	v10 =	vmul.f32 v10, v12  }
0x492: {  	v63 =	vmul.f32 $1.000000010e-01, v14;
	v12 =	vmul.f32 v15, v12  }
0x493: {  	v10 =	vadd.f32 v10, v11  }
0x494: {  	v11 =	vadd.f32 v12, v63  }
0x495: {  	[tilespmem:s29+$0x5DB0] =	vst v10  }
0x496: {  	s0 =	sadd.s32 s15, s23;
	[tilespmem:s29+$0x5DC0] =	vst v11;
	s29 =	simm.s32 $0xA  }
0x497: {  	[hbm4b:s0+s3] =	stream.linear.scatter [tilespmem:s9], [sflag:$0xA], $0x1000, $0x38;
	[tilespmem:$0x1FFB0] =	vst v63  }
0x498: {  	_ =	swait.ge [sflag:s29], $0x1000  }
0x499: {  	p1 =	seq.s32 s17, $0x0;
	[sflag:s29] =	ssyncset.done $0x0  }
0x49a: {  	s0 =	simm.s32 @!p1 $0x5;
	[sflag:s29] =	ssyncadd.s32 $0xFFFFF000  }
0x49b: {  	_ =	swait.ge @!p1 [sflag:s0], $0x200  }
0x49c: {  	[sflag:s0] =	ssyncset.done @!p1 $0x0  }
0x49d: {  	[sflag:s0] =	ssyncadd.s32 @!p1 $0xFFFFFE00  }
0x49e: {  	_ =	swait.ge @!p1 [sflag:s0], $0x200  }
0x49f: {  	[sflag:s0] =	ssyncset.done @!p1 $0x0  }
0x4a0: {  	[sflag:s0] =	ssyncadd.s32 @!p1 $0xFFFFFE00  }
0x4a1: {  	_ =	swait.ge @!p1 [sflag:s0], $0x200  }
0x4a2: {  	[sflag:s0] =	ssyncset.done @!p1 $0x0  }
0x4a3: {  	[sflag:s0] =	ssyncadd.s32 @!p1 $0xFFFFFE00  }
0x4a4: {  	_ =	swait.ge @!p1 [sflag:s0], $0x200  }
0x4a5: {  	[sflag:s0] =	ssyncset.done @!p1 $0x0  }
0x4a6: {  	[sflag:s0] =	ssyncadd.s32 @!p1 $0xFFFFFE00  }
0x4a7: {  	_ =	swait.ge @!p1 [sflag:s0], $0x200  }
0x4a8: {  	[sflag:s0] =	ssyncset.done @!p1 $0x0  }
0x4a9: {  	[sflag:s0] =	ssyncadd.s32 @!p1 $0xFFFFFE00  }
0x4aa: {  	_ =	swait.ge @!p1 [sflag:s0], $0x200  }
0x4ab: {  	[sflag:s0] =	ssyncset.done @!p1 $0x0  }
0x4ac: {  	[sflag:s0] =	ssyncadd.s32 @!p1 $0xFFFFFE00  }
0x4ad: {  	_ =	swait.ge @!p1 [sflag:s0], $0x200  }
0x4ae: {  	[sflag:s0] =	ssyncset.done @!p1 $0x0  }
0x4af: {  	[sflag:s0] =	ssyncadd.s32 @!p1 $0xFFFFFE00  }
0x4b0: {  	_ =	swait.ge @!p1 [sflag:s0], $0x200  }
0x4b1: {  	[sflag:s0] =	ssyncset.done @!p1 $0x0  }
0x4b2: {  	s11 =	simm.s32 $0x6DB0;
	[sflag:s0] =	ssyncadd.s32 @!p1 $0xFFFFFE00  }
0x4b3: {  	[spmem:s6] =	stream.linear.scatter [tilespmem:s11], [sflag:$0x5], $0x200, $0x38;
	[tilespmem:$0x1FFB0] =	vst v63  }
0x4b4: {  	s22 =	sadd.s32 $0x200, s6  }
0x4b5: {  	[spmem:s22] =	stream.linear.scatter [tilespmem:s11], [sflag:$0x5], $0x200, $0x38;
	[tilespmem:$0x1FFB0] =	vst v63  }
0x4b6: {  	s23 =	sadd.s32 $0x400, s6  }
0x4b7: {  	[spmem:s23] =	stream.linear.scatter [tilespmem:s11], [sflag:$0x5], $0x200, $0x38;
	[tilespmem:$0x1FFB0] =	vst v63  }
0x4b8: {  	s12 =	sadd.s32 $0x600, s6  }
0x4b9: {  	[spmem:s12] =	stream.linear.scatter [tilespmem:s11], [sflag:$0x5], $0x200, $0x38;
	[tilespmem:$0x1FFB0] =	vst v63  }
0x4ba: {  	s20 =	sadd.s32 $0x800, s6;
	s17 =	sadd.s32 $0x1, s17  }
0x4bb: {  	[spmem:s20] =	stream.linear.scatter [tilespmem:s11], [sflag:$0x5], $0x200, $0x38;
	[tilespmem:$0x1FFB0] =	vst v63  }
0x4bc: {  	s21 =	sadd.s32 $0xA00, s6;
	p1 =	sne.s32 s17, $0x19  }
0x4bd: {  	[spmem:s21] =	stream.linear.scatter [tilespmem:s11], [sflag:$0x5], $0x200, $0x38;
	[tilespmem:$0x1FFB0] =	vst v63  }
.Ltmp14:
0x4be: {  	_ = 	snop;
	(pc) =	sbr.rel @p1 .LBB2_27-.Ltmp14, $4  }
0x4bf: {  	s22 =	sadd.s32 $0xC00, s6  }
0x4c0: {  	[spmem:s22] =	stream.linear.scatter [tilespmem:s11], [sflag:$0x5], $0x200, $0x38;
	[tilespmem:$0x1FFB0] =	vst v63  }
0x4c1: {  	s7 =	sadd.s32 $0x80, s7;
	s25 =	sadd.s32 $0x80, s25;
	s23 =	sadd.s32 $0xE00, s6  }
0x4c2: {  	[spmem:s23] =	stream.linear.scatter [tilespmem:s11], [sflag:$0x5], $0x200, $0x38;
	[tilespmem:$0x1FFB0] =	vst v63  }
0x4c3: {  	_ =	swait.ge [sflag:s5], $0x200  }
0x4c4: {  	[sflag:s5] =	ssyncset.done $0x0  }
0x4c5: {  	[sflag:s5] =	ssyncadd.s32 $0xFFFFFE00  }
0x4c6: {  	_ =	swait.ge [sflag:s5], $0x200  }
0x4c7: {  	[sflag:s5] =	ssyncset.done $0x0  }
0x4c8: {  	[sflag:s5] =	ssyncadd.s32 $0xFFFFFE00  }
0x4c9: {  	_ =	swait.ge [sflag:s5], $0x200  }
0x4ca: {  	[sflag:s5] =	ssyncset.done $0x0  }
0x4cb: {  	[sflag:s5] =	ssyncadd.s32 $0xFFFFFE00  }
0x4cc: {  	_ =	swait.ge [sflag:s5], $0x200  }
0x4cd: {  	[sflag:s5] =	ssyncset.done $0x0  }
0x4ce: {  	[sflag:s5] =	ssyncadd.s32 $0xFFFFFE00  }
0x4cf: {  	_ =	swait.ge [sflag:s5], $0x200  }
0x4d0: {  	[sflag:s5] =	ssyncset.done $0x0  }
0x4d1: {  	[sflag:s5] =	ssyncadd.s32 $0xFFFFFE00  }
0x4d2: {  	_ =	swait.ge [sflag:s5], $0x200  }
0x4d3: {  	[sflag:s5] =	ssyncset.done $0x0  }
0x4d4: {  	[sflag:s5] =	ssyncadd.s32 $0xFFFFFE00  }
0x4d5: {  	_ =	swait.ge [sflag:s5], $0x200  }
0x4d6: {  	s4 =	sadd.s32 $0x1, s4;
	[sflag:s5] =	ssyncset.done $0x0  }
0x4d7: {  	p0 =	sne.s32 s4, $0x4;
	[sflag:s5] =	ssyncadd.s32 $0xFFFFFE00  }
.Ltmp15:
0x4d8: {  	_ =	swait.ge [sflag:s5], $0x200;
	(pc) =	sbr.rel @p0 .LBB2_24-.Ltmp15, $3  }
0x4d9: {  	[sflag:s5] =	ssyncset.done $0x0  }
0x4da: {  	[sflag:s5] =	ssyncadd.s32 $0xFFFFFE00  }
0x4db: {  	[bflag:$0x0] =	sbarrier.arrive $0xFFFF;
	_ =	sdelay $0x1  }
0x4dc: {  	s4 =	sld [smem:$0x7F8]  }
0x4dd: {  	s0 =	sld [smem:$0x7FB];
	_ =	sdelay $0x1  }
0x4de: {  	s4 =	sadd.s32 $0x1, s4  }
0x4df: {  	p0 =	sne.s32 s4, s0  }
.Ltmp16:
0x4e0: {  	_ = 	snop;
	(pc) =	sbr.rel @p0 .LBB2_1-.Ltmp16, $4  }
0x4e1: {  	_ = 	snop  }
0x4e2: {  	s23 =	sld [smem:$0x7FC]  }
0x4e3: {  	s11 =	rddreg [dreg:$0x1c];
	s25 =	simm.s32 $0x6DB0  }
0x4e4: {  	s22 =	simm.s32 $0x2930;
	s21 =	sld [smem:$0x7FD];
	s15 =	simm.s32 $0x2DB0  }
0x4e5: {  	_ =	sfence.sel $0x180000  }
0x4e6: {  	[bflag:$0x0] =	sbarrier.arrive $0xFFFF  }
0x4e7: {  	_ =	strace $0x90000047  }
0x4e8: {  	s0 =	stileid.u32;
	[bflag:$0x2] =	sbarrier.arrive $0xFFFF  }
0x4e9: {  	p0 =	sne.s32 s0, $0x0;
	s0 =	rddreg [dreg:$0x3]  }
0x4ea: {  	s0 =	sadd.s32 @!p0 $0x100000, s0  }
0x4eb: {  	[sflag:s0] =	ssyncadd.tile.s32 @!p0 $0x1;
	_ =	shalt  }
.Lfunc_end2:
_tile_overlayer_lowered:
.L_overlay_start_2:
0x4ec: {  	(tag) =	ssettag $0x2  }
0x4ed: {  	s0 =	rddreg [dreg:$0x0];
	s2 =	stileid.u32  }
0x4ee: {  	s1 =	rddreg [dreg:$0x1];
	p0 =	sne.s32 s2, $0x0  }
0x4ef: {  	s3 =	rddreg [dreg:$0x2];
	[bflag:$0x3] =	sbarrier.arrive $0xFFFF;
	s2 =	simm.s32 @!p0 $0x1C0A  }
0x4f0: {  	[timem:s3], [sflag:s2] =	dma.local @!p0 [hbm:s0], s1  }
0x4f1: {  	s0 =	simm.s32 @!p0 $0xA  }
0x4f2: {  	_ =	swait.ge @!p0 [sflag:s0], s1  }
0x4f3: {  	s1 =	ssub.s32 @!p0 $0x0, s1;
	[sflag:s0] =	ssyncset.done @!p0 $0x0  }
0x4f4: {  	[sflag:s0] =	ssyncadd.s32 @!p0 s1  }
0x4f5: {  	[bflag:$0x3] =	sbarrier.arrive $0xFFFF  }
0x4f6: {  	_ =	shalt  }

</sc_bundles>
